<compile_context>
chip_gen: v7x
topology: tpu7x:2x2x1
jax: 0.10.2.dev20260603
libtpu: 0.0.44.dev20260713+nightly
codegen_flags: <defaults>
</compile_context>

<pallas_src>
import functools

import jax
import jax.numpy as jnp
from jax import lax
from jax.experimental import pallas as pl
from jax.experimental.pallas import tpu as pltpu
from jax.experimental.pallas import tpu_sc as plsc

_N = 10000
_E = 320000
_NC = 2
_NS = 16
_IDXW = 128
_NROW = 2560
_FS_ROWS = _NROW // _NS
_ES_ROWS = _NROW // _NC // _NS
_ACCR = 10112
_WPS = _ACCR // _NS
_ACCB = 10240
_WPSB = _ACCB // _NS
_D = 128

_mesh = plsc.VectorSubcoreMesh(core_axis_name="c", subcore_axis_name="s")


def _make_agg(feature_split, dh=_D, tc_tiling=True, dtype=jnp.float32):
    nrows = _FS_ROWS if feature_split else _ES_ROWS
    ichunk = 16
    cparams = None if tc_tiling else pltpu.CompilerParams(
        use_tc_tiling_on_sc=False)
    accr = _ACCR if dtype == jnp.float32 else _ACCB
    wps = accr // _NS

    @functools.partial(
        pl.kernel,
        out_type=jax.ShapeDtypeStruct((_NC, accr, dh), dtype),
        mesh=_mesh,
        scratch_types=[
            pltpu.VMEM((ichunk, _IDXW), jnp.int32),
            pltpu.VMEM((ichunk, _IDXW), jnp.int32),
            pltpu.VMEM((_IDXW, dh), dtype),
            pltpu.VMEM((_IDXW, dh), dtype),
            pltpu.VMEM_SHARED((accr, dh), dtype),
            pltpu.SemaphoreType.DMA,
            pltpu.SemaphoreType.DMA,
            pltpu.SemaphoreType.DMA,
            pltpu.SemaphoreType.DMA,
        ],
        compiler_params=cparams,
    )
    def agg(src3, dst2, table, zrows, out,
            src_v, dst_v, rows_a, rows_b, acc, sem_a, sem_b, ssem_a, ssem_b):
        c = lax.axis_index("c")
        w = lax.axis_index("s")
        pltpu.sync_copy(zrows, acc.at[pl.ds(w * wps, wps)])
        if feature_split:
            start = _FS_ROWS * w
        else:
            start = None
        plane = c
        plsc.subcore_barrier()

        bufs = (rows_a, rows_b)
        sems = (sem_a, sem_b)
        ssems = (ssem_a, ssem_b)

        def outer(k, carry):
            if feature_split:
                base = start + k * ichunk
            else:
                base = ((k * _NS + w) * _NC + c) * ichunk
            pltpu.sync_copy(src3.at[plane, pl.ds(base, ichunk)], src_v)
            pltpu.sync_copy(dst2.at[pl.ds(base, ichunk)], dst_v)
            descs = [None, None]
            sdescs = [None, None]
            descs[0] = pltpu.async_copy(table.at[src_v.at[0]], bufs[0],
                                        sems[0])
            for j in range(ichunk):
                p = j % 2
                descs[p].wait()
                sdescs[p] = pltpu.async_copy(bufs[p], acc.at[dst_v.at[j]],
                                             ssems[p], add=True)
                if j + 1 < ichunk:
                    q = (j + 1) % 2
                    if sdescs[q] is not None:
                        sdescs[q].wait()
                    descs[q] = pltpu.async_copy(
                        table.at[src_v.at[j + 1]], bufs[q], sems[q])
            sdescs[0].wait()
            sdescs[1].wait()
            return carry

        lax.fori_loop(0, nrows // ichunk, outer, 0)
        plsc.subcore_barrier()
        pltpu.sync_copy(acc.at[pl.ds(w * wps, wps)],
                        out.at[c, pl.ds(w * wps, wps)])

    return agg


_DEGW = 16

@functools.partial(
    pl.kernel,
    out_type=jax.ShapeDtypeStruct((_NC, _ACCR, _DEGW), jnp.float32),
    mesh=_mesh,
    scratch_types=[
        pltpu.VMEM((_ES_ROWS, _IDXW), jnp.int32),
        pltpu.VMEM((_IDXW, _DEGW), jnp.float32),
        pltpu.VMEM_SHARED((_ACCR, _DEGW), jnp.float32),
    ],
    compiler_params=pltpu.CompilerParams(use_tc_tiling_on_sc=False),
)
def _deg_kernel(dst2, zrows, ones, out, dst_v, ones_v, acc):
    c = lax.axis_index("c")
    w = lax.axis_index("s")
    pltpu.sync_copy(zrows, acc.at[pl.ds(w * _WPS, _WPS)])
    pltpu.sync_copy(ones, ones_v)
    start = (_NROW // _NC) * c + _ES_ROWS * w
    pltpu.sync_copy(dst2.at[pl.ds(start, _ES_ROWS)], dst_v)
    plsc.subcore_barrier()

    def body(j, carry):
        pltpu.sync_copy(ones_v, acc.at[dst_v.at[j]], add=True)
        return carry

    lax.fori_loop(0, _ES_ROWS, body, 0)
    plsc.subcore_barrier()
    pltpu.sync_copy(acc.at[pl.ds(w * _WPS, _WPS)],
                    out.at[c, pl.ds(w * _WPS, _WPS)])


_agg_fs = _make_agg(True)
_agg_es = _make_agg(False)
_agg_es64 = _make_agg(False, dh=64, tc_tiling=False)

_R = 1000


def _mlp_body(x_ref, degp_ref, w1, b1, w2, b2, w3, b3, hs_ref, dinv_ref):
    h = jnp.maximum(jnp.dot(x_ref[...], w1[...],
                            preferred_element_type=jnp.float32) + b1[...], 0.0)
    h = jnp.maximum(jnp.dot(h, w2[...],
                            preferred_element_type=jnp.float32) + b2[...], 0.0)
    h = jnp.maximum(jnp.dot(h, w3[...],
                            preferred_element_type=jnp.float32) + b3[...], 0.0)
    deg = 1.0 + degp_ref[0] + degp_ref[1]
    dinv = lax.rsqrt(deg)
    hs = h * dinv[:, 0:1]
    hs_ref[0] = hs
    hs_ref[1] = hs
    dinv_ref[...] = dinv


def _gcn1_body(s_ref, hs_ref, dinv_ref, w, b, out_ref):
    dinv = dinv_ref[:, 0:1]
    t = (s_ref[0] + s_ref[1] + hs_ref[0]) * dinv
    o = jnp.maximum(jnp.dot(t, w[...],
                            preferred_element_type=jnp.float32) + b[...], 0.0)
    hs2 = o * dinv
    out_ref[0] = hs2[:, :128]
    out_ref[1] = hs2[:, 128:]


def _gcn2_body(s_ref, hs_ref, dinv_ref, w2, b2, w3, out_ref):
    dinv = dinv_ref[:, 0:1]
    t = jnp.concatenate([s_ref[0] + hs_ref[0], s_ref[1] + hs_ref[1]],
                        axis=1) * dinv
    o = jnp.maximum(jnp.dot(t, w2[...],
                            preferred_element_type=jnp.float32) + b2[...], 0.0)
    g = jnp.dot(o, w3[...], preferred_element_type=jnp.float32)
    hs3 = jnp.concatenate(
        [g * dinv, jnp.zeros((_R, 14), jnp.float32)], axis=1)
    out_ref[0] = hs3
    out_ref[1] = hs3


def _final_body(s_ref, hs_ref, dinv_ref, b3, out_ref):
    t = (s_ref[0] + s_ref[1] + hs_ref[0]) * dinv_ref[:, 0:1]
    logits = t[:, :50] + b3[...]
    m = jnp.max(logits, axis=1, keepdims=True)
    e = jnp.exp(logits - m)
    out_ref[...] = e / jnp.sum(e, axis=1, keepdims=True)


def _full(shape):
    return pl.BlockSpec(shape, lambda i: tuple(0 for _ in shape))


def _rows(shape):
    return pl.BlockSpec(shape, lambda i: (i,) + tuple(0 for _ in shape[1:]))


def _planes(shape):
    return pl.BlockSpec(shape, lambda i: (0, i, 0))


def _plane0(shape):
    return pl.BlockSpec(shape, lambda i: (0, i, 0))


def kernel(x, edge_index, cnn1_W, cnn1_b, cnn2_W, cnn2_b, cnn3_W, cnn3_b,
           gcn1_W, gcn1_b, gcn2_W, gcn2_b, gcn3_W, gcn3_b):
    f32 = jnp.float32
    src = edge_index[0]
    dst = edge_index[1]
    npad = _NROW * _IDXW - _E
    src_p = jnp.concatenate([src, jnp.zeros((npad,), jnp.int32)])
    pad_dst = _N + jnp.arange(npad, dtype=jnp.int32) % (_ACCR - _N - 2)
    dst_p = jnp.concatenate([dst, pad_dst])
    src3 = jnp.stack([src_p, src_p + _N]).reshape(_NC, _NROW, _IDXW)
    dst2 = dst_p.reshape(_NROW, _IDXW)

    zrows = jnp.zeros((_WPS, _D), f32)
    zrows64 = jnp.zeros((_WPS, 64), f32)
    zrows16 = jnp.zeros((_WPS, _DEGW), f32)
    ones = jnp.ones((_IDXW, _DEGW), f32)

    degp = _deg_kernel(dst2, zrows16, ones)

    grid = (_N // _R,)
    hs1, dinv16 = pl.pallas_call(
        _mlp_body,
        grid=grid,
        in_specs=[
            _rows((_R, 3)), _planes((_NC, _R, _DEGW)),
            _full((3, 32)), _full((1, 32)),
            _full((32, 64)), _full((1, 64)),
            _full((64, 128)), _full((1, 128)),
        ],
        out_specs=[_planes((_NC, _R, 128)), _rows((_R, 16))],
        out_shape=[jax.ShapeDtypeStruct((_NC, _N, 128), f32),
                   jax.ShapeDtypeStruct((_N, 16), f32)],
    )(x, degp, cnn1_W, cnn1_b.reshape(1, 32), cnn2_W, cnn2_b.reshape(1, 64),
      cnn3_W, cnn3_b.reshape(1, 128))

    s1 = _agg_es(src3, dst2, hs1.reshape(_NC * _N, 128), zrows)

    hs2 = pl.pallas_call(
        _gcn1_body,
        grid=grid,
        in_specs=[
            _planes((_NC, _R, _D)), _plane0((1, _R, 128)), _rows((_R, 16)),
            _full((128, 256)), _full((1, 256)),
        ],
        out_specs=_planes((_NC, _R, 128)),
        out_shape=jax.ShapeDtypeStruct((_NC, _N, 128), f32),
    )(s1, hs1, dinv16, gcn1_W, gcn1_b.reshape(1, 256))

    s2 = _agg_fs(src3, dst2, hs2.reshape(_NC * _N, 128), zrows)

    hs3 = pl.pallas_call(
        _gcn2_body,
        grid=grid,
        in_specs=[
            _planes((_NC, _R, _D)), _planes((_NC, _R, 128)), _rows((_R, 16)),
            _full((256, 512)), _full((1, 512)), _full((512, 50)),
        ],
        out_specs=_planes((_NC, _R, 64)),
        out_shape=jax.ShapeDtypeStruct((_NC, _N, 64), f32),
    )(s2, hs2, dinv16, gcn2_W, gcn2_b.reshape(1, 512), gcn3_W)

    s3 = _agg_es64(src3, dst2, hs3.reshape(_NC * _N, 64), zrows64)

    out = pl.pallas_call(
        _final_body,
        grid=grid,
        in_specs=[
            _planes((_NC, _R, 64)), _plane0((1, _R, 64)), _rows((_R, 16)),
            _full((1, 50)),
        ],
        out_specs=_rows((_R, 50)),
        out_shape=jax.ShapeDtypeStruct((_N, 50), f32),
    )(s3, hs3, dinv16, gcn3_b.reshape(1, 50))

    return out

# --- scband reference (transcript-rebuilt; emitter-appended) ---
"""Pipeline reference for scband-part-seg2-15264313770019 (READ-ONLY COPY).

The authoritative reference and input builder live on the scoring server;
editing this copy changes nothing except your own understanding.
"""

import jax, jax.numpy as jnp
import numpy as np

N = 10000
E = 320000
IN_DIM = 3
OUT_DIM = 50


def _w(k, fan_in, fan_out):
    return jax.random.normal(k, (fan_in, fan_out), dtype=jnp.float32) * (1.0 / np.sqrt(fan_in))


def setup_inputs(seed: int = 0) -> dict:
    key = jax.random.key(seed)
    ks = jax.random.split(key, 16)
    inp = {}
    inp["x"] = jax.random.normal(ks[0], (N, IN_DIM), dtype=jnp.float32)
    inp["edge_index"] = jax.random.randint(ks[1], (2, E), 0, N, dtype=jnp.int32)
    # pointwise conv1d (kernel_size=1) weights, stored as [in, out]
    inp["cnn1_W"] = _w(ks[2], IN_DIM, 32); inp["cnn1_b"] = jnp.zeros((32,), jnp.float32)
    inp["cnn2_W"] = _w(ks[3], 32, 64);     inp["cnn2_b"] = jnp.zeros((64,), jnp.float32)
    inp["cnn3_W"] = _w(ks[4], 64, 128);    inp["cnn3_b"] = jnp.zeros((128,), jnp.float32)
    inp["gcn1_W"] = _w(ks[5], 128, 256);   inp["gcn1_b"] = jnp.zeros((256,), jnp.float32)
    inp["gcn2_W"] = _w(ks[6], 256, 512);   inp["gcn2_b"] = jnp.zeros((512,), jnp.float32)
    inp["gcn3_W"] = _w(ks[7], 512, OUT_DIM); inp["gcn3_b"] = jnp.zeros((OUT_DIM,), jnp.float32)
    return inp


def _gcn_conv(x, edge_index, W, b):
    # PyG-style GCNConv: add self loops, symmetric degree normalization,
    # out = scatter_add(norm * (X W)[src] -> dst) + b
    loop = jnp.arange(N, dtype=edge_index.dtype)
    src = jnp.concatenate([edge_index[0], loop])
    dst = jnp.concatenate([edge_index[1], loop])
    deg = jnp.zeros((N,), x.dtype).at[dst].add(1.0)
    deg_inv_sqrt = jnp.where(deg > 0, 1.0 / jnp.sqrt(deg), 0.0)
    norm = deg_inv_sqrt[src] * deg_inv_sqrt[dst]
    h = x @ W
    msg = h[src] * norm[:, None]
    out = jnp.zeros((N, W.shape[1]), x.dtype).at[dst].add(msg)
    return out + b


def reference(x, edge_index, cnn1_W, cnn1_b, cnn2_W, cnn2_b, cnn3_W, cnn3_b,
              gcn1_W, gcn1_b, gcn2_W, gcn2_b, gcn3_W, gcn3_b):
    # conv1d with kernel_size=1 over [1, C, N] == per-node linear
    h = jax.nn.relu(x @ cnn1_W + cnn1_b)
    h = jax.nn.relu(h @ cnn2_W + cnn2_b)
    h = jax.nn.relu(h @ cnn3_W + cnn3_b)
    h = jax.nn.relu(_gcn_conv(h, edge_index, gcn1_W, gcn1_b))
    h = jax.nn.relu(_gcn_conv(h, edge_index, gcn2_W, gcn2_b))
    h = _gcn_conv(h, edge_index, gcn3_W, gcn3_b)
    return jax.nn.softmax(h.reshape(-1, OUT_DIM), axis=1)

if __name__ == "__main__":
    import jax
    _d = setup_inputs()
    print(jax.jit(kernel)(*tuple(_d.values())))

</pallas_src>

<mosaic_0001>
#map = affine_map<(d0, d1) -> (0, 0)>
#map1 = affine_map<(d0, d1) -> (0, 0, 0)>
module attributes {stable_mosaic.version = 14 : i64} {
  func.func @_deg_kernel(%arg0: i32, %arg1: i32, %arg2: memref<2560x128xi32, #tpu.memory_space<hbm>>, %arg3: memref<632x16xf32, #tpu.memory_space<hbm>>, %arg4: memref<128x16xf32, #tpu.memory_space<hbm>>, %arg5: memref<2x10112x16xf32, #tpu.memory_space<hbm>>, %arg6: memref<80x128xi32, #tpu.memory_space<vmem>>, %arg7: memref<128x16xf32, #tpu.memory_space<vmem>>, %arg8: memref<10112x16xf32, #tpu.memory_space<vmem_shared>>) attributes {dimension_semantics = [#tpu.dimension_semantics<core_parallel>, #tpu.dimension_semantics<subcore_parallel>], iteration_bounds = array<i64: 2, 16>, scalar_prefetch = 0 : i64, scratch_operands = 3 : i64, tpu.core_type = #tpu.core_type<sc_vector_subcore>, window_params = [{transform_indices = #map}, {transform_indices = #map}, {transform_indices = #map}, {transform_indices = #map1}]} {
    %mul3A = arith.constant 632 : i32
    %mul3A_0 = arith.muli %arg1, %mul3A : i32
    "tpu.region"() ({
      %run_scoped3A = tpu.sem_alloc : memref<!tpu.dma_semaphore, #tpu.memory_space<semaphore_mem>>
      %dma_start3A = arith.constant 0 : i32
      %dma_start3A_15 = tpu.memref_slice %arg8[%mul3A_0, %dma_start3A] : memref<10112x16xf32, #tpu.memory_space<vmem_shared>> -> memref<632x16xf32, #tpu.memory_space<vmem_shared>>
      tpu.enqueue_dma source(%arg3 : memref<632x16xf32, #tpu.memory_space<hbm>>) target(%dma_start3A_15 : memref<632x16xf32, #tpu.memory_space<vmem_shared>>) target_semaphore(%run_scoped3A : memref<!tpu.dma_semaphore, #tpu.memory_space<semaphore_mem>>)
      %dma_wait3A = arith.constant 0 : i32
      %dma_wait3A_16 = tpu.memref_slice %arg8[%mul3A_0, %dma_wait3A] : memref<10112x16xf32, #tpu.memory_space<vmem_shared>> -> memref<632x16xf32, #tpu.memory_space<vmem_shared>>
      tpu.wait_dma2 semaphore(%run_scoped3A : memref<!tpu.dma_semaphore, #tpu.memory_space<semaphore_mem>>) src(%arg3 : memref<632x16xf32, #tpu.memory_space<hbm>>) dst(%dma_wait3A_16 : memref<632x16xf32, #tpu.memory_space<vmem_shared>>)
      tpu.yield
    }) : () -> ()
    "tpu.region"() ({
      %run_scoped3A = tpu.sem_alloc : memref<!tpu.dma_semaphore, #tpu.memory_space<semaphore_mem>>
      tpu.enqueue_dma source(%arg4 : memref<128x16xf32, #tpu.memory_space<hbm>>) target(%arg7 : memref<128x16xf32, #tpu.memory_space<vmem>>) target_semaphore(%run_scoped3A : memref<!tpu.dma_semaphore, #tpu.memory_space<semaphore_mem>>)
      tpu.wait_dma2 semaphore(%run_scoped3A : memref<!tpu.dma_semaphore, #tpu.memory_space<semaphore_mem>>) src(%arg4 : memref<128x16xf32, #tpu.memory_space<hbm>>) dst(%arg7 : memref<128x16xf32, #tpu.memory_space<vmem>>)
      tpu.yield
    }) : () -> ()
    %mul3A_1 = arith.constant 1280 : i32
    %mul3A_2 = arith.muli %mul3A_1, %arg0 : i32
    %mul3A_3 = arith.constant 80 : i32
    %mul3A_4 = arith.muli %mul3A_3, %arg1 : i32
    %add3A = arith.addi %mul3A_2, %mul3A_4 : i32
    "tpu.region"() ({
      %run_scoped3A = tpu.sem_alloc : memref<!tpu.dma_semaphore, #tpu.memory_space<semaphore_mem>>
      %dma_start3A = arith.constant 0 : i32
      %dma_start3A_15 = tpu.memref_slice %arg2[%add3A, %dma_start3A] : memref<2560x128xi32, #tpu.memory_space<hbm>> -> memref<80x128xi32, #tpu.memory_space<hbm>>
      %dma_start3A_16 = arith.constant 0 : i32
      %dma_start3A_17 = tpu.memref_slice %arg2[%add3A, %dma_start3A_16] : memref<2560x128xi32, #tpu.memory_space<hbm>> -> memref<80x128xi32, #tpu.memory_space<hbm>>
      tpu.enqueue_dma source(%dma_start3A_17 : memref<80x128xi32, #tpu.memory_space<hbm>>) target(%arg6 : memref<80x128xi32, #tpu.memory_space<vmem>>) target_semaphore(%run_scoped3A : memref<!tpu.dma_semaphore, #tpu.memory_space<semaphore_mem>>)
      %dma_wait3A = arith.constant 0 : i32
      %dma_wait3A_18 = tpu.memref_slice %arg2[%add3A, %dma_wait3A] : memref<2560x128xi32, #tpu.memory_space<hbm>> -> memref<80x128xi32, #tpu.memory_space<hbm>>
      %dma_wait3A_19 = arith.constant 0 : i32
      %dma_wait3A_20 = tpu.memref_slice %arg2[%add3A, %dma_wait3A_19] : memref<2560x128xi32, #tpu.memory_space<hbm>> -> memref<80x128xi32, #tpu.memory_space<hbm>>
      tpu.wait_dma2 semaphore(%run_scoped3A : memref<!tpu.dma_semaphore, #tpu.memory_space<semaphore_mem>>) src(%dma_wait3A_20 : memref<80x128xi32, #tpu.memory_space<hbm>>) dst(%arg6 : memref<80x128xi32, #tpu.memory_space<vmem>>)
      tpu.yield
    }) : () -> ()
    %barrier3A = arith.constant 0 : index
    tpu.barrier barrier_id(%barrier3A)
    %scan3A = arith.constant 0 : i32
    %scan3A_5 = arith.constant 0 : i32
    %scan3A_6 = arith.constant 80 : i32
    %scan3A_7 = arith.addi %scan3A_5, %scan3A_6 : i32
    %scan3A_8 = arith.constant 1 : i32
    scf.for %scan3A_15 = %scan3A_5 to %scan3A_7 step %scan3A_8  : i32 {
      "tpu.region"() ({
        %run_scoped3A = tpu.sem_alloc : memref<!tpu.dma_semaphore, #tpu.memory_space<semaphore_mem>>
        %dma_start3A = arith.constant 0 : i32
        %dma_start3A_16 = tpu.memref_slice %arg6[%scan3A_15, %dma_start3A] : memref<80x128xi32, #tpu.memory_space<vmem>> -> memref<1x128xi32, #tpu.memory_space<vmem>>
        %dma_start3A_17 = tpu.memref_squeeze %dma_start3A_16 : memref<1x128xi32, #tpu.memory_space<vmem>> -> memref<128xi32, #tpu.memory_space<vmem>>
        %dma_start3A_18 = arith.constant 0 : i32
        %dma_start3A_19 = arith.constant 0 : i32
        %dma_start3A_20 = tpu.memref_slice %arg8[%dma_start3A_18, %dma_start3A_19] : memref<10112x16xf32, #tpu.memory_space<vmem_shared>> -> memref<10112x16xf32, #tpu.memory_space<vmem_shared>>
        tpu.enqueue_indirect_dma source(%arg7 : memref<128x16xf32, #tpu.memory_space<vmem>>) target(%dma_start3A_20 : memref<10112x16xf32, #tpu.memory_space<vmem_shared>>) offsets(%dma_start3A_17 : memref<128xi32, #tpu.memory_space<vmem>>) semaphore(%run_scoped3A : memref<!tpu.dma_semaphore, #tpu.memory_space<semaphore_mem>>) {add = true}
        %dma_wait3A = arith.constant 0 : i32
        %dma_wait3A_21 = tpu.memref_slice %arg6[%scan3A_15, %dma_wait3A] : memref<80x128xi32, #tpu.memory_space<vmem>> -> memref<1x128xi32, #tpu.memory_space<vmem>>
        %dma_wait3A_22 = tpu.memref_squeeze %dma_wait3A_21 : memref<1x128xi32, #tpu.memory_space<vmem>> -> memref<128xi32, #tpu.memory_space<vmem>>
        %dma_wait3A_23 = arith.constant 0 : i32
        %dma_wait3A_24 = arith.constant 0 : i32
        %dma_wait3A_25 = tpu.memref_slice %arg8[%dma_wait3A_23, %dma_wait3A_24] : memref<10112x16xf32, #tpu.memory_space<vmem_shared>> -> memref<10112x16xf32, #tpu.memory_space<vmem_shared>>
        tpu.wait_indirect_dma semaphore(%run_scoped3A : memref<!tpu.dma_semaphore, #tpu.memory_space<semaphore_mem>>) src(%arg7 : memref<128x16xf32, #tpu.memory_space<vmem>>) dst(%dma_wait3A_25 : memref<10112x16xf32, #tpu.memory_space<vmem_shared>>)
        tpu.yield
      }) : () -> ()
    }
    %scan3A_9 = arith.constant 80 : i32
    %barrier3A_10 = arith.constant 0 : index
    tpu.barrier barrier_id(%barrier3A_10)
    %mul3A_11 = arith.constant 632 : i32
    %mul3A_12 = arith.muli %arg1, %mul3A_11 : i32
    %mul3A_13 = arith.constant 632 : i32
    %mul3A_14 = arith.muli %arg1, %mul3A_13 : i32
    "tpu.region"() ({
      %run_scoped3A = tpu.sem_alloc : memref<!tpu.dma_semaphore, #tpu.memory_space<semaphore_mem>>
      %dma_start3A = arith.constant 0 : i32
      %dma_start3A_15 = tpu.memref_slice %arg5[%arg0, %mul3A_14, %dma_start3A] : memref<2x10112x16xf32, #tpu.memory_space<hbm>> -> memref<1x632x16xf32, #tpu.memory_space<hbm>>
      %dma_start3A_16 = tpu.memref_squeeze %dma_start3A_15 : memref<1x632x16xf32, #tpu.memory_space<hbm>> -> memref<632x16xf32, #tpu.memory_space<hbm>>
      %dma_start3A_17 = arith.constant 0 : i32
      %dma_start3A_18 = tpu.memref_slice %arg8[%mul3A_12, %dma_start3A_17] : memref<10112x16xf32, #tpu.memory_space<vmem_shared>> -> memref<632x16xf32, #tpu.memory_space<vmem_shared>>
      tpu.enqueue_dma source(%dma_start3A_18 : memref<632x16xf32, #tpu.memory_space<vmem_shared>>) target(%dma_start3A_16 : memref<632x16xf32, #tpu.memory_space<hbm>>) target_semaphore(%run_scoped3A : memref<!tpu.dma_semaphore, #tpu.memory_space<semaphore_mem>>)
      %dma_wait3A = arith.constant 0 : i32
      %dma_wait3A_19 = tpu.memref_slice %arg5[%arg0, %mul3A_14, %dma_wait3A] : memref<2x10112x16xf32, #tpu.memory_space<hbm>> -> memref<1x632x16xf32, #tpu.memory_space<hbm>>
      %dma_wait3A_20 = tpu.memref_squeeze %dma_wait3A_19 : memref<1x632x16xf32, #tpu.memory_space<hbm>> -> memref<632x16xf32, #tpu.memory_space<hbm>>
      %dma_wait3A_21 = arith.constant 0 : i32
      %dma_wait3A_22 = tpu.memref_slice %arg8[%mul3A_12, %dma_wait3A_21] : memref<10112x16xf32, #tpu.memory_space<vmem_shared>> -> memref<632x16xf32, #tpu.memory_space<vmem_shared>>
      tpu.wait_dma2 semaphore(%run_scoped3A : memref<!tpu.dma_semaphore, #tpu.memory_space<semaphore_mem>>) src(%dma_wait3A_22 : memref<632x16xf32, #tpu.memory_space<vmem_shared>>) dst(%dma_wait3A_20 : memref<632x16xf32, #tpu.memory_space<hbm>>)
      tpu.yield
    }) : () -> ()
    return
  }
}

#map = affine_map<(d0, d1) -> (0, 0, 0)>
#map1 = affine_map<(d0, d1) -> (0, 0)>
module attributes {stable_mosaic.version = 14 : i64} {
  func.func @agg(%arg0: i32, %arg1: i32, %arg2: memref<2x2560x128xi32, #tpu.memory_space<hbm>>, %arg3: memref<2560x128xi32, #tpu.memory_space<hbm>>, %arg4: memref<20000x64xf32, #tpu.memory_space<hbm>>, %arg5: memref<632x64xf32, #tpu.memory_space<hbm>>, %arg6: memref<2x10112x64xf32, #tpu.memory_space<hbm>>, %arg7: memref<16x128xi32, #tpu.memory_space<vmem>>, %arg8: memref<16x128xi32, #tpu.memory_space<vmem>>, %arg9: memref<128x64xf32, #tpu.memory_space<vmem>>, %arg10: memref<128x64xf32, #tpu.memory_space<vmem>>, %arg11: memref<10112x64xf32, #tpu.memory_space<vmem_shared>>, %arg12: memref<!tpu.dma_semaphore, #tpu.memory_space<semaphore_mem>>, %arg13: memref<!tpu.dma_semaphore, #tpu.memory_space<semaphore_mem>>, %arg14: memref<!tpu.dma_semaphore, #tpu.memory_space<semaphore_mem>>, %arg15: memref<!tpu.dma_semaphore, #tpu.memory_space<semaphore_mem>>) attributes {dimension_semantics = [#tpu.dimension_semantics<core_parallel>, #tpu.dimension_semantics<subcore_parallel>], iteration_bounds = array<i64: 2, 16>, scalar_prefetch = 0 : i64, scratch_operands = 9 : i64, tpu.core_type = #tpu.core_type<sc_vector_subcore>, window_params = [{transform_indices = #map}, {transform_indices = #map1}, {transform_indices = #map1}, {transform_indices = #map1}, {transform_indices = #map}]} {
    %mul3A = arith.constant 632 : i32
    %mul3A_0 = arith.muli %arg1, %mul3A : i32
    "tpu.region"() ({
      %run_scoped3A = tpu.sem_alloc : memref<!tpu.dma_semaphore, #tpu.memory_space<semaphore_mem>>
      %dma_start3A = arith.constant 0 : i32
      %dma_start3A_11 = tpu.memref_slice %arg11[%mul3A_0, %dma_start3A] : memref<10112x64xf32, #tpu.memory_space<vmem_shared>> -> memref<632x64xf32, #tpu.memory_space<vmem_shared>>
      tpu.enqueue_dma source(%arg5 : memref<632x64xf32, #tpu.memory_space<hbm>>) target(%dma_start3A_11 : memref<632x64xf32, #tpu.memory_space<vmem_shared>>) target_semaphore(%run_scoped3A : memref<!tpu.dma_semaphore, #tpu.memory_space<semaphore_mem>>)
      %dma_wait3A = arith.constant 0 : i32
      %dma_wait3A_12 = tpu.memref_slice %arg11[%mul3A_0, %dma_wait3A] : memref<10112x64xf32, #tpu.memory_space<vmem_shared>> -> memref<632x64xf32, #tpu.memory_space<vmem_shared>>
      tpu.wait_dma2 semaphore(%run_scoped3A : memref<!tpu.dma_semaphore, #tpu.memory_space<semaphore_mem>>) src(%arg5 : memref<632x64xf32, #tpu.memory_space<hbm>>) dst(%dma_wait3A_12 : memref<632x64xf32, #tpu.memory_space<vmem_shared>>)
      tpu.yield
    }) : () -> ()
    %barrier3A = arith.constant 0 : index
    tpu.barrier barrier_id(%barrier3A)
    %scan3A = arith.constant 0 : i32
    %scan3A_1 = arith.constant 0 : i32
    %scan3A_2 = arith.constant 5 : i32
    %scan3A_3 = arith.addi %scan3A_1, %scan3A_2 : i32
    %scan3A_4 = arith.constant 1 : i32
    scf.for %scan3A_11 = %scan3A_1 to %scan3A_3 step %scan3A_4  : i32 {
      %mul3A_12 = arith.constant 16 : i32
      %mul3A_13 = arith.muli %scan3A_11, %mul3A_12 : i32
      %add3A = arith.addi %mul3A_13, %arg1 : i32
      %mul3A_14 = arith.constant 2 : i32
      %mul3A_15 = arith.muli %add3A, %mul3A_14 : i32
      %add3A_16 = arith.addi %mul3A_15, %arg0 : i32
      %mul3A_17 = arith.constant 16 : i32
      %mul3A_18 = arith.muli %add3A_16, %mul3A_17 : i32
      "tpu.region"() ({
        %run_scoped3A = tpu.sem_alloc : memref<!tpu.dma_semaphore, #tpu.memory_space<semaphore_mem>>
        %dma_start3A_465 = arith.constant 0 : i32
        %dma_start3A_466 = tpu.memref_slice %arg2[%arg0, %mul3A_18, %dma_start3A_465] : memref<2x2560x128xi32, #tpu.memory_space<hbm>> -> memref<1x16x128xi32, #tpu.memory_space<hbm>>
        %dma_start3A_467 = tpu.memref_squeeze %dma_start3A_466 : memref<1x16x128xi32, #tpu.memory_space<hbm>> -> memref<16x128xi32, #tpu.memory_space<hbm>>
        %dma_start3A_468 = arith.constant 0 : i32
        %dma_start3A_469 = tpu.memref_slice %arg2[%arg0, %mul3A_18, %dma_start3A_468] : memref<2x2560x128xi32, #tpu.memory_space<hbm>> -> memref<1x16x128xi32, #tpu.memory_space<hbm>>
        %dma_start3A_470 = tpu.memref_squeeze %dma_start3A_469 : memref<1x16x128xi32, #tpu.memory_space<hbm>> -> memref<16x128xi32, #tpu.memory_space<hbm>>
        tpu.enqueue_dma source(%dma_start3A_470 : memref<16x128xi32, #tpu.memory_space<hbm>>) target(%arg7 : memref<16x128xi32, #tpu.memory_space<vmem>>) target_semaphore(%run_scoped3A : memref<!tpu.dma_semaphore, #tpu.memory_space<semaphore_mem>>)
        %dma_wait3A_471 = arith.constant 0 : i32
        %dma_wait3A_472 = tpu.memref_slice %arg2[%arg0, %mul3A_18, %dma_wait3A_471] : memref<2x2560x128xi32, #tpu.memory_space<hbm>> -> memref<1x16x128xi32, #tpu.memory_space<hbm>>
        %dma_wait3A_473 = tpu.memref_squeeze %dma_wait3A_472 : memref<1x16x128xi32, #tpu.memory_space<hbm>> -> memref<16x128xi32, #tpu.memory_space<hbm>>
        %dma_wait3A_474 = arith.constant 0 : i32
        %dma_wait3A_475 = tpu.memref_slice %arg2[%arg0, %mul3A_18, %dma_wait3A_474] : memref<2x2560x128xi32, #tpu.memory_space<hbm>> -> memref<1x16x128xi32, #tpu.memory_space<hbm>>
        %dma_wait3A_476 = tpu.memref_squeeze %dma_wait3A_475 : memref<1x16x128xi32, #tpu.memory_space<hbm>> -> memref<16x128xi32, #tpu.memory_space<hbm>>
        tpu.wait_dma2 semaphore(%run_scoped3A : memref<!tpu.dma_semaphore, #tpu.memory_space<semaphore_mem>>) src(%dma_wait3A_476 : memref<16x128xi32, #tpu.memory_space<hbm>>) dst(%arg7 : memref<16x128xi32, #tpu.memory_space<vmem>>)
        tpu.yield
      }) : () -> ()
      "tpu.region"() ({
        %run_scoped3A = tpu.sem_alloc : memref<!tpu.dma_semaphore, #tpu.memory_space<semaphore_mem>>
        %dma_start3A_465 = arith.constant 0 : i32
        %dma_start3A_466 = tpu.memref_slice %arg3[%mul3A_18, %dma_start3A_465] : memref<2560x128xi32, #tpu.memory_space<hbm>> -> memref<16x128xi32, #tpu.memory_space<hbm>>
        %dma_start3A_467 = arith.constant 0 : i32
        %dma_start3A_468 = tpu.memref_slice %arg3[%mul3A_18, %dma_start3A_467] : memref<2560x128xi32, #tpu.memory_space<hbm>> -> memref<16x128xi32, #tpu.memory_space<hbm>>
        tpu.enqueue_dma source(%dma_start3A_468 : memref<16x128xi32, #tpu.memory_space<hbm>>) target(%arg8 : memref<16x128xi32, #tpu.memory_space<vmem>>) target_semaphore(%run_scoped3A : memref<!tpu.dma_semaphore, #tpu.memory_space<semaphore_mem>>)
        %dma_wait3A_469 = arith.constant 0 : i32
        %dma_wait3A_470 = tpu.memref_slice %arg3[%mul3A_18, %dma_wait3A_469] : memref<2560x128xi32, #tpu.memory_space<hbm>> -> memref<16x128xi32, #tpu.memory_space<hbm>>
        %dma_wait3A_471 = arith.constant 0 : i32
        %dma_wait3A_472 = tpu.memref_slice %arg3[%mul3A_18, %dma_wait3A_471] : memref<2560x128xi32, #tpu.memory_space<hbm>> -> memref<16x128xi32, #tpu.memory_space<hbm>>
        tpu.wait_dma2 semaphore(%run_scoped3A : memref<!tpu.dma_semaphore, #tpu.memory_space<semaphore_mem>>) src(%dma_wait3A_472 : memref<16x128xi32, #tpu.memory_space<hbm>>) dst(%arg8 : memref<16x128xi32, #tpu.memory_space<vmem>>)
        tpu.yield
      }) : () -> ()
      %dma_start3A = arith.constant 0 : i32
      %dma_start3A_19 = arith.constant 0 : i32
      %dma_start3A_20 = tpu.memref_slice %arg7[%dma_start3A, %dma_start3A_19] : memref<16x128xi32, #tpu.memory_space<vmem>> -> memref<1x128xi32, #tpu.memory_space<vmem>>
      %dma_start3A_21 = tpu.memref_squeeze %dma_start3A_20 : memref<1x128xi32, #tpu.memory_space<vmem>> -> memref<128xi32, #tpu.memory_space<vmem>>
      %dma_start3A_22 = arith.constant 0 : i32
      %dma_start3A_23 = arith.constant 0 : i32
      %dma_start3A_24 = tpu.memref_slice %arg4[%dma_start3A_22, %dma_start3A_23] : memref<20000x64xf32, #tpu.memory_space<hbm>> -> memref<20000x64xf32, #tpu.memory_space<hbm>>
      tpu.enqueue_indirect_dma source(%dma_start3A_24 : memref<20000x64xf32, #tpu.memory_space<hbm>>) target(%arg9 : memref<128x64xf32, #tpu.memory_space<vmem>>) offsets(%dma_start3A_21 : memref<128xi32, #tpu.memory_space<vmem>>) semaphore(%arg12 : memref<!tpu.dma_semaphore, #tpu.memory_space<semaphore_mem>>)
      %dma_wait3A = arith.constant 0 : i32
      %dma_wait3A_25 = arith.constant 0 : i32
      %dma_wait3A_26 = tpu.memref_slice %arg7[%dma_wait3A, %dma_wait3A_25] : memref<16x128xi32, #tpu.memory_space<vmem>> -> memref<1x128xi32, #tpu.memory_space<vmem>>
      %dma_wait3A_27 = tpu.memref_squeeze %dma_wait3A_26 : memref<1x128xi32, #tpu.memory_space<vmem>> -> memref<128xi32, #tpu.memory_space<vmem>>
      %dma_wait3A_28 = arith.constant 0 : i32
      %dma_wait3A_29 = arith.constant 0 : i32
      %dma_wait3A_30 = tpu.memref_slice %arg4[%dma_wait3A_28, %dma_wait3A_29] : memref<20000x64xf32, #tpu.memory_space<hbm>> -> memref<20000x64xf32, #tpu.memory_space<hbm>>
      tpu.wait_indirect_dma semaphore(%arg12 : memref<!tpu.dma_semaphore, #tpu.memory_space<semaphore_mem>>) src(%dma_wait3A_30 : memref<20000x64xf32, #tpu.memory_space<hbm>>) dst(%arg9 : memref<128x64xf32, #tpu.memory_space<vmem>>)
      %dma_start3A_31 = arith.constant 0 : i32
      %dma_start3A_32 = arith.constant 0 : i32
      %dma_start3A_33 = tpu.memref_slice %arg8[%dma_start3A_31, %dma_start3A_32] : memref<16x128xi32, #tpu.memory_space<vmem>> -> memref<1x128xi32, #tpu.memory_space<vmem>>
      %dma_start3A_34 = tpu.memref_squeeze %dma_start3A_33 : memref<1x128xi32, #tpu.memory_space<vmem>> -> memref<128xi32, #tpu.memory_space<vmem>>
      %dma_start3A_35 = arith.constant 0 : i32
      %dma_start3A_36 = arith.constant 0 : i32
      %dma_start3A_37 = tpu.memref_slice %arg11[%dma_start3A_35, %dma_start3A_36] : memref<10112x64xf32, #tpu.memory_space<vmem_shared>> -> memref<10112x64xf32, #tpu.memory_space<vmem_shared>>
      tpu.enqueue_indirect_dma source(%arg9 : memref<128x64xf32, #tpu.memory_space<vmem>>) target(%dma_start3A_37 : memref<10112x64xf32, #tpu.memory_space<vmem_shared>>) offsets(%dma_start3A_34 : memref<128xi32, #tpu.memory_space<vmem>>) semaphore(%arg14 : memref<!tpu.dma_semaphore, #tpu.memory_space<semaphore_mem>>) {add = true}
      %dma_start3A_38 = arith.constant 1 : i32
      %dma_start3A_39 = arith.constant 0 : i32
      %dma_start3A_40 = tpu.memref_slice %arg7[%dma_start3A_38, %dma_start3A_39] : memref<16x128xi32, #tpu.memory_space<vmem>> -> memref<1x128xi32, #tpu.memory_space<vmem>>
      %dma_start3A_41 = tpu.memref_squeeze %dma_start3A_40 : memref<1x128xi32, #tpu.memory_space<vmem>> -> memref<128xi32, #tpu.memory_space<vmem>>
      %dma_start3A_42 = arith.constant 0 : i32
      %dma_start3A_43 = arith.constant 0 : i32
      %dma_start3A_44 = tpu.memref_slice %arg4[%dma_start3A_42, %dma_start3A_43] : memref<20000x64xf32, #tpu.memory_space<hbm>> -> memref<20000x64xf32, #tpu.memory_space<hbm>>
      tpu.enqueue_indirect_dma source(%dma_start3A_44 : memref<20000x64xf32, #tpu.memory_space<hbm>>) target(%arg10 : memref<128x64xf32, #tpu.memory_space<vmem>>) offsets(%dma_start3A_41 : memref<128xi32, #tpu.memory_space<vmem>>) semaphore(%arg13 : memref<!tpu.dma_semaphore, #tpu.memory_space<semaphore_mem>>)
      %dma_wait3A_45 = arith.constant 1 : i32
      %dma_wait3A_46 = arith.constant 0 : i32
      %dma_wait3A_47 = tpu.memref_slice %arg7[%dma_wait3A_45, %dma_wait3A_46] : memref<16x128xi32, #tpu.memory_space<vmem>> -> memref<1x128xi32, #tpu.memory_space<vmem>>
      %dma_wait3A_48 = tpu.memref_squeeze %dma_wait3A_47 : memref<1x128xi32, #tpu.memory_space<vmem>> -> memref<128xi32, #tpu.memory_space<vmem>>
      %dma_wait3A_49 = arith.constant 0 : i32
      %dma_wait3A_50 = arith.constant 0 : i32
      %dma_wait3A_51 = tpu.memref_slice %arg4[%dma_wait3A_49, %dma_wait3A_50] : memref<20000x64xf32, #tpu.memory_space<hbm>> -> memref<20000x64xf32, #tpu.memory_space<hbm>>
      tpu.wait_indirect_dma semaphore(%arg13 : memref<!tpu.dma_semaphore, #tpu.memory_space<semaphore_mem>>) src(%dma_wait3A_51 : memref<20000x64xf32, #tpu.memory_space<hbm>>) dst(%arg10 : memref<128x64xf32, #tpu.memory_space<vmem>>)
      %dma_start3A_52 = arith.constant 1 : i32
      %dma_start3A_53 = arith.constant 0 : i32
      %dma_start3A_54 = tpu.memref_slice %arg8[%dma_start3A_52, %dma_start3A_53] : memref<16x128xi32, #tpu.memory_space<vmem>> -> memref<1x128xi32, #tpu.memory_space<vmem>>
      %dma_start3A_55 = tpu.memref_squeeze %dma_start3A_54 : memref<1x128xi32, #tpu.memory_space<vmem>> -> memref<128xi32, #tpu.memory_space<vmem>>
      %dma_start3A_56 = arith.constant 0 : i32
      %dma_start3A_57 = arith.constant 0 : i32
      %dma_start3A_58 = tpu.memref_slice %arg11[%dma_start3A_56, %dma_start3A_57] : memref<10112x64xf32, #tpu.memory_space<vmem_shared>> -> memref<10112x64xf32, #tpu.memory_space<vmem_shared>>
      tpu.enqueue_indirect_dma source(%arg10 : memref<128x64xf32, #tpu.memory_space<vmem>>) target(%dma_start3A_58 : memref<10112x64xf32, #tpu.memory_space<vmem_shared>>) offsets(%dma_start3A_55 : memref<128xi32, #tpu.memory_space<vmem>>) semaphore(%arg15 : memref<!tpu.dma_semaphore, #tpu.memory_space<semaphore_mem>>) {add = true}
      %dma_wait3A_59 = arith.constant 0 : i32
      %dma_wait3A_60 = arith.constant 0 : i32
      %dma_wait3A_61 = tpu.memref_slice %arg8[%dma_wait3A_59, %dma_wait3A_60] : memref<16x128xi32, #tpu.memory_space<vmem>> -> memref<1x128xi32, #tpu.memory_space<vmem>>
      %dma_wait3A_62 = tpu.memref_squeeze %dma_wait3A_61 : memref<1x128xi32, #tpu.memory_space<vmem>> -> memref<128xi32, #tpu.memory_space<vmem>>
      %dma_wait3A_63 = arith.constant 0 : i32
      %dma_wait3A_64 = arith.constant 0 : i32
      %dma_wait3A_65 = tpu.memref_slice %arg11[%dma_wait3A_63, %dma_wait3A_64] : memref<10112x64xf32, #tpu.memory_space<vmem_shared>> -> memref<10112x64xf32, #tpu.memory_space<vmem_shared>>
      tpu.wait_indirect_dma semaphore(%arg14 : memref<!tpu.dma_semaphore, #tpu.memory_space<semaphore_mem>>) src(%arg9 : memref<128x64xf32, #tpu.memory_space<vmem>>) dst(%dma_wait3A_65 : memref<10112x64xf32, #tpu.memory_space<vmem_shared>>)
      %dma_start3A_66 = arith.constant 2 : i32
      %dma_start3A_67 = arith.constant 0 : i32
      %dma_start3A_68 = tpu.memref_slice %arg7[%dma_start3A_66, %dma_start3A_67] : memref<16x128xi32, #tpu.memory_space<vmem>> -> memref<1x128xi32, #tpu.memory_space<vmem>>
      %dma_start3A_69 = tpu.memref_squeeze %dma_start3A_68 : memref<1x128xi32, #tpu.memory_space<vmem>> -> memref<128xi32, #tpu.memory_space<vmem>>
      %dma_start3A_70 = arith.constant 0 : i32
      %dma_start3A_71 = arith.constant 0 : i32
      %dma_start3A_72 = tpu.memref_slice %arg4[%dma_start3A_70, %dma_start3A_71] : memref<20000x64xf32, #tpu.memory_space<hbm>> -> memref<20000x64xf32, #tpu.memory_space<hbm>>
      tpu.enqueue_indirect_dma source(%dma_start3A_72 : memref<20000x64xf32, #tpu.memory_space<hbm>>) target(%arg9 : memref<128x64xf32, #tpu.memory_space<vmem>>) offsets(%dma_start3A_69 : memref<128xi32, #tpu.memory_space<vmem>>) semaphore(%arg12 : memref<!tpu.dma_semaphore, #tpu.memory_space<semaphore_mem>>)
      %dma_wait3A_73 = arith.constant 2 : i32
      %dma_wait3A_74 = arith.constant 0 : i32
      %dma_wait3A_75 = tpu.memref_slice %arg7[%dma_wait3A_73, %dma_wait3A_74] : memref<16x128xi32, #tpu.memory_space<vmem>> -> memref<1x128xi32, #tpu.memory_space<vmem>>
      %dma_wait3A_76 = tpu.memref_squeeze %dma_wait3A_75 : memref<1x128xi32, #tpu.memory_space<vmem>> -> memref<128xi32, #tpu.memory_space<vmem>>
      %dma_wait3A_77 = arith.constant 0 : i32
      %dma_wait3A_78 = arith.constant 0 : i32
      %dma_wait3A_79 = tpu.memref_slice %arg4[%dma_wait3A_77, %dma_wait3A_78] : memref<20000x64xf32, #tpu.memory_space<hbm>> -> memref<20000x64xf32, #tpu.memory_space<hbm>>
      tpu.wait_indirect_dma semaphore(%arg12 : memref<!tpu.dma_semaphore, #tpu.memory_space<semaphore_mem>>) src(%dma_wait3A_79 : memref<20000x64xf32, #tpu.memory_space<hbm>>) dst(%arg9 : memref<128x64xf32, #tpu.memory_space<vmem>>)
      %dma_start3A_80 = arith.constant 2 : i32
      %dma_start3A_81 = arith.constant 0 : i32
      %dma_start3A_82 = tpu.memref_slice %arg8[%dma_start3A_80, %dma_start3A_81] : memref<16x128xi32, #tpu.memory_space<vmem>> -> memref<1x128xi32, #tpu.memory_space<vmem>>
      %dma_start3A_83 = tpu.memref_squeeze %dma_start3A_82 : memref<1x128xi32, #tpu.memory_space<vmem>> -> memref<128xi32, #tpu.memory_space<vmem>>
      %dma_start3A_84 = arith.constant 0 : i32
      %dma_start3A_85 = arith.constant 0 : i32
      %dma_start3A_86 = tpu.memref_slice %arg11[%dma_start3A_84, %dma_start3A_85] : memref<10112x64xf32, #tpu.memory_space<vmem_shared>> -> memref<10112x64xf32, #tpu.memory_space<vmem_shared>>
      tpu.enqueue_indirect_dma source(%arg9 : memref<128x64xf32, #tpu.memory_space<vmem>>) target(%dma_start3A_86 : memref<10112x64xf32, #tpu.memory_space<vmem_shared>>) offsets(%dma_start3A_83 : memref<128xi32, #tpu.memory_space<vmem>>) semaphore(%arg14 : memref<!tpu.dma_semaphore, #tpu.memory_space<semaphore_mem>>) {add = true}
      %dma_wait3A_87 = arith.constant 1 : i32
      %dma_wait3A_88 = arith.constant 0 : i32
      %dma_wait3A_89 = tpu.memref_slice %arg8[%dma_wait3A_87, %dma_wait3A_88] : memref<16x128xi32, #tpu.memory_space<vmem>> -> memref<1x128xi32, #tpu.memory_space<vmem>>
      %dma_wait3A_90 = tpu.memref_squeeze %dma_wait3A_89 : memref<1x128xi32, #tpu.memory_space<vmem>> -> memref<128xi32, #tpu.memory_space<vmem>>
      %dma_wait3A_91 = arith.constant 0 : i32
      %dma_wait3A_92 = arith.constant 0 : i32
      %dma_wait3A_93 = tpu.memref_slice %arg11[%dma_wait3A_91, %dma_wait3A_92] : memref<10112x64xf32, #tpu.memory_space<vmem_shared>> -> memref<10112x64xf32, #tpu.memory_space<vmem_shared>>
      tpu.wait_indirect_dma semaphore(%arg15 : memref<!tpu.dma_semaphore, #tpu.memory_space<semaphore_mem>>) src(%arg10 : memref<128x64xf32, #tpu.memory_space<vmem>>) dst(%dma_wait3A_93 : memref<10112x64xf32, #tpu.memory_space<vmem_shared>>)
      %dma_start3A_94 = arith.constant 3 : i32
      %dma_start3A_95 = arith.constant 0 : i32
      %dma_start3A_96 = tpu.memref_slice %arg7[%dma_start3A_94, %dma_start3A_95] : memref<16x128xi32, #tpu.memory_space<vmem>> -> memref<1x128xi32, #tpu.memory_space<vmem>>
      %dma_start3A_97 = tpu.memref_squeeze %dma_start3A_96 : memref<1x128xi32, #tpu.memory_space<vmem>> -> memref<128xi32, #tpu.memory_space<vmem>>
      %dma_start3A_98 = arith.constant 0 : i32
      %dma_start3A_99 = arith.constant 0 : i32
      %dma_start3A_100 = tpu.memref_slice %arg4[%dma_start3A_98, %dma_start3A_99] : memref<20000x64xf32, #tpu.memory_space<hbm>> -> memref<20000x64xf32, #tpu.memory_space<hbm>>
      tpu.enqueue_indirect_dma source(%dma_start3A_100 : memref<20000x64xf32, #tpu.memory_space<hbm>>) target(%arg10 : memref<128x64xf32, #tpu.memory_space<vmem>>) offsets(%dma_start3A_97 : memref<128xi32, #tpu.memory_space<vmem>>) semaphore(%arg13 : memref<!tpu.dma_semaphore, #tpu.memory_space<semaphore_mem>>)
      %dma_wait3A_101 = arith.constant 3 : i32
      %dma_wait3A_102 = arith.constant 0 : i32
      %dma_wait3A_103 = tpu.memref_slice %arg7[%dma_wait3A_101, %dma_wait3A_102] : memref<16x128xi32, #tpu.memory_space<vmem>> -> memref<1x128xi32, #tpu.memory_space<vmem>>
      %dma_wait3A_104 = tpu.memref_squeeze %dma_wait3A_103 : memref<1x128xi32, #tpu.memory_space<vmem>> -> memref<128xi32, #tpu.memory_space<vmem>>
      %dma_wait3A_105 = arith.constant 0 : i32
      %dma_wait3A_106 = arith.constant 0 : i32
      %dma_wait3A_107 = tpu.memref_slice %arg4[%dma_wait3A_105, %dma_wait3A_106] : memref<20000x64xf32, #tpu.memory_space<hbm>> -> memref<20000x64xf32, #tpu.memory_space<hbm>>
      tpu.wait_indirect_dma semaphore(%arg13 : memref<!tpu.dma_semaphore, #tpu.memory_space<semaphore_mem>>) src(%dma_wait3A_107 : memref<20000x64xf32, #tpu.memory_space<hbm>>) dst(%arg10 : memref<128x64xf32, #tpu.memory_space<vmem>>)
      %dma_start3A_108 = arith.constant 3 : i32
      %dma_start3A_109 = arith.constant 0 : i32
      %dma_start3A_110 = tpu.memref_slice %arg8[%dma_start3A_108, %dma_start3A_109] : memref<16x128xi32, #tpu.memory_space<vmem>> -> memref<1x128xi32, #tpu.memory_space<vmem>>
      %dma_start3A_111 = tpu.memref_squeeze %dma_start3A_110 : memref<1x128xi32, #tpu.memory_space<vmem>> -> memref<128xi32, #tpu.memory_space<vmem>>
      %dma_start3A_112 = arith.constant 0 : i32
      %dma_start3A_113 = arith.constant 0 : i32
      %dma_start3A_114 = tpu.memref_slice %arg11[%dma_start3A_112, %dma_start3A_113] : memref<10112x64xf32, #tpu.memory_space<vmem_shared>> -> memref<10112x64xf32, #tpu.memory_space<vmem_shared>>
      tpu.enqueue_indirect_dma source(%arg10 : memref<128x64xf32, #tpu.memory_space<vmem>>) target(%dma_start3A_114 : memref<10112x64xf32, #tpu.memory_space<vmem_shared>>) offsets(%dma_start3A_111 : memref<128xi32, #tpu.memory_space<vmem>>) semaphore(%arg15 : memref<!tpu.dma_semaphore, #tpu.memory_space<semaphore_mem>>) {add = true}
      %dma_wait3A_115 = arith.constant 2 : i32
      %dma_wait3A_116 = arith.constant 0 : i32
      %dma_wait3A_117 = tpu.memref_slice %arg8[%dma_wait3A_115, %dma_wait3A_116] : memref<16x128xi32, #tpu.memory_space<vmem>> -> memref<1x128xi32, #tpu.memory_space<vmem>>
      %dma_wait3A_118 = tpu.memref_squeeze %dma_wait3A_117 : memref<1x128xi32, #tpu.memory_space<vmem>> -> memref<128xi32, #tpu.memory_space<vmem>>
      %dma_wait3A_119 = arith.constant 0 : i32
      %dma_wait3A_120 = arith.constant 0 : i32
      %dma_wait3A_121 = tpu.memref_slice %arg11[%dma_wait3A_119, %dma_wait3A_120] : memref<10112x64xf32, #tpu.memory_space<vmem_shared>> -> memref<10112x64xf32, #tpu.memory_space<vmem_shared>>
      tpu.wait_indirect_dma semaphore(%arg14 : memref<!tpu.dma_semaphore, #tpu.memory_space<semaphore_mem>>) src(%arg9 : memref<128x64xf32, #tpu.memory_space<vmem>>) dst(%dma_wait3A_121 : memref<10112x64xf32, #tpu.memory_space<vmem_shared>>)
      %dma_start3A_122 = arith.constant 4 : i32
      %dma_start3A_123 = arith.constant 0 : i32
      %dma_start3A_124 = tpu.memref_slice %arg7[%dma_start3A_122, %dma_start3A_123] : memref<16x128xi32, #tpu.memory_space<vmem>> -> memref<1x128xi32, #tpu.memory_space<vmem>>
      %dma_start3A_125 = tpu.memref_squeeze %dma_start3A_124 : memref<1x128xi32, #tpu.memory_space<vmem>> -> memref<128xi32, #tpu.memory_space<vmem>>
      %dma_start3A_126 = arith.constant 0 : i32
      %dma_start3A_127 = arith.constant 0 : i32
      %dma_start3A_128 = tpu.memref_slice %arg4[%dma_start3A_126, %dma_start3A_127] : memref<20000x64xf32, #tpu.memory_space<hbm>> -> memref<20000x64xf32, #tpu.memory_space<hbm>>
      tpu.enqueue_indirect_dma source(%dma_start3A_128 : memref<20000x64xf32, #tpu.memory_space<hbm>>) target(%arg9 : memref<128x64xf32, #tpu.memory_space<vmem>>) offsets(%dma_start3A_125 : memref<128xi32, #tpu.memory_space<vmem>>) semaphore(%arg12 : memref<!tpu.dma_semaphore, #tpu.memory_space<semaphore_mem>>)
      %dma_wait3A_129 = arith.constant 4 : i32
      %dma_wait3A_130 = arith.constant 0 : i32
      %dma_wait3A_131 = tpu.memref_slice %arg7[%dma_wait3A_129, %dma_wait3A_130] : memref<16x128xi32, #tpu.memory_space<vmem>> -> memref<1x128xi32, #tpu.memory_space<vmem>>
      %dma_wait3A_132 = tpu.memref_squeeze %dma_wait3A_131 : memref<1x128xi32, #tpu.memory_space<vmem>> -> memref<128xi32, #tpu.memory_space<vmem>>
      %dma_wait3A_133 = arith.constant 0 : i32
      %dma_wait3A_134 = arith.constant 0 : i32
      %dma_wait3A_135 = tpu.memref_slice %arg4[%dma_wait3A_133, %dma_wait3A_134] : memref<20000x64xf32, #tpu.memory_space<hbm>> -> memref<20000x64xf32, #tpu.memory_space<hbm>>
      tpu.wait_indirect_dma semaphore(%arg12 : memref<!tpu.dma_semaphore, #tpu.memory_space<semaphore_mem>>) src(%dma_wait3A_135 : memref<20000x64xf32, #tpu.memory_space<hbm>>) dst(%arg9 : memref<128x64xf32, #tpu.memory_space<vmem>>)
      %dma_start3A_136 = arith.constant 4 : i32
      %dma_start3A_137 = arith.constant 0 : i32
      %dma_start3A_138 = tpu.memref_slice %arg8[%dma_start3A_136, %dma_start3A_137] : memref<16x128xi32, #tpu.memory_space<vmem>> -> memref<1x128xi32, #tpu.memory_space<vmem>>
      %dma_start3A_139 = tpu.memref_squeeze %dma_start3A_138 : memref<1x128xi32, #tpu.memory_space<vmem>> -> memref<128xi32, #tpu.memory_space<vmem>>
      %dma_start3A_140 = arith.constant 0 : i32
      %dma_start3A_141 = arith.constant 0 : i32
      %dma_start3A_142 = tpu.memref_slice %arg11[%dma_start3A_140, %dma_start3A_141] : memref<10112x64xf32, #tpu.memory_space<vmem_shared>> -> memref<10112x64xf32, #tpu.memory_space<vmem_shared>>
      tpu.enqueue_indirect_dma source(%arg9 : memref<128x64xf32, #tpu.memory_space<vmem>>) target(%dma_start3A_142 : memref<10112x64xf32, #tpu.memory_space<vmem_shared>>) offsets(%dma_start3A_139 : memref<128xi32, #tpu.memory_space<vmem>>) semaphore(%arg14 : memref<!tpu.dma_semaphore, #tpu.memory_space<semaphore_mem>>) {add = true}
      %dma_wait3A_143 = arith.constant 3 : i32
      %dma_wait3A_144 = arith.constant 0 : i32
      %dma_wait3A_145 = tpu.memref_slice %arg8[%dma_wait3A_143, %dma_wait3A_144] : memref<16x128xi32, #tpu.memory_space<vmem>> -> memref<1x128xi32, #tpu.memory_space<vmem>>
      %dma_wait3A_146 = tpu.memref_squeeze %dma_wait3A_145 : memref<1x128xi32, #tpu.memory_space<vmem>> -> memref<128xi32, #tpu.memory_space<vmem>>
      %dma_wait3A_147 = arith.constant 0 : i32
      %dma_wait3A_148 = arith.constant 0 : i32
      %dma_wait3A_149 = tpu.memref_slice %arg11[%dma_wait3A_147, %dma_wait3A_148] : memref<10112x64xf32, #tpu.memory_space<vmem_shared>> -> memref<10112x64xf32, #tpu.memory_space<vmem_shared>>
      tpu.wait_indirect_dma semaphore(%arg15 : memref<!tpu.dma_semaphore, #tpu.memory_space<semaphore_mem>>) src(%arg10 : memref<128x64xf32, #tpu.memory_space<vmem>>) dst(%dma_wait3A_149 : memref<10112x64xf32, #tpu.memory_space<vmem_shared>>)
      %dma_start3A_150 = arith.constant 5 : i32
      %dma_start3A_151 = arith.constant 0 : i32
      %dma_start3A_152 = tpu.memref_slice %arg7[%dma_start3A_150, %dma_start3A_151] : memref<16x128xi32, #tpu.memory_space<vmem>> -> memref<1x128xi32, #tpu.memory_space<vmem>>
      %dma_start3A_153 = tpu.memref_squeeze %dma_start3A_152 : memref<1x128xi32, #tpu.memory_space<vmem>> -> memref<128xi32, #tpu.memory_space<vmem>>
      %dma_start3A_154 = arith.constant 0 : i32
      %dma_start3A_155 = arith.constant 0 : i32
      %dma_start3A_156 = tpu.memref_slice %arg4[%dma_start3A_154, %dma_start3A_155] : memref<20000x64xf32, #tpu.memory_space<hbm>> -> memref<20000x64xf32, #tpu.memory_space<hbm>>
      tpu.enqueue_indirect_dma source(%dma_start3A_156 : memref<20000x64xf32, #tpu.memory_space<hbm>>) target(%arg10 : memref<128x64xf32, #tpu.memory_space<vmem>>) offsets(%dma_start3A_153 : memref<128xi32, #tpu.memory_space<vmem>>) semaphore(%arg13 : memref<!tpu.dma_semaphore, #tpu.memory_space<semaphore_mem>>)
      %dma_wait3A_157 = arith.constant 5 : i32
      %dma_wait3A_158 = arith.constant 0 : i32
      %dma_wait3A_159 = tpu.memref_slice %arg7[%dma_wait3A_157, %dma_wait3A_158] : memref<16x128xi32, #tpu.memory_space<vmem>> -> memref<1x128xi32, #tpu.memory_space<vmem>>
      %dma_wait3A_160 = tpu.memref_squeeze %dma_wait3A_159 : memref<1x128xi32, #tpu.memory_space<vmem>> -> memref<128xi32, #tpu.memory_space<vmem>>
      %dma_wait3A_161 = arith.constant 0 : i32
      %dma_wait3A_162 = arith.constant 0 : i32
      %dma_wait3A_163 = tpu.memref_slice %arg4[%dma_wait3A_161, %dma_wait3A_162] : memref<20000x64xf32, #tpu.memory_space<hbm>> -> memref<20000x64xf32, #tpu.memory_space<hbm>>
      tpu.wait_indirect_dma semaphore(%arg13 : memref<!tpu.dma_semaphore, #tpu.memory_space<semaphore_mem>>) src(%dma_wait3A_163 : memref<20000x64xf32, #tpu.memory_space<hbm>>) dst(%arg10 : memref<128x64xf32, #tpu.memory_space<vmem>>)
      %dma_start3A_164 = arith.constant 5 : i32
      %dma_start3A_165 = arith.constant 0 : i32
      %dma_start3A_166 = tpu.memref_slice %arg8[%dma_start3A_164, %dma_start3A_165] : memref<16x128xi32, #tpu.memory_space<vmem>> -> memref<1x128xi32, #tpu.memory_space<vmem>>
      %dma_start3A_167 = tpu.memref_squeeze %dma_start3A_166 : memref<1x128xi32, #tpu.memory_space<vmem>> -> memref<128xi32, #tpu.memory_space<vmem>>
      %dma_start3A_168 = arith.constant 0 : i32
      %dma_start3A_169 = arith.constant 0 : i32
      %dma_start3A_170 = tpu.memref_slice %arg11[%dma_start3A_168, %dma_start3A_169] : memref<10112x64xf32, #tpu.memory_space<vmem_shared>> -> memref<10112x64xf32, #tpu.memory_space<vmem_shared>>
      tpu.enqueue_indirect_dma source(%arg10 : memref<128x64xf32, #tpu.memory_space<vmem>>) target(%dma_start3A_170 : memref<10112x64xf32, #tpu.memory_space<vmem_shared>>) offsets(%dma_start3A_167 : memref<128xi32, #tpu.memory_space<vmem>>) semaphore(%arg15 : memref<!tpu.dma_semaphore, #tpu.memory_space<semaphore_mem>>) {add = true}
      %dma_wait3A_171 = arith.constant 4 : i32
      %dma_wait3A_172 = arith.constant 0 : i32
      %dma_wait3A_173 = tpu.memref_slice %arg8[%dma_wait3A_171, %dma_wait3A_172] : memref<16x128xi32, #tpu.memory_space<vmem>> -> memref<1x128xi32, #tpu.memory_space<vmem>>
      %dma_wait3A_174 = tpu.memref_squeeze %dma_wait3A_173 : memref<1x128xi32, #tpu.memory_space<vmem>> -> memref<128xi32, #tpu.memory_space<vmem>>
      %dma_wait3A_175 = arith.constant 0 : i32
      %dma_wait3A_176 = arith.constant 0 : i32
      %dma_wait3A_177 = tpu.memref_slice %arg11[%dma_wait3A_175, %dma_wait3A_176] : memref<10112x64xf32, #tpu.memory_space<vmem_shared>> -> memref<10112x64xf32, #tpu.memory_space<vmem_shared>>
      tpu.wait_indirect_dma semaphore(%arg14 : memref<!tpu.dma_semaphore, #tpu.memory_space<semaphore_mem>>) src(%arg9 : memref<128x64xf32, #tpu.memory_space<vmem>>) dst(%dma_wait3A_177 : memref<10112x64xf32, #tpu.memory_space<vmem_shared>>)
      %dma_start3A_178 = arith.constant 6 : i32
      %dma_start3A_179 = arith.constant 0 : i32
      %dma_start3A_180 = tpu.memref_slice %arg7[%dma_start3A_178, %dma_start3A_179] : memref<16x128xi32, #tpu.memory_space<vmem>> -> memref<1x128xi32, #tpu.memory_space<vmem>>
      %dma_start3A_181 = tpu.memref_squeeze %dma_start3A_180 : memref<1x128xi32, #tpu.memory_space<vmem>> -> memref<128xi32, #tpu.memory_space<vmem>>
      %dma_start3A_182 = arith.constant 0 : i32
      %dma_start3A_183 = arith.constant 0 : i32
      %dma_start3A_184 = tpu.memref_slice %arg4[%dma_start3A_182, %dma_start3A_183] : memref<20000x64xf32, #tpu.memory_space<hbm>> -> memref<20000x64xf32, #tpu.memory_space<hbm>>
      tpu.enqueue_indirect_dma source(%dma_start3A_184 : memref<20000x64xf32, #tpu.memory_space<hbm>>) target(%arg9 : memref<128x64xf32, #tpu.memory_space<vmem>>) offsets(%dma_start3A_181 : memref<128xi32, #tpu.memory_space<vmem>>) semaphore(%arg12 : memref<!tpu.dma_semaphore, #tpu.memory_space<semaphore_mem>>)
      %dma_wait3A_185 = arith.constant 6 : i32
      %dma_wait3A_186 = arith.constant 0 : i32
      %dma_wait3A_187 = tpu.memref_slice %arg7[%dma_wait3A_185, %dma_wait3A_186] : memref<16x128xi32, #tpu.memory_space<vmem>> -> memref<1x128xi32, #tpu.memory_space<vmem>>
      %dma_wait3A_188 = tpu.memref_squeeze %dma_wait3A_187 : memref<1x128xi32, #tpu.memory_space<vmem>> -> memref<128xi32, #tpu.memory_space<vmem>>
      %dma_wait3A_189 = arith.constant 0 : i32
      %dma_wait3A_190 = arith.constant 0 : i32
      %dma_wait3A_191 = tpu.memref_slice %arg4[%dma_wait3A_189, %dma_wait3A_190] : memref<20000x64xf32, #tpu.memory_space<hbm>> -> memref<20000x64xf32, #tpu.memory_space<hbm>>
      tpu.wait_indirect_dma semaphore(%arg12 : memref<!tpu.dma_semaphore, #tpu.memory_space<semaphore_mem>>) src(%dma_wait3A_191 : memref<20000x64xf32, #tpu.memory_space<hbm>>) dst(%arg9 : memref<128x64xf32, #tpu.memory_space<vmem>>)
      %dma_start3A_192 = arith.constant 6 : i32
      %dma_start3A_193 = arith.constant 0 : i32
      %dma_start3A_194 = tpu.memref_slice %arg8[%dma_start3A_192, %dma_start3A_193] : memref<16x128xi32, #tpu.memory_space<vmem>> -> memref<1x128xi32, #tpu.memory_space<vmem>>
      %dma_start3A_195 = tpu.memref_squeeze %dma_start3A_194 : memref<1x128xi32, #tpu.memory_space<vmem>> -> memref<128xi32, #tpu.memory_space<vmem>>
      %dma_start3A_196 = arith.constant 0 : i32
      %dma_start3A_197 = arith.constant 0 : i32
      %dma_start3A_198 = tpu.memref_slice %arg11[%dma_start3A_196, %dma_start3A_197] : memref<10112x64xf32, #tpu.memory_space<vmem_shared>> -> memref<10112x64xf32, #tpu.memory_space<vmem_shared>>
      tpu.enqueue_indirect_dma source(%arg9 : memref<128x64xf32, #tpu.memory_space<vmem>>) target(%dma_start3A_198 : memref<10112x64xf32, #tpu.memory_space<vmem_shared>>) offsets(%dma_start3A_195 : memref<128xi32, #tpu.memory_space<vmem>>) semaphore(%arg14 : memref<!tpu.dma_semaphore, #tpu.memory_space<semaphore_mem>>) {add = true}
      %dma_wait3A_199 = arith.constant 5 : i32
      %dma_wait3A_200 = arith.constant 0 : i32
      %dma_wait3A_201 = tpu.memref_slice %arg8[%dma_wait3A_199, %dma_wait3A_200] : memref<16x128xi32, #tpu.memory_space<vmem>> -> memref<1x128xi32, #tpu.memory_space<vmem>>
      %dma_wait3A_202 = tpu.memref_squeeze %dma_wait3A_201 : memref<1x128xi32, #tpu.memory_space<vmem>> -> memref<128xi32, #tpu.memory_space<vmem>>
      %dma_wait3A_203 = arith.constant 0 : i32
      %dma_wait3A_204 = arith.constant 0 : i32
      %dma_wait3A_205 = tpu.memref_slice %arg11[%dma_wait3A_203, %dma_wait3A_204] : memref<10112x64xf32, #tpu.memory_space<vmem_shared>> -> memref<10112x64xf32, #tpu.memory_space<vmem_shared>>
      tpu.wait_indirect_dma semaphore(%arg15 : memref<!tpu.dma_semaphore, #tpu.memory_space<semaphore_mem>>) src(%arg10 : memref<128x64xf32, #tpu.memory_space<vmem>>) dst(%dma_wait3A_205 : memref<10112x64xf32, #tpu.memory_space<vmem_shared>>)
      %dma_start3A_206 = arith.constant 7 : i32
      %dma_start3A_207 = arith.constant 0 : i32
      %dma_start3A_208 = tpu.memref_slice %arg7[%dma_start3A_206, %dma_start3A_207] : memref<16x128xi32, #tpu.memory_space<vmem>> -> memref<1x128xi32, #tpu.memory_space<vmem>>
      %dma_start3A_209 = tpu.memref_squeeze %dma_start3A_208 : memref<1x128xi32, #tpu.memory_space<vmem>> -> memref<128xi32, #tpu.memory_space<vmem>>
      %dma_start3A_210 = arith.constant 0 : i32
      %dma_start3A_211 = arith.constant 0 : i32
      %dma_start3A_212 = tpu.memref_slice %arg4[%dma_start3A_210, %dma_start3A_211] : memref<20000x64xf32, #tpu.memory_space<hbm>> -> memref<20000x64xf32, #tpu.memory_space<hbm>>
      tpu.enqueue_indirect_dma source(%dma_start3A_212 : memref<20000x64xf32, #tpu.memory_space<hbm>>) target(%arg10 : memref<128x64xf32, #tpu.memory_space<vmem>>) offsets(%dma_start3A_209 : memref<128xi32, #tpu.memory_space<vmem>>) semaphore(%arg13 : memref<!tpu.dma_semaphore, #tpu.memory_space<semaphore_mem>>)
      %dma_wait3A_213 = arith.constant 7 : i32
      %dma_wait3A_214 = arith.constant 0 : i32
      %dma_wait3A_215 = tpu.memref_slice %arg7[%dma_wait3A_213, %dma_wait3A_214] : memref<16x128xi32, #tpu.memory_space<vmem>> -> memref<1x128xi32, #tpu.memory_space<vmem>>
      %dma_wait3A_216 = tpu.memref_squeeze %dma_wait3A_215 : memref<1x128xi32, #tpu.memory_space<vmem>> -> memref<128xi32, #tpu.memory_space<vmem>>
      %dma_wait3A_217 = arith.constant 0 : i32
      %dma_wait3A_218 = arith.constant 0 : i32
      %dma_wait3A_219 = tpu.memref_slice %arg4[%dma_wait3A_217, %dma_wait3A_218] : memref<20000x64xf32, #tpu.memory_space<hbm>> -> memref<20000x64xf32, #tpu.memory_space<hbm>>
      tpu.wait_indirect_dma semaphore(%arg13 : memref<!tpu.dma_semaphore, #tpu.memory_space<semaphore_mem>>) src(%dma_wait3A_219 : memref<20000x64xf32, #tpu.memory_space<hbm>>) dst(%arg10 : memref<128x64xf32, #tpu.memory_space<vmem>>)
      %dma_start3A_220 = arith.constant 7 : i32
      %dma_start3A_221 = arith.constant 0 : i32
      %dma_start3A_222 = tpu.memref_slice %arg8[%dma_start3A_220, %dma_start3A_221] : memref<16x128xi32, #tpu.memory_space<vmem>> -> memref<1x128xi32, #tpu.memory_space<vmem>>
      %dma_start3A_223 = tpu.memref_squeeze %dma_start3A_222 : memref<1x128xi32, #tpu.memory_space<vmem>> -> memref<128xi32, #tpu.memory_space<vmem>>
      %dma_start3A_224 = arith.constant 0 : i32
      %dma_start3A_225 = arith.constant 0 : i32
      %dma_start3A_226 = tpu.memref_slice %arg11[%dma_start3A_224, %dma_start3A_225] : memref<10112x64xf32, #tpu.memory_space<vmem_shared>> -> memref<10112x64xf32, #tpu.memory_space<vmem_shared>>
      tpu.enqueue_indirect_dma source(%arg10 : memref<128x64xf32, #tpu.memory_space<vmem>>) target(%dma_start3A_226 : memref<10112x64xf32, #tpu.memory_space<vmem_shared>>) offsets(%dma_start3A_223 : memref<128xi32, #tpu.memory_space<vmem>>) semaphore(%arg15 : memref<!tpu.dma_semaphore, #tpu.memory_space<semaphore_mem>>) {add = true}
      %dma_wait3A_227 = arith.constant 6 : i32
      %dma_wait3A_228 = arith.constant 0 : i32
      %dma_wait3A_229 = tpu.memref_slice %arg8[%dma_wait3A_227, %dma_wait3A_228] : memref<16x128xi32, #tpu.memory_space<vmem>> -> memref<1x128xi32, #tpu.memory_space<vmem>>
      %dma_wait3A_230 = tpu.memref_squeeze %dma_wait3A_229 : memref<1x128xi32, #tpu.memory_space<vmem>> -> memref<128xi32, #tpu.memory_space<vmem>>
      %dma_wait3A_231 = arith.constant 0 : i32
      %dma_wait3A_232 = arith.constant 0 : i32
      %dma_wait3A_233 = tpu.memref_slice %arg11[%dma_wait3A_231, %dma_wait3A_232] : memref<10112x64xf32, #tpu.memory_space<vmem_shared>> -> memref<10112x64xf32, #tpu.memory_space<vmem_shared>>
      tpu.wait_indirect_dma semaphore(%arg14 : memref<!tpu.dma_semaphore, #tpu.memory_space<semaphore_mem>>) src(%arg9 : memref<128x64xf32, #tpu.memory_space<vmem>>) dst(%dma_wait3A_233 : memref<10112x64xf32, #tpu.memory_space<vmem_shared>>)
      %dma_start3A_234 = arith.constant 8 : i32
      %dma_start3A_235 = arith.constant 0 : i32
      %dma_start3A_236 = tpu.memref_slice %arg7[%dma_start3A_234, %dma_start3A_235] : memref<16x128xi32, #tpu.memory_space<vmem>> -> memref<1x128xi32, #tpu.memory_space<vmem>>
      %dma_start3A_237 = tpu.memref_squeeze %dma_start3A_236 : memref<1x128xi32, #tpu.memory_space<vmem>> -> memref<128xi32, #tpu.memory_space<vmem>>
      %dma_start3A_238 = arith.constant 0 : i32
      %dma_start3A_239 = arith.constant 0 : i32
      %dma_start3A_240 = tpu.memref_slice %arg4[%dma_start3A_238, %dma_start3A_239] : memref<20000x64xf32, #tpu.memory_space<hbm>> -> memref<20000x64xf32, #tpu.memory_space<hbm>>
      tpu.enqueue_indirect_dma source(%dma_start3A_240 : memref<20000x64xf32, #tpu.memory_space<hbm>>) target(%arg9 : memref<128x64xf32, #tpu.memory_space<vmem>>) offsets(%dma_start3A_237 : memref<128xi32, #tpu.memory_space<vmem>>) semaphore(%arg12 : memref<!tpu.dma_semaphore, #tpu.memory_space<semaphore_mem>>)
      %dma_wait3A_241 = arith.constant 8 : i32
      %dma_wait3A_242 = arith.constant 0 : i32
      %dma_wait3A_243 = tpu.memref_slice %arg7[%dma_wait3A_241, %dma_wait3A_242] : memref<16x128xi32, #tpu.memory_space<vmem>> -> memref<1x128xi32, #tpu.memory_space<vmem>>
      %dma_wait3A_244 = tpu.memref_squeeze %dma_wait3A_243 : memref<1x128xi32, #tpu.memory_space<vmem>> -> memref<128xi32, #tpu.memory_space<vmem>>
      %dma_wait3A_245 = arith.constant 0 : i32
      %dma_wait3A_246 = arith.constant 0 : i32
      %dma_wait3A_247 = tpu.memref_slice %arg4[%dma_wait3A_245, %dma_wait3A_246] : memref<20000x64xf32, #tpu.memory_space<hbm>> -> memref<20000x64xf32, #tpu.memory_space<hbm>>
      tpu.wait_indirect_dma semaphore(%arg12 : memref<!tpu.dma_semaphore, #tpu.memory_space<semaphore_mem>>) src(%dma_wait3A_247 : memref<20000x64xf32, #tpu.memory_space<hbm>>) dst(%arg9 : memref<128x64xf32, #tpu.memory_space<vmem>>)
      %dma_start3A_248 = arith.constant 8 : i32
      %dma_start3A_249 = arith.constant 0 : i32
      %dma_start3A_250 = tpu.memref_slice %arg8[%dma_start3A_248, %dma_start3A_249] : memref<16x128xi32, #tpu.memory_space<vmem>> -> memref<1x128xi32, #tpu.memory_space<vmem>>
      %dma_start3A_251 = tpu.memref_squeeze %dma_start3A_250 : memref<1x128xi32, #tpu.memory_space<vmem>> -> memref<128xi32, #tpu.memory_space<vmem>>
      %dma_start3A_252 = arith.constant 0 : i32
      %dma_start3A_253 = arith.constant 0 : i32
      %dma_start3A_254 = tpu.memref_slice %arg11[%dma_start3A_252, %dma_start3A_253] : memref<10112x64xf32, #tpu.memory_space<vmem_shared>> -> memref<10112x64xf32, #tpu.memory_space<vmem_shared>>
      tpu.enqueue_indirect_dma source(%arg9 : memref<128x64xf32, #tpu.memory_space<vmem>>) target(%dma_start3A_254 : memref<10112x64xf32, #tpu.memory_space<vmem_shared>>) offsets(%dma_start3A_251 : memref<128xi32, #tpu.memory_space<vmem>>) semaphore(%arg14 : memref<!tpu.dma_semaphore, #tpu.memory_space<semaphore_mem>>) {add = true}
      %dma_wait3A_255 = arith.constant 7 : i32
      %dma_wait3A_256 = arith.constant 0 : i32
      %dma_wait3A_257 = tpu.memref_slice %arg8[%dma_wait3A_255, %dma_wait3A_256] : memref<16x128xi32, #tpu.memory_space<vmem>> -> memref<1x128xi32, #tpu.memory_space<vmem>>
      %dma_wait3A_258 = tpu.memref_squeeze %dma_wait3A_257 : memref<1x128xi32, #tpu.memory_space<vmem>> -> memref<128xi32, #tpu.memory_space<vmem>>
      %dma_wait3A_259 = arith.constant 0 : i32
      %dma_wait3A_260 = arith.constant 0 : i32
      %dma_wait3A_261 = tpu.memref_slice %arg11[%dma_wait3A_259, %dma_wait3A_260] : memref<10112x64xf32, #tpu.memory_space<vmem_shared>> -> memref<10112x64xf32, #tpu.memory_space<vmem_shared>>
      tpu.wait_indirect_dma semaphore(%arg15 : memref<!tpu.dma_semaphore, #tpu.memory_space<semaphore_mem>>) src(%arg10 : memref<128x64xf32, #tpu.memory_space<vmem>>) dst(%dma_wait3A_261 : memref<10112x64xf32, #tpu.memory_space<vmem_shared>>)
      %dma_start3A_262 = arith.constant 9 : i32
      %dma_start3A_263 = arith.constant 0 : i32
      %dma_start3A_264 = tpu.memref_slice %arg7[%dma_start3A_262, %dma_start3A_263] : memref<16x128xi32, #tpu.memory_space<vmem>> -> memref<1x128xi32, #tpu.memory_space<vmem>>
      %dma_start3A_265 = tpu.memref_squeeze %dma_start3A_264 : memref<1x128xi32, #tpu.memory_space<vmem>> -> memref<128xi32, #tpu.memory_space<vmem>>
      %dma_start3A_266 = arith.constant 0 : i32
      %dma_start3A_267 = arith.constant 0 : i32
      %dma_start3A_268 = tpu.memref_slice %arg4[%dma_start3A_266, %dma_start3A_267] : memref<20000x64xf32, #tpu.memory_space<hbm>> -> memref<20000x64xf32, #tpu.memory_space<hbm>>
      tpu.enqueue_indirect_dma source(%dma_start3A_268 : memref<20000x64xf32, #tpu.memory_space<hbm>>) target(%arg10 : memref<128x64xf32, #tpu.memory_space<vmem>>) offsets(%dma_start3A_265 : memref<128xi32, #tpu.memory_space<vmem>>) semaphore(%arg13 : memref<!tpu.dma_semaphore, #tpu.memory_space<semaphore_mem>>)
      %dma_wait3A_269 = arith.constant 9 : i32
      %dma_wait3A_270 = arith.constant 0 : i32
      %dma_wait3A_271 = tpu.memref_slice %arg7[%dma_wait3A_269, %dma_wait3A_270] : memref<16x128xi32, #tpu.memory_space<vmem>> -> memref<1x128xi32, #tpu.memory_space<vmem>>
      %dma_wait3A_272 = tpu.memref_squeeze %dma_wait3A_271 : memref<1x128xi32, #tpu.memory_space<vmem>> -> memref<128xi32, #tpu.memory_space<vmem>>
      %dma_wait3A_273 = arith.constant 0 : i32
      %dma_wait3A_274 = arith.constant 0 : i32
      %dma_wait3A_275 = tpu.memref_slice %arg4[%dma_wait3A_273, %dma_wait3A_274] : memref<20000x64xf32, #tpu.memory_space<hbm>> -> memref<20000x64xf32, #tpu.memory_space<hbm>>
      tpu.wait_indirect_dma semaphore(%arg13 : memref<!tpu.dma_semaphore, #tpu.memory_space<semaphore_mem>>) src(%dma_wait3A_275 : memref<20000x64xf32, #tpu.memory_space<hbm>>) dst(%arg10 : memref<128x64xf32, #tpu.memory_space<vmem>>)
      %dma_start3A_276 = arith.constant 9 : i32
      %dma_start3A_277 = arith.constant 0 : i32
      %dma_start3A_278 = tpu.memref_slice %arg8[%dma_start3A_276, %dma_start3A_277] : memref<16x128xi32, #tpu.memory_space<vmem>> -> memref<1x128xi32, #tpu.memory_space<vmem>>
      %dma_start3A_279 = tpu.memref_squeeze %dma_start3A_278 : memref<1x128xi32, #tpu.memory_space<vmem>> -> memref<128xi32, #tpu.memory_space<vmem>>
      %dma_start3A_280 = arith.constant 0 : i32
      %dma_start3A_281 = arith.constant 0 : i32
      %dma_start3A_282 = tpu.memref_slice %arg11[%dma_start3A_280, %dma_start3A_281] : memref<10112x64xf32, #tpu.memory_space<vmem_shared>> -> memref<10112x64xf32, #tpu.memory_space<vmem_shared>>
      tpu.enqueue_indirect_dma source(%arg10 : memref<128x64xf32, #tpu.memory_space<vmem>>) target(%dma_start3A_282 : memref<10112x64xf32, #tpu.memory_space<vmem_shared>>) offsets(%dma_start3A_279 : memref<128xi32, #tpu.memory_space<vmem>>) semaphore(%arg15 : memref<!tpu.dma_semaphore, #tpu.memory_space<semaphore_mem>>) {add = true}
      %dma_wait3A_283 = arith.constant 8 : i32
      %dma_wait3A_284 = arith.constant 0 : i32
      %dma_wait3A_285 = tpu.memref_slice %arg8[%dma_wait3A_283, %dma_wait3A_284] : memref<16x128xi32, #tpu.memory_space<vmem>> -> memref<1x128xi32, #tpu.memory_space<vmem>>
      %dma_wait3A_286 = tpu.memref_squeeze %dma_wait3A_285 : memref<1x128xi32, #tpu.memory_space<vmem>> -> memref<128xi32, #tpu.memory_space<vmem>>
      %dma_wait3A_287 = arith.constant 0 : i32
      %dma_wait3A_288 = arith.constant 0 : i32
      %dma_wait3A_289 = tpu.memref_slice %arg11[%dma_wait3A_287, %dma_wait3A_288] : memref<10112x64xf32, #tpu.memory_space<vmem_shared>> -> memref<10112x64xf32, #tpu.memory_space<vmem_shared>>
      tpu.wait_indirect_dma semaphore(%arg14 : memref<!tpu.dma_semaphore, #tpu.memory_space<semaphore_mem>>) src(%arg9 : memref<128x64xf32, #tpu.memory_space<vmem>>) dst(%dma_wait3A_289 : memref<10112x64xf32, #tpu.memory_space<vmem_shared>>)
      %dma_start3A_290 = arith.constant 10 : i32
      %dma_start3A_291 = arith.constant 0 : i32
      %dma_start3A_292 = tpu.memref_slice %arg7[%dma_start3A_290, %dma_start3A_291] : memref<16x128xi32, #tpu.memory_space<vmem>> -> memref<1x128xi32, #tpu.memory_space<vmem>>
      %dma_start3A_293 = tpu.memref_squeeze %dma_start3A_292 : memref<1x128xi32, #tpu.memory_space<vmem>> -> memref<128xi32, #tpu.memory_space<vmem>>
      %dma_start3A_294 = arith.constant 0 : i32
      %dma_start3A_295 = arith.constant 0 : i32
      %dma_start3A_296 = tpu.memref_slice %arg4[%dma_start3A_294, %dma_start3A_295] : memref<20000x64xf32, #tpu.memory_space<hbm>> -> memref<20000x64xf32, #tpu.memory_space<hbm>>
      tpu.enqueue_indirect_dma source(%dma_start3A_296 : memref<20000x64xf32, #tpu.memory_space<hbm>>) target(%arg9 : memref<128x64xf32, #tpu.memory_space<vmem>>) offsets(%dma_start3A_293 : memref<128xi32, #tpu.memory_space<vmem>>) semaphore(%arg12 : memref<!tpu.dma_semaphore, #tpu.memory_space<semaphore_mem>>)
      %dma_wait3A_297 = arith.constant 10 : i32
      %dma_wait3A_298 = arith.constant 0 : i32
      %dma_wait3A_299 = tpu.memref_slice %arg7[%dma_wait3A_297, %dma_wait3A_298] : memref<16x128xi32, #tpu.memory_space<vmem>> -> memref<1x128xi32, #tpu.memory_space<vmem>>
      %dma_wait3A_300 = tpu.memref_squeeze %dma_wait3A_299 : memref<1x128xi32, #tpu.memory_space<vmem>> -> memref<128xi32, #tpu.memory_space<vmem>>
      %dma_wait3A_301 = arith.constant 0 : i32
      %dma_wait3A_302 = arith.constant 0 : i32
      %dma_wait3A_303 = tpu.memref_slice %arg4[%dma_wait3A_301, %dma_wait3A_302] : memref<20000x64xf32, #tpu.memory_space<hbm>> -> memref<20000x64xf32, #tpu.memory_space<hbm>>
      tpu.wait_indirect_dma semaphore(%arg12 : memref<!tpu.dma_semaphore, #tpu.memory_space<semaphore_mem>>) src(%dma_wait3A_303 : memref<20000x64xf32, #tpu.memory_space<hbm>>) dst(%arg9 : memref<128x64xf32, #tpu.memory_space<vmem>>)
      %dma_start3A_304 = arith.constant 10 : i32
      %dma_start3A_305 = arith.constant 0 : i32
      %dma_start3A_306 = tpu.memref_slice %arg8[%dma_start3A_304, %dma_start3A_305] : memref<16x128xi32, #tpu.memory_space<vmem>> -> memref<1x128xi32, #tpu.memory_space<vmem>>
      %dma_start3A_307 = tpu.memref_squeeze %dma_start3A_306 : memref<1x128xi32, #tpu.memory_space<vmem>> -> memref<128xi32, #tpu.memory_space<vmem>>
      %dma_start3A_308 = arith.constant 0 : i32
      %dma_start3A_309 = arith.constant 0 : i32
      %dma_start3A_310 = tpu.memref_slice %arg11[%dma_start3A_308, %dma_start3A_309] : memref<10112x64xf32, #tpu.memory_space<vmem_shared>> -> memref<10112x64xf32, #tpu.memory_space<vmem_shared>>
      tpu.enqueue_indirect_dma source(%arg9 : memref<128x64xf32, #tpu.memory_space<vmem>>) target(%dma_start3A_310 : memref<10112x64xf32, #tpu.memory_space<vmem_shared>>) offsets(%dma_start3A_307 : memref<128xi32, #tpu.memory_space<vmem>>) semaphore(%arg14 : memref<!tpu.dma_semaphore, #tpu.memory_space<semaphore_mem>>) {add = true}
      %dma_wait3A_311 = arith.constant 9 : i32
      %dma_wait3A_312 = arith.constant 0 : i32
      %dma_wait3A_313 = tpu.memref_slice %arg8[%dma_wait3A_311, %dma_wait3A_312] : memref<16x128xi32, #tpu.memory_space<vmem>> -> memref<1x128xi32, #tpu.memory_space<vmem>>
      %dma_wait3A_314 = tpu.memref_squeeze %dma_wait3A_313 : memref<1x128xi32, #tpu.memory_space<vmem>> -> memref<128xi32, #tpu.memory_space<vmem>>
      %dma_wait3A_315 = arith.constant 0 : i32
      %dma_wait3A_316 = arith.constant 0 : i32
      %dma_wait3A_317 = tpu.memref_slice %arg11[%dma_wait3A_315, %dma_wait3A_316] : memref<10112x64xf32, #tpu.memory_space<vmem_shared>> -> memref<10112x64xf32, #tpu.memory_space<vmem_shared>>
      tpu.wait_indirect_dma semaphore(%arg15 : memref<!tpu.dma_semaphore, #tpu.memory_space<semaphore_mem>>) src(%arg10 : memref<128x64xf32, #tpu.memory_space<vmem>>) dst(%dma_wait3A_317 : memref<10112x64xf32, #tpu.memory_space<vmem_shared>>)
      %dma_start3A_318 = arith.constant 11 : i32
      %dma_start3A_319 = arith.constant 0 : i32
      %dma_start3A_320 = tpu.memref_slice %arg7[%dma_start3A_318, %dma_start3A_319] : memref<16x128xi32, #tpu.memory_space<vmem>> -> memref<1x128xi32, #tpu.memory_space<vmem>>
      %dma_start3A_321 = tpu.memref_squeeze %dma_start3A_320 : memref<1x128xi32, #tpu.memory_space<vmem>> -> memref<128xi32, #tpu.memory_space<vmem>>
      %dma_start3A_322 = arith.constant 0 : i32
      %dma_start3A_323 = arith.constant 0 : i32
      %dma_start3A_324 = tpu.memref_slice %arg4[%dma_start3A_322, %dma_start3A_323] : memref<20000x64xf32, #tpu.memory_space<hbm>> -> memref<20000x64xf32, #tpu.memory_space<hbm>>
      tpu.enqueue_indirect_dma source(%dma_start3A_324 : memref<20000x64xf32, #tpu.memory_space<hbm>>) target(%arg10 : memref<128x64xf32, #tpu.memory_space<vmem>>) offsets(%dma_start3A_321 : memref<128xi32, #tpu.memory_space<vmem>>) semaphore(%arg13 : memref<!tpu.dma_semaphore, #tpu.memory_space<semaphore_mem>>)
      %dma_wait3A_325 = arith.constant 11 : i32
      %dma_wait3A_326 = arith.constant 0 : i32
      %dma_wait3A_327 = tpu.memref_slice %arg7[%dma_wait3A_325, %dma_wait3A_326] : memref<16x128xi32, #tpu.memory_space<vmem>> -> memref<1x128xi32, #tpu.memory_space<vmem>>
      %dma_wait3A_328 = tpu.memref_squeeze %dma_wait3A_327 : memref<1x128xi32, #tpu.memory_space<vmem>> -> memref<128xi32, #tpu.memory_space<vmem>>
      %dma_wait3A_329 = arith.constant 0 : i32
      %dma_wait3A_330 = arith.constant 0 : i32
      %dma_wait3A_331 = tpu.memref_slice %arg4[%dma_wait3A_329, %dma_wait3A_330] : memref<20000x64xf32, #tpu.memory_space<hbm>> -> memref<20000x64xf32, #tpu.memory_space<hbm>>
      tpu.wait_indirect_dma semaphore(%arg13 : memref<!tpu.dma_semaphore, #tpu.memory_space<semaphore_mem>>) src(%dma_wait3A_331 : memref<20000x64xf32, #tpu.memory_space<hbm>>) dst(%arg10 : memref<128x64xf32, #tpu.memory_space<vmem>>)
      %dma_start3A_332 = arith.constant 11 : i32
      %dma_start3A_333 = arith.constant 0 : i32
      %dma_start3A_334 = tpu.memref_slice %arg8[%dma_start3A_332, %dma_start3A_333] : memref<16x128xi32, #tpu.memory_space<vmem>> -> memref<1x128xi32, #tpu.memory_space<vmem>>
      %dma_start3A_335 = tpu.memref_squeeze %dma_start3A_334 : memref<1x128xi32, #tpu.memory_space<vmem>> -> memref<128xi32, #tpu.memory_space<vmem>>
      %dma_start3A_336 = arith.constant 0 : i32
      %dma_start3A_337 = arith.constant 0 : i32
      %dma_start3A_338 = tpu.memref_slice %arg11[%dma_start3A_336, %dma_start3A_337] : memref<10112x64xf32, #tpu.memory_space<vmem_shared>> -> memref<10112x64xf32, #tpu.memory_space<vmem_shared>>
      tpu.enqueue_indirect_dma source(%arg10 : memref<128x64xf32, #tpu.memory_space<vmem>>) target(%dma_start3A_338 : memref<10112x64xf32, #tpu.memory_space<vmem_shared>>) offsets(%dma_start3A_335 : memref<128xi32, #tpu.memory_space<vmem>>) semaphore(%arg15 : memref<!tpu.dma_semaphore, #tpu.memory_space<semaphore_mem>>) {add = true}
      %dma_wait3A_339 = arith.constant 10 : i32
      %dma_wait3A_340 = arith.constant 0 : i32
      %dma_wait3A_341 = tpu.memref_slice %arg8[%dma_wait3A_339, %dma_wait3A_340] : memref<16x128xi32, #tpu.memory_space<vmem>> -> memref<1x128xi32, #tpu.memory_space<vmem>>
      %dma_wait3A_342 = tpu.memref_squeeze %dma_wait3A_341 : memref<1x128xi32, #tpu.memory_space<vmem>> -> memref<128xi32, #tpu.memory_space<vmem>>
      %dma_wait3A_343 = arith.constant 0 : i32
      %dma_wait3A_344 = arith.constant 0 : i32
      %dma_wait3A_345 = tpu.memref_slice %arg11[%dma_wait3A_343, %dma_wait3A_344] : memref<10112x64xf32, #tpu.memory_space<vmem_shared>> -> memref<10112x64xf32, #tpu.memory_space<vmem_shared>>
      tpu.wait_indirect_dma semaphore(%arg14 : memref<!tpu.dma_semaphore, #tpu.memory_space<semaphore_mem>>) src(%arg9 : memref<128x64xf32, #tpu.memory_space<vmem>>) dst(%dma_wait3A_345 : memref<10112x64xf32, #tpu.memory_space<vmem_shared>>)
      %dma_start3A_346 = arith.constant 12 : i32
      %dma_start3A_347 = arith.constant 0 : i32
      %dma_start3A_348 = tpu.memref_slice %arg7[%dma_start3A_346, %dma_start3A_347] : memref<16x128xi32, #tpu.memory_space<vmem>> -> memref<1x128xi32, #tpu.memory_space<vmem>>
      %dma_start3A_349 = tpu.memref_squeeze %dma_start3A_348 : memref<1x128xi32, #tpu.memory_space<vmem>> -> memref<128xi32, #tpu.memory_space<vmem>>
      %dma_start3A_350 = arith.constant 0 : i32
      %dma_start3A_351 = arith.constant 0 : i32
      %dma_start3A_352 = tpu.memref_slice %arg4[%dma_start3A_350, %dma_start3A_351] : memref<20000x64xf32, #tpu.memory_space<hbm>> -> memref<20000x64xf32, #tpu.memory_space<hbm>>
      tpu.enqueue_indirect_dma source(%dma_start3A_352 : memref<20000x64xf32, #tpu.memory_space<hbm>>) target(%arg9 : memref<128x64xf32, #tpu.memory_space<vmem>>) offsets(%dma_start3A_349 : memref<128xi32, #tpu.memory_space<vmem>>) semaphore(%arg12 : memref<!tpu.dma_semaphore, #tpu.memory_space<semaphore_mem>>)
      %dma_wait3A_353 = arith.constant 12 : i32
      %dma_wait3A_354 = arith.constant 0 : i32
      %dma_wait3A_355 = tpu.memref_slice %arg7[%dma_wait3A_353, %dma_wait3A_354] : memref<16x128xi32, #tpu.memory_space<vmem>> -> memref<1x128xi32, #tpu.memory_space<vmem>>
      %dma_wait3A_356 = tpu.memref_squeeze %dma_wait3A_355 : memref<1x128xi32, #tpu.memory_space<vmem>> -> memref<128xi32, #tpu.memory_space<vmem>>
      %dma_wait3A_357 = arith.constant 0 : i32
      %dma_wait3A_358 = arith.constant 0 : i32
      %dma_wait3A_359 = tpu.memref_slice %arg4[%dma_wait3A_357, %dma_wait3A_358] : memref<20000x64xf32, #tpu.memory_space<hbm>> -> memref<20000x64xf32, #tpu.memory_space<hbm>>
      tpu.wait_indirect_dma semaphore(%arg12 : memref<!tpu.dma_semaphore, #tpu.memory_space<semaphore_mem>>) src(%dma_wait3A_359 : memref<20000x64xf32, #tpu.memory_space<hbm>>) dst(%arg9 : memref<128x64xf32, #tpu.memory_space<vmem>>)
      %dma_start3A_360 = arith.constant 12 : i32
      %dma_start3A_361 = arith.constant 0 : i32
      %dma_start3A_362 = tpu.memref_slice %arg8[%dma_start3A_360, %dma_start3A_361] : memref<16x128xi32, #tpu.memory_space<vmem>> -> memref<1x128xi32, #tpu.memory_space<vmem>>
      %dma_start3A_363 = tpu.memref_squeeze %dma_start3A_362 : memref<1x128xi32, #tpu.memory_space<vmem>> -> memref<128xi32, #tpu.memory_space<vmem>>
      %dma_start3A_364 = arith.constant 0 : i32
      %dma_start3A_365 = arith.constant 0 : i32
      %dma_start3A_366 = tpu.memref_slice %arg11[%dma_start3A_364, %dma_start3A_365] : memref<10112x64xf32, #tpu.memory_space<vmem_shared>> -> memref<10112x64xf32, #tpu.memory_space<vmem_shared>>
      tpu.enqueue_indirect_dma source(%arg9 : memref<128x64xf32, #tpu.memory_space<vmem>>) target(%dma_start3A_366 : memref<10112x64xf32, #tpu.memory_space<vmem_shared>>) offsets(%dma_start3A_363 : memref<128xi32, #tpu.memory_space<vmem>>) semaphore(%arg14 : memref<!tpu.dma_semaphore, #tpu.memory_space<semaphore_mem>>) {add = true}
      %dma_wait3A_367 = arith.constant 11 : i32
      %dma_wait3A_368 = arith.constant 0 : i32
      %dma_wait3A_369 = tpu.memref_slice %arg8[%dma_wait3A_367, %dma_wait3A_368] : memref<16x128xi32, #tpu.memory_space<vmem>> -> memref<1x128xi32, #tpu.memory_space<vmem>>
      %dma_wait3A_370 = tpu.memref_squeeze %dma_wait3A_369 : memref<1x128xi32, #tpu.memory_space<vmem>> -> memref<128xi32, #tpu.memory_space<vmem>>
      %dma_wait3A_371 = arith.constant 0 : i32
      %dma_wait3A_372 = arith.constant 0 : i32
      %dma_wait3A_373 = tpu.memref_slice %arg11[%dma_wait3A_371, %dma_wait3A_372] : memref<10112x64xf32, #tpu.memory_space<vmem_shared>> -> memref<10112x64xf32, #tpu.memory_space<vmem_shared>>
      tpu.wait_indirect_dma semaphore(%arg15 : memref<!tpu.dma_semaphore, #tpu.memory_space<semaphore_mem>>) src(%arg10 : memref<128x64xf32, #tpu.memory_space<vmem>>) dst(%dma_wait3A_373 : memref<10112x64xf32, #tpu.memory_space<vmem_shared>>)
      %dma_start3A_374 = arith.constant 13 : i32
      %dma_start3A_375 = arith.constant 0 : i32
      %dma_start3A_376 = tpu.memref_slice %arg7[%dma_start3A_374, %dma_start3A_375] : memref<16x128xi32, #tpu.memory_space<vmem>> -> memref<1x128xi32, #tpu.memory_space<vmem>>
      %dma_start3A_377 = tpu.memref_squeeze %dma_start3A_376 : memref<1x128xi32, #tpu.memory_space<vmem>> -> memref<128xi32, #tpu.memory_space<vmem>>
      %dma_start3A_378 = arith.constant 0 : i32
      %dma_start3A_379 = arith.constant 0 : i32
      %dma_start3A_380 = tpu.memref_slice %arg4[%dma_start3A_378, %dma_start3A_379] : memref<20000x64xf32, #tpu.memory_space<hbm>> -> memref<20000x64xf32, #tpu.memory_space<hbm>>
      tpu.enqueue_indirect_dma source(%dma_start3A_380 : memref<20000x64xf32, #tpu.memory_space<hbm>>) target(%arg10 : memref<128x64xf32, #tpu.memory_space<vmem>>) offsets(%dma_start3A_377 : memref<128xi32, #tpu.memory_space<vmem>>) semaphore(%arg13 : memref<!tpu.dma_semaphore, #tpu.memory_space<semaphore_mem>>)
      %dma_wait3A_381 = arith.constant 13 : i32
      %dma_wait3A_382 = arith.constant 0 : i32
      %dma_wait3A_383 = tpu.memref_slice %arg7[%dma_wait3A_381, %dma_wait3A_382] : memref<16x128xi32, #tpu.memory_space<vmem>> -> memref<1x128xi32, #tpu.memory_space<vmem>>
      %dma_wait3A_384 = tpu.memref_squeeze %dma_wait3A_383 : memref<1x128xi32, #tpu.memory_space<vmem>> -> memref<128xi32, #tpu.memory_space<vmem>>
      %dma_wait3A_385 = arith.constant 0 : i32
      %dma_wait3A_386 = arith.constant 0 : i32
      %dma_wait3A_387 = tpu.memref_slice %arg4[%dma_wait3A_385, %dma_wait3A_386] : memref<20000x64xf32, #tpu.memory_space<hbm>> -> memref<20000x64xf32, #tpu.memory_space<hbm>>
      tpu.wait_indirect_dma semaphore(%arg13 : memref<!tpu.dma_semaphore, #tpu.memory_space<semaphore_mem>>) src(%dma_wait3A_387 : memref<20000x64xf32, #tpu.memory_space<hbm>>) dst(%arg10 : memref<128x64xf32, #tpu.memory_space<vmem>>)
      %dma_start3A_388 = arith.constant 13 : i32
      %dma_start3A_389 = arith.constant 0 : i32
      %dma_start3A_390 = tpu.memref_slice %arg8[%dma_start3A_388, %dma_start3A_389] : memref<16x128xi32, #tpu.memory_space<vmem>> -> memref<1x128xi32, #tpu.memory_space<vmem>>
      %dma_start3A_391 = tpu.memref_squeeze %dma_start3A_390 : memref<1x128xi32, #tpu.memory_space<vmem>> -> memref<128xi32, #tpu.memory_space<vmem>>
      %dma_start3A_392 = arith.constant 0 : i32
      %dma_start3A_393 = arith.constant 0 : i32
      %dma_start3A_394 = tpu.memref_slice %arg11[%dma_start3A_392, %dma_start3A_393] : memref<10112x64xf32, #tpu.memory_space<vmem_shared>> -> memref<10112x64xf32, #tpu.memory_space<vmem_shared>>
      tpu.enqueue_indirect_dma source(%arg10 : memref<128x64xf32, #tpu.memory_space<vmem>>) target(%dma_start3A_394 : memref<10112x64xf32, #tpu.memory_space<vmem_shared>>) offsets(%dma_start3A_391 : memref<128xi32, #tpu.memory_space<vmem>>) semaphore(%arg15 : memref<!tpu.dma_semaphore, #tpu.memory_space<semaphore_mem>>) {add = true}
      %dma_wait3A_395 = arith.constant 12 : i32
      %dma_wait3A_396 = arith.constant 0 : i32
      %dma_wait3A_397 = tpu.memref_slice %arg8[%dma_wait3A_395, %dma_wait3A_396] : memref<16x128xi32, #tpu.memory_space<vmem>> -> memref<1x128xi32, #tpu.memory_space<vmem>>
      %dma_wait3A_398 = tpu.memref_squeeze %dma_wait3A_397 : memref<1x128xi32, #tpu.memory_space<vmem>> -> memref<128xi32, #tpu.memory_space<vmem>>
      %dma_wait3A_399 = arith.constant 0 : i32
      %dma_wait3A_400 = arith.constant 0 : i32
      %dma_wait3A_401 = tpu.memref_slice %arg11[%dma_wait3A_399, %dma_wait3A_400] : memref<10112x64xf32, #tpu.memory_space<vmem_shared>> -> memref<10112x64xf32, #tpu.memory_space<vmem_shared>>
      tpu.wait_indirect_dma semaphore(%arg14 : memref<!tpu.dma_semaphore, #tpu.memory_space<semaphore_mem>>) src(%arg9 : memref<128x64xf32, #tpu.memory_space<vmem>>) dst(%dma_wait3A_401 : memref<10112x64xf32, #tpu.memory_space<vmem_shared>>)
      %dma_start3A_402 = arith.constant 14 : i32
      %dma_start3A_403 = arith.constant 0 : i32
      %dma_start3A_404 = tpu.memref_slice %arg7[%dma_start3A_402, %dma_start3A_403] : memref<16x128xi32, #tpu.memory_space<vmem>> -> memref<1x128xi32, #tpu.memory_space<vmem>>
      %dma_start3A_405 = tpu.memref_squeeze %dma_start3A_404 : memref<1x128xi32, #tpu.memory_space<vmem>> -> memref<128xi32, #tpu.memory_space<vmem>>
      %dma_start3A_406 = arith.constant 0 : i32
      %dma_start3A_407 = arith.constant 0 : i32
      %dma_start3A_408 = tpu.memref_slice %arg4[%dma_start3A_406, %dma_start3A_407] : memref<20000x64xf32, #tpu.memory_space<hbm>> -> memref<20000x64xf32, #tpu.memory_space<hbm>>
      tpu.enqueue_indirect_dma source(%dma_start3A_408 : memref<20000x64xf32, #tpu.memory_space<hbm>>) target(%arg9 : memref<128x64xf32, #tpu.memory_space<vmem>>) offsets(%dma_start3A_405 : memref<128xi32, #tpu.memory_space<vmem>>) semaphore(%arg12 : memref<!tpu.dma_semaphore, #tpu.memory_space<semaphore_mem>>)
      %dma_wait3A_409 = arith.constant 14 : i32
      %dma_wait3A_410 = arith.constant 0 : i32
      %dma_wait3A_411 = tpu.memref_slice %arg7[%dma_wait3A_409, %dma_wait3A_410] : memref<16x128xi32, #tpu.memory_space<vmem>> -> memref<1x128xi32, #tpu.memory_space<vmem>>
      %dma_wait3A_412 = tpu.memref_squeeze %dma_wait3A_411 : memref<1x128xi32, #tpu.memory_space<vmem>> -> memref<128xi32, #tpu.memory_space<vmem>>
      %dma_wait3A_413 = arith.constant 0 : i32
      %dma_wait3A_414 = arith.constant 0 : i32
      %dma_wait3A_415 = tpu.memref_slice %arg4[%dma_wait3A_413, %dma_wait3A_414] : memref<20000x64xf32, #tpu.memory_space<hbm>> -> memref<20000x64xf32, #tpu.memory_space<hbm>>
      tpu.wait_indirect_dma semaphore(%arg12 : memref<!tpu.dma_semaphore, #tpu.memory_space<semaphore_mem>>) src(%dma_wait3A_415 : memref<20000x64xf32, #tpu.memory_space<hbm>>) dst(%arg9 : memref<128x64xf32, #tpu.memory_space<vmem>>)
      %dma_start3A_416 = arith.constant 14 : i32
      %dma_start3A_417 = arith.constant 0 : i32
      %dma_start3A_418 = tpu.memref_slice %arg8[%dma_start3A_416, %dma_start3A_417] : memref<16x128xi32, #tpu.memory_space<vmem>> -> memref<1x128xi32, #tpu.memory_space<vmem>>
      %dma_start3A_419 = tpu.memref_squeeze %dma_start3A_418 : memref<1x128xi32, #tpu.memory_space<vmem>> -> memref<128xi32, #tpu.memory_space<vmem>>
      %dma_start3A_420 = arith.constant 0 : i32
      %dma_start3A_421 = arith.constant 0 : i32
      %dma_start3A_422 = tpu.memref_slice %arg11[%dma_start3A_420, %dma_start3A_421] : memref<10112x64xf32, #tpu.memory_space<vmem_shared>> -> memref<10112x64xf32, #tpu.memory_space<vmem_shared>>
      tpu.enqueue_indirect_dma source(%arg9 : memref<128x64xf32, #tpu.memory_space<vmem>>) target(%dma_start3A_422 : memref<10112x64xf32, #tpu.memory_space<vmem_shared>>) offsets(%dma_start3A_419 : memref<128xi32, #tpu.memory_space<vmem>>) semaphore(%arg14 : memref<!tpu.dma_semaphore, #tpu.memory_space<semaphore_mem>>) {add = true}
      %dma_wait3A_423 = arith.constant 13 : i32
      %dma_wait3A_424 = arith.constant 0 : i32
      %dma_wait3A_425 = tpu.memref_slice %arg8[%dma_wait3A_423, %dma_wait3A_424] : memref<16x128xi32, #tpu.memory_space<vmem>> -> memref<1x128xi32, #tpu.memory_space<vmem>>
      %dma_wait3A_426 = tpu.memref_squeeze %dma_wait3A_425 : memref<1x128xi32, #tpu.memory_space<vmem>> -> memref<128xi32, #tpu.memory_space<vmem>>
      %dma_wait3A_427 = arith.constant 0 : i32
      %dma_wait3A_428 = arith.constant 0 : i32
      %dma_wait3A_429 = tpu.memref_slice %arg11[%dma_wait3A_427, %dma_wait3A_428] : memref<10112x64xf32, #tpu.memory_space<vmem_shared>> -> memref<10112x64xf32, #tpu.memory_space<vmem_shared>>
      tpu.wait_indirect_dma semaphore(%arg15 : memref<!tpu.dma_semaphore, #tpu.memory_space<semaphore_mem>>) src(%arg10 : memref<128x64xf32, #tpu.memory_space<vmem>>) dst(%dma_wait3A_429 : memref<10112x64xf32, #tpu.memory_space<vmem_shared>>)
      %dma_start3A_430 = arith.constant 15 : i32
      %dma_start3A_431 = arith.constant 0 : i32
      %dma_start3A_432 = tpu.memref_slice %arg7[%dma_start3A_430, %dma_start3A_431] : memref<16x128xi32, #tpu.memory_space<vmem>> -> memref<1x128xi32, #tpu.memory_space<vmem>>
      %dma_start3A_433 = tpu.memref_squeeze %dma_start3A_432 : memref<1x128xi32, #tpu.memory_space<vmem>> -> memref<128xi32, #tpu.memory_space<vmem>>
      %dma_start3A_434 = arith.constant 0 : i32
      %dma_start3A_435 = arith.constant 0 : i32
      %dma_start3A_436 = tpu.memref_slice %arg4[%dma_start3A_434, %dma_start3A_435] : memref<20000x64xf32, #tpu.memory_space<hbm>> -> memref<20000x64xf32, #tpu.memory_space<hbm>>
      tpu.enqueue_indirect_dma source(%dma_start3A_436 : memref<20000x64xf32, #tpu.memory_space<hbm>>) target(%arg10 : memref<128x64xf32, #tpu.memory_space<vmem>>) offsets(%dma_start3A_433 : memref<128xi32, #tpu.memory_space<vmem>>) semaphore(%arg13 : memref<!tpu.dma_semaphore, #tpu.memory_space<semaphore_mem>>)
      %dma_wait3A_437 = arith.constant 15 : i32
      %dma_wait3A_438 = arith.constant 0 : i32
      %dma_wait3A_439 = tpu.memref_slice %arg7[%dma_wait3A_437, %dma_wait3A_438] : memref<16x128xi32, #tpu.memory_space<vmem>> -> memref<1x128xi32, #tpu.memory_space<vmem>>
      %dma_wait3A_440 = tpu.memref_squeeze %dma_wait3A_439 : memref<1x128xi32, #tpu.memory_space<vmem>> -> memref<128xi32, #tpu.memory_space<vmem>>
      %dma_wait3A_441 = arith.constant 0 : i32
      %dma_wait3A_442 = arith.constant 0 : i32
      %dma_wait3A_443 = tpu.memref_slice %arg4[%dma_wait3A_441, %dma_wait3A_442] : memref<20000x64xf32, #tpu.memory_space<hbm>> -> memref<20000x64xf32, #tpu.memory_space<hbm>>
      tpu.wait_indirect_dma semaphore(%arg13 : memref<!tpu.dma_semaphore, #tpu.memory_space<semaphore_mem>>) src(%dma_wait3A_443 : memref<20000x64xf32, #tpu.memory_space<hbm>>) dst(%arg10 : memref<128x64xf32, #tpu.memory_space<vmem>>)
      %dma_start3A_444 = arith.constant 15 : i32
      %dma_start3A_445 = arith.constant 0 : i32
      %dma_start3A_446 = tpu.memref_slice %arg8[%dma_start3A_444, %dma_start3A_445] : memref<16x128xi32, #tpu.memory_space<vmem>> -> memref<1x128xi32, #tpu.memory_space<vmem>>
      %dma_start3A_447 = tpu.memref_squeeze %dma_start3A_446 : memref<1x128xi32, #tpu.memory_space<vmem>> -> memref<128xi32, #tpu.memory_space<vmem>>
      %dma_start3A_448 = arith.constant 0 : i32
      %dma_start3A_449 = arith.constant 0 : i32
      %dma_start3A_450 = tpu.memref_slice %arg11[%dma_start3A_448, %dma_start3A_449] : memref<10112x64xf32, #tpu.memory_space<vmem_shared>> -> memref<10112x64xf32, #tpu.memory_space<vmem_shared>>
      tpu.enqueue_indirect_dma source(%arg10 : memref<128x64xf32, #tpu.memory_space<vmem>>) target(%dma_start3A_450 : memref<10112x64xf32, #tpu.memory_space<vmem_shared>>) offsets(%dma_start3A_447 : memref<128xi32, #tpu.memory_space<vmem>>) semaphore(%arg15 : memref<!tpu.dma_semaphore, #tpu.memory_space<semaphore_mem>>) {add = true}
      %dma_wait3A_451 = arith.constant 14 : i32
      %dma_wait3A_452 = arith.constant 0 : i32
      %dma_wait3A_453 = tpu.memref_slice %arg8[%dma_wait3A_451, %dma_wait3A_452] : memref<16x128xi32, #tpu.memory_space<vmem>> -> memref<1x128xi32, #tpu.memory_space<vmem>>
      %dma_wait3A_454 = tpu.memref_squeeze %dma_wait3A_453 : memref<1x128xi32, #tpu.memory_space<vmem>> -> memref<128xi32, #tpu.memory_space<vmem>>
      %dma_wait3A_455 = arith.constant 0 : i32
      %dma_wait3A_456 = arith.constant 0 : i32
      %dma_wait3A_457 = tpu.memref_slice %arg11[%dma_wait3A_455, %dma_wait3A_456] : memref<10112x64xf32, #tpu.memory_space<vmem_shared>> -> memref<10112x64xf32, #tpu.memory_space<vmem_shared>>
      tpu.wait_indirect_dma semaphore(%arg14 : memref<!tpu.dma_semaphore, #tpu.memory_space<semaphore_mem>>) src(%arg9 : memref<128x64xf32, #tpu.memory_space<vmem>>) dst(%dma_wait3A_457 : memref<10112x64xf32, #tpu.memory_space<vmem_shared>>)
      %dma_wait3A_458 = arith.constant 15 : i32
      %dma_wait3A_459 = arith.constant 0 : i32
      %dma_wait3A_460 = tpu.memref_slice %arg8[%dma_wait3A_458, %dma_wait3A_459] : memref<16x128xi32, #tpu.memory_space<vmem>> -> memref<1x128xi32, #tpu.memory_space<vmem>>
      %dma_wait3A_461 = tpu.memref_squeeze %dma_wait3A_460 : memref<1x128xi32, #tpu.memory_space<vmem>> -> memref<128xi32, #tpu.memory_space<vmem>>
      %dma_wait3A_462 = arith.constant 0 : i32
      %dma_wait3A_463 = arith.constant 0 : i32
      %dma_wait3A_464 = tpu.memref_slice %arg11[%dma_wait3A_462, %dma_wait3A_463] : memref<10112x64xf32, #tpu.memory_space<vmem_shared>> -> memref<10112x64xf32, #tpu.memory_space<vmem_shared>>
      tpu.wait_indirect_dma semaphore(%arg15 : memref<!tpu.dma_semaphore, #tpu.memory_space<semaphore_mem>>) src(%arg10 : memref<128x64xf32, #tpu.memory_space<vmem>>) dst(%dma_wait3A_464 : memref<10112x64xf32, #tpu.memory_space<vmem_shared>>)
    }
    %scan3A_5 = arith.constant 5 : i32
    %barrier3A_6 = arith.constant 0 : index
    tpu.barrier barrier_id(%barrier3A_6)
    %mul3A_7 = arith.constant 632 : i32
    %mul3A_8 = arith.muli %arg1, %mul3A_7 : i32
    %mul3A_9 = arith.constant 632 : i32
    %mul3A_10 = arith.muli %arg1, %mul3A_9 : i32
    "tpu.region"() ({
      %run_scoped3A = tpu.sem_alloc : memref<!tpu.dma_semaphore, #tpu.memory_space<semaphore_mem>>
      %dma_start3A = arith.constant 0 : i32
      %dma_start3A_11 = tpu.memref_slice %arg6[%arg0, %mul3A_10, %dma_start3A] : memref<2x10112x64xf32, #tpu.memory_space<hbm>> -> memref<1x632x64xf32, #tpu.memory_space<hbm>>
      %dma_start3A_12 = tpu.memref_squeeze %dma_start3A_11 : memref<1x632x64xf32, #tpu.memory_space<hbm>> -> memref<632x64xf32, #tpu.memory_space<hbm>>
      %dma_start3A_13 = arith.constant 0 : i32
      %dma_start3A_14 = tpu.memref_slice %arg11[%mul3A_8, %dma_start3A_13] : memref<10112x64xf32, #tpu.memory_space<vmem_shared>> -> memref<632x64xf32, #tpu.memory_space<vmem_shared>>
      tpu.enqueue_dma source(%dma_start3A_14 : memref<632x64xf32, #tpu.memory_space<vmem_shared>>) target(%dma_start3A_12 : memref<632x64xf32, #tpu.memory_space<hbm>>) target_semaphore(%run_scoped3A : memref<!tpu.dma_semaphore, #tpu.memory_space<semaphore_mem>>)
      %dma_wait3A = arith.constant 0 : i32
      %dma_wait3A_15 = tpu.memref_slice %arg6[%arg0, %mul3A_10, %dma_wait3A] : memref<2x10112x64xf32, #tpu.memory_space<hbm>> -> memref<1x632x64xf32, #tpu.memory_space<hbm>>
      %dma_wait3A_16 = tpu.memref_squeeze %dma_wait3A_15 : memref<1x632x64xf32, #tpu.memory_space<hbm>> -> memref<632x64xf32, #tpu.memory_space<hbm>>
      %dma_wait3A_17 = arith.constant 0 : i32
      %dma_wait3A_18 = tpu.memref_slice %arg11[%mul3A_8, %dma_wait3A_17] : memref<10112x64xf32, #tpu.memory_space<vmem_shared>> -> memref<632x64xf32, #tpu.memory_space<vmem_shared>>
      tpu.wait_dma2 semaphore(%run_scoped3A : memref<!tpu.dma_semaphore, #tpu.memory_space<semaphore_mem>>) src(%dma_wait3A_18 : memref<632x64xf32, #tpu.memory_space<vmem_shared>>) dst(%dma_wait3A_16 : memref<632x64xf32, #tpu.memory_space<hbm>>)
      tpu.yield
    }) : () -> ()
    return
  }
}

#map = affine_map<(d0, d1) -> (0, 0, 0)>
#map1 = affine_map<(d0, d1) -> (0, 0)>
module attributes {stable_mosaic.version = 14 : i64} {
  func.func @agg(%arg0: i32, %arg1: i32, %arg2: memref<2x2560x128xi32, #tpu.memory_space<hbm>>, %arg3: memref<2560x128xi32, #tpu.memory_space<hbm>>, %arg4: memref<20000x128xf32, #tpu.memory_space<hbm>>, %arg5: memref<632x128xf32, #tpu.memory_space<hbm>>, %arg6: memref<2x10112x128xf32, #tpu.memory_space<hbm>>, %arg7: memref<16x128xi32, #tpu.memory_space<vmem>>, %arg8: memref<16x128xi32, #tpu.memory_space<vmem>>, %arg9: memref<128x128xf32, #tpu.memory_space<vmem>>, %arg10: memref<128x128xf32, #tpu.memory_space<vmem>>, %arg11: memref<10112x128xf32, #tpu.memory_space<vmem_shared>>, %arg12: memref<!tpu.dma_semaphore, #tpu.memory_space<semaphore_mem>>, %arg13: memref<!tpu.dma_semaphore, #tpu.memory_space<semaphore_mem>>, %arg14: memref<!tpu.dma_semaphore, #tpu.memory_space<semaphore_mem>>, %arg15: memref<!tpu.dma_semaphore, #tpu.memory_space<semaphore_mem>>) attributes {dimension_semantics = [#tpu.dimension_semantics<core_parallel>, #tpu.dimension_semantics<subcore_parallel>], iteration_bounds = array<i64: 2, 16>, scalar_prefetch = 0 : i64, scratch_operands = 9 : i64, tpu.core_type = #tpu.core_type<sc_vector_subcore>, window_params = [{transform_indices = #map}, {transform_indices = #map1}, {transform_indices = #map1}, {transform_indices = #map1}, {transform_indices = #map}]} {
    %mul3A = arith.constant 632 : i32
    %mul3A_0 = arith.muli %arg1, %mul3A : i32
    "tpu.region"() ({
      %run_scoped3A = tpu.sem_alloc : memref<!tpu.dma_semaphore, #tpu.memory_space<semaphore_mem>>
      %dma_start3A = arith.constant 0 : i32
      %dma_start3A_11 = tpu.memref_slice %arg11[%mul3A_0, %dma_start3A] : memref<10112x128xf32, #tpu.memory_space<vmem_shared>> -> memref<632x128xf32, #tpu.memory_space<vmem_shared>>
      tpu.enqueue_dma source(%arg5 : memref<632x128xf32, #tpu.memory_space<hbm>>) target(%dma_start3A_11 : memref<632x128xf32, #tpu.memory_space<vmem_shared>>) target_semaphore(%run_scoped3A : memref<!tpu.dma_semaphore, #tpu.memory_space<semaphore_mem>>)
      %dma_wait3A = arith.constant 0 : i32
      %dma_wait3A_12 = tpu.memref_slice %arg11[%mul3A_0, %dma_wait3A] : memref<10112x128xf32, #tpu.memory_space<vmem_shared>> -> memref<632x128xf32, #tpu.memory_space<vmem_shared>>
      tpu.wait_dma2 semaphore(%run_scoped3A : memref<!tpu.dma_semaphore, #tpu.memory_space<semaphore_mem>>) src(%arg5 : memref<632x128xf32, #tpu.memory_space<hbm>>) dst(%dma_wait3A_12 : memref<632x128xf32, #tpu.memory_space<vmem_shared>>)
      tpu.yield
    }) : () -> ()
    %barrier3A = arith.constant 0 : index
    tpu.barrier barrier_id(%barrier3A)
    %scan3A = arith.constant 0 : i32
    %scan3A_1 = arith.constant 0 : i32
    %scan3A_2 = arith.constant 5 : i32
    %scan3A_3 = arith.addi %scan3A_1, %scan3A_2 : i32
    %scan3A_4 = arith.constant 1 : i32
    scf.for %scan3A_11 = %scan3A_1 to %scan3A_3 step %scan3A_4  : i32 {
      %mul3A_12 = arith.constant 16 : i32
      %mul3A_13 = arith.muli %scan3A_11, %mul3A_12 : i32
      %add3A = arith.addi %mul3A_13, %arg1 : i32
      %mul3A_14 = arith.constant 2 : i32
      %mul3A_15 = arith.muli %add3A, %mul3A_14 : i32
      %add3A_16 = arith.addi %mul3A_15, %arg0 : i32
      %mul3A_17 = arith.constant 16 : i32
      %mul3A_18 = arith.muli %add3A_16, %mul3A_17 : i32
      "tpu.region"() ({
        %run_scoped3A = tpu.sem_alloc : memref<!tpu.dma_semaphore, #tpu.memory_space<semaphore_mem>>
        %dma_start3A_465 = arith.constant 0 : i32
        %dma_start3A_466 = tpu.memref_slice %arg2[%arg0, %mul3A_18, %dma_start3A_465] : memref<2x2560x128xi32, #tpu.memory_space<hbm>> -> memref<1x16x128xi32, #tpu.memory_space<hbm>>
        %dma_start3A_467 = tpu.memref_squeeze %dma_start3A_466 : memref<1x16x128xi32, #tpu.memory_space<hbm>> -> memref<16x128xi32, #tpu.memory_space<hbm>>
        %dma_start3A_468 = arith.constant 0 : i32
        %dma_start3A_469 = tpu.memref_slice %arg2[%arg0, %mul3A_18, %dma_start3A_468] : memref<2x2560x128xi32, #tpu.memory_space<hbm>> -> memref<1x16x128xi32, #tpu.memory_space<hbm>>
        %dma_start3A_470 = tpu.memref_squeeze %dma_start3A_469 : memref<1x16x128xi32, #tpu.memory_space<hbm>> -> memref<16x128xi32, #tpu.memory_space<hbm>>
        tpu.enqueue_dma source(%dma_start3A_470 : memref<16x128xi32, #tpu.memory_space<hbm>>) target(%arg7 : memref<16x128xi32, #tpu.memory_space<vmem>>) target_semaphore(%run_scoped3A : memref<!tpu.dma_semaphore, #tpu.memory_space<semaphore_mem>>)
        %dma_wait3A_471 = arith.constant 0 : i32
        %dma_wait3A_472 = tpu.memref_slice %arg2[%arg0, %mul3A_18, %dma_wait3A_471] : memref<2x2560x128xi32, #tpu.memory_space<hbm>> -> memref<1x16x128xi32, #tpu.memory_space<hbm>>
        %dma_wait3A_473 = tpu.memref_squeeze %dma_wait3A_472 : memref<1x16x128xi32, #tpu.memory_space<hbm>> -> memref<16x128xi32, #tpu.memory_space<hbm>>
        %dma_wait3A_474 = arith.constant 0 : i32
        %dma_wait3A_475 = tpu.memref_slice %arg2[%arg0, %mul3A_18, %dma_wait3A_474] : memref<2x2560x128xi32, #tpu.memory_space<hbm>> -> memref<1x16x128xi32, #tpu.memory_space<hbm>>
        %dma_wait3A_476 = tpu.memref_squeeze %dma_wait3A_475 : memref<1x16x128xi32, #tpu.memory_space<hbm>> -> memref<16x128xi32, #tpu.memory_space<hbm>>
        tpu.wait_dma2 semaphore(%run_scoped3A : memref<!tpu.dma_semaphore, #tpu.memory_space<semaphore_mem>>) src(%dma_wait3A_476 : memref<16x128xi32, #tpu.memory_space<hbm>>) dst(%arg7 : memref<16x128xi32, #tpu.memory_space<vmem>>)
        tpu.yield
      }) : () -> ()
      "tpu.region"() ({
        %run_scoped3A = tpu.sem_alloc : memref<!tpu.dma_semaphore, #tpu.memory_space<semaphore_mem>>
        %dma_start3A_465 = arith.constant 0 : i32
        %dma_start3A_466 = tpu.memref_slice %arg3[%mul3A_18, %dma_start3A_465] : memref<2560x128xi32, #tpu.memory_space<hbm>> -> memref<16x128xi32, #tpu.memory_space<hbm>>
        %dma_start3A_467 = arith.constant 0 : i32
        %dma_start3A_468 = tpu.memref_slice %arg3[%mul3A_18, %dma_start3A_467] : memref<2560x128xi32, #tpu.memory_space<hbm>> -> memref<16x128xi32, #tpu.memory_space<hbm>>
        tpu.enqueue_dma source(%dma_start3A_468 : memref<16x128xi32, #tpu.memory_space<hbm>>) target(%arg8 : memref<16x128xi32, #tpu.memory_space<vmem>>) target_semaphore(%run_scoped3A : memref<!tpu.dma_semaphore, #tpu.memory_space<semaphore_mem>>)
        %dma_wait3A_469 = arith.constant 0 : i32
        %dma_wait3A_470 = tpu.memref_slice %arg3[%mul3A_18, %dma_wait3A_469] : memref<2560x128xi32, #tpu.memory_space<hbm>> -> memref<16x128xi32, #tpu.memory_space<hbm>>
        %dma_wait3A_471 = arith.constant 0 : i32
        %dma_wait3A_472 = tpu.memref_slice %arg3[%mul3A_18, %dma_wait3A_471] : memref<2560x128xi32, #tpu.memory_space<hbm>> -> memref<16x128xi32, #tpu.memory_space<hbm>>
        tpu.wait_dma2 semaphore(%run_scoped3A : memref<!tpu.dma_semaphore, #tpu.memory_space<semaphore_mem>>) src(%dma_wait3A_472 : memref<16x128xi32, #tpu.memory_space<hbm>>) dst(%arg8 : memref<16x128xi32, #tpu.memory_space<vmem>>)
        tpu.yield
      }) : () -> ()
      %dma_start3A = arith.constant 0 : i32
      %dma_start3A_19 = arith.constant 0 : i32
      %dma_start3A_20 = tpu.memref_slice %arg7[%dma_start3A, %dma_start3A_19] : memref<16x128xi32, #tpu.memory_space<vmem>> -> memref<1x128xi32, #tpu.memory_space<vmem>>
      %dma_start3A_21 = tpu.memref_squeeze %dma_start3A_20 : memref<1x128xi32, #tpu.memory_space<vmem>> -> memref<128xi32, #tpu.memory_space<vmem>>
      %dma_start3A_22 = arith.constant 0 : i32
      %dma_start3A_23 = arith.constant 0 : i32
      %dma_start3A_24 = tpu.memref_slice %arg4[%dma_start3A_22, %dma_start3A_23] : memref<20000x128xf32, #tpu.memory_space<hbm>> -> memref<20000x128xf32, #tpu.memory_space<hbm>>
      tpu.enqueue_indirect_dma source(%dma_start3A_24 : memref<20000x128xf32, #tpu.memory_space<hbm>>) target(%arg9 : memref<128x128xf32, #tpu.memory_space<vmem>>) offsets(%dma_start3A_21 : memref<128xi32, #tpu.memory_space<vmem>>) semaphore(%arg12 : memref<!tpu.dma_semaphore, #tpu.memory_space<semaphore_mem>>)
      %dma_wait3A = arith.constant 0 : i32
      %dma_wait3A_25 = arith.constant 0 : i32
      %dma_wait3A_26 = tpu.memref_slice %arg7[%dma_wait3A, %dma_wait3A_25] : memref<16x128xi32, #tpu.memory_space<vmem>> -> memref<1x128xi32, #tpu.memory_space<vmem>>
      %dma_wait3A_27 = tpu.memref_squeeze %dma_wait3A_26 : memref<1x128xi32, #tpu.memory_space<vmem>> -> memref<128xi32, #tpu.memory_space<vmem>>
      %dma_wait3A_28 = arith.constant 0 : i32
      %dma_wait3A_29 = arith.constant 0 : i32
      %dma_wait3A_30 = tpu.memref_slice %arg4[%dma_wait3A_28, %dma_wait3A_29] : memref<20000x128xf32, #tpu.memory_space<hbm>> -> memref<20000x128xf32, #tpu.memory_space<hbm>>
      tpu.wait_indirect_dma semaphore(%arg12 : memref<!tpu.dma_semaphore, #tpu.memory_space<semaphore_mem>>) src(%dma_wait3A_30 : memref<20000x128xf32, #tpu.memory_space<hbm>>) dst(%arg9 : memref<128x128xf32, #tpu.memory_space<vmem>>)
      %dma_start3A_31 = arith.constant 0 : i32
      %dma_start3A_32 = arith.constant 0 : i32
      %dma_start3A_33 = tpu.memref_slice %arg8[%dma_start3A_31, %dma_start3A_32] : memref<16x128xi32, #tpu.memory_space<vmem>> -> memref<1x128xi32, #tpu.memory_space<vmem>>
      %dma_start3A_34 = tpu.memref_squeeze %dma_start3A_33 : memref<1x128xi32, #tpu.memory_space<vmem>> -> memref<128xi32, #tpu.memory_space<vmem>>
      %dma_start3A_35 = arith.constant 0 : i32
      %dma_start3A_36 = arith.constant 0 : i32
      %dma_start3A_37 = tpu.memref_slice %arg11[%dma_start3A_35, %dma_start3A_36] : memref<10112x128xf32, #tpu.memory_space<vmem_shared>> -> memref<10112x128xf32, #tpu.memory_space<vmem_shared>>
      tpu.enqueue_indirect_dma source(%arg9 : memref<128x128xf32, #tpu.memory_space<vmem>>) target(%dma_start3A_37 : memref<10112x128xf32, #tpu.memory_space<vmem_shared>>) offsets(%dma_start3A_34 : memref<128xi32, #tpu.memory_space<vmem>>) semaphore(%arg14 : memref<!tpu.dma_semaphore, #tpu.memory_space<semaphore_mem>>) {add = true}
      %dma_start3A_38 = arith.constant 1 : i32
      %dma_start3A_39 = arith.constant 0 : i32
      %dma_start3A_40 = tpu.memref_slice %arg7[%dma_start3A_38, %dma_start3A_39] : memref<16x128xi32, #tpu.memory_space<vmem>> -> memref<1x128xi32, #tpu.memory_space<vmem>>
      %dma_start3A_41 = tpu.memref_squeeze %dma_start3A_40 : memref<1x128xi32, #tpu.memory_space<vmem>> -> memref<128xi32, #tpu.memory_space<vmem>>
      %dma_start3A_42 = arith.constant 0 : i32
      %dma_start3A_43 = arith.constant 0 : i32
      %dma_start3A_44 = tpu.memref_slice %arg4[%dma_start3A_42, %dma_start3A_43] : memref<20000x128xf32, #tpu.memory_space<hbm>> -> memref<20000x128xf32, #tpu.memory_space<hbm>>
      tpu.enqueue_indirect_dma source(%dma_start3A_44 : memref<20000x128xf32, #tpu.memory_space<hbm>>) target(%arg10 : memref<128x128xf32, #tpu.memory_space<vmem>>) offsets(%dma_start3A_41 : memref<128xi32, #tpu.memory_space<vmem>>) semaphore(%arg13 : memref<!tpu.dma_semaphore, #tpu.memory_space<semaphore_mem>>)
      %dma_wait3A_45 = arith.constant 1 : i32
      %dma_wait3A_46 = arith.constant 0 : i32
      %dma_wait3A_47 = tpu.memref_slice %arg7[%dma_wait3A_45, %dma_wait3A_46] : memref<16x128xi32, #tpu.memory_space<vmem>> -> memref<1x128xi32, #tpu.memory_space<vmem>>
      %dma_wait3A_48 = tpu.memref_squeeze %dma_wait3A_47 : memref<1x128xi32, #tpu.memory_space<vmem>> -> memref<128xi32, #tpu.memory_space<vmem>>
      %dma_wait3A_49 = arith.constant 0 : i32
      %dma_wait3A_50 = arith.constant 0 : i32
      %dma_wait3A_51 = tpu.memref_slice %arg4[%dma_wait3A_49, %dma_wait3A_50] : memref<20000x128xf32, #tpu.memory_space<hbm>> -> memref<20000x128xf32, #tpu.memory_space<hbm>>
      tpu.wait_indirect_dma semaphore(%arg13 : memref<!tpu.dma_semaphore, #tpu.memory_space<semaphore_mem>>) src(%dma_wait3A_51 : memref<20000x128xf32, #tpu.memory_space<hbm>>) dst(%arg10 : memref<128x128xf32, #tpu.memory_space<vmem>>)
      %dma_start3A_52 = arith.constant 1 : i32
      %dma_start3A_53 = arith.constant 0 : i32
      %dma_start3A_54 = tpu.memref_slice %arg8[%dma_start3A_52, %dma_start3A_53] : memref<16x128xi32, #tpu.memory_space<vmem>> -> memref<1x128xi32, #tpu.memory_space<vmem>>
      %dma_start3A_55 = tpu.memref_squeeze %dma_start3A_54 : memref<1x128xi32, #tpu.memory_space<vmem>> -> memref<128xi32, #tpu.memory_space<vmem>>
      %dma_start3A_56 = arith.constant 0 : i32
      %dma_start3A_57 = arith.constant 0 : i32
      %dma_start3A_58 = tpu.memref_slice %arg11[%dma_start3A_56, %dma_start3A_57] : memref<10112x128xf32, #tpu.memory_space<vmem_shared>> -> memref<10112x128xf32, #tpu.memory_space<vmem_shared>>
      tpu.enqueue_indirect_dma source(%arg10 : memref<128x128xf32, #tpu.memory_space<vmem>>) target(%dma_start3A_58 : memref<10112x128xf32, #tpu.memory_space<vmem_shared>>) offsets(%dma_start3A_55 : memref<128xi32, #tpu.memory_space<vmem>>) semaphore(%arg15 : memref<!tpu.dma_semaphore, #tpu.memory_space<semaphore_mem>>) {add = true}
      %dma_wait3A_59 = arith.constant 0 : i32
      %dma_wait3A_60 = arith.constant 0 : i32
      %dma_wait3A_61 = tpu.memref_slice %arg8[%dma_wait3A_59, %dma_wait3A_60] : memref<16x128xi32, #tpu.memory_space<vmem>> -> memref<1x128xi32, #tpu.memory_space<vmem>>
      %dma_wait3A_62 = tpu.memref_squeeze %dma_wait3A_61 : memref<1x128xi32, #tpu.memory_space<vmem>> -> memref<128xi32, #tpu.memory_space<vmem>>
      %dma_wait3A_63 = arith.constant 0 : i32
      %dma_wait3A_64 = arith.constant 0 : i32
      %dma_wait3A_65 = tpu.memref_slice %arg11[%dma_wait3A_63, %dma_wait3A_64] : memref<10112x128xf32, #tpu.memory_space<vmem_shared>> -> memref<10112x128xf32, #tpu.memory_space<vmem_shared>>
      tpu.wait_indirect_dma semaphore(%arg14 : memref<!tpu.dma_semaphore, #tpu.memory_space<semaphore_mem>>) src(%arg9 : memref<128x128xf32, #tpu.memory_space<vmem>>) dst(%dma_wait3A_65 : memref<10112x128xf32, #tpu.memory_space<vmem_shared>>)
      %dma_start3A_66 = arith.constant 2 : i32
      %dma_start3A_67 = arith.constant 0 : i32
      %dma_start3A_68 = tpu.memref_slice %arg7[%dma_start3A_66, %dma_start3A_67] : memref<16x128xi32, #tpu.memory_space<vmem>> -> memref<1x128xi32, #tpu.memory_space<vmem>>
      %dma_start3A_69 = tpu.memref_squeeze %dma_start3A_68 : memref<1x128xi32, #tpu.memory_space<vmem>> -> memref<128xi32, #tpu.memory_space<vmem>>
      %dma_start3A_70 = arith.constant 0 : i32
      %dma_start3A_71 = arith.constant 0 : i32
      %dma_start3A_72 = tpu.memref_slice %arg4[%dma_start3A_70, %dma_start3A_71] : memref<20000x128xf32, #tpu.memory_space<hbm>> -> memref<20000x128xf32, #tpu.memory_space<hbm>>
      tpu.enqueue_indirect_dma source(%dma_start3A_72 : memref<20000x128xf32, #tpu.memory_space<hbm>>) target(%arg9 : memref<128x128xf32, #tpu.memory_space<vmem>>) offsets(%dma_start3A_69 : memref<128xi32, #tpu.memory_space<vmem>>) semaphore(%arg12 : memref<!tpu.dma_semaphore, #tpu.memory_space<semaphore_mem>>)
      %dma_wait3A_73 = arith.constant 2 : i32
      %dma_wait3A_74 = arith.constant 0 : i32
      %dma_wait3A_75 = tpu.memref_slice %arg7[%dma_wait3A_73, %dma_wait3A_74] : memref<16x128xi32, #tpu.memory_space<vmem>> -> memref<1x128xi32, #tpu.memory_space<vmem>>
      %dma_wait3A_76 = tpu.memref_squeeze %dma_wait3A_75 : memref<1x128xi32, #tpu.memory_space<vmem>> -> memref<128xi32, #tpu.memory_space<vmem>>
      %dma_wait3A_77 = arith.constant 0 : i32
      %dma_wait3A_78 = arith.constant 0 : i32
      %dma_wait3A_79 = tpu.memref_slice %arg4[%dma_wait3A_77, %dma_wait3A_78] : memref<20000x128xf32, #tpu.memory_space<hbm>> -> memref<20000x128xf32, #tpu.memory_space<hbm>>
      tpu.wait_indirect_dma semaphore(%arg12 : memref<!tpu.dma_semaphore, #tpu.memory_space<semaphore_mem>>) src(%dma_wait3A_79 : memref<20000x128xf32, #tpu.memory_space<hbm>>) dst(%arg9 : memref<128x128xf32, #tpu.memory_space<vmem>>)
      %dma_start3A_80 = arith.constant 2 : i32
      %dma_start3A_81 = arith.constant 0 : i32
      %dma_start3A_82 = tpu.memref_slice %arg8[%dma_start3A_80, %dma_start3A_81] : memref<16x128xi32, #tpu.memory_space<vmem>> -> memref<1x128xi32, #tpu.memory_space<vmem>>
      %dma_start3A_83 = tpu.memref_squeeze %dma_start3A_82 : memref<1x128xi32, #tpu.memory_space<vmem>> -> memref<128xi32, #tpu.memory_space<vmem>>
      %dma_start3A_84 = arith.constant 0 : i32
      %dma_start3A_85 = arith.constant 0 : i32
      %dma_start3A_86 = tpu.memref_slice %arg11[%dma_start3A_84, %dma_start3A_85] : memref<10112x128xf32, #tpu.memory_space<vmem_shared>> -> memref<10112x128xf32, #tpu.memory_space<vmem_shared>>
      tpu.enqueue_indirect_dma source(%arg9 : memref<128x128xf32, #tpu.memory_space<vmem>>) target(%dma_start3A_86 : memref<10112x128xf32, #tpu.memory_space<vmem_shared>>) offsets(%dma_start3A_83 : memref<128xi32, #tpu.memory_space<vmem>>) semaphore(%arg14 : memref<!tpu.dma_semaphore, #tpu.memory_space<semaphore_mem>>) {add = true}
      %dma_wait3A_87 = arith.constant 1 : i32
      %dma_wait3A_88 = arith.constant 0 : i32
      %dma_wait3A_89 = tpu.memref_slice %arg8[%dma_wait3A_87, %dma_wait3A_88] : memref<16x128xi32, #tpu.memory_space<vmem>> -> memref<1x128xi32, #tpu.memory_space<vmem>>
      %dma_wait3A_90 = tpu.memref_squeeze %dma_wait3A_89 : memref<1x128xi32, #tpu.memory_space<vmem>> -> memref<128xi32, #tpu.memory_space<vmem>>
      %dma_wait3A_91 = arith.constant 0 : i32
      %dma_wait3A_92 = arith.constant 0 : i32
      %dma_wait3A_93 = tpu.memref_slice %arg11[%dma_wait3A_91, %dma_wait3A_92] : memref<10112x128xf32, #tpu.memory_space<vmem_shared>> -> memref<10112x128xf32, #tpu.memory_space<vmem_shared>>
      tpu.wait_indirect_dma semaphore(%arg15 : memref<!tpu.dma_semaphore, #tpu.memory_space<semaphore_mem>>) src(%arg10 : memref<128x128xf32, #tpu.memory_space<vmem>>) dst(%dma_wait3A_93 : memref<10112x128xf32, #tpu.memory_space<vmem_shared>>)
      %dma_start3A_94 = arith.constant 3 : i32
      %dma_start3A_95 = arith.constant 0 : i32
      %dma_start3A_96 = tpu.memref_slice %arg7[%dma_start3A_94, %dma_start3A_95] : memref<16x128xi32, #tpu.memory_space<vmem>> -> memref<1x128xi32, #tpu.memory_space<vmem>>
      %dma_start3A_97 = tpu.memref_squeeze %dma_start3A_96 : memref<1x128xi32, #tpu.memory_space<vmem>> -> memref<128xi32, #tpu.memory_space<vmem>>
      %dma_start3A_98 = arith.constant 0 : i32
      %dma_start3A_99 = arith.constant 0 : i32
      %dma_start3A_100 = tpu.memref_slice %arg4[%dma_start3A_98, %dma_start3A_99] : memref<20000x128xf32, #tpu.memory_space<hbm>> -> memref<20000x128xf32, #tpu.memory_space<hbm>>
      tpu.enqueue_indirect_dma source(%dma_start3A_100 : memref<20000x128xf32, #tpu.memory_space<hbm>>) target(%arg10 : memref<128x128xf32, #tpu.memory_space<vmem>>) offsets(%dma_start3A_97 : memref<128xi32, #tpu.memory_space<vmem>>) semaphore(%arg13 : memref<!tpu.dma_semaphore, #tpu.memory_space<semaphore_mem>>)
      %dma_wait3A_101 = arith.constant 3 : i32
      %dma_wait3A_102 = arith.constant 0 : i32
      %dma_wait3A_103 = tpu.memref_slice %arg7[%dma_wait3A_101, %dma_wait3A_102] : memref<16x128xi32, #tpu.memory_space<vmem>> -> memref<1x128xi32, #tpu.memory_space<vmem>>
      %dma_wait3A_104 = tpu.memref_squeeze %dma_wait3A_103 : memref<1x128xi32, #tpu.memory_space<vmem>> -> memref<128xi32, #tpu.memory_space<vmem>>
      %dma_wait3A_105 = arith.constant 0 : i32
      %dma_wait3A_106 = arith.constant 0 : i32
      %dma_wait3A_107 = tpu.memref_slice %arg4[%dma_wait3A_105, %dma_wait3A_106] : memref<20000x128xf32, #tpu.memory_space<hbm>> -> memref<20000x128xf32, #tpu.memory_space<hbm>>
      tpu.wait_indirect_dma semaphore(%arg13 : memref<!tpu.dma_semaphore, #tpu.memory_space<semaphore_mem>>) src(%dma_wait3A_107 : memref<20000x128xf32, #tpu.memory_space<hbm>>) dst(%arg10 : memref<128x128xf32, #tpu.memory_space<vmem>>)
      %dma_start3A_108 = arith.constant 3 : i32
      %dma_start3A_109 = arith.constant 0 : i32
      %dma_start3A_110 = tpu.memref_slice %arg8[%dma_start3A_108, %dma_start3A_109] : memref<16x128xi32, #tpu.memory_space<vmem>> -> memref<1x128xi32, #tpu.memory_space<vmem>>
      %dma_start3A_111 = tpu.memref_squeeze %dma_start3A_110 : memref<1x128xi32, #tpu.memory_space<vmem>> -> memref<128xi32, #tpu.memory_space<vmem>>
      %dma_start3A_112 = arith.constant 0 : i32
      %dma_start3A_113 = arith.constant 0 : i32
      %dma_start3A_114 = tpu.memref_slice %arg11[%dma_start3A_112, %dma_start3A_113] : memref<10112x128xf32, #tpu.memory_space<vmem_shared>> -> memref<10112x128xf32, #tpu.memory_space<vmem_shared>>
      tpu.enqueue_indirect_dma source(%arg10 : memref<128x128xf32, #tpu.memory_space<vmem>>) target(%dma_start3A_114 : memref<10112x128xf32, #tpu.memory_space<vmem_shared>>) offsets(%dma_start3A_111 : memref<128xi32, #tpu.memory_space<vmem>>) semaphore(%arg15 : memref<!tpu.dma_semaphore, #tpu.memory_space<semaphore_mem>>) {add = true}
      %dma_wait3A_115 = arith.constant 2 : i32
      %dma_wait3A_116 = arith.constant 0 : i32
      %dma_wait3A_117 = tpu.memref_slice %arg8[%dma_wait3A_115, %dma_wait3A_116] : memref<16x128xi32, #tpu.memory_space<vmem>> -> memref<1x128xi32, #tpu.memory_space<vmem>>
      %dma_wait3A_118 = tpu.memref_squeeze %dma_wait3A_117 : memref<1x128xi32, #tpu.memory_space<vmem>> -> memref<128xi32, #tpu.memory_space<vmem>>
      %dma_wait3A_119 = arith.constant 0 : i32
      %dma_wait3A_120 = arith.constant 0 : i32
      %dma_wait3A_121 = tpu.memref_slice %arg11[%dma_wait3A_119, %dma_wait3A_120] : memref<10112x128xf32, #tpu.memory_space<vmem_shared>> -> memref<10112x128xf32, #tpu.memory_space<vmem_shared>>
      tpu.wait_indirect_dma semaphore(%arg14 : memref<!tpu.dma_semaphore, #tpu.memory_space<semaphore_mem>>) src(%arg9 : memref<128x128xf32, #tpu.memory_space<vmem>>) dst(%dma_wait3A_121 : memref<10112x128xf32, #tpu.memory_space<vmem_shared>>)
      %dma_start3A_122 = arith.constant 4 : i32
      %dma_start3A_123 = arith.constant 0 : i32
      %dma_start3A_124 = tpu.memref_slice %arg7[%dma_start3A_122, %dma_start3A_123] : memref<16x128xi32, #tpu.memory_space<vmem>> -> memref<1x128xi32, #tpu.memory_space<vmem>>
      %dma_start3A_125 = tpu.memref_squeeze %dma_start3A_124 : memref<1x128xi32, #tpu.memory_space<vmem>> -> memref<128xi32, #tpu.memory_space<vmem>>
      %dma_start3A_126 = arith.constant 0 : i32
      %dma_start3A_127 = arith.constant 0 : i32
      %dma_start3A_128 = tpu.memref_slice %arg4[%dma_start3A_126, %dma_start3A_127] : memref<20000x128xf32, #tpu.memory_space<hbm>> -> memref<20000x128xf32, #tpu.memory_space<hbm>>
      tpu.enqueue_indirect_dma source(%dma_start3A_128 : memref<20000x128xf32, #tpu.memory_space<hbm>>) target(%arg9 : memref<128x128xf32, #tpu.memory_space<vmem>>) offsets(%dma_start3A_125 : memref<128xi32, #tpu.memory_space<vmem>>) semaphore(%arg12 : memref<!tpu.dma_semaphore, #tpu.memory_space<semaphore_mem>>)
      %dma_wait3A_129 = arith.constant 4 : i32
      %dma_wait3A_130 = arith.constant 0 : i32
      %dma_wait3A_131 = tpu.memref_slice %arg7[%dma_wait3A_129, %dma_wait3A_130] : memref<16x128xi32, #tpu.memory_space<vmem>> -> memref<1x128xi32, #tpu.memory_space<vmem>>
      %dma_wait3A_132 = tpu.memref_squeeze %dma_wait3A_131 : memref<1x128xi32, #tpu.memory_space<vmem>> -> memref<128xi32, #tpu.memory_space<vmem>>
      %dma_wait3A_133 = arith.constant 0 : i32
      %dma_wait3A_134 = arith.constant 0 : i32
      %dma_wait3A_135 = tpu.memref_slice %arg4[%dma_wait3A_133, %dma_wait3A_134] : memref<20000x128xf32, #tpu.memory_space<hbm>> -> memref<20000x128xf32, #tpu.memory_space<hbm>>
      tpu.wait_indirect_dma semaphore(%arg12 : memref<!tpu.dma_semaphore, #tpu.memory_space<semaphore_mem>>) src(%dma_wait3A_135 : memref<20000x128xf32, #tpu.memory_space<hbm>>) dst(%arg9 : memref<128x128xf32, #tpu.memory_space<vmem>>)
      %dma_start3A_136 = arith.constant 4 : i32
      %dma_start3A_137 = arith.constant 0 : i32
      %dma_start3A_138 = tpu.memref_slice %arg8[%dma_start3A_136, %dma_start3A_137] : memref<16x128xi32, #tpu.memory_space<vmem>> -> memref<1x128xi32, #tpu.memory_space<vmem>>
      %dma_start3A_139 = tpu.memref_squeeze %dma_start3A_138 : memref<1x128xi32, #tpu.memory_space<vmem>> -> memref<128xi32, #tpu.memory_space<vmem>>
      %dma_start3A_140 = arith.constant 0 : i32
      %dma_start3A_141 = arith.constant 0 : i32
      %dma_start3A_142 = tpu.memref_slice %arg11[%dma_start3A_140, %dma_start3A_141] : memref<10112x128xf32, #tpu.memory_space<vmem_shared>> -> memref<10112x128xf32, #tpu.memory_space<vmem_shared>>
      tpu.enqueue_indirect_dma source(%arg9 : memref<128x128xf32, #tpu.memory_space<vmem>>) target(%dma_start3A_142 : memref<10112x128xf32, #tpu.memory_space<vmem_shared>>) offsets(%dma_start3A_139 : memref<128xi32, #tpu.memory_space<vmem>>) semaphore(%arg14 : memref<!tpu.dma_semaphore, #tpu.memory_space<semaphore_mem>>) {add = true}
      %dma_wait3A_143 = arith.constant 3 : i32
      %dma_wait3A_144 = arith.constant 0 : i32
      %dma_wait3A_145 = tpu.memref_slice %arg8[%dma_wait3A_143, %dma_wait3A_144] : memref<16x128xi32, #tpu.memory_space<vmem>> -> memref<1x128xi32, #tpu.memory_space<vmem>>
      %dma_wait3A_146 = tpu.memref_squeeze %dma_wait3A_145 : memref<1x128xi32, #tpu.memory_space<vmem>> -> memref<128xi32, #tpu.memory_space<vmem>>
      %dma_wait3A_147 = arith.constant 0 : i32
      %dma_wait3A_148 = arith.constant 0 : i32
      %dma_wait3A_149 = tpu.memref_slice %arg11[%dma_wait3A_147, %dma_wait3A_148] : memref<10112x128xf32, #tpu.memory_space<vmem_shared>> -> memref<10112x128xf32, #tpu.memory_space<vmem_shared>>
      tpu.wait_indirect_dma semaphore(%arg15 : memref<!tpu.dma_semaphore, #tpu.memory_space<semaphore_mem>>) src(%arg10 : memref<128x128xf32, #tpu.memory_space<vmem>>) dst(%dma_wait3A_149 : memref<10112x128xf32, #tpu.memory_space<vmem_shared>>)
      %dma_start3A_150 = arith.constant 5 : i32
      %dma_start3A_151 = arith.constant 0 : i32
      %dma_start3A_152 = tpu.memref_slice %arg7[%dma_start3A_150, %dma_start3A_151] : memref<16x128xi32, #tpu.memory_space<vmem>> -> memref<1x128xi32, #tpu.memory_space<vmem>>
      %dma_start3A_153 = tpu.memref_squeeze %dma_start3A_152 : memref<1x128xi32, #tpu.memory_space<vmem>> -> memref<128xi32, #tpu.memory_space<vmem>>
      %dma_start3A_154 = arith.constant 0 : i32
      %dma_start3A_155 = arith.constant 0 : i32
      %dma_start3A_156 = tpu.memref_slice %arg4[%dma_start3A_154, %dma_start3A_155] : memref<20000x128xf32, #tpu.memory_space<hbm>> -> memref<20000x128xf32, #tpu.memory_space<hbm>>
      tpu.enqueue_indirect_dma source(%dma_start3A_156 : memref<20000x128xf32, #tpu.memory_space<hbm>>) target(%arg10 : memref<128x128xf32, #tpu.memory_space<vmem>>) offsets(%dma_start3A_153 : memref<128xi32, #tpu.memory_space<vmem>>) semaphore(%arg13 : memref<!tpu.dma_semaphore, #tpu.memory_space<semaphore_mem>>)
      %dma_wait3A_157 = arith.constant 5 : i32
      %dma_wait3A_158 = arith.constant 0 : i32
      %dma_wait3A_159 = tpu.memref_slice %arg7[%dma_wait3A_157, %dma_wait3A_158] : memref<16x128xi32, #tpu.memory_space<vmem>> -> memref<1x128xi32, #tpu.memory_space<vmem>>
      %dma_wait3A_160 = tpu.memref_squeeze %dma_wait3A_159 : memref<1x128xi32, #tpu.memory_space<vmem>> -> memref<128xi32, #tpu.memory_space<vmem>>
      %dma_wait3A_161 = arith.constant 0 : i32
      %dma_wait3A_162 = arith.constant 0 : i32
      %dma_wait3A_163 = tpu.memref_slice %arg4[%dma_wait3A_161, %dma_wait3A_162] : memref<20000x128xf32, #tpu.memory_space<hbm>> -> memref<20000x128xf32, #tpu.memory_space<hbm>>
      tpu.wait_indirect_dma semaphore(%arg13 : memref<!tpu.dma_semaphore, #tpu.memory_space<semaphore_mem>>) src(%dma_wait3A_163 : memref<20000x128xf32, #tpu.memory_space<hbm>>) dst(%arg10 : memref<128x128xf32, #tpu.memory_space<vmem>>)
      %dma_start3A_164 = arith.constant 5 : i32
      %dma_start3A_165 = arith.constant 0 : i32
      %dma_start3A_166 = tpu.memref_slice %arg8[%dma_start3A_164, %dma_start3A_165] : memref<16x128xi32, #tpu.memory_space<vmem>> -> memref<1x128xi32, #tpu.memory_space<vmem>>
      %dma_start3A_167 = tpu.memref_squeeze %dma_start3A_166 : memref<1x128xi32, #tpu.memory_space<vmem>> -> memref<128xi32, #tpu.memory_space<vmem>>
      %dma_start3A_168 = arith.constant 0 : i32
      %dma_start3A_169 = arith.constant 0 : i32
      %dma_start3A_170 = tpu.memref_slice %arg11[%dma_start3A_168, %dma_start3A_169] : memref<10112x128xf32, #tpu.memory_space<vmem_shared>> -> memref<10112x128xf32, #tpu.memory_space<vmem_shared>>
      tpu.enqueue_indirect_dma source(%arg10 : memref<128x128xf32, #tpu.memory_space<vmem>>) target(%dma_start3A_170 : memref<10112x128xf32, #tpu.memory_space<vmem_shared>>) offsets(%dma_start3A_167 : memref<128xi32, #tpu.memory_space<vmem>>) semaphore(%arg15 : memref<!tpu.dma_semaphore, #tpu.memory_space<semaphore_mem>>) {add = true}
      %dma_wait3A_171 = arith.constant 4 : i32
      %dma_wait3A_172 = arith.constant 0 : i32
      %dma_wait3A_173 = tpu.memref_slice %arg8[%dma_wait3A_171, %dma_wait3A_172] : memref<16x128xi32, #tpu.memory_space<vmem>> -> memref<1x128xi32, #tpu.memory_space<vmem>>
      %dma_wait3A_174 = tpu.memref_squeeze %dma_wait3A_173 : memref<1x128xi32, #tpu.memory_space<vmem>> -> memref<128xi32, #tpu.memory_space<vmem>>
      %dma_wait3A_175 = arith.constant 0 : i32
      %dma_wait3A_176 = arith.constant 0 : i32
      %dma_wait3A_177 = tpu.memref_slice %arg11[%dma_wait3A_175, %dma_wait3A_176] : memref<10112x128xf32, #tpu.memory_space<vmem_shared>> -> memref<10112x128xf32, #tpu.memory_space<vmem_shared>>
      tpu.wait_indirect_dma semaphore(%arg14 : memref<!tpu.dma_semaphore, #tpu.memory_space<semaphore_mem>>) src(%arg9 : memref<128x128xf32, #tpu.memory_space<vmem>>) dst(%dma_wait3A_177 : memref<10112x128xf32, #tpu.memory_space<vmem_shared>>)
      %dma_start3A_178 = arith.constant 6 : i32
      %dma_start3A_179 = arith.constant 0 : i32
      %dma_start3A_180 = tpu.memref_slice %arg7[%dma_start3A_178, %dma_start3A_179] : memref<16x128xi32, #tpu.memory_space<vmem>> -> memref<1x128xi32, #tpu.memory_space<vmem>>
      %dma_start3A_181 = tpu.memref_squeeze %dma_start3A_180 : memref<1x128xi32, #tpu.memory_space<vmem>> -> memref<128xi32, #tpu.memory_space<vmem>>
      %dma_start3A_182 = arith.constant 0 : i32
      %dma_start3A_183 = arith.constant 0 : i32
      %dma_start3A_184 = tpu.memref_slice %arg4[%dma_start3A_182, %dma_start3A_183] : memref<20000x128xf32, #tpu.memory_space<hbm>> -> memref<20000x128xf32, #tpu.memory_space<hbm>>
      tpu.enqueue_indirect_dma source(%dma_start3A_184 : memref<20000x128xf32, #tpu.memory_space<hbm>>) target(%arg9 : memref<128x128xf32, #tpu.memory_space<vmem>>) offsets(%dma_start3A_181 : memref<128xi32, #tpu.memory_space<vmem>>) semaphore(%arg12 : memref<!tpu.dma_semaphore, #tpu.memory_space<semaphore_mem>>)
      %dma_wait3A_185 = arith.constant 6 : i32
      %dma_wait3A_186 = arith.constant 0 : i32
      %dma_wait3A_187 = tpu.memref_slice %arg7[%dma_wait3A_185, %dma_wait3A_186] : memref<16x128xi32, #tpu.memory_space<vmem>> -> memref<1x128xi32, #tpu.memory_space<vmem>>
      %dma_wait3A_188 = tpu.memref_squeeze %dma_wait3A_187 : memref<1x128xi32, #tpu.memory_space<vmem>> -> memref<128xi32, #tpu.memory_space<vmem>>
      %dma_wait3A_189 = arith.constant 0 : i32
      %dma_wait3A_190 = arith.constant 0 : i32
      %dma_wait3A_191 = tpu.memref_slice %arg4[%dma_wait3A_189, %dma_wait3A_190] : memref<20000x128xf32, #tpu.memory_space<hbm>> -> memref<20000x128xf32, #tpu.memory_space<hbm>>
      tpu.wait_indirect_dma semaphore(%arg12 : memref<!tpu.dma_semaphore, #tpu.memory_space<semaphore_mem>>) src(%dma_wait3A_191 : memref<20000x128xf32, #tpu.memory_space<hbm>>) dst(%arg9 : memref<128x128xf32, #tpu.memory_space<vmem>>)
      %dma_start3A_192 = arith.constant 6 : i32
      %dma_start3A_193 = arith.constant 0 : i32
      %dma_start3A_194 = tpu.memref_slice %arg8[%dma_start3A_192, %dma_start3A_193] : memref<16x128xi32, #tpu.memory_space<vmem>> -> memref<1x128xi32, #tpu.memory_space<vmem>>
      %dma_start3A_195 = tpu.memref_squeeze %dma_start3A_194 : memref<1x128xi32, #tpu.memory_space<vmem>> -> memref<128xi32, #tpu.memory_space<vmem>>
      %dma_start3A_196 = arith.constant 0 : i32
      %dma_start3A_197 = arith.constant 0 : i32
      %dma_start3A_198 = tpu.memref_slice %arg11[%dma_start3A_196, %dma_start3A_197] : memref<10112x128xf32, #tpu.memory_space<vmem_shared>> -> memref<10112x128xf32, #tpu.memory_space<vmem_shared>>
      tpu.enqueue_indirect_dma source(%arg9 : memref<128x128xf32, #tpu.memory_space<vmem>>) target(%dma_start3A_198 : memref<10112x128xf32, #tpu.memory_space<vmem_shared>>) offsets(%dma_start3A_195 : memref<128xi32, #tpu.memory_space<vmem>>) semaphore(%arg14 : memref<!tpu.dma_semaphore, #tpu.memory_space<semaphore_mem>>) {add = true}
      %dma_wait3A_199 = arith.constant 5 : i32
      %dma_wait3A_200 = arith.constant 0 : i32
      %dma_wait3A_201 = tpu.memref_slice %arg8[%dma_wait3A_199, %dma_wait3A_200] : memref<16x128xi32, #tpu.memory_space<vmem>> -> memref<1x128xi32, #tpu.memory_space<vmem>>
      %dma_wait3A_202 = tpu.memref_squeeze %dma_wait3A_201 : memref<1x128xi32, #tpu.memory_space<vmem>> -> memref<128xi32, #tpu.memory_space<vmem>>
      %dma_wait3A_203 = arith.constant 0 : i32
      %dma_wait3A_204 = arith.constant 0 : i32
      %dma_wait3A_205 = tpu.memref_slice %arg11[%dma_wait3A_203, %dma_wait3A_204] : memref<10112x128xf32, #tpu.memory_space<vmem_shared>> -> memref<10112x128xf32, #tpu.memory_space<vmem_shared>>
      tpu.wait_indirect_dma semaphore(%arg15 : memref<!tpu.dma_semaphore, #tpu.memory_space<semaphore_mem>>) src(%arg10 : memref<128x128xf32, #tpu.memory_space<vmem>>) dst(%dma_wait3A_205 : memref<10112x128xf32, #tpu.memory_space<vmem_shared>>)
      %dma_start3A_206 = arith.constant 7 : i32
      %dma_start3A_207 = arith.constant 0 : i32
      %dma_start3A_208 = tpu.memref_slice %arg7[%dma_start3A_206, %dma_start3A_207] : memref<16x128xi32, #tpu.memory_space<vmem>> -> memref<1x128xi32, #tpu.memory_space<vmem>>
      %dma_start3A_209 = tpu.memref_squeeze %dma_start3A_208 : memref<1x128xi32, #tpu.memory_space<vmem>> -> memref<128xi32, #tpu.memory_space<vmem>>
      %dma_start3A_210 = arith.constant 0 : i32
      %dma_start3A_211 = arith.constant 0 : i32
      %dma_start3A_212 = tpu.memref_slice %arg4[%dma_start3A_210, %dma_start3A_211] : memref<20000x128xf32, #tpu.memory_space<hbm>> -> memref<20000x128xf32, #tpu.memory_space<hbm>>
      tpu.enqueue_indirect_dma source(%dma_start3A_212 : memref<20000x128xf32, #tpu.memory_space<hbm>>) target(%arg10 : memref<128x128xf32, #tpu.memory_space<vmem>>) offsets(%dma_start3A_209 : memref<128xi32, #tpu.memory_space<vmem>>) semaphore(%arg13 : memref<!tpu.dma_semaphore, #tpu.memory_space<semaphore_mem>>)
      %dma_wait3A_213 = arith.constant 7 : i32
      %dma_wait3A_214 = arith.constant 0 : i32
      %dma_wait3A_215 = tpu.memref_slice %arg7[%dma_wait3A_213, %dma_wait3A_214] : memref<16x128xi32, #tpu.memory_space<vmem>> -> memref<1x128xi32, #tpu.memory_space<vmem>>
      %dma_wait3A_216 = tpu.memref_squeeze %dma_wait3A_215 : memref<1x128xi32, #tpu.memory_space<vmem>> -> memref<128xi32, #tpu.memory_space<vmem>>
      %dma_wait3A_217 = arith.constant 0 : i32
      %dma_wait3A_218 = arith.constant 0 : i32
      %dma_wait3A_219 = tpu.memref_slice %arg4[%dma_wait3A_217, %dma_wait3A_218] : memref<20000x128xf32, #tpu.memory_space<hbm>> -> memref<20000x128xf32, #tpu.memory_space<hbm>>
      tpu.wait_indirect_dma semaphore(%arg13 : memref<!tpu.dma_semaphore, #tpu.memory_space<semaphore_mem>>) src(%dma_wait3A_219 : memref<20000x128xf32, #tpu.memory_space<hbm>>) dst(%arg10 : memref<128x128xf32, #tpu.memory_space<vmem>>)
      %dma_start3A_220 = arith.constant 7 : i32
      %dma_start3A_221 = arith.constant 0 : i32
      %dma_start3A_222 = tpu.memref_slice %arg8[%dma_start3A_220, %dma_start3A_221] : memref<16x128xi32, #tpu.memory_space<vmem>> -> memref<1x128xi32, #tpu.memory_space<vmem>>
      %dma_start3A_223 = tpu.memref_squeeze %dma_start3A_222 : memref<1x128xi32, #tpu.memory_space<vmem>> -> memref<128xi32, #tpu.memory_space<vmem>>
      %dma_start3A_224 = arith.constant 0 : i32
      %dma_start3A_225 = arith.constant 0 : i32
      %dma_start3A_226 = tpu.memref_slice %arg11[%dma_start3A_224, %dma_start3A_225] : memref<10112x128xf32, #tpu.memory_space<vmem_shared>> -> memref<10112x128xf32, #tpu.memory_space<vmem_shared>>
      tpu.enqueue_indirect_dma source(%arg10 : memref<128x128xf32, #tpu.memory_space<vmem>>) target(%dma_start3A_226 : memref<10112x128xf32, #tpu.memory_space<vmem_shared>>) offsets(%dma_start3A_223 : memref<128xi32, #tpu.memory_space<vmem>>) semaphore(%arg15 : memref<!tpu.dma_semaphore, #tpu.memory_space<semaphore_mem>>) {add = true}
      %dma_wait3A_227 = arith.constant 6 : i32
      %dma_wait3A_228 = arith.constant 0 : i32
      %dma_wait3A_229 = tpu.memref_slice %arg8[%dma_wait3A_227, %dma_wait3A_228] : memref<16x128xi32, #tpu.memory_space<vmem>> -> memref<1x128xi32, #tpu.memory_space<vmem>>
      %dma_wait3A_230 = tpu.memref_squeeze %dma_wait3A_229 : memref<1x128xi32, #tpu.memory_space<vmem>> -> memref<128xi32, #tpu.memory_space<vmem>>
      %dma_wait3A_231 = arith.constant 0 : i32
      %dma_wait3A_232 = arith.constant 0 : i32
      %dma_wait3A_233 = tpu.memref_slice %arg11[%dma_wait3A_231, %dma_wait3A_232] : memref<10112x128xf32, #tpu.memory_space<vmem_shared>> -> memref<10112x128xf32, #tpu.memory_space<vmem_shared>>
      tpu.wait_indirect_dma semaphore(%arg14 : memref<!tpu.dma_semaphore, #tpu.memory_space<semaphore_mem>>) src(%arg9 : memref<128x128xf32, #tpu.memory_space<vmem>>) dst(%dma_wait3A_233 : memref<10112x128xf32, #tpu.memory_space<vmem_shared>>)
      %dma_start3A_234 = arith.constant 8 : i32
      %dma_start3A_235 = arith.constant 0 : i32
      %dma_start3A_236 = tpu.memref_slice %arg7[%dma_start3A_234, %dma_start3A_235] : memref<16x128xi32, #tpu.memory_space<vmem>> -> memref<1x128xi32, #tpu.memory_space<vmem>>
      %dma_start3A_237 = tpu.memref_squeeze %dma_start3A_236 : memref<1x128xi32, #tpu.memory_space<vmem>> -> memref<128xi32, #tpu.memory_space<vmem>>
      %dma_start3A_238 = arith.constant 0 : i32
      %dma_start3A_239 = arith.constant 0 : i32
      %dma_start3A_240 = tpu.memref_slice %arg4[%dma_start3A_238, %dma_start3A_239] : memref<20000x128xf32, #tpu.memory_space<hbm>> -> memref<20000x128xf32, #tpu.memory_space<hbm>>
      tpu.enqueue_indirect_dma source(%dma_start3A_240 : memref<20000x128xf32, #tpu.memory_space<hbm>>) target(%arg9 : memref<128x128xf32, #tpu.memory_space<vmem>>) offsets(%dma_start3A_237 : memref<128xi32, #tpu.memory_space<vmem>>) semaphore(%arg12 : memref<!tpu.dma_semaphore, #tpu.memory_space<semaphore_mem>>)
      %dma_wait3A_241 = arith.constant 8 : i32
      %dma_wait3A_242 = arith.constant 0 : i32
      %dma_wait3A_243 = tpu.memref_slice %arg7[%dma_wait3A_241, %dma_wait3A_242] : memref<16x128xi32, #tpu.memory_space<vmem>> -> memref<1x128xi32, #tpu.memory_space<vmem>>
      %dma_wait3A_244 = tpu.memref_squeeze %dma_wait3A_243 : memref<1x128xi32, #tpu.memory_space<vmem>> -> memref<128xi32, #tpu.memory_space<vmem>>
      %dma_wait3A_245 = arith.constant 0 : i32
      %dma_wait3A_246 = arith.constant 0 : i32
      %dma_wait3A_247 = tpu.memref_slice %arg4[%dma_wait3A_245, %dma_wait3A_246] : memref<20000x128xf32, #tpu.memory_space<hbm>> -> memref<20000x128xf32, #tpu.memory_space<hbm>>
      tpu.wait_indirect_dma semaphore(%arg12 : memref<!tpu.dma_semaphore, #tpu.memory_space<semaphore_mem>>) src(%dma_wait3A_247 : memref<20000x128xf32, #tpu.memory_space<hbm>>) dst(%arg9 : memref<128x128xf32, #tpu.memory_space<vmem>>)
      %dma_start3A_248 = arith.constant 8 : i32
      %dma_start3A_249 = arith.constant 0 : i32
      %dma_start3A_250 = tpu.memref_slice %arg8[%dma_start3A_248, %dma_start3A_249] : memref<16x128xi32, #tpu.memory_space<vmem>> -> memref<1x128xi32, #tpu.memory_space<vmem>>
      %dma_start3A_251 = tpu.memref_squeeze %dma_start3A_250 : memref<1x128xi32, #tpu.memory_space<vmem>> -> memref<128xi32, #tpu.memory_space<vmem>>
      %dma_start3A_252 = arith.constant 0 : i32
      %dma_start3A_253 = arith.constant 0 : i32
      %dma_start3A_254 = tpu.memref_slice %arg11[%dma_start3A_252, %dma_start3A_253] : memref<10112x128xf32, #tpu.memory_space<vmem_shared>> -> memref<10112x128xf32, #tpu.memory_space<vmem_shared>>
      tpu.enqueue_indirect_dma source(%arg9 : memref<128x128xf32, #tpu.memory_space<vmem>>) target(%dma_start3A_254 : memref<10112x128xf32, #tpu.memory_space<vmem_shared>>) offsets(%dma_start3A_251 : memref<128xi32, #tpu.memory_space<vmem>>) semaphore(%arg14 : memref<!tpu.dma_semaphore, #tpu.memory_space<semaphore_mem>>) {add = true}
      %dma_wait3A_255 = arith.constant 7 : i32
      %dma_wait3A_256 = arith.constant 0 : i32
      %dma_wait3A_257 = tpu.memref_slice %arg8[%dma_wait3A_255, %dma_wait3A_256] : memref<16x128xi32, #tpu.memory_space<vmem>> -> memref<1x128xi32, #tpu.memory_space<vmem>>
      %dma_wait3A_258 = tpu.memref_squeeze %dma_wait3A_257 : memref<1x128xi32, #tpu.memory_space<vmem>> -> memref<128xi32, #tpu.memory_space<vmem>>
      %dma_wait3A_259 = arith.constant 0 : i32
      %dma_wait3A_260 = arith.constant 0 : i32
      %dma_wait3A_261 = tpu.memref_slice %arg11[%dma_wait3A_259, %dma_wait3A_260] : memref<10112x128xf32, #tpu.memory_space<vmem_shared>> -> memref<10112x128xf32, #tpu.memory_space<vmem_shared>>
      tpu.wait_indirect_dma semaphore(%arg15 : memref<!tpu.dma_semaphore, #tpu.memory_space<semaphore_mem>>) src(%arg10 : memref<128x128xf32, #tpu.memory_space<vmem>>) dst(%dma_wait3A_261 : memref<10112x128xf32, #tpu.memory_space<vmem_shared>>)
      %dma_start3A_262 = arith.constant 9 : i32
      %dma_start3A_263 = arith.constant 0 : i32
      %dma_start3A_264 = tpu.memref_slice %arg7[%dma_start3A_262, %dma_start3A_263] : memref<16x128xi32, #tpu.memory_space<vmem>> -> memref<1x128xi32, #tpu.memory_space<vmem>>
      %dma_start3A_265 = tpu.memref_squeeze %dma_start3A_264 : memref<1x128xi32, #tpu.memory_space<vmem>> -> memref<128xi32, #tpu.memory_space<vmem>>
      %dma_start3A_266 = arith.constant 0 : i32
      %dma_start3A_267 = arith.constant 0 : i32
      %dma_start3A_268 = tpu.memref_slice %arg4[%dma_start3A_266, %dma_start3A_267] : memref<20000x128xf32, #tpu.memory_space<hbm>> -> memref<20000x128xf32, #tpu.memory_space<hbm>>
      tpu.enqueue_indirect_dma source(%dma_start3A_268 : memref<20000x128xf32, #tpu.memory_space<hbm>>) target(%arg10 : memref<128x128xf32, #tpu.memory_space<vmem>>) offsets(%dma_start3A_265 : memref<128xi32, #tpu.memory_space<vmem>>) semaphore(%arg13 : memref<!tpu.dma_semaphore, #tpu.memory_space<semaphore_mem>>)
      %dma_wait3A_269 = arith.constant 9 : i32
      %dma_wait3A_270 = arith.constant 0 : i32
      %dma_wait3A_271 = tpu.memref_slice %arg7[%dma_wait3A_269, %dma_wait3A_270] : memref<16x128xi32, #tpu.memory_space<vmem>> -> memref<1x128xi32, #tpu.memory_space<vmem>>
      %dma_wait3A_272 = tpu.memref_squeeze %dma_wait3A_271 : memref<1x128xi32, #tpu.memory_space<vmem>> -> memref<128xi32, #tpu.memory_space<vmem>>
      %dma_wait3A_273 = arith.constant 0 : i32
      %dma_wait3A_274 = arith.constant 0 : i32
      %dma_wait3A_275 = tpu.memref_slice %arg4[%dma_wait3A_273, %dma_wait3A_274] : memref<20000x128xf32, #tpu.memory_space<hbm>> -> memref<20000x128xf32, #tpu.memory_space<hbm>>
      tpu.wait_indirect_dma semaphore(%arg13 : memref<!tpu.dma_semaphore, #tpu.memory_space<semaphore_mem>>) src(%dma_wait3A_275 : memref<20000x128xf32, #tpu.memory_space<hbm>>) dst(%arg10 : memref<128x128xf32, #tpu.memory_space<vmem>>)
      %dma_start3A_276 = arith.constant 9 : i32
      %dma_start3A_277 = arith.constant 0 : i32
      %dma_start3A_278 = tpu.memref_slice %arg8[%dma_start3A_276, %dma_start3A_277] : memref<16x128xi32, #tpu.memory_space<vmem>> -> memref<1x128xi32, #tpu.memory_space<vmem>>
      %dma_start3A_279 = tpu.memref_squeeze %dma_start3A_278 : memref<1x128xi32, #tpu.memory_space<vmem>> -> memref<128xi32, #tpu.memory_space<vmem>>
      %dma_start3A_280 = arith.constant 0 : i32
      %dma_start3A_281 = arith.constant 0 : i32
      %dma_start3A_282 = tpu.memref_slice %arg11[%dma_start3A_280, %dma_start3A_281] : memref<10112x128xf32, #tpu.memory_space<vmem_shared>> -> memref<10112x128xf32, #tpu.memory_space<vmem_shared>>
      tpu.enqueue_indirect_dma source(%arg10 : memref<128x128xf32, #tpu.memory_space<vmem>>) target(%dma_start3A_282 : memref<10112x128xf32, #tpu.memory_space<vmem_shared>>) offsets(%dma_start3A_279 : memref<128xi32, #tpu.memory_space<vmem>>) semaphore(%arg15 : memref<!tpu.dma_semaphore, #tpu.memory_space<semaphore_mem>>) {add = true}
      %dma_wait3A_283 = arith.constant 8 : i32
      %dma_wait3A_284 = arith.constant 0 : i32
      %dma_wait3A_285 = tpu.memref_slice %arg8[%dma_wait3A_283, %dma_wait3A_284] : memref<16x128xi32, #tpu.memory_space<vmem>> -> memref<1x128xi32, #tpu.memory_space<vmem>>
      %dma_wait3A_286 = tpu.memref_squeeze %dma_wait3A_285 : memref<1x128xi32, #tpu.memory_space<vmem>> -> memref<128xi32, #tpu.memory_space<vmem>>
      %dma_wait3A_287 = arith.constant 0 : i32
      %dma_wait3A_288 = arith.constant 0 : i32
      %dma_wait3A_289 = tpu.memref_slice %arg11[%dma_wait3A_287, %dma_wait3A_288] : memref<10112x128xf32, #tpu.memory_space<vmem_shared>> -> memref<10112x128xf32, #tpu.memory_space<vmem_shared>>
      tpu.wait_indirect_dma semaphore(%arg14 : memref<!tpu.dma_semaphore, #tpu.memory_space<semaphore_mem>>) src(%arg9 : memref<128x128xf32, #tpu.memory_space<vmem>>) dst(%dma_wait3A_289 : memref<10112x128xf32, #tpu.memory_space<vmem_shared>>)
      %dma_start3A_290 = arith.constant 10 : i32
      %dma_start3A_291 = arith.constant 0 : i32
      %dma_start3A_292 = tpu.memref_slice %arg7[%dma_start3A_290, %dma_start3A_291] : memref<16x128xi32, #tpu.memory_space<vmem>> -> memref<1x128xi32, #tpu.memory_space<vmem>>
      %dma_start3A_293 = tpu.memref_squeeze %dma_start3A_292 : memref<1x128xi32, #tpu.memory_space<vmem>> -> memref<128xi32, #tpu.memory_space<vmem>>
      %dma_start3A_294 = arith.constant 0 : i32
      %dma_start3A_295 = arith.constant 0 : i32
      %dma_start3A_296 = tpu.memref_slice %arg4[%dma_start3A_294, %dma_start3A_295] : memref<20000x128xf32, #tpu.memory_space<hbm>> -> memref<20000x128xf32, #tpu.memory_space<hbm>>
      tpu.enqueue_indirect_dma source(%dma_start3A_296 : memref<20000x128xf32, #tpu.memory_space<hbm>>) target(%arg9 : memref<128x128xf32, #tpu.memory_space<vmem>>) offsets(%dma_start3A_293 : memref<128xi32, #tpu.memory_space<vmem>>) semaphore(%arg12 : memref<!tpu.dma_semaphore, #tpu.memory_space<semaphore_mem>>)
      %dma_wait3A_297 = arith.constant 10 : i32
      %dma_wait3A_298 = arith.constant 0 : i32
      %dma_wait3A_299 = tpu.memref_slice %arg7[%dma_wait3A_297, %dma_wait3A_298] : memref<16x128xi32, #tpu.memory_space<vmem>> -> memref<1x128xi32, #tpu.memory_space<vmem>>
      %dma_wait3A_300 = tpu.memref_squeeze %dma_wait3A_299 : memref<1x128xi32, #tpu.memory_space<vmem>> -> memref<128xi32, #tpu.memory_space<vmem>>
      %dma_wait3A_301 = arith.constant 0 : i32
      %dma_wait3A_302 = arith.constant 0 : i32
      %dma_wait3A_303 = tpu.memref_slice %arg4[%dma_wait3A_301, %dma_wait3A_302] : memref<20000x128xf32, #tpu.memory_space<hbm>> -> memref<20000x128xf32, #tpu.memory_space<hbm>>
      tpu.wait_indirect_dma semaphore(%arg12 : memref<!tpu.dma_semaphore, #tpu.memory_space<semaphore_mem>>) src(%dma_wait3A_303 : memref<20000x128xf32, #tpu.memory_space<hbm>>) dst(%arg9 : memref<128x128xf32, #tpu.memory_space<vmem>>)
      %dma_start3A_304 = arith.constant 10 : i32
      %dma_start3A_305 = arith.constant 0 : i32
      %dma_start3A_306 = tpu.memref_slice %arg8[%dma_start3A_304, %dma_start3A_305] : memref<16x128xi32, #tpu.memory_space<vmem>> -> memref<1x128xi32, #tpu.memory_space<vmem>>
      %dma_start3A_307 = tpu.memref_squeeze %dma_start3A_306 : memref<1x128xi32, #tpu.memory_space<vmem>> -> memref<128xi32, #tpu.memory_space<vmem>>
      %dma_start3A_308 = arith.constant 0 : i32
      %dma_start3A_309 = arith.constant 0 : i32
      %dma_start3A_310 = tpu.memref_slice %arg11[%dma_start3A_308, %dma_start3A_309] : memref<10112x128xf32, #tpu.memory_space<vmem_shared>> -> memref<10112x128xf32, #tpu.memory_space<vmem_shared>>
      tpu.enqueue_indirect_dma source(%arg9 : memref<128x128xf32, #tpu.memory_space<vmem>>) target(%dma_start3A_310 : memref<10112x128xf32, #tpu.memory_space<vmem_shared>>) offsets(%dma_start3A_307 : memref<128xi32, #tpu.memory_space<vmem>>) semaphore(%arg14 : memref<!tpu.dma_semaphore, #tpu.memory_space<semaphore_mem>>) {add = true}
      %dma_wait3A_311 = arith.constant 9 : i32
      %dma_wait3A_312 = arith.constant 0 : i32
      %dma_wait3A_313 = tpu.memref_slice %arg8[%dma_wait3A_311, %dma_wait3A_312] : memref<16x128xi32, #tpu.memory_space<vmem>> -> memref<1x128xi32, #tpu.memory_space<vmem>>
      %dma_wait3A_314 = tpu.memref_squeeze %dma_wait3A_313 : memref<1x128xi32, #tpu.memory_space<vmem>> -> memref<128xi32, #tpu.memory_space<vmem>>
      %dma_wait3A_315 = arith.constant 0 : i32
      %dma_wait3A_316 = arith.constant 0 : i32
      %dma_wait3A_317 = tpu.memref_slice %arg11[%dma_wait3A_315, %dma_wait3A_316] : memref<10112x128xf32, #tpu.memory_space<vmem_shared>> -> memref<10112x128xf32, #tpu.memory_space<vmem_shared>>
      tpu.wait_indirect_dma semaphore(%arg15 : memref<!tpu.dma_semaphore, #tpu.memory_space<semaphore_mem>>) src(%arg10 : memref<128x128xf32, #tpu.memory_space<vmem>>) dst(%dma_wait3A_317 : memref<10112x128xf32, #tpu.memory_space<vmem_shared>>)
      %dma_start3A_318 = arith.constant 11 : i32
      %dma_start3A_319 = arith.constant 0 : i32
      %dma_start3A_320 = tpu.memref_slice %arg7[%dma_start3A_318, %dma_start3A_319] : memref<16x128xi32, #tpu.memory_space<vmem>> -> memref<1x128xi32, #tpu.memory_space<vmem>>
      %dma_start3A_321 = tpu.memref_squeeze %dma_start3A_320 : memref<1x128xi32, #tpu.memory_space<vmem>> -> memref<128xi32, #tpu.memory_space<vmem>>
      %dma_start3A_322 = arith.constant 0 : i32
      %dma_start3A_323 = arith.constant 0 : i32
      %dma_start3A_324 = tpu.memref_slice %arg4[%dma_start3A_322, %dma_start3A_323] : memref<20000x128xf32, #tpu.memory_space<hbm>> -> memref<20000x128xf32, #tpu.memory_space<hbm>>
      tpu.enqueue_indirect_dma source(%dma_start3A_324 : memref<20000x128xf32, #tpu.memory_space<hbm>>) target(%arg10 : memref<128x128xf32, #tpu.memory_space<vmem>>) offsets(%dma_start3A_321 : memref<128xi32, #tpu.memory_space<vmem>>) semaphore(%arg13 : memref<!tpu.dma_semaphore, #tpu.memory_space<semaphore_mem>>)
      %dma_wait3A_325 = arith.constant 11 : i32
      %dma_wait3A_326 = arith.constant 0 : i32
      %dma_wait3A_327 = tpu.memref_slice %arg7[%dma_wait3A_325, %dma_wait3A_326] : memref<16x128xi32, #tpu.memory_space<vmem>> -> memref<1x128xi32, #tpu.memory_space<vmem>>
      %dma_wait3A_328 = tpu.memref_squeeze %dma_wait3A_327 : memref<1x128xi32, #tpu.memory_space<vmem>> -> memref<128xi32, #tpu.memory_space<vmem>>
      %dma_wait3A_329 = arith.constant 0 : i32
      %dma_wait3A_330 = arith.constant 0 : i32
      %dma_wait3A_331 = tpu.memref_slice %arg4[%dma_wait3A_329, %dma_wait3A_330] : memref<20000x128xf32, #tpu.memory_space<hbm>> -> memref<20000x128xf32, #tpu.memory_space<hbm>>
      tpu.wait_indirect_dma semaphore(%arg13 : memref<!tpu.dma_semaphore, #tpu.memory_space<semaphore_mem>>) src(%dma_wait3A_331 : memref<20000x128xf32, #tpu.memory_space<hbm>>) dst(%arg10 : memref<128x128xf32, #tpu.memory_space<vmem>>)
      %dma_start3A_332 = arith.constant 11 : i32
      %dma_start3A_333 = arith.constant 0 : i32
      %dma_start3A_334 = tpu.memref_slice %arg8[%dma_start3A_332, %dma_start3A_333] : memref<16x128xi32, #tpu.memory_space<vmem>> -> memref<1x128xi32, #tpu.memory_space<vmem>>
      %dma_start3A_335 = tpu.memref_squeeze %dma_start3A_334 : memref<1x128xi32, #tpu.memory_space<vmem>> -> memref<128xi32, #tpu.memory_space<vmem>>
      %dma_start3A_336 = arith.constant 0 : i32
      %dma_start3A_337 = arith.constant 0 : i32
      %dma_start3A_338 = tpu.memref_slice %arg11[%dma_start3A_336, %dma_start3A_337] : memref<10112x128xf32, #tpu.memory_space<vmem_shared>> -> memref<10112x128xf32, #tpu.memory_space<vmem_shared>>
      tpu.enqueue_indirect_dma source(%arg10 : memref<128x128xf32, #tpu.memory_space<vmem>>) target(%dma_start3A_338 : memref<10112x128xf32, #tpu.memory_space<vmem_shared>>) offsets(%dma_start3A_335 : memref<128xi32, #tpu.memory_space<vmem>>) semaphore(%arg15 : memref<!tpu.dma_semaphore, #tpu.memory_space<semaphore_mem>>) {add = true}
      %dma_wait3A_339 = arith.constant 10 : i32
      %dma_wait3A_340 = arith.constant 0 : i32
      %dma_wait3A_341 = tpu.memref_slice %arg8[%dma_wait3A_339, %dma_wait3A_340] : memref<16x128xi32, #tpu.memory_space<vmem>> -> memref<1x128xi32, #tpu.memory_space<vmem>>
      %dma_wait3A_342 = tpu.memref_squeeze %dma_wait3A_341 : memref<1x128xi32, #tpu.memory_space<vmem>> -> memref<128xi32, #tpu.memory_space<vmem>>
      %dma_wait3A_343 = arith.constant 0 : i32
      %dma_wait3A_344 = arith.constant 0 : i32
      %dma_wait3A_345 = tpu.memref_slice %arg11[%dma_wait3A_343, %dma_wait3A_344] : memref<10112x128xf32, #tpu.memory_space<vmem_shared>> -> memref<10112x128xf32, #tpu.memory_space<vmem_shared>>
      tpu.wait_indirect_dma semaphore(%arg14 : memref<!tpu.dma_semaphore, #tpu.memory_space<semaphore_mem>>) src(%arg9 : memref<128x128xf32, #tpu.memory_space<vmem>>) dst(%dma_wait3A_345 : memref<10112x128xf32, #tpu.memory_space<vmem_shared>>)
      %dma_start3A_346 = arith.constant 12 : i32
      %dma_start3A_347 = arith.constant 0 : i32
      %dma_start3A_348 = tpu.memref_slice %arg7[%dma_start3A_346, %dma_start3A_347] : memref<16x128xi32, #tpu.memory_space<vmem>> -> memref<1x128xi32, #tpu.memory_space<vmem>>
      %dma_start3A_349 = tpu.memref_squeeze %dma_start3A_348 : memref<1x128xi32, #tpu.memory_space<vmem>> -> memref<128xi32, #tpu.memory_space<vmem>>
      %dma_start3A_350 = arith.constant 0 : i32
      %dma_start3A_351 = arith.constant 0 : i32
      %dma_start3A_352 = tpu.memref_slice %arg4[%dma_start3A_350, %dma_start3A_351] : memref<20000x128xf32, #tpu.memory_space<hbm>> -> memref<20000x128xf32, #tpu.memory_space<hbm>>
      tpu.enqueue_indirect_dma source(%dma_start3A_352 : memref<20000x128xf32, #tpu.memory_space<hbm>>) target(%arg9 : memref<128x128xf32, #tpu.memory_space<vmem>>) offsets(%dma_start3A_349 : memref<128xi32, #tpu.memory_space<vmem>>) semaphore(%arg12 : memref<!tpu.dma_semaphore, #tpu.memory_space<semaphore_mem>>)
      %dma_wait3A_353 = arith.constant 12 : i32
      %dma_wait3A_354 = arith.constant 0 : i32
      %dma_wait3A_355 = tpu.memref_slice %arg7[%dma_wait3A_353, %dma_wait3A_354] : memref<16x128xi32, #tpu.memory_space<vmem>> -> memref<1x128xi32, #tpu.memory_space<vmem>>
      %dma_wait3A_356 = tpu.memref_squeeze %dma_wait3A_355 : memref<1x128xi32, #tpu.memory_space<vmem>> -> memref<128xi32, #tpu.memory_space<vmem>>
      %dma_wait3A_357 = arith.constant 0 : i32
      %dma_wait3A_358 = arith.constant 0 : i32
      %dma_wait3A_359 = tpu.memref_slice %arg4[%dma_wait3A_357, %dma_wait3A_358] : memref<20000x128xf32, #tpu.memory_space<hbm>> -> memref<20000x128xf32, #tpu.memory_space<hbm>>
      tpu.wait_indirect_dma semaphore(%arg12 : memref<!tpu.dma_semaphore, #tpu.memory_space<semaphore_mem>>) src(%dma_wait3A_359 : memref<20000x128xf32, #tpu.memory_space<hbm>>) dst(%arg9 : memref<128x128xf32, #tpu.memory_space<vmem>>)
      %dma_start3A_360 = arith.constant 12 : i32
      %dma_start3A_361 = arith.constant 0 : i32
      %dma_start3A_362 = tpu.memref_slice %arg8[%dma_start3A_360, %dma_start3A_361] : memref<16x128xi32, #tpu.memory_space<vmem>> -> memref<1x128xi32, #tpu.memory_space<vmem>>
      %dma_start3A_363 = tpu.memref_squeeze %dma_start3A_362 : memref<1x128xi32, #tpu.memory_space<vmem>> -> memref<128xi32, #tpu.memory_space<vmem>>
      %dma_start3A_364 = arith.constant 0 : i32
      %dma_start3A_365 = arith.constant 0 : i32
      %dma_start3A_366 = tpu.memref_slice %arg11[%dma_start3A_364, %dma_start3A_365] : memref<10112x128xf32, #tpu.memory_space<vmem_shared>> -> memref<10112x128xf32, #tpu.memory_space<vmem_shared>>
      tpu.enqueue_indirect_dma source(%arg9 : memref<128x128xf32, #tpu.memory_space<vmem>>) target(%dma_start3A_366 : memref<10112x128xf32, #tpu.memory_space<vmem_shared>>) offsets(%dma_start3A_363 : memref<128xi32, #tpu.memory_space<vmem>>) semaphore(%arg14 : memref<!tpu.dma_semaphore, #tpu.memory_space<semaphore_mem>>) {add = true}
      %dma_wait3A_367 = arith.constant 11 : i32
      %dma_wait3A_368 = arith.constant 0 : i32
      %dma_wait3A_369 = tpu.memref_slice %arg8[%dma_wait3A_367, %dma_wait3A_368] : memref<16x128xi32, #tpu.memory_space<vmem>> -> memref<1x128xi32, #tpu.memory_space<vmem>>
      %dma_wait3A_370 = tpu.memref_squeeze %dma_wait3A_369 : memref<1x128xi32, #tpu.memory_space<vmem>> -> memref<128xi32, #tpu.memory_space<vmem>>
      %dma_wait3A_371 = arith.constant 0 : i32
      %dma_wait3A_372 = arith.constant 0 : i32
      %dma_wait3A_373 = tpu.memref_slice %arg11[%dma_wait3A_371, %dma_wait3A_372] : memref<10112x128xf32, #tpu.memory_space<vmem_shared>> -> memref<10112x128xf32, #tpu.memory_space<vmem_shared>>
      tpu.wait_indirect_dma semaphore(%arg15 : memref<!tpu.dma_semaphore, #tpu.memory_space<semaphore_mem>>) src(%arg10 : memref<128x128xf32, #tpu.memory_space<vmem>>) dst(%dma_wait3A_373 : memref<10112x128xf32, #tpu.memory_space<vmem_shared>>)
      %dma_start3A_374 = arith.constant 13 : i32
      %dma_start3A_375 = arith.constant 0 : i32
      %dma_start3A_376 = tpu.memref_slice %arg7[%dma_start3A_374, %dma_start3A_375] : memref<16x128xi32, #tpu.memory_space<vmem>> -> memref<1x128xi32, #tpu.memory_space<vmem>>
      %dma_start3A_377 = tpu.memref_squeeze %dma_start3A_376 : memref<1x128xi32, #tpu.memory_space<vmem>> -> memref<128xi32, #tpu.memory_space<vmem>>
      %dma_start3A_378 = arith.constant 0 : i32
      %dma_start3A_379 = arith.constant 0 : i32
      %dma_start3A_380 = tpu.memref_slice %arg4[%dma_start3A_378, %dma_start3A_379] : memref<20000x128xf32, #tpu.memory_space<hbm>> -> memref<20000x128xf32, #tpu.memory_space<hbm>>
      tpu.enqueue_indirect_dma source(%dma_start3A_380 : memref<20000x128xf32, #tpu.memory_space<hbm>>) target(%arg10 : memref<128x128xf32, #tpu.memory_space<vmem>>) offsets(%dma_start3A_377 : memref<128xi32, #tpu.memory_space<vmem>>) semaphore(%arg13 : memref<!tpu.dma_semaphore, #tpu.memory_space<semaphore_mem>>)
      %dma_wait3A_381 = arith.constant 13 : i32
      %dma_wait3A_382 = arith.constant 0 : i32
      %dma_wait3A_383 = tpu.memref_slice %arg7[%dma_wait3A_381, %dma_wait3A_382] : memref<16x128xi32, #tpu.memory_space<vmem>> -> memref<1x128xi32, #tpu.memory_space<vmem>>
      %dma_wait3A_384 = tpu.memref_squeeze %dma_wait3A_383 : memref<1x128xi32, #tpu.memory_space<vmem>> -> memref<128xi32, #tpu.memory_space<vmem>>
      %dma_wait3A_385 = arith.constant 0 : i32
      %dma_wait3A_386 = arith.constant 0 : i32
      %dma_wait3A_387 = tpu.memref_slice %arg4[%dma_wait3A_385, %dma_wait3A_386] : memref<20000x128xf32, #tpu.memory_space<hbm>> -> memref<20000x128xf32, #tpu.memory_space<hbm>>
      tpu.wait_indirect_dma semaphore(%arg13 : memref<!tpu.dma_semaphore, #tpu.memory_space<semaphore_mem>>) src(%dma_wait3A_387 : memref<20000x128xf32, #tpu.memory_space<hbm>>) dst(%arg10 : memref<128x128xf32, #tpu.memory_space<vmem>>)
      %dma_start3A_388 = arith.constant 13 : i32
      %dma_start3A_389 = arith.constant 0 : i32
      %dma_start3A_390 = tpu.memref_slice %arg8[%dma_start3A_388, %dma_start3A_389] : memref<16x128xi32, #tpu.memory_space<vmem>> -> memref<1x128xi32, #tpu.memory_space<vmem>>
      %dma_start3A_391 = tpu.memref_squeeze %dma_start3A_390 : memref<1x128xi32, #tpu.memory_space<vmem>> -> memref<128xi32, #tpu.memory_space<vmem>>
      %dma_start3A_392 = arith.constant 0 : i32
      %dma_start3A_393 = arith.constant 0 : i32
      %dma_start3A_394 = tpu.memref_slice %arg11[%dma_start3A_392, %dma_start3A_393] : memref<10112x128xf32, #tpu.memory_space<vmem_shared>> -> memref<10112x128xf32, #tpu.memory_space<vmem_shared>>
      tpu.enqueue_indirect_dma source(%arg10 : memref<128x128xf32, #tpu.memory_space<vmem>>) target(%dma_start3A_394 : memref<10112x128xf32, #tpu.memory_space<vmem_shared>>) offsets(%dma_start3A_391 : memref<128xi32, #tpu.memory_space<vmem>>) semaphore(%arg15 : memref<!tpu.dma_semaphore, #tpu.memory_space<semaphore_mem>>) {add = true}
      %dma_wait3A_395 = arith.constant 12 : i32
      %dma_wait3A_396 = arith.constant 0 : i32
      %dma_wait3A_397 = tpu.memref_slice %arg8[%dma_wait3A_395, %dma_wait3A_396] : memref<16x128xi32, #tpu.memory_space<vmem>> -> memref<1x128xi32, #tpu.memory_space<vmem>>
      %dma_wait3A_398 = tpu.memref_squeeze %dma_wait3A_397 : memref<1x128xi32, #tpu.memory_space<vmem>> -> memref<128xi32, #tpu.memory_space<vmem>>
      %dma_wait3A_399 = arith.constant 0 : i32
      %dma_wait3A_400 = arith.constant 0 : i32
      %dma_wait3A_401 = tpu.memref_slice %arg11[%dma_wait3A_399, %dma_wait3A_400] : memref<10112x128xf32, #tpu.memory_space<vmem_shared>> -> memref<10112x128xf32, #tpu.memory_space<vmem_shared>>
      tpu.wait_indirect_dma semaphore(%arg14 : memref<!tpu.dma_semaphore, #tpu.memory_space<semaphore_mem>>) src(%arg9 : memref<128x128xf32, #tpu.memory_space<vmem>>) dst(%dma_wait3A_401 : memref<10112x128xf32, #tpu.memory_space<vmem_shared>>)
      %dma_start3A_402 = arith.constant 14 : i32
      %dma_start3A_403 = arith.constant 0 : i32
      %dma_start3A_404 = tpu.memref_slice %arg7[%dma_start3A_402, %dma_start3A_403] : memref<16x128xi32, #tpu.memory_space<vmem>> -> memref<1x128xi32, #tpu.memory_space<vmem>>
      %dma_start3A_405 = tpu.memref_squeeze %dma_start3A_404 : memref<1x128xi32, #tpu.memory_space<vmem>> -> memref<128xi32, #tpu.memory_space<vmem>>
      %dma_start3A_406 = arith.constant 0 : i32
      %dma_start3A_407 = arith.constant 0 : i32
      %dma_start3A_408 = tpu.memref_slice %arg4[%dma_start3A_406, %dma_start3A_407] : memref<20000x128xf32, #tpu.memory_space<hbm>> -> memref<20000x128xf32, #tpu.memory_space<hbm>>
      tpu.enqueue_indirect_dma source(%dma_start3A_408 : memref<20000x128xf32, #tpu.memory_space<hbm>>) target(%arg9 : memref<128x128xf32, #tpu.memory_space<vmem>>) offsets(%dma_start3A_405 : memref<128xi32, #tpu.memory_space<vmem>>) semaphore(%arg12 : memref<!tpu.dma_semaphore, #tpu.memory_space<semaphore_mem>>)
      %dma_wait3A_409 = arith.constant 14 : i32
      %dma_wait3A_410 = arith.constant 0 : i32
      %dma_wait3A_411 = tpu.memref_slice %arg7[%dma_wait3A_409, %dma_wait3A_410] : memref<16x128xi32, #tpu.memory_space<vmem>> -> memref<1x128xi32, #tpu.memory_space<vmem>>
      %dma_wait3A_412 = tpu.memref_squeeze %dma_wait3A_411 : memref<1x128xi32, #tpu.memory_space<vmem>> -> memref<128xi32, #tpu.memory_space<vmem>>
      %dma_wait3A_413 = arith.constant 0 : i32
      %dma_wait3A_414 = arith.constant 0 : i32
      %dma_wait3A_415 = tpu.memref_slice %arg4[%dma_wait3A_413, %dma_wait3A_414] : memref<20000x128xf32, #tpu.memory_space<hbm>> -> memref<20000x128xf32, #tpu.memory_space<hbm>>
      tpu.wait_indirect_dma semaphore(%arg12 : memref<!tpu.dma_semaphore, #tpu.memory_space<semaphore_mem>>) src(%dma_wait3A_415 : memref<20000x128xf32, #tpu.memory_space<hbm>>) dst(%arg9 : memref<128x128xf32, #tpu.memory_space<vmem>>)
      %dma_start3A_416 = arith.constant 14 : i32
      %dma_start3A_417 = arith.constant 0 : i32
      %dma_start3A_418 = tpu.memref_slice %arg8[%dma_start3A_416, %dma_start3A_417] : memref<16x128xi32, #tpu.memory_space<vmem>> -> memref<1x128xi32, #tpu.memory_space<vmem>>
      %dma_start3A_419 = tpu.memref_squeeze %dma_start3A_418 : memref<1x128xi32, #tpu.memory_space<vmem>> -> memref<128xi32, #tpu.memory_space<vmem>>
      %dma_start3A_420 = arith.constant 0 : i32
      %dma_start3A_421 = arith.constant 0 : i32
      %dma_start3A_422 = tpu.memref_slice %arg11[%dma_start3A_420, %dma_start3A_421] : memref<10112x128xf32, #tpu.memory_space<vmem_shared>> -> memref<10112x128xf32, #tpu.memory_space<vmem_shared>>
      tpu.enqueue_indirect_dma source(%arg9 : memref<128x128xf32, #tpu.memory_space<vmem>>) target(%dma_start3A_422 : memref<10112x128xf32, #tpu.memory_space<vmem_shared>>) offsets(%dma_start3A_419 : memref<128xi32, #tpu.memory_space<vmem>>) semaphore(%arg14 : memref<!tpu.dma_semaphore, #tpu.memory_space<semaphore_mem>>) {add = true}
      %dma_wait3A_423 = arith.constant 13 : i32
      %dma_wait3A_424 = arith.constant 0 : i32
      %dma_wait3A_425 = tpu.memref_slice %arg8[%dma_wait3A_423, %dma_wait3A_424] : memref<16x128xi32, #tpu.memory_space<vmem>> -> memref<1x128xi32, #tpu.memory_space<vmem>>
      %dma_wait3A_426 = tpu.memref_squeeze %dma_wait3A_425 : memref<1x128xi32, #tpu.memory_space<vmem>> -> memref<128xi32, #tpu.memory_space<vmem>>
      %dma_wait3A_427 = arith.constant 0 : i32
      %dma_wait3A_428 = arith.constant 0 : i32
      %dma_wait3A_429 = tpu.memref_slice %arg11[%dma_wait3A_427, %dma_wait3A_428] : memref<10112x128xf32, #tpu.memory_space<vmem_shared>> -> memref<10112x128xf32, #tpu.memory_space<vmem_shared>>
      tpu.wait_indirect_dma semaphore(%arg15 : memref<!tpu.dma_semaphore, #tpu.memory_space<semaphore_mem>>) src(%arg10 : memref<128x128xf32, #tpu.memory_space<vmem>>) dst(%dma_wait3A_429 : memref<10112x128xf32, #tpu.memory_space<vmem_shared>>)
      %dma_start3A_430 = arith.constant 15 : i32
      %dma_start3A_431 = arith.constant 0 : i32
      %dma_start3A_432 = tpu.memref_slice %arg7[%dma_start3A_430, %dma_start3A_431] : memref<16x128xi32, #tpu.memory_space<vmem>> -> memref<1x128xi32, #tpu.memory_space<vmem>>
      %dma_start3A_433 = tpu.memref_squeeze %dma_start3A_432 : memref<1x128xi32, #tpu.memory_space<vmem>> -> memref<128xi32, #tpu.memory_space<vmem>>
      %dma_start3A_434 = arith.constant 0 : i32
      %dma_start3A_435 = arith.constant 0 : i32
      %dma_start3A_436 = tpu.memref_slice %arg4[%dma_start3A_434, %dma_start3A_435] : memref<20000x128xf32, #tpu.memory_space<hbm>> -> memref<20000x128xf32, #tpu.memory_space<hbm>>
      tpu.enqueue_indirect_dma source(%dma_start3A_436 : memref<20000x128xf32, #tpu.memory_space<hbm>>) target(%arg10 : memref<128x128xf32, #tpu.memory_space<vmem>>) offsets(%dma_start3A_433 : memref<128xi32, #tpu.memory_space<vmem>>) semaphore(%arg13 : memref<!tpu.dma_semaphore, #tpu.memory_space<semaphore_mem>>)
      %dma_wait3A_437 = arith.constant 15 : i32
      %dma_wait3A_438 = arith.constant 0 : i32
      %dma_wait3A_439 = tpu.memref_slice %arg7[%dma_wait3A_437, %dma_wait3A_438] : memref<16x128xi32, #tpu.memory_space<vmem>> -> memref<1x128xi32, #tpu.memory_space<vmem>>
      %dma_wait3A_440 = tpu.memref_squeeze %dma_wait3A_439 : memref<1x128xi32, #tpu.memory_space<vmem>> -> memref<128xi32, #tpu.memory_space<vmem>>
      %dma_wait3A_441 = arith.constant 0 : i32
      %dma_wait3A_442 = arith.constant 0 : i32
      %dma_wait3A_443 = tpu.memref_slice %arg4[%dma_wait3A_441, %dma_wait3A_442] : memref<20000x128xf32, #tpu.memory_space<hbm>> -> memref<20000x128xf32, #tpu.memory_space<hbm>>
      tpu.wait_indirect_dma semaphore(%arg13 : memref<!tpu.dma_semaphore, #tpu.memory_space<semaphore_mem>>) src(%dma_wait3A_443 : memref<20000x128xf32, #tpu.memory_space<hbm>>) dst(%arg10 : memref<128x128xf32, #tpu.memory_space<vmem>>)
      %dma_start3A_444 = arith.constant 15 : i32
      %dma_start3A_445 = arith.constant 0 : i32
      %dma_start3A_446 = tpu.memref_slice %arg8[%dma_start3A_444, %dma_start3A_445] : memref<16x128xi32, #tpu.memory_space<vmem>> -> memref<1x128xi32, #tpu.memory_space<vmem>>
      %dma_start3A_447 = tpu.memref_squeeze %dma_start3A_446 : memref<1x128xi32, #tpu.memory_space<vmem>> -> memref<128xi32, #tpu.memory_space<vmem>>
      %dma_start3A_448 = arith.constant 0 : i32
      %dma_start3A_449 = arith.constant 0 : i32
      %dma_start3A_450 = tpu.memref_slice %arg11[%dma_start3A_448, %dma_start3A_449] : memref<10112x128xf32, #tpu.memory_space<vmem_shared>> -> memref<10112x128xf32, #tpu.memory_space<vmem_shared>>
      tpu.enqueue_indirect_dma source(%arg10 : memref<128x128xf32, #tpu.memory_space<vmem>>) target(%dma_start3A_450 : memref<10112x128xf32, #tpu.memory_space<vmem_shared>>) offsets(%dma_start3A_447 : memref<128xi32, #tpu.memory_space<vmem>>) semaphore(%arg15 : memref<!tpu.dma_semaphore, #tpu.memory_space<semaphore_mem>>) {add = true}
      %dma_wait3A_451 = arith.constant 14 : i32
      %dma_wait3A_452 = arith.constant 0 : i32
      %dma_wait3A_453 = tpu.memref_slice %arg8[%dma_wait3A_451, %dma_wait3A_452] : memref<16x128xi32, #tpu.memory_space<vmem>> -> memref<1x128xi32, #tpu.memory_space<vmem>>
      %dma_wait3A_454 = tpu.memref_squeeze %dma_wait3A_453 : memref<1x128xi32, #tpu.memory_space<vmem>> -> memref<128xi32, #tpu.memory_space<vmem>>
      %dma_wait3A_455 = arith.constant 0 : i32
      %dma_wait3A_456 = arith.constant 0 : i32
      %dma_wait3A_457 = tpu.memref_slice %arg11[%dma_wait3A_455, %dma_wait3A_456] : memref<10112x128xf32, #tpu.memory_space<vmem_shared>> -> memref<10112x128xf32, #tpu.memory_space<vmem_shared>>
      tpu.wait_indirect_dma semaphore(%arg14 : memref<!tpu.dma_semaphore, #tpu.memory_space<semaphore_mem>>) src(%arg9 : memref<128x128xf32, #tpu.memory_space<vmem>>) dst(%dma_wait3A_457 : memref<10112x128xf32, #tpu.memory_space<vmem_shared>>)
      %dma_wait3A_458 = arith.constant 15 : i32
      %dma_wait3A_459 = arith.constant 0 : i32
      %dma_wait3A_460 = tpu.memref_slice %arg8[%dma_wait3A_458, %dma_wait3A_459] : memref<16x128xi32, #tpu.memory_space<vmem>> -> memref<1x128xi32, #tpu.memory_space<vmem>>
      %dma_wait3A_461 = tpu.memref_squeeze %dma_wait3A_460 : memref<1x128xi32, #tpu.memory_space<vmem>> -> memref<128xi32, #tpu.memory_space<vmem>>
      %dma_wait3A_462 = arith.constant 0 : i32
      %dma_wait3A_463 = arith.constant 0 : i32
      %dma_wait3A_464 = tpu.memref_slice %arg11[%dma_wait3A_462, %dma_wait3A_463] : memref<10112x128xf32, #tpu.memory_space<vmem_shared>> -> memref<10112x128xf32, #tpu.memory_space<vmem_shared>>
      tpu.wait_indirect_dma semaphore(%arg15 : memref<!tpu.dma_semaphore, #tpu.memory_space<semaphore_mem>>) src(%arg10 : memref<128x128xf32, #tpu.memory_space<vmem>>) dst(%dma_wait3A_464 : memref<10112x128xf32, #tpu.memory_space<vmem_shared>>)
    }
    %scan3A_5 = arith.constant 5 : i32
    %barrier3A_6 = arith.constant 0 : index
    tpu.barrier barrier_id(%barrier3A_6)
    %mul3A_7 = arith.constant 632 : i32
    %mul3A_8 = arith.muli %arg1, %mul3A_7 : i32
    %mul3A_9 = arith.constant 632 : i32
    %mul3A_10 = arith.muli %arg1, %mul3A_9 : i32
    "tpu.region"() ({
      %run_scoped3A = tpu.sem_alloc : memref<!tpu.dma_semaphore, #tpu.memory_space<semaphore_mem>>
      %dma_start3A = arith.constant 0 : i32
      %dma_start3A_11 = tpu.memref_slice %arg6[%arg0, %mul3A_10, %dma_start3A] : memref<2x10112x128xf32, #tpu.memory_space<hbm>> -> memref<1x632x128xf32, #tpu.memory_space<hbm>>
      %dma_start3A_12 = tpu.memref_squeeze %dma_start3A_11 : memref<1x632x128xf32, #tpu.memory_space<hbm>> -> memref<632x128xf32, #tpu.memory_space<hbm>>
      %dma_start3A_13 = arith.constant 0 : i32
      %dma_start3A_14 = tpu.memref_slice %arg11[%mul3A_8, %dma_start3A_13] : memref<10112x128xf32, #tpu.memory_space<vmem_shared>> -> memref<632x128xf32, #tpu.memory_space<vmem_shared>>
      tpu.enqueue_dma source(%dma_start3A_14 : memref<632x128xf32, #tpu.memory_space<vmem_shared>>) target(%dma_start3A_12 : memref<632x128xf32, #tpu.memory_space<hbm>>) target_semaphore(%run_scoped3A : memref<!tpu.dma_semaphore, #tpu.memory_space<semaphore_mem>>)
      %dma_wait3A = arith.constant 0 : i32
      %dma_wait3A_15 = tpu.memref_slice %arg6[%arg0, %mul3A_10, %dma_wait3A] : memref<2x10112x128xf32, #tpu.memory_space<hbm>> -> memref<1x632x128xf32, #tpu.memory_space<hbm>>
      %dma_wait3A_16 = tpu.memref_squeeze %dma_wait3A_15 : memref<1x632x128xf32, #tpu.memory_space<hbm>> -> memref<632x128xf32, #tpu.memory_space<hbm>>
      %dma_wait3A_17 = arith.constant 0 : i32
      %dma_wait3A_18 = tpu.memref_slice %arg11[%mul3A_8, %dma_wait3A_17] : memref<10112x128xf32, #tpu.memory_space<vmem_shared>> -> memref<632x128xf32, #tpu.memory_space<vmem_shared>>
      tpu.wait_dma2 semaphore(%run_scoped3A : memref<!tpu.dma_semaphore, #tpu.memory_space<semaphore_mem>>) src(%dma_wait3A_18 : memref<632x128xf32, #tpu.memory_space<vmem_shared>>) dst(%dma_wait3A_16 : memref<632x128xf32, #tpu.memory_space<hbm>>)
      tpu.yield
    }) : () -> ()
    return
  }
}

#map = affine_map<(d0, d1) -> (0, 0, 0)>
#map1 = affine_map<(d0, d1) -> (0, 0)>
module attributes {stable_mosaic.version = 14 : i64} {
  func.func @agg(%arg0: i32, %arg1: i32, %arg2: memref<2x2560x128xi32, #tpu.memory_space<hbm>>, %arg3: memref<2560x128xi32, #tpu.memory_space<hbm>>, %arg4: memref<20000x128xf32, #tpu.memory_space<hbm>>, %arg5: memref<632x128xf32, #tpu.memory_space<hbm>>, %arg6: memref<2x10112x128xf32, #tpu.memory_space<hbm>>, %arg7: memref<16x128xi32, #tpu.memory_space<vmem>>, %arg8: memref<16x128xi32, #tpu.memory_space<vmem>>, %arg9: memref<128x128xf32, #tpu.memory_space<vmem>>, %arg10: memref<128x128xf32, #tpu.memory_space<vmem>>, %arg11: memref<10112x128xf32, #tpu.memory_space<vmem_shared>>, %arg12: memref<!tpu.dma_semaphore, #tpu.memory_space<semaphore_mem>>, %arg13: memref<!tpu.dma_semaphore, #tpu.memory_space<semaphore_mem>>, %arg14: memref<!tpu.dma_semaphore, #tpu.memory_space<semaphore_mem>>, %arg15: memref<!tpu.dma_semaphore, #tpu.memory_space<semaphore_mem>>) attributes {dimension_semantics = [#tpu.dimension_semantics<core_parallel>, #tpu.dimension_semantics<subcore_parallel>], iteration_bounds = array<i64: 2, 16>, scalar_prefetch = 0 : i64, scratch_operands = 9 : i64, tpu.core_type = #tpu.core_type<sc_vector_subcore>, window_params = [{transform_indices = #map}, {transform_indices = #map1}, {transform_indices = #map1}, {transform_indices = #map1}, {transform_indices = #map}]} {
    %mul3A = arith.constant 632 : i32
    %mul3A_0 = arith.muli %arg1, %mul3A : i32
    "tpu.region"() ({
      %run_scoped3A = tpu.sem_alloc : memref<!tpu.dma_semaphore, #tpu.memory_space<semaphore_mem>>
      %dma_start3A = arith.constant 0 : i32
      %dma_start3A_13 = tpu.memref_slice %arg11[%mul3A_0, %dma_start3A] : memref<10112x128xf32, #tpu.memory_space<vmem_shared>> -> memref<632x128xf32, #tpu.memory_space<vmem_shared>>
      tpu.enqueue_dma source(%arg5 : memref<632x128xf32, #tpu.memory_space<hbm>>) target(%dma_start3A_13 : memref<632x128xf32, #tpu.memory_space<vmem_shared>>) target_semaphore(%run_scoped3A : memref<!tpu.dma_semaphore, #tpu.memory_space<semaphore_mem>>)
      %dma_wait3A = arith.constant 0 : i32
      %dma_wait3A_14 = tpu.memref_slice %arg11[%mul3A_0, %dma_wait3A] : memref<10112x128xf32, #tpu.memory_space<vmem_shared>> -> memref<632x128xf32, #tpu.memory_space<vmem_shared>>
      tpu.wait_dma2 semaphore(%run_scoped3A : memref<!tpu.dma_semaphore, #tpu.memory_space<semaphore_mem>>) src(%arg5 : memref<632x128xf32, #tpu.memory_space<hbm>>) dst(%dma_wait3A_14 : memref<632x128xf32, #tpu.memory_space<vmem_shared>>)
      tpu.yield
    }) : () -> ()
    %mul3A_1 = arith.constant 160 : i32
    %mul3A_2 = arith.muli %mul3A_1, %arg1 : i32
    %barrier3A = arith.constant 0 : index
    tpu.barrier barrier_id(%barrier3A)
    %scan3A = arith.constant 0 : i32
    %scan3A_3 = arith.constant 0 : i32
    %scan3A_4 = arith.constant 10 : i32
    %scan3A_5 = arith.addi %scan3A_3, %scan3A_4 : i32
    %scan3A_6 = arith.constant 1 : i32
    scf.for %scan3A_13 = %scan3A_3 to %scan3A_5 step %scan3A_6  : i32 {
      %mul3A_14 = arith.constant 16 : i32
      %mul3A_15 = arith.muli %scan3A_13, %mul3A_14 : i32
      %add3A = arith.addi %mul3A_2, %mul3A_15 : i32
      "tpu.region"() ({
        %run_scoped3A = tpu.sem_alloc : memref<!tpu.dma_semaphore, #tpu.memory_space<semaphore_mem>>
        %dma_start3A_462 = arith.constant 0 : i32
        %dma_start3A_463 = tpu.memref_slice %arg2[%arg0, %add3A, %dma_start3A_462] : memref<2x2560x128xi32, #tpu.memory_space<hbm>> -> memref<1x16x128xi32, #tpu.memory_space<hbm>>
        %dma_start3A_464 = tpu.memref_squeeze %dma_start3A_463 : memref<1x16x128xi32, #tpu.memory_space<hbm>> -> memref<16x128xi32, #tpu.memory_space<hbm>>
        %dma_start3A_465 = arith.constant 0 : i32
        %dma_start3A_466 = tpu.memref_slice %arg2[%arg0, %add3A, %dma_start3A_465] : memref<2x2560x128xi32, #tpu.memory_space<hbm>> -> memref<1x16x128xi32, #tpu.memory_space<hbm>>
        %dma_start3A_467 = tpu.memref_squeeze %dma_start3A_466 : memref<1x16x128xi32, #tpu.memory_space<hbm>> -> memref<16x128xi32, #tpu.memory_space<hbm>>
        tpu.enqueue_dma source(%dma_start3A_467 : memref<16x128xi32, #tpu.memory_space<hbm>>) target(%arg7 : memref<16x128xi32, #tpu.memory_space<vmem>>) target_semaphore(%run_scoped3A : memref<!tpu.dma_semaphore, #tpu.memory_space<semaphore_mem>>)
        %dma_wait3A_468 = arith.constant 0 : i32
        %dma_wait3A_469 = tpu.memref_slice %arg2[%arg0, %add3A, %dma_wait3A_468] : memref<2x2560x128xi32, #tpu.memory_space<hbm>> -> memref<1x16x128xi32, #tpu.memory_space<hbm>>
        %dma_wait3A_470 = tpu.memref_squeeze %dma_wait3A_469 : memref<1x16x128xi32, #tpu.memory_space<hbm>> -> memref<16x128xi32, #tpu.memory_space<hbm>>
        %dma_wait3A_471 = arith.constant 0 : i32
        %dma_wait3A_472 = tpu.memref_slice %arg2[%arg0, %add3A, %dma_wait3A_471] : memref<2x2560x128xi32, #tpu.memory_space<hbm>> -> memref<1x16x128xi32, #tpu.memory_space<hbm>>
        %dma_wait3A_473 = tpu.memref_squeeze %dma_wait3A_472 : memref<1x16x128xi32, #tpu.memory_space<hbm>> -> memref<16x128xi32, #tpu.memory_space<hbm>>
        tpu.wait_dma2 semaphore(%run_scoped3A : memref<!tpu.dma_semaphore, #tpu.memory_space<semaphore_mem>>) src(%dma_wait3A_473 : memref<16x128xi32, #tpu.memory_space<hbm>>) dst(%arg7 : memref<16x128xi32, #tpu.memory_space<vmem>>)
        tpu.yield
      }) : () -> ()
      "tpu.region"() ({
        %run_scoped3A = tpu.sem_alloc : memref<!tpu.dma_semaphore, #tpu.memory_space<semaphore_mem>>
        %dma_start3A_462 = arith.constant 0 : i32
        %dma_start3A_463 = tpu.memref_slice %arg3[%add3A, %dma_start3A_462] : memref<2560x128xi32, #tpu.memory_space<hbm>> -> memref<16x128xi32, #tpu.memory_space<hbm>>
        %dma_start3A_464 = arith.constant 0 : i32
        %dma_start3A_465 = tpu.memref_slice %arg3[%add3A, %dma_start3A_464] : memref<2560x128xi32, #tpu.memory_space<hbm>> -> memref<16x128xi32, #tpu.memory_space<hbm>>
        tpu.enqueue_dma source(%dma_start3A_465 : memref<16x128xi32, #tpu.memory_space<hbm>>) target(%arg8 : memref<16x128xi32, #tpu.memory_space<vmem>>) target_semaphore(%run_scoped3A : memref<!tpu.dma_semaphore, #tpu.memory_space<semaphore_mem>>)
        %dma_wait3A_466 = arith.constant 0 : i32
        %dma_wait3A_467 = tpu.memref_slice %arg3[%add3A, %dma_wait3A_466] : memref<2560x128xi32, #tpu.memory_space<hbm>> -> memref<16x128xi32, #tpu.memory_space<hbm>>
        %dma_wait3A_468 = arith.constant 0 : i32
        %dma_wait3A_469 = tpu.memref_slice %arg3[%add3A, %dma_wait3A_468] : memref<2560x128xi32, #tpu.memory_space<hbm>> -> memref<16x128xi32, #tpu.memory_space<hbm>>
        tpu.wait_dma2 semaphore(%run_scoped3A : memref<!tpu.dma_semaphore, #tpu.memory_space<semaphore_mem>>) src(%dma_wait3A_469 : memref<16x128xi32, #tpu.memory_space<hbm>>) dst(%arg8 : memref<16x128xi32, #tpu.memory_space<vmem>>)
        tpu.yield
      }) : () -> ()
      %dma_start3A = arith.constant 0 : i32
      %dma_start3A_16 = arith.constant 0 : i32
      %dma_start3A_17 = tpu.memref_slice %arg7[%dma_start3A, %dma_start3A_16] : memref<16x128xi32, #tpu.memory_space<vmem>> -> memref<1x128xi32, #tpu.memory_space<vmem>>
      %dma_start3A_18 = tpu.memref_squeeze %dma_start3A_17 : memref<1x128xi32, #tpu.memory_space<vmem>> -> memref<128xi32, #tpu.memory_space<vmem>>
      %dma_start3A_19 = arith.constant 0 : i32
      %dma_start3A_20 = arith.constant 0 : i32
      %dma_start3A_21 = tpu.memref_slice %arg4[%dma_start3A_19, %dma_start3A_20] : memref<20000x128xf32, #tpu.memory_space<hbm>> -> memref<20000x128xf32, #tpu.memory_space<hbm>>
      tpu.enqueue_indirect_dma source(%dma_start3A_21 : memref<20000x128xf32, #tpu.memory_space<hbm>>) target(%arg9 : memref<128x128xf32, #tpu.memory_space<vmem>>) offsets(%dma_start3A_18 : memref<128xi32, #tpu.memory_space<vmem>>) semaphore(%arg12 : memref<!tpu.dma_semaphore, #tpu.memory_space<semaphore_mem>>)
      %dma_wait3A = arith.constant 0 : i32
      %dma_wait3A_22 = arith.constant 0 : i32
      %dma_wait3A_23 = tpu.memref_slice %arg7[%dma_wait3A, %dma_wait3A_22] : memref<16x128xi32, #tpu.memory_space<vmem>> -> memref<1x128xi32, #tpu.memory_space<vmem>>
      %dma_wait3A_24 = tpu.memref_squeeze %dma_wait3A_23 : memref<1x128xi32, #tpu.memory_space<vmem>> -> memref<128xi32, #tpu.memory_space<vmem>>
      %dma_wait3A_25 = arith.constant 0 : i32
      %dma_wait3A_26 = arith.constant 0 : i32
      %dma_wait3A_27 = tpu.memref_slice %arg4[%dma_wait3A_25, %dma_wait3A_26] : memref<20000x128xf32, #tpu.memory_space<hbm>> -> memref<20000x128xf32, #tpu.memory_space<hbm>>
      tpu.wait_indirect_dma semaphore(%arg12 : memref<!tpu.dma_semaphore, #tpu.memory_space<semaphore_mem>>) src(%dma_wait3A_27 : memref<20000x128xf32, #tpu.memory_space<hbm>>) dst(%arg9 : memref<128x128xf32, #tpu.memory_space<vmem>>)
      %dma_start3A_28 = arith.constant 0 : i32
      %dma_start3A_29 = arith.constant 0 : i32
      %dma_start3A_30 = tpu.memref_slice %arg8[%dma_start3A_28, %dma_start3A_29] : memref<16x128xi32, #tpu.memory_space<vmem>> -> memref<1x128xi32, #tpu.memory_space<vmem>>
      %dma_start3A_31 = tpu.memref_squeeze %dma_start3A_30 : memref<1x128xi32, #tpu.memory_space<vmem>> -> memref<128xi32, #tpu.memory_space<vmem>>
      %dma_start3A_32 = arith.constant 0 : i32
      %dma_start3A_33 = arith.constant 0 : i32
      %dma_start3A_34 = tpu.memref_slice %arg11[%dma_start3A_32, %dma_start3A_33] : memref<10112x128xf32, #tpu.memory_space<vmem_shared>> -> memref<10112x128xf32, #tpu.memory_space<vmem_shared>>
      tpu.enqueue_indirect_dma source(%arg9 : memref<128x128xf32, #tpu.memory_space<vmem>>) target(%dma_start3A_34 : memref<10112x128xf32, #tpu.memory_space<vmem_shared>>) offsets(%dma_start3A_31 : memref<128xi32, #tpu.memory_space<vmem>>) semaphore(%arg14 : memref<!tpu.dma_semaphore, #tpu.memory_space<semaphore_mem>>) {add = true}
      %dma_start3A_35 = arith.constant 1 : i32
      %dma_start3A_36 = arith.constant 0 : i32
      %dma_start3A_37 = tpu.memref_slice %arg7[%dma_start3A_35, %dma_start3A_36] : memref<16x128xi32, #tpu.memory_space<vmem>> -> memref<1x128xi32, #tpu.memory_space<vmem>>
      %dma_start3A_38 = tpu.memref_squeeze %dma_start3A_37 : memref<1x128xi32, #tpu.memory_space<vmem>> -> memref<128xi32, #tpu.memory_space<vmem>>
      %dma_start3A_39 = arith.constant 0 : i32
      %dma_start3A_40 = arith.constant 0 : i32
      %dma_start3A_41 = tpu.memref_slice %arg4[%dma_start3A_39, %dma_start3A_40] : memref<20000x128xf32, #tpu.memory_space<hbm>> -> memref<20000x128xf32, #tpu.memory_space<hbm>>
      tpu.enqueue_indirect_dma source(%dma_start3A_41 : memref<20000x128xf32, #tpu.memory_space<hbm>>) target(%arg10 : memref<128x128xf32, #tpu.memory_space<vmem>>) offsets(%dma_start3A_38 : memref<128xi32, #tpu.memory_space<vmem>>) semaphore(%arg13 : memref<!tpu.dma_semaphore, #tpu.memory_space<semaphore_mem>>)
      %dma_wait3A_42 = arith.constant 1 : i32
      %dma_wait3A_43 = arith.constant 0 : i32
      %dma_wait3A_44 = tpu.memref_slice %arg7[%dma_wait3A_42, %dma_wait3A_43] : memref<16x128xi32, #tpu.memory_space<vmem>> -> memref<1x128xi32, #tpu.memory_space<vmem>>
      %dma_wait3A_45 = tpu.memref_squeeze %dma_wait3A_44 : memref<1x128xi32, #tpu.memory_space<vmem>> -> memref<128xi32, #tpu.memory_space<vmem>>
      %dma_wait3A_46 = arith.constant 0 : i32
      %dma_wait3A_47 = arith.constant 0 : i32
      %dma_wait3A_48 = tpu.memref_slice %arg4[%dma_wait3A_46, %dma_wait3A_47] : memref<20000x128xf32, #tpu.memory_space<hbm>> -> memref<20000x128xf32, #tpu.memory_space<hbm>>
      tpu.wait_indirect_dma semaphore(%arg13 : memref<!tpu.dma_semaphore, #tpu.memory_space<semaphore_mem>>) src(%dma_wait3A_48 : memref<20000x128xf32, #tpu.memory_space<hbm>>) dst(%arg10 : memref<128x128xf32, #tpu.memory_space<vmem>>)
      %dma_start3A_49 = arith.constant 1 : i32
      %dma_start3A_50 = arith.constant 0 : i32
      %dma_start3A_51 = tpu.memref_slice %arg8[%dma_start3A_49, %dma_start3A_50] : memref<16x128xi32, #tpu.memory_space<vmem>> -> memref<1x128xi32, #tpu.memory_space<vmem>>
      %dma_start3A_52 = tpu.memref_squeeze %dma_start3A_51 : memref<1x128xi32, #tpu.memory_space<vmem>> -> memref<128xi32, #tpu.memory_space<vmem>>
      %dma_start3A_53 = arith.constant 0 : i32
      %dma_start3A_54 = arith.constant 0 : i32
      %dma_start3A_55 = tpu.memref_slice %arg11[%dma_start3A_53, %dma_start3A_54] : memref<10112x128xf32, #tpu.memory_space<vmem_shared>> -> memref<10112x128xf32, #tpu.memory_space<vmem_shared>>
      tpu.enqueue_indirect_dma source(%arg10 : memref<128x128xf32, #tpu.memory_space<vmem>>) target(%dma_start3A_55 : memref<10112x128xf32, #tpu.memory_space<vmem_shared>>) offsets(%dma_start3A_52 : memref<128xi32, #tpu.memory_space<vmem>>) semaphore(%arg15 : memref<!tpu.dma_semaphore, #tpu.memory_space<semaphore_mem>>) {add = true}
      %dma_wait3A_56 = arith.constant 0 : i32
      %dma_wait3A_57 = arith.constant 0 : i32
      %dma_wait3A_58 = tpu.memref_slice %arg8[%dma_wait3A_56, %dma_wait3A_57] : memref<16x128xi32, #tpu.memory_space<vmem>> -> memref<1x128xi32, #tpu.memory_space<vmem>>
      %dma_wait3A_59 = tpu.memref_squeeze %dma_wait3A_58 : memref<1x128xi32, #tpu.memory_space<vmem>> -> memref<128xi32, #tpu.memory_space<vmem>>
      %dma_wait3A_60 = arith.constant 0 : i32
      %dma_wait3A_61 = arith.constant 0 : i32
      %dma_wait3A_62 = tpu.memref_slice %arg11[%dma_wait3A_60, %dma_wait3A_61] : memref<10112x128xf32, #tpu.memory_space<vmem_shared>> -> memref<10112x128xf32, #tpu.memory_space<vmem_shared>>
      tpu.wait_indirect_dma semaphore(%arg14 : memref<!tpu.dma_semaphore, #tpu.memory_space<semaphore_mem>>) src(%arg9 : memref<128x128xf32, #tpu.memory_space<vmem>>) dst(%dma_wait3A_62 : memref<10112x128xf32, #tpu.memory_space<vmem_shared>>)
      %dma_start3A_63 = arith.constant 2 : i32
      %dma_start3A_64 = arith.constant 0 : i32
      %dma_start3A_65 = tpu.memref_slice %arg7[%dma_start3A_63, %dma_start3A_64] : memref<16x128xi32, #tpu.memory_space<vmem>> -> memref<1x128xi32, #tpu.memory_space<vmem>>
      %dma_start3A_66 = tpu.memref_squeeze %dma_start3A_65 : memref<1x128xi32, #tpu.memory_space<vmem>> -> memref<128xi32, #tpu.memory_space<vmem>>
      %dma_start3A_67 = arith.constant 0 : i32
      %dma_start3A_68 = arith.constant 0 : i32
      %dma_start3A_69 = tpu.memref_slice %arg4[%dma_start3A_67, %dma_start3A_68] : memref<20000x128xf32, #tpu.memory_space<hbm>> -> memref<20000x128xf32, #tpu.memory_space<hbm>>
      tpu.enqueue_indirect_dma source(%dma_start3A_69 : memref<20000x128xf32, #tpu.memory_space<hbm>>) target(%arg9 : memref<128x128xf32, #tpu.memory_space<vmem>>) offsets(%dma_start3A_66 : memref<128xi32, #tpu.memory_space<vmem>>) semaphore(%arg12 : memref<!tpu.dma_semaphore, #tpu.memory_space<semaphore_mem>>)
      %dma_wait3A_70 = arith.constant 2 : i32
      %dma_wait3A_71 = arith.constant 0 : i32
      %dma_wait3A_72 = tpu.memref_slice %arg7[%dma_wait3A_70, %dma_wait3A_71] : memref<16x128xi32, #tpu.memory_space<vmem>> -> memref<1x128xi32, #tpu.memory_space<vmem>>
      %dma_wait3A_73 = tpu.memref_squeeze %dma_wait3A_72 : memref<1x128xi32, #tpu.memory_space<vmem>> -> memref<128xi32, #tpu.memory_space<vmem>>
      %dma_wait3A_74 = arith.constant 0 : i32
      %dma_wait3A_75 = arith.constant 0 : i32
      %dma_wait3A_76 = tpu.memref_slice %arg4[%dma_wait3A_74, %dma_wait3A_75] : memref<20000x128xf32, #tpu.memory_space<hbm>> -> memref<20000x128xf32, #tpu.memory_space<hbm>>
      tpu.wait_indirect_dma semaphore(%arg12 : memref<!tpu.dma_semaphore, #tpu.memory_space<semaphore_mem>>) src(%dma_wait3A_76 : memref<20000x128xf32, #tpu.memory_space<hbm>>) dst(%arg9 : memref<128x128xf32, #tpu.memory_space<vmem>>)
      %dma_start3A_77 = arith.constant 2 : i32
      %dma_start3A_78 = arith.constant 0 : i32
      %dma_start3A_79 = tpu.memref_slice %arg8[%dma_start3A_77, %dma_start3A_78] : memref<16x128xi32, #tpu.memory_space<vmem>> -> memref<1x128xi32, #tpu.memory_space<vmem>>
      %dma_start3A_80 = tpu.memref_squeeze %dma_start3A_79 : memref<1x128xi32, #tpu.memory_space<vmem>> -> memref<128xi32, #tpu.memory_space<vmem>>
      %dma_start3A_81 = arith.constant 0 : i32
      %dma_start3A_82 = arith.constant 0 : i32
      %dma_start3A_83 = tpu.memref_slice %arg11[%dma_start3A_81, %dma_start3A_82] : memref<10112x128xf32, #tpu.memory_space<vmem_shared>> -> memref<10112x128xf32, #tpu.memory_space<vmem_shared>>
      tpu.enqueue_indirect_dma source(%arg9 : memref<128x128xf32, #tpu.memory_space<vmem>>) target(%dma_start3A_83 : memref<10112x128xf32, #tpu.memory_space<vmem_shared>>) offsets(%dma_start3A_80 : memref<128xi32, #tpu.memory_space<vmem>>) semaphore(%arg14 : memref<!tpu.dma_semaphore, #tpu.memory_space<semaphore_mem>>) {add = true}
      %dma_wait3A_84 = arith.constant 1 : i32
      %dma_wait3A_85 = arith.constant 0 : i32
      %dma_wait3A_86 = tpu.memref_slice %arg8[%dma_wait3A_84, %dma_wait3A_85] : memref<16x128xi32, #tpu.memory_space<vmem>> -> memref<1x128xi32, #tpu.memory_space<vmem>>
      %dma_wait3A_87 = tpu.memref_squeeze %dma_wait3A_86 : memref<1x128xi32, #tpu.memory_space<vmem>> -> memref<128xi32, #tpu.memory_space<vmem>>
      %dma_wait3A_88 = arith.constant 0 : i32
      %dma_wait3A_89 = arith.constant 0 : i32
      %dma_wait3A_90 = tpu.memref_slice %arg11[%dma_wait3A_88, %dma_wait3A_89] : memref<10112x128xf32, #tpu.memory_space<vmem_shared>> -> memref<10112x128xf32, #tpu.memory_space<vmem_shared>>
      tpu.wait_indirect_dma semaphore(%arg15 : memref<!tpu.dma_semaphore, #tpu.memory_space<semaphore_mem>>) src(%arg10 : memref<128x128xf32, #tpu.memory_space<vmem>>) dst(%dma_wait3A_90 : memref<10112x128xf32, #tpu.memory_space<vmem_shared>>)
      %dma_start3A_91 = arith.constant 3 : i32
      %dma_start3A_92 = arith.constant 0 : i32
      %dma_start3A_93 = tpu.memref_slice %arg7[%dma_start3A_91, %dma_start3A_92] : memref<16x128xi32, #tpu.memory_space<vmem>> -> memref<1x128xi32, #tpu.memory_space<vmem>>
      %dma_start3A_94 = tpu.memref_squeeze %dma_start3A_93 : memref<1x128xi32, #tpu.memory_space<vmem>> -> memref<128xi32, #tpu.memory_space<vmem>>
      %dma_start3A_95 = arith.constant 0 : i32
      %dma_start3A_96 = arith.constant 0 : i32
      %dma_start3A_97 = tpu.memref_slice %arg4[%dma_start3A_95, %dma_start3A_96] : memref<20000x128xf32, #tpu.memory_space<hbm>> -> memref<20000x128xf32, #tpu.memory_space<hbm>>
      tpu.enqueue_indirect_dma source(%dma_start3A_97 : memref<20000x128xf32, #tpu.memory_space<hbm>>) target(%arg10 : memref<128x128xf32, #tpu.memory_space<vmem>>) offsets(%dma_start3A_94 : memref<128xi32, #tpu.memory_space<vmem>>) semaphore(%arg13 : memref<!tpu.dma_semaphore, #tpu.memory_space<semaphore_mem>>)
      %dma_wait3A_98 = arith.constant 3 : i32
      %dma_wait3A_99 = arith.constant 0 : i32
      %dma_wait3A_100 = tpu.memref_slice %arg7[%dma_wait3A_98, %dma_wait3A_99] : memref<16x128xi32, #tpu.memory_space<vmem>> -> memref<1x128xi32, #tpu.memory_space<vmem>>
      %dma_wait3A_101 = tpu.memref_squeeze %dma_wait3A_100 : memref<1x128xi32, #tpu.memory_space<vmem>> -> memref<128xi32, #tpu.memory_space<vmem>>
      %dma_wait3A_102 = arith.constant 0 : i32
      %dma_wait3A_103 = arith.constant 0 : i32
      %dma_wait3A_104 = tpu.memref_slice %arg4[%dma_wait3A_102, %dma_wait3A_103] : memref<20000x128xf32, #tpu.memory_space<hbm>> -> memref<20000x128xf32, #tpu.memory_space<hbm>>
      tpu.wait_indirect_dma semaphore(%arg13 : memref<!tpu.dma_semaphore, #tpu.memory_space<semaphore_mem>>) src(%dma_wait3A_104 : memref<20000x128xf32, #tpu.memory_space<hbm>>) dst(%arg10 : memref<128x128xf32, #tpu.memory_space<vmem>>)
      %dma_start3A_105 = arith.constant 3 : i32
      %dma_start3A_106 = arith.constant 0 : i32
      %dma_start3A_107 = tpu.memref_slice %arg8[%dma_start3A_105, %dma_start3A_106] : memref<16x128xi32, #tpu.memory_space<vmem>> -> memref<1x128xi32, #tpu.memory_space<vmem>>
      %dma_start3A_108 = tpu.memref_squeeze %dma_start3A_107 : memref<1x128xi32, #tpu.memory_space<vmem>> -> memref<128xi32, #tpu.memory_space<vmem>>
      %dma_start3A_109 = arith.constant 0 : i32
      %dma_start3A_110 = arith.constant 0 : i32
      %dma_start3A_111 = tpu.memref_slice %arg11[%dma_start3A_109, %dma_start3A_110] : memref<10112x128xf32, #tpu.memory_space<vmem_shared>> -> memref<10112x128xf32, #tpu.memory_space<vmem_shared>>
      tpu.enqueue_indirect_dma source(%arg10 : memref<128x128xf32, #tpu.memory_space<vmem>>) target(%dma_start3A_111 : memref<10112x128xf32, #tpu.memory_space<vmem_shared>>) offsets(%dma_start3A_108 : memref<128xi32, #tpu.memory_space<vmem>>) semaphore(%arg15 : memref<!tpu.dma_semaphore, #tpu.memory_space<semaphore_mem>>) {add = true}
      %dma_wait3A_112 = arith.constant 2 : i32
      %dma_wait3A_113 = arith.constant 0 : i32
      %dma_wait3A_114 = tpu.memref_slice %arg8[%dma_wait3A_112, %dma_wait3A_113] : memref<16x128xi32, #tpu.memory_space<vmem>> -> memref<1x128xi32, #tpu.memory_space<vmem>>
      %dma_wait3A_115 = tpu.memref_squeeze %dma_wait3A_114 : memref<1x128xi32, #tpu.memory_space<vmem>> -> memref<128xi32, #tpu.memory_space<vmem>>
      %dma_wait3A_116 = arith.constant 0 : i32
      %dma_wait3A_117 = arith.constant 0 : i32
      %dma_wait3A_118 = tpu.memref_slice %arg11[%dma_wait3A_116, %dma_wait3A_117] : memref<10112x128xf32, #tpu.memory_space<vmem_shared>> -> memref<10112x128xf32, #tpu.memory_space<vmem_shared>>
      tpu.wait_indirect_dma semaphore(%arg14 : memref<!tpu.dma_semaphore, #tpu.memory_space<semaphore_mem>>) src(%arg9 : memref<128x128xf32, #tpu.memory_space<vmem>>) dst(%dma_wait3A_118 : memref<10112x128xf32, #tpu.memory_space<vmem_shared>>)
      %dma_start3A_119 = arith.constant 4 : i32
      %dma_start3A_120 = arith.constant 0 : i32
      %dma_start3A_121 = tpu.memref_slice %arg7[%dma_start3A_119, %dma_start3A_120] : memref<16x128xi32, #tpu.memory_space<vmem>> -> memref<1x128xi32, #tpu.memory_space<vmem>>
      %dma_start3A_122 = tpu.memref_squeeze %dma_start3A_121 : memref<1x128xi32, #tpu.memory_space<vmem>> -> memref<128xi32, #tpu.memory_space<vmem>>
      %dma_start3A_123 = arith.constant 0 : i32
      %dma_start3A_124 = arith.constant 0 : i32
      %dma_start3A_125 = tpu.memref_slice %arg4[%dma_start3A_123, %dma_start3A_124] : memref<20000x128xf32, #tpu.memory_space<hbm>> -> memref<20000x128xf32, #tpu.memory_space<hbm>>
      tpu.enqueue_indirect_dma source(%dma_start3A_125 : memref<20000x128xf32, #tpu.memory_space<hbm>>) target(%arg9 : memref<128x128xf32, #tpu.memory_space<vmem>>) offsets(%dma_start3A_122 : memref<128xi32, #tpu.memory_space<vmem>>) semaphore(%arg12 : memref<!tpu.dma_semaphore, #tpu.memory_space<semaphore_mem>>)
      %dma_wait3A_126 = arith.constant 4 : i32
      %dma_wait3A_127 = arith.constant 0 : i32
      %dma_wait3A_128 = tpu.memref_slice %arg7[%dma_wait3A_126, %dma_wait3A_127] : memref<16x128xi32, #tpu.memory_space<vmem>> -> memref<1x128xi32, #tpu.memory_space<vmem>>
      %dma_wait3A_129 = tpu.memref_squeeze %dma_wait3A_128 : memref<1x128xi32, #tpu.memory_space<vmem>> -> memref<128xi32, #tpu.memory_space<vmem>>
      %dma_wait3A_130 = arith.constant 0 : i32
      %dma_wait3A_131 = arith.constant 0 : i32
      %dma_wait3A_132 = tpu.memref_slice %arg4[%dma_wait3A_130, %dma_wait3A_131] : memref<20000x128xf32, #tpu.memory_space<hbm>> -> memref<20000x128xf32, #tpu.memory_space<hbm>>
      tpu.wait_indirect_dma semaphore(%arg12 : memref<!tpu.dma_semaphore, #tpu.memory_space<semaphore_mem>>) src(%dma_wait3A_132 : memref<20000x128xf32, #tpu.memory_space<hbm>>) dst(%arg9 : memref<128x128xf32, #tpu.memory_space<vmem>>)
      %dma_start3A_133 = arith.constant 4 : i32
      %dma_start3A_134 = arith.constant 0 : i32
      %dma_start3A_135 = tpu.memref_slice %arg8[%dma_start3A_133, %dma_start3A_134] : memref<16x128xi32, #tpu.memory_space<vmem>> -> memref<1x128xi32, #tpu.memory_space<vmem>>
      %dma_start3A_136 = tpu.memref_squeeze %dma_start3A_135 : memref<1x128xi32, #tpu.memory_space<vmem>> -> memref<128xi32, #tpu.memory_space<vmem>>
      %dma_start3A_137 = arith.constant 0 : i32
      %dma_start3A_138 = arith.constant 0 : i32
      %dma_start3A_139 = tpu.memref_slice %arg11[%dma_start3A_137, %dma_start3A_138] : memref<10112x128xf32, #tpu.memory_space<vmem_shared>> -> memref<10112x128xf32, #tpu.memory_space<vmem_shared>>
      tpu.enqueue_indirect_dma source(%arg9 : memref<128x128xf32, #tpu.memory_space<vmem>>) target(%dma_start3A_139 : memref<10112x128xf32, #tpu.memory_space<vmem_shared>>) offsets(%dma_start3A_136 : memref<128xi32, #tpu.memory_space<vmem>>) semaphore(%arg14 : memref<!tpu.dma_semaphore, #tpu.memory_space<semaphore_mem>>) {add = true}
      %dma_wait3A_140 = arith.constant 3 : i32
      %dma_wait3A_141 = arith.constant 0 : i32
      %dma_wait3A_142 = tpu.memref_slice %arg8[%dma_wait3A_140, %dma_wait3A_141] : memref<16x128xi32, #tpu.memory_space<vmem>> -> memref<1x128xi32, #tpu.memory_space<vmem>>
      %dma_wait3A_143 = tpu.memref_squeeze %dma_wait3A_142 : memref<1x128xi32, #tpu.memory_space<vmem>> -> memref<128xi32, #tpu.memory_space<vmem>>
      %dma_wait3A_144 = arith.constant 0 : i32
      %dma_wait3A_145 = arith.constant 0 : i32
      %dma_wait3A_146 = tpu.memref_slice %arg11[%dma_wait3A_144, %dma_wait3A_145] : memref<10112x128xf32, #tpu.memory_space<vmem_shared>> -> memref<10112x128xf32, #tpu.memory_space<vmem_shared>>
      tpu.wait_indirect_dma semaphore(%arg15 : memref<!tpu.dma_semaphore, #tpu.memory_space<semaphore_mem>>) src(%arg10 : memref<128x128xf32, #tpu.memory_space<vmem>>) dst(%dma_wait3A_146 : memref<10112x128xf32, #tpu.memory_space<vmem_shared>>)
      %dma_start3A_147 = arith.constant 5 : i32
      %dma_start3A_148 = arith.constant 0 : i32
      %dma_start3A_149 = tpu.memref_slice %arg7[%dma_start3A_147, %dma_start3A_148] : memref<16x128xi32, #tpu.memory_space<vmem>> -> memref<1x128xi32, #tpu.memory_space<vmem>>
      %dma_start3A_150 = tpu.memref_squeeze %dma_start3A_149 : memref<1x128xi32, #tpu.memory_space<vmem>> -> memref<128xi32, #tpu.memory_space<vmem>>
      %dma_start3A_151 = arith.constant 0 : i32
      %dma_start3A_152 = arith.constant 0 : i32
      %dma_start3A_153 = tpu.memref_slice %arg4[%dma_start3A_151, %dma_start3A_152] : memref<20000x128xf32, #tpu.memory_space<hbm>> -> memref<20000x128xf32, #tpu.memory_space<hbm>>
      tpu.enqueue_indirect_dma source(%dma_start3A_153 : memref<20000x128xf32, #tpu.memory_space<hbm>>) target(%arg10 : memref<128x128xf32, #tpu.memory_space<vmem>>) offsets(%dma_start3A_150 : memref<128xi32, #tpu.memory_space<vmem>>) semaphore(%arg13 : memref<!tpu.dma_semaphore, #tpu.memory_space<semaphore_mem>>)
      %dma_wait3A_154 = arith.constant 5 : i32
      %dma_wait3A_155 = arith.constant 0 : i32
      %dma_wait3A_156 = tpu.memref_slice %arg7[%dma_wait3A_154, %dma_wait3A_155] : memref<16x128xi32, #tpu.memory_space<vmem>> -> memref<1x128xi32, #tpu.memory_space<vmem>>
      %dma_wait3A_157 = tpu.memref_squeeze %dma_wait3A_156 : memref<1x128xi32, #tpu.memory_space<vmem>> -> memref<128xi32, #tpu.memory_space<vmem>>
      %dma_wait3A_158 = arith.constant 0 : i32
      %dma_wait3A_159 = arith.constant 0 : i32
      %dma_wait3A_160 = tpu.memref_slice %arg4[%dma_wait3A_158, %dma_wait3A_159] : memref<20000x128xf32, #tpu.memory_space<hbm>> -> memref<20000x128xf32, #tpu.memory_space<hbm>>
      tpu.wait_indirect_dma semaphore(%arg13 : memref<!tpu.dma_semaphore, #tpu.memory_space<semaphore_mem>>) src(%dma_wait3A_160 : memref<20000x128xf32, #tpu.memory_space<hbm>>) dst(%arg10 : memref<128x128xf32, #tpu.memory_space<vmem>>)
      %dma_start3A_161 = arith.constant 5 : i32
      %dma_start3A_162 = arith.constant 0 : i32
      %dma_start3A_163 = tpu.memref_slice %arg8[%dma_start3A_161, %dma_start3A_162] : memref<16x128xi32, #tpu.memory_space<vmem>> -> memref<1x128xi32, #tpu.memory_space<vmem>>
      %dma_start3A_164 = tpu.memref_squeeze %dma_start3A_163 : memref<1x128xi32, #tpu.memory_space<vmem>> -> memref<128xi32, #tpu.memory_space<vmem>>
      %dma_start3A_165 = arith.constant 0 : i32
      %dma_start3A_166 = arith.constant 0 : i32
      %dma_start3A_167 = tpu.memref_slice %arg11[%dma_start3A_165, %dma_start3A_166] : memref<10112x128xf32, #tpu.memory_space<vmem_shared>> -> memref<10112x128xf32, #tpu.memory_space<vmem_shared>>
      tpu.enqueue_indirect_dma source(%arg10 : memref<128x128xf32, #tpu.memory_space<vmem>>) target(%dma_start3A_167 : memref<10112x128xf32, #tpu.memory_space<vmem_shared>>) offsets(%dma_start3A_164 : memref<128xi32, #tpu.memory_space<vmem>>) semaphore(%arg15 : memref<!tpu.dma_semaphore, #tpu.memory_space<semaphore_mem>>) {add = true}
      %dma_wait3A_168 = arith.constant 4 : i32
      %dma_wait3A_169 = arith.constant 0 : i32
      %dma_wait3A_170 = tpu.memref_slice %arg8[%dma_wait3A_168, %dma_wait3A_169] : memref<16x128xi32, #tpu.memory_space<vmem>> -> memref<1x128xi32, #tpu.memory_space<vmem>>
      %dma_wait3A_171 = tpu.memref_squeeze %dma_wait3A_170 : memref<1x128xi32, #tpu.memory_space<vmem>> -> memref<128xi32, #tpu.memory_space<vmem>>
      %dma_wait3A_172 = arith.constant 0 : i32
      %dma_wait3A_173 = arith.constant 0 : i32
      %dma_wait3A_174 = tpu.memref_slice %arg11[%dma_wait3A_172, %dma_wait3A_173] : memref<10112x128xf32, #tpu.memory_space<vmem_shared>> -> memref<10112x128xf32, #tpu.memory_space<vmem_shared>>
      tpu.wait_indirect_dma semaphore(%arg14 : memref<!tpu.dma_semaphore, #tpu.memory_space<semaphore_mem>>) src(%arg9 : memref<128x128xf32, #tpu.memory_space<vmem>>) dst(%dma_wait3A_174 : memref<10112x128xf32, #tpu.memory_space<vmem_shared>>)
      %dma_start3A_175 = arith.constant 6 : i32
      %dma_start3A_176 = arith.constant 0 : i32
      %dma_start3A_177 = tpu.memref_slice %arg7[%dma_start3A_175, %dma_start3A_176] : memref<16x128xi32, #tpu.memory_space<vmem>> -> memref<1x128xi32, #tpu.memory_space<vmem>>
      %dma_start3A_178 = tpu.memref_squeeze %dma_start3A_177 : memref<1x128xi32, #tpu.memory_space<vmem>> -> memref<128xi32, #tpu.memory_space<vmem>>
      %dma_start3A_179 = arith.constant 0 : i32
      %dma_start3A_180 = arith.constant 0 : i32
      %dma_start3A_181 = tpu.memref_slice %arg4[%dma_start3A_179, %dma_start3A_180] : memref<20000x128xf32, #tpu.memory_space<hbm>> -> memref<20000x128xf32, #tpu.memory_space<hbm>>
      tpu.enqueue_indirect_dma source(%dma_start3A_181 : memref<20000x128xf32, #tpu.memory_space<hbm>>) target(%arg9 : memref<128x128xf32, #tpu.memory_space<vmem>>) offsets(%dma_start3A_178 : memref<128xi32, #tpu.memory_space<vmem>>) semaphore(%arg12 : memref<!tpu.dma_semaphore, #tpu.memory_space<semaphore_mem>>)
      %dma_wait3A_182 = arith.constant 6 : i32
      %dma_wait3A_183 = arith.constant 0 : i32
      %dma_wait3A_184 = tpu.memref_slice %arg7[%dma_wait3A_182, %dma_wait3A_183] : memref<16x128xi32, #tpu.memory_space<vmem>> -> memref<1x128xi32, #tpu.memory_space<vmem>>
      %dma_wait3A_185 = tpu.memref_squeeze %dma_wait3A_184 : memref<1x128xi32, #tpu.memory_space<vmem>> -> memref<128xi32, #tpu.memory_space<vmem>>
      %dma_wait3A_186 = arith.constant 0 : i32
      %dma_wait3A_187 = arith.constant 0 : i32
      %dma_wait3A_188 = tpu.memref_slice %arg4[%dma_wait3A_186, %dma_wait3A_187] : memref<20000x128xf32, #tpu.memory_space<hbm>> -> memref<20000x128xf32, #tpu.memory_space<hbm>>
      tpu.wait_indirect_dma semaphore(%arg12 : memref<!tpu.dma_semaphore, #tpu.memory_space<semaphore_mem>>) src(%dma_wait3A_188 : memref<20000x128xf32, #tpu.memory_space<hbm>>) dst(%arg9 : memref<128x128xf32, #tpu.memory_space<vmem>>)
      %dma_start3A_189 = arith.constant 6 : i32
      %dma_start3A_190 = arith.constant 0 : i32
      %dma_start3A_191 = tpu.memref_slice %arg8[%dma_start3A_189, %dma_start3A_190] : memref<16x128xi32, #tpu.memory_space<vmem>> -> memref<1x128xi32, #tpu.memory_space<vmem>>
      %dma_start3A_192 = tpu.memref_squeeze %dma_start3A_191 : memref<1x128xi32, #tpu.memory_space<vmem>> -> memref<128xi32, #tpu.memory_space<vmem>>
      %dma_start3A_193 = arith.constant 0 : i32
      %dma_start3A_194 = arith.constant 0 : i32
      %dma_start3A_195 = tpu.memref_slice %arg11[%dma_start3A_193, %dma_start3A_194] : memref<10112x128xf32, #tpu.memory_space<vmem_shared>> -> memref<10112x128xf32, #tpu.memory_space<vmem_shared>>
      tpu.enqueue_indirect_dma source(%arg9 : memref<128x128xf32, #tpu.memory_space<vmem>>) target(%dma_start3A_195 : memref<10112x128xf32, #tpu.memory_space<vmem_shared>>) offsets(%dma_start3A_192 : memref<128xi32, #tpu.memory_space<vmem>>) semaphore(%arg14 : memref<!tpu.dma_semaphore, #tpu.memory_space<semaphore_mem>>) {add = true}
      %dma_wait3A_196 = arith.constant 5 : i32
      %dma_wait3A_197 = arith.constant 0 : i32
      %dma_wait3A_198 = tpu.memref_slice %arg8[%dma_wait3A_196, %dma_wait3A_197] : memref<16x128xi32, #tpu.memory_space<vmem>> -> memref<1x128xi32, #tpu.memory_space<vmem>>
      %dma_wait3A_199 = tpu.memref_squeeze %dma_wait3A_198 : memref<1x128xi32, #tpu.memory_space<vmem>> -> memref<128xi32, #tpu.memory_space<vmem>>
      %dma_wait3A_200 = arith.constant 0 : i32
      %dma_wait3A_201 = arith.constant 0 : i32
      %dma_wait3A_202 = tpu.memref_slice %arg11[%dma_wait3A_200, %dma_wait3A_201] : memref<10112x128xf32, #tpu.memory_space<vmem_shared>> -> memref<10112x128xf32, #tpu.memory_space<vmem_shared>>
      tpu.wait_indirect_dma semaphore(%arg15 : memref<!tpu.dma_semaphore, #tpu.memory_space<semaphore_mem>>) src(%arg10 : memref<128x128xf32, #tpu.memory_space<vmem>>) dst(%dma_wait3A_202 : memref<10112x128xf32, #tpu.memory_space<vmem_shared>>)
      %dma_start3A_203 = arith.constant 7 : i32
      %dma_start3A_204 = arith.constant 0 : i32
      %dma_start3A_205 = tpu.memref_slice %arg7[%dma_start3A_203, %dma_start3A_204] : memref<16x128xi32, #tpu.memory_space<vmem>> -> memref<1x128xi32, #tpu.memory_space<vmem>>
      %dma_start3A_206 = tpu.memref_squeeze %dma_start3A_205 : memref<1x128xi32, #tpu.memory_space<vmem>> -> memref<128xi32, #tpu.memory_space<vmem>>
      %dma_start3A_207 = arith.constant 0 : i32
      %dma_start3A_208 = arith.constant 0 : i32
      %dma_start3A_209 = tpu.memref_slice %arg4[%dma_start3A_207, %dma_start3A_208] : memref<20000x128xf32, #tpu.memory_space<hbm>> -> memref<20000x128xf32, #tpu.memory_space<hbm>>
      tpu.enqueue_indirect_dma source(%dma_start3A_209 : memref<20000x128xf32, #tpu.memory_space<hbm>>) target(%arg10 : memref<128x128xf32, #tpu.memory_space<vmem>>) offsets(%dma_start3A_206 : memref<128xi32, #tpu.memory_space<vmem>>) semaphore(%arg13 : memref<!tpu.dma_semaphore, #tpu.memory_space<semaphore_mem>>)
      %dma_wait3A_210 = arith.constant 7 : i32
      %dma_wait3A_211 = arith.constant 0 : i32
      %dma_wait3A_212 = tpu.memref_slice %arg7[%dma_wait3A_210, %dma_wait3A_211] : memref<16x128xi32, #tpu.memory_space<vmem>> -> memref<1x128xi32, #tpu.memory_space<vmem>>
      %dma_wait3A_213 = tpu.memref_squeeze %dma_wait3A_212 : memref<1x128xi32, #tpu.memory_space<vmem>> -> memref<128xi32, #tpu.memory_space<vmem>>
      %dma_wait3A_214 = arith.constant 0 : i32
      %dma_wait3A_215 = arith.constant 0 : i32
      %dma_wait3A_216 = tpu.memref_slice %arg4[%dma_wait3A_214, %dma_wait3A_215] : memref<20000x128xf32, #tpu.memory_space<hbm>> -> memref<20000x128xf32, #tpu.memory_space<hbm>>
      tpu.wait_indirect_dma semaphore(%arg13 : memref<!tpu.dma_semaphore, #tpu.memory_space<semaphore_mem>>) src(%dma_wait3A_216 : memref<20000x128xf32, #tpu.memory_space<hbm>>) dst(%arg10 : memref<128x128xf32, #tpu.memory_space<vmem>>)
      %dma_start3A_217 = arith.constant 7 : i32
      %dma_start3A_218 = arith.constant 0 : i32
      %dma_start3A_219 = tpu.memref_slice %arg8[%dma_start3A_217, %dma_start3A_218] : memref<16x128xi32, #tpu.memory_space<vmem>> -> memref<1x128xi32, #tpu.memory_space<vmem>>
      %dma_start3A_220 = tpu.memref_squeeze %dma_start3A_219 : memref<1x128xi32, #tpu.memory_space<vmem>> -> memref<128xi32, #tpu.memory_space<vmem>>
      %dma_start3A_221 = arith.constant 0 : i32
      %dma_start3A_222 = arith.constant 0 : i32
      %dma_start3A_223 = tpu.memref_slice %arg11[%dma_start3A_221, %dma_start3A_222] : memref<10112x128xf32, #tpu.memory_space<vmem_shared>> -> memref<10112x128xf32, #tpu.memory_space<vmem_shared>>
      tpu.enqueue_indirect_dma source(%arg10 : memref<128x128xf32, #tpu.memory_space<vmem>>) target(%dma_start3A_223 : memref<10112x128xf32, #tpu.memory_space<vmem_shared>>) offsets(%dma_start3A_220 : memref<128xi32, #tpu.memory_space<vmem>>) semaphore(%arg15 : memref<!tpu.dma_semaphore, #tpu.memory_space<semaphore_mem>>) {add = true}
      %dma_wait3A_224 = arith.constant 6 : i32
      %dma_wait3A_225 = arith.constant 0 : i32
      %dma_wait3A_226 = tpu.memref_slice %arg8[%dma_wait3A_224, %dma_wait3A_225] : memref<16x128xi32, #tpu.memory_space<vmem>> -> memref<1x128xi32, #tpu.memory_space<vmem>>
      %dma_wait3A_227 = tpu.memref_squeeze %dma_wait3A_226 : memref<1x128xi32, #tpu.memory_space<vmem>> -> memref<128xi32, #tpu.memory_space<vmem>>
      %dma_wait3A_228 = arith.constant 0 : i32
      %dma_wait3A_229 = arith.constant 0 : i32
      %dma_wait3A_230 = tpu.memref_slice %arg11[%dma_wait3A_228, %dma_wait3A_229] : memref<10112x128xf32, #tpu.memory_space<vmem_shared>> -> memref<10112x128xf32, #tpu.memory_space<vmem_shared>>
      tpu.wait_indirect_dma semaphore(%arg14 : memref<!tpu.dma_semaphore, #tpu.memory_space<semaphore_mem>>) src(%arg9 : memref<128x128xf32, #tpu.memory_space<vmem>>) dst(%dma_wait3A_230 : memref<10112x128xf32, #tpu.memory_space<vmem_shared>>)
      %dma_start3A_231 = arith.constant 8 : i32
      %dma_start3A_232 = arith.constant 0 : i32
      %dma_start3A_233 = tpu.memref_slice %arg7[%dma_start3A_231, %dma_start3A_232] : memref<16x128xi32, #tpu.memory_space<vmem>> -> memref<1x128xi32, #tpu.memory_space<vmem>>
      %dma_start3A_234 = tpu.memref_squeeze %dma_start3A_233 : memref<1x128xi32, #tpu.memory_space<vmem>> -> memref<128xi32, #tpu.memory_space<vmem>>
      %dma_start3A_235 = arith.constant 0 : i32
      %dma_start3A_236 = arith.constant 0 : i32
      %dma_start3A_237 = tpu.memref_slice %arg4[%dma_start3A_235, %dma_start3A_236] : memref<20000x128xf32, #tpu.memory_space<hbm>> -> memref<20000x128xf32, #tpu.memory_space<hbm>>
      tpu.enqueue_indirect_dma source(%dma_start3A_237 : memref<20000x128xf32, #tpu.memory_space<hbm>>) target(%arg9 : memref<128x128xf32, #tpu.memory_space<vmem>>) offsets(%dma_start3A_234 : memref<128xi32, #tpu.memory_space<vmem>>) semaphore(%arg12 : memref<!tpu.dma_semaphore, #tpu.memory_space<semaphore_mem>>)
      %dma_wait3A_238 = arith.constant 8 : i32
      %dma_wait3A_239 = arith.constant 0 : i32
      %dma_wait3A_240 = tpu.memref_slice %arg7[%dma_wait3A_238, %dma_wait3A_239] : memref<16x128xi32, #tpu.memory_space<vmem>> -> memref<1x128xi32, #tpu.memory_space<vmem>>
      %dma_wait3A_241 = tpu.memref_squeeze %dma_wait3A_240 : memref<1x128xi32, #tpu.memory_space<vmem>> -> memref<128xi32, #tpu.memory_space<vmem>>
      %dma_wait3A_242 = arith.constant 0 : i32
      %dma_wait3A_243 = arith.constant 0 : i32
      %dma_wait3A_244 = tpu.memref_slice %arg4[%dma_wait3A_242, %dma_wait3A_243] : memref<20000x128xf32, #tpu.memory_space<hbm>> -> memref<20000x128xf32, #tpu.memory_space<hbm>>
      tpu.wait_indirect_dma semaphore(%arg12 : memref<!tpu.dma_semaphore, #tpu.memory_space<semaphore_mem>>) src(%dma_wait3A_244 : memref<20000x128xf32, #tpu.memory_space<hbm>>) dst(%arg9 : memref<128x128xf32, #tpu.memory_space<vmem>>)
      %dma_start3A_245 = arith.constant 8 : i32
      %dma_start3A_246 = arith.constant 0 : i32
      %dma_start3A_247 = tpu.memref_slice %arg8[%dma_start3A_245, %dma_start3A_246] : memref<16x128xi32, #tpu.memory_space<vmem>> -> memref<1x128xi32, #tpu.memory_space<vmem>>
      %dma_start3A_248 = tpu.memref_squeeze %dma_start3A_247 : memref<1x128xi32, #tpu.memory_space<vmem>> -> memref<128xi32, #tpu.memory_space<vmem>>
      %dma_start3A_249 = arith.constant 0 : i32
      %dma_start3A_250 = arith.constant 0 : i32
      %dma_start3A_251 = tpu.memref_slice %arg11[%dma_start3A_249, %dma_start3A_250] : memref<10112x128xf32, #tpu.memory_space<vmem_shared>> -> memref<10112x128xf32, #tpu.memory_space<vmem_shared>>
      tpu.enqueue_indirect_dma source(%arg9 : memref<128x128xf32, #tpu.memory_space<vmem>>) target(%dma_start3A_251 : memref<10112x128xf32, #tpu.memory_space<vmem_shared>>) offsets(%dma_start3A_248 : memref<128xi32, #tpu.memory_space<vmem>>) semaphore(%arg14 : memref<!tpu.dma_semaphore, #tpu.memory_space<semaphore_mem>>) {add = true}
      %dma_wait3A_252 = arith.constant 7 : i32
      %dma_wait3A_253 = arith.constant 0 : i32
      %dma_wait3A_254 = tpu.memref_slice %arg8[%dma_wait3A_252, %dma_wait3A_253] : memref<16x128xi32, #tpu.memory_space<vmem>> -> memref<1x128xi32, #tpu.memory_space<vmem>>
      %dma_wait3A_255 = tpu.memref_squeeze %dma_wait3A_254 : memref<1x128xi32, #tpu.memory_space<vmem>> -> memref<128xi32, #tpu.memory_space<vmem>>
      %dma_wait3A_256 = arith.constant 0 : i32
      %dma_wait3A_257 = arith.constant 0 : i32
      %dma_wait3A_258 = tpu.memref_slice %arg11[%dma_wait3A_256, %dma_wait3A_257] : memref<10112x128xf32, #tpu.memory_space<vmem_shared>> -> memref<10112x128xf32, #tpu.memory_space<vmem_shared>>
      tpu.wait_indirect_dma semaphore(%arg15 : memref<!tpu.dma_semaphore, #tpu.memory_space<semaphore_mem>>) src(%arg10 : memref<128x128xf32, #tpu.memory_space<vmem>>) dst(%dma_wait3A_258 : memref<10112x128xf32, #tpu.memory_space<vmem_shared>>)
      %dma_start3A_259 = arith.constant 9 : i32
      %dma_start3A_260 = arith.constant 0 : i32
      %dma_start3A_261 = tpu.memref_slice %arg7[%dma_start3A_259, %dma_start3A_260] : memref<16x128xi32, #tpu.memory_space<vmem>> -> memref<1x128xi32, #tpu.memory_space<vmem>>
      %dma_start3A_262 = tpu.memref_squeeze %dma_start3A_261 : memref<1x128xi32, #tpu.memory_space<vmem>> -> memref<128xi32, #tpu.memory_space<vmem>>
      %dma_start3A_263 = arith.constant 0 : i32
      %dma_start3A_264 = arith.constant 0 : i32
      %dma_start3A_265 = tpu.memref_slice %arg4[%dma_start3A_263, %dma_start3A_264] : memref<20000x128xf32, #tpu.memory_space<hbm>> -> memref<20000x128xf32, #tpu.memory_space<hbm>>
      tpu.enqueue_indirect_dma source(%dma_start3A_265 : memref<20000x128xf32, #tpu.memory_space<hbm>>) target(%arg10 : memref<128x128xf32, #tpu.memory_space<vmem>>) offsets(%dma_start3A_262 : memref<128xi32, #tpu.memory_space<vmem>>) semaphore(%arg13 : memref<!tpu.dma_semaphore, #tpu.memory_space<semaphore_mem>>)
      %dma_wait3A_266 = arith.constant 9 : i32
      %dma_wait3A_267 = arith.constant 0 : i32
      %dma_wait3A_268 = tpu.memref_slice %arg7[%dma_wait3A_266, %dma_wait3A_267] : memref<16x128xi32, #tpu.memory_space<vmem>> -> memref<1x128xi32, #tpu.memory_space<vmem>>
      %dma_wait3A_269 = tpu.memref_squeeze %dma_wait3A_268 : memref<1x128xi32, #tpu.memory_space<vmem>> -> memref<128xi32, #tpu.memory_space<vmem>>
      %dma_wait3A_270 = arith.constant 0 : i32
      %dma_wait3A_271 = arith.constant 0 : i32
      %dma_wait3A_272 = tpu.memref_slice %arg4[%dma_wait3A_270, %dma_wait3A_271] : memref<20000x128xf32, #tpu.memory_space<hbm>> -> memref<20000x128xf32, #tpu.memory_space<hbm>>
      tpu.wait_indirect_dma semaphore(%arg13 : memref<!tpu.dma_semaphore, #tpu.memory_space<semaphore_mem>>) src(%dma_wait3A_272 : memref<20000x128xf32, #tpu.memory_space<hbm>>) dst(%arg10 : memref<128x128xf32, #tpu.memory_space<vmem>>)
      %dma_start3A_273 = arith.constant 9 : i32
      %dma_start3A_274 = arith.constant 0 : i32
      %dma_start3A_275 = tpu.memref_slice %arg8[%dma_start3A_273, %dma_start3A_274] : memref<16x128xi32, #tpu.memory_space<vmem>> -> memref<1x128xi32, #tpu.memory_space<vmem>>
      %dma_start3A_276 = tpu.memref_squeeze %dma_start3A_275 : memref<1x128xi32, #tpu.memory_space<vmem>> -> memref<128xi32, #tpu.memory_space<vmem>>
      %dma_start3A_277 = arith.constant 0 : i32
      %dma_start3A_278 = arith.constant 0 : i32
      %dma_start3A_279 = tpu.memref_slice %arg11[%dma_start3A_277, %dma_start3A_278] : memref<10112x128xf32, #tpu.memory_space<vmem_shared>> -> memref<10112x128xf32, #tpu.memory_space<vmem_shared>>
      tpu.enqueue_indirect_dma source(%arg10 : memref<128x128xf32, #tpu.memory_space<vmem>>) target(%dma_start3A_279 : memref<10112x128xf32, #tpu.memory_space<vmem_shared>>) offsets(%dma_start3A_276 : memref<128xi32, #tpu.memory_space<vmem>>) semaphore(%arg15 : memref<!tpu.dma_semaphore, #tpu.memory_space<semaphore_mem>>) {add = true}
      %dma_wait3A_280 = arith.constant 8 : i32
      %dma_wait3A_281 = arith.constant 0 : i32
      %dma_wait3A_282 = tpu.memref_slice %arg8[%dma_wait3A_280, %dma_wait3A_281] : memref<16x128xi32, #tpu.memory_space<vmem>> -> memref<1x128xi32, #tpu.memory_space<vmem>>
      %dma_wait3A_283 = tpu.memref_squeeze %dma_wait3A_282 : memref<1x128xi32, #tpu.memory_space<vmem>> -> memref<128xi32, #tpu.memory_space<vmem>>
      %dma_wait3A_284 = arith.constant 0 : i32
      %dma_wait3A_285 = arith.constant 0 : i32
      %dma_wait3A_286 = tpu.memref_slice %arg11[%dma_wait3A_284, %dma_wait3A_285] : memref<10112x128xf32, #tpu.memory_space<vmem_shared>> -> memref<10112x128xf32, #tpu.memory_space<vmem_shared>>
      tpu.wait_indirect_dma semaphore(%arg14 : memref<!tpu.dma_semaphore, #tpu.memory_space<semaphore_mem>>) src(%arg9 : memref<128x128xf32, #tpu.memory_space<vmem>>) dst(%dma_wait3A_286 : memref<10112x128xf32, #tpu.memory_space<vmem_shared>>)
      %dma_start3A_287 = arith.constant 10 : i32
      %dma_start3A_288 = arith.constant 0 : i32
      %dma_start3A_289 = tpu.memref_slice %arg7[%dma_start3A_287, %dma_start3A_288] : memref<16x128xi32, #tpu.memory_space<vmem>> -> memref<1x128xi32, #tpu.memory_space<vmem>>
      %dma_start3A_290 = tpu.memref_squeeze %dma_start3A_289 : memref<1x128xi32, #tpu.memory_space<vmem>> -> memref<128xi32, #tpu.memory_space<vmem>>
      %dma_start3A_291 = arith.constant 0 : i32
      %dma_start3A_292 = arith.constant 0 : i32
      %dma_start3A_293 = tpu.memref_slice %arg4[%dma_start3A_291, %dma_start3A_292] : memref<20000x128xf32, #tpu.memory_space<hbm>> -> memref<20000x128xf32, #tpu.memory_space<hbm>>
      tpu.enqueue_indirect_dma source(%dma_start3A_293 : memref<20000x128xf32, #tpu.memory_space<hbm>>) target(%arg9 : memref<128x128xf32, #tpu.memory_space<vmem>>) offsets(%dma_start3A_290 : memref<128xi32, #tpu.memory_space<vmem>>) semaphore(%arg12 : memref<!tpu.dma_semaphore, #tpu.memory_space<semaphore_mem>>)
      %dma_wait3A_294 = arith.constant 10 : i32
      %dma_wait3A_295 = arith.constant 0 : i32
      %dma_wait3A_296 = tpu.memref_slice %arg7[%dma_wait3A_294, %dma_wait3A_295] : memref<16x128xi32, #tpu.memory_space<vmem>> -> memref<1x128xi32, #tpu.memory_space<vmem>>
      %dma_wait3A_297 = tpu.memref_squeeze %dma_wait3A_296 : memref<1x128xi32, #tpu.memory_space<vmem>> -> memref<128xi32, #tpu.memory_space<vmem>>
      %dma_wait3A_298 = arith.constant 0 : i32
      %dma_wait3A_299 = arith.constant 0 : i32
      %dma_wait3A_300 = tpu.memref_slice %arg4[%dma_wait3A_298, %dma_wait3A_299] : memref<20000x128xf32, #tpu.memory_space<hbm>> -> memref<20000x128xf32, #tpu.memory_space<hbm>>
      tpu.wait_indirect_dma semaphore(%arg12 : memref<!tpu.dma_semaphore, #tpu.memory_space<semaphore_mem>>) src(%dma_wait3A_300 : memref<20000x128xf32, #tpu.memory_space<hbm>>) dst(%arg9 : memref<128x128xf32, #tpu.memory_space<vmem>>)
      %dma_start3A_301 = arith.constant 10 : i32
      %dma_start3A_302 = arith.constant 0 : i32
      %dma_start3A_303 = tpu.memref_slice %arg8[%dma_start3A_301, %dma_start3A_302] : memref<16x128xi32, #tpu.memory_space<vmem>> -> memref<1x128xi32, #tpu.memory_space<vmem>>
      %dma_start3A_304 = tpu.memref_squeeze %dma_start3A_303 : memref<1x128xi32, #tpu.memory_space<vmem>> -> memref<128xi32, #tpu.memory_space<vmem>>
      %dma_start3A_305 = arith.constant 0 : i32
      %dma_start3A_306 = arith.constant 0 : i32
      %dma_start3A_307 = tpu.memref_slice %arg11[%dma_start3A_305, %dma_start3A_306] : memref<10112x128xf32, #tpu.memory_space<vmem_shared>> -> memref<10112x128xf32, #tpu.memory_space<vmem_shared>>
      tpu.enqueue_indirect_dma source(%arg9 : memref<128x128xf32, #tpu.memory_space<vmem>>) target(%dma_start3A_307 : memref<10112x128xf32, #tpu.memory_space<vmem_shared>>) offsets(%dma_start3A_304 : memref<128xi32, #tpu.memory_space<vmem>>) semaphore(%arg14 : memref<!tpu.dma_semaphore, #tpu.memory_space<semaphore_mem>>) {add = true}
      %dma_wait3A_308 = arith.constant 9 : i32
      %dma_wait3A_309 = arith.constant 0 : i32
      %dma_wait3A_310 = tpu.memref_slice %arg8[%dma_wait3A_308, %dma_wait3A_309] : memref<16x128xi32, #tpu.memory_space<vmem>> -> memref<1x128xi32, #tpu.memory_space<vmem>>
      %dma_wait3A_311 = tpu.memref_squeeze %dma_wait3A_310 : memref<1x128xi32, #tpu.memory_space<vmem>> -> memref<128xi32, #tpu.memory_space<vmem>>
      %dma_wait3A_312 = arith.constant 0 : i32
      %dma_wait3A_313 = arith.constant 0 : i32
      %dma_wait3A_314 = tpu.memref_slice %arg11[%dma_wait3A_312, %dma_wait3A_313] : memref<10112x128xf32, #tpu.memory_space<vmem_shared>> -> memref<10112x128xf32, #tpu.memory_space<vmem_shared>>
      tpu.wait_indirect_dma semaphore(%arg15 : memref<!tpu.dma_semaphore, #tpu.memory_space<semaphore_mem>>) src(%arg10 : memref<128x128xf32, #tpu.memory_space<vmem>>) dst(%dma_wait3A_314 : memref<10112x128xf32, #tpu.memory_space<vmem_shared>>)
      %dma_start3A_315 = arith.constant 11 : i32
      %dma_start3A_316 = arith.constant 0 : i32
      %dma_start3A_317 = tpu.memref_slice %arg7[%dma_start3A_315, %dma_start3A_316] : memref<16x128xi32, #tpu.memory_space<vmem>> -> memref<1x128xi32, #tpu.memory_space<vmem>>
      %dma_start3A_318 = tpu.memref_squeeze %dma_start3A_317 : memref<1x128xi32, #tpu.memory_space<vmem>> -> memref<128xi32, #tpu.memory_space<vmem>>
      %dma_start3A_319 = arith.constant 0 : i32
      %dma_start3A_320 = arith.constant 0 : i32
      %dma_start3A_321 = tpu.memref_slice %arg4[%dma_start3A_319, %dma_start3A_320] : memref<20000x128xf32, #tpu.memory_space<hbm>> -> memref<20000x128xf32, #tpu.memory_space<hbm>>
      tpu.enqueue_indirect_dma source(%dma_start3A_321 : memref<20000x128xf32, #tpu.memory_space<hbm>>) target(%arg10 : memref<128x128xf32, #tpu.memory_space<vmem>>) offsets(%dma_start3A_318 : memref<128xi32, #tpu.memory_space<vmem>>) semaphore(%arg13 : memref<!tpu.dma_semaphore, #tpu.memory_space<semaphore_mem>>)
      %dma_wait3A_322 = arith.constant 11 : i32
      %dma_wait3A_323 = arith.constant 0 : i32
      %dma_wait3A_324 = tpu.memref_slice %arg7[%dma_wait3A_322, %dma_wait3A_323] : memref<16x128xi32, #tpu.memory_space<vmem>> -> memref<1x128xi32, #tpu.memory_space<vmem>>
      %dma_wait3A_325 = tpu.memref_squeeze %dma_wait3A_324 : memref<1x128xi32, #tpu.memory_space<vmem>> -> memref<128xi32, #tpu.memory_space<vmem>>
      %dma_wait3A_326 = arith.constant 0 : i32
      %dma_wait3A_327 = arith.constant 0 : i32
      %dma_wait3A_328 = tpu.memref_slice %arg4[%dma_wait3A_326, %dma_wait3A_327] : memref<20000x128xf32, #tpu.memory_space<hbm>> -> memref<20000x128xf32, #tpu.memory_space<hbm>>
      tpu.wait_indirect_dma semaphore(%arg13 : memref<!tpu.dma_semaphore, #tpu.memory_space<semaphore_mem>>) src(%dma_wait3A_328 : memref<20000x128xf32, #tpu.memory_space<hbm>>) dst(%arg10 : memref<128x128xf32, #tpu.memory_space<vmem>>)
      %dma_start3A_329 = arith.constant 11 : i32
      %dma_start3A_330 = arith.constant 0 : i32
      %dma_start3A_331 = tpu.memref_slice %arg8[%dma_start3A_329, %dma_start3A_330] : memref<16x128xi32, #tpu.memory_space<vmem>> -> memref<1x128xi32, #tpu.memory_space<vmem>>
      %dma_start3A_332 = tpu.memref_squeeze %dma_start3A_331 : memref<1x128xi32, #tpu.memory_space<vmem>> -> memref<128xi32, #tpu.memory_space<vmem>>
      %dma_start3A_333 = arith.constant 0 : i32
      %dma_start3A_334 = arith.constant 0 : i32
      %dma_start3A_335 = tpu.memref_slice %arg11[%dma_start3A_333, %dma_start3A_334] : memref<10112x128xf32, #tpu.memory_space<vmem_shared>> -> memref<10112x128xf32, #tpu.memory_space<vmem_shared>>
      tpu.enqueue_indirect_dma source(%arg10 : memref<128x128xf32, #tpu.memory_space<vmem>>) target(%dma_start3A_335 : memref<10112x128xf32, #tpu.memory_space<vmem_shared>>) offsets(%dma_start3A_332 : memref<128xi32, #tpu.memory_space<vmem>>) semaphore(%arg15 : memref<!tpu.dma_semaphore, #tpu.memory_space<semaphore_mem>>) {add = true}
      %dma_wait3A_336 = arith.constant 10 : i32
      %dma_wait3A_337 = arith.constant 0 : i32
      %dma_wait3A_338 = tpu.memref_slice %arg8[%dma_wait3A_336, %dma_wait3A_337] : memref<16x128xi32, #tpu.memory_space<vmem>> -> memref<1x128xi32, #tpu.memory_space<vmem>>
      %dma_wait3A_339 = tpu.memref_squeeze %dma_wait3A_338 : memref<1x128xi32, #tpu.memory_space<vmem>> -> memref<128xi32, #tpu.memory_space<vmem>>
      %dma_wait3A_340 = arith.constant 0 : i32
      %dma_wait3A_341 = arith.constant 0 : i32
      %dma_wait3A_342 = tpu.memref_slice %arg11[%dma_wait3A_340, %dma_wait3A_341] : memref<10112x128xf32, #tpu.memory_space<vmem_shared>> -> memref<10112x128xf32, #tpu.memory_space<vmem_shared>>
      tpu.wait_indirect_dma semaphore(%arg14 : memref<!tpu.dma_semaphore, #tpu.memory_space<semaphore_mem>>) src(%arg9 : memref<128x128xf32, #tpu.memory_space<vmem>>) dst(%dma_wait3A_342 : memref<10112x128xf32, #tpu.memory_space<vmem_shared>>)
      %dma_start3A_343 = arith.constant 12 : i32
      %dma_start3A_344 = arith.constant 0 : i32
      %dma_start3A_345 = tpu.memref_slice %arg7[%dma_start3A_343, %dma_start3A_344] : memref<16x128xi32, #tpu.memory_space<vmem>> -> memref<1x128xi32, #tpu.memory_space<vmem>>
      %dma_start3A_346 = tpu.memref_squeeze %dma_start3A_345 : memref<1x128xi32, #tpu.memory_space<vmem>> -> memref<128xi32, #tpu.memory_space<vmem>>
      %dma_start3A_347 = arith.constant 0 : i32
      %dma_start3A_348 = arith.constant 0 : i32
      %dma_start3A_349 = tpu.memref_slice %arg4[%dma_start3A_347, %dma_start3A_348] : memref<20000x128xf32, #tpu.memory_space<hbm>> -> memref<20000x128xf32, #tpu.memory_space<hbm>>
      tpu.enqueue_indirect_dma source(%dma_start3A_349 : memref<20000x128xf32, #tpu.memory_space<hbm>>) target(%arg9 : memref<128x128xf32, #tpu.memory_space<vmem>>) offsets(%dma_start3A_346 : memref<128xi32, #tpu.memory_space<vmem>>) semaphore(%arg12 : memref<!tpu.dma_semaphore, #tpu.memory_space<semaphore_mem>>)
      %dma_wait3A_350 = arith.constant 12 : i32
      %dma_wait3A_351 = arith.constant 0 : i32
      %dma_wait3A_352 = tpu.memref_slice %arg7[%dma_wait3A_350, %dma_wait3A_351] : memref<16x128xi32, #tpu.memory_space<vmem>> -> memref<1x128xi32, #tpu.memory_space<vmem>>
      %dma_wait3A_353 = tpu.memref_squeeze %dma_wait3A_352 : memref<1x128xi32, #tpu.memory_space<vmem>> -> memref<128xi32, #tpu.memory_space<vmem>>
      %dma_wait3A_354 = arith.constant 0 : i32
      %dma_wait3A_355 = arith.constant 0 : i32
      %dma_wait3A_356 = tpu.memref_slice %arg4[%dma_wait3A_354, %dma_wait3A_355] : memref<20000x128xf32, #tpu.memory_space<hbm>> -> memref<20000x128xf32, #tpu.memory_space<hbm>>
      tpu.wait_indirect_dma semaphore(%arg12 : memref<!tpu.dma_semaphore, #tpu.memory_space<semaphore_mem>>) src(%dma_wait3A_356 : memref<20000x128xf32, #tpu.memory_space<hbm>>) dst(%arg9 : memref<128x128xf32, #tpu.memory_space<vmem>>)
      %dma_start3A_357 = arith.constant 12 : i32
      %dma_start3A_358 = arith.constant 0 : i32
      %dma_start3A_359 = tpu.memref_slice %arg8[%dma_start3A_357, %dma_start3A_358] : memref<16x128xi32, #tpu.memory_space<vmem>> -> memref<1x128xi32, #tpu.memory_space<vmem>>
      %dma_start3A_360 = tpu.memref_squeeze %dma_start3A_359 : memref<1x128xi32, #tpu.memory_space<vmem>> -> memref<128xi32, #tpu.memory_space<vmem>>
      %dma_start3A_361 = arith.constant 0 : i32
      %dma_start3A_362 = arith.constant 0 : i32
      %dma_start3A_363 = tpu.memref_slice %arg11[%dma_start3A_361, %dma_start3A_362] : memref<10112x128xf32, #tpu.memory_space<vmem_shared>> -> memref<10112x128xf32, #tpu.memory_space<vmem_shared>>
      tpu.enqueue_indirect_dma source(%arg9 : memref<128x128xf32, #tpu.memory_space<vmem>>) target(%dma_start3A_363 : memref<10112x128xf32, #tpu.memory_space<vmem_shared>>) offsets(%dma_start3A_360 : memref<128xi32, #tpu.memory_space<vmem>>) semaphore(%arg14 : memref<!tpu.dma_semaphore, #tpu.memory_space<semaphore_mem>>) {add = true}
      %dma_wait3A_364 = arith.constant 11 : i32
      %dma_wait3A_365 = arith.constant 0 : i32
      %dma_wait3A_366 = tpu.memref_slice %arg8[%dma_wait3A_364, %dma_wait3A_365] : memref<16x128xi32, #tpu.memory_space<vmem>> -> memref<1x128xi32, #tpu.memory_space<vmem>>
      %dma_wait3A_367 = tpu.memref_squeeze %dma_wait3A_366 : memref<1x128xi32, #tpu.memory_space<vmem>> -> memref<128xi32, #tpu.memory_space<vmem>>
      %dma_wait3A_368 = arith.constant 0 : i32
      %dma_wait3A_369 = arith.constant 0 : i32
      %dma_wait3A_370 = tpu.memref_slice %arg11[%dma_wait3A_368, %dma_wait3A_369] : memref<10112x128xf32, #tpu.memory_space<vmem_shared>> -> memref<10112x128xf32, #tpu.memory_space<vmem_shared>>
      tpu.wait_indirect_dma semaphore(%arg15 : memref<!tpu.dma_semaphore, #tpu.memory_space<semaphore_mem>>) src(%arg10 : memref<128x128xf32, #tpu.memory_space<vmem>>) dst(%dma_wait3A_370 : memref<10112x128xf32, #tpu.memory_space<vmem_shared>>)
      %dma_start3A_371 = arith.constant 13 : i32
      %dma_start3A_372 = arith.constant 0 : i32
      %dma_start3A_373 = tpu.memref_slice %arg7[%dma_start3A_371, %dma_start3A_372] : memref<16x128xi32, #tpu.memory_space<vmem>> -> memref<1x128xi32, #tpu.memory_space<vmem>>
      %dma_start3A_374 = tpu.memref_squeeze %dma_start3A_373 : memref<1x128xi32, #tpu.memory_space<vmem>> -> memref<128xi32, #tpu.memory_space<vmem>>
      %dma_start3A_375 = arith.constant 0 : i32
      %dma_start3A_376 = arith.constant 0 : i32
      %dma_start3A_377 = tpu.memref_slice %arg4[%dma_start3A_375, %dma_start3A_376] : memref<20000x128xf32, #tpu.memory_space<hbm>> -> memref<20000x128xf32, #tpu.memory_space<hbm>>
      tpu.enqueue_indirect_dma source(%dma_start3A_377 : memref<20000x128xf32, #tpu.memory_space<hbm>>) target(%arg10 : memref<128x128xf32, #tpu.memory_space<vmem>>) offsets(%dma_start3A_374 : memref<128xi32, #tpu.memory_space<vmem>>) semaphore(%arg13 : memref<!tpu.dma_semaphore, #tpu.memory_space<semaphore_mem>>)
      %dma_wait3A_378 = arith.constant 13 : i32
      %dma_wait3A_379 = arith.constant 0 : i32
      %dma_wait3A_380 = tpu.memref_slice %arg7[%dma_wait3A_378, %dma_wait3A_379] : memref<16x128xi32, #tpu.memory_space<vmem>> -> memref<1x128xi32, #tpu.memory_space<vmem>>
      %dma_wait3A_381 = tpu.memref_squeeze %dma_wait3A_380 : memref<1x128xi32, #tpu.memory_space<vmem>> -> memref<128xi32, #tpu.memory_space<vmem>>
      %dma_wait3A_382 = arith.constant 0 : i32
      %dma_wait3A_383 = arith.constant 0 : i32
      %dma_wait3A_384 = tpu.memref_slice %arg4[%dma_wait3A_382, %dma_wait3A_383] : memref<20000x128xf32, #tpu.memory_space<hbm>> -> memref<20000x128xf32, #tpu.memory_space<hbm>>
      tpu.wait_indirect_dma semaphore(%arg13 : memref<!tpu.dma_semaphore, #tpu.memory_space<semaphore_mem>>) src(%dma_wait3A_384 : memref<20000x128xf32, #tpu.memory_space<hbm>>) dst(%arg10 : memref<128x128xf32, #tpu.memory_space<vmem>>)
      %dma_start3A_385 = arith.constant 13 : i32
      %dma_start3A_386 = arith.constant 0 : i32
      %dma_start3A_387 = tpu.memref_slice %arg8[%dma_start3A_385, %dma_start3A_386] : memref<16x128xi32, #tpu.memory_space<vmem>> -> memref<1x128xi32, #tpu.memory_space<vmem>>
      %dma_start3A_388 = tpu.memref_squeeze %dma_start3A_387 : memref<1x128xi32, #tpu.memory_space<vmem>> -> memref<128xi32, #tpu.memory_space<vmem>>
      %dma_start3A_389 = arith.constant 0 : i32
      %dma_start3A_390 = arith.constant 0 : i32
      %dma_start3A_391 = tpu.memref_slice %arg11[%dma_start3A_389, %dma_start3A_390] : memref<10112x128xf32, #tpu.memory_space<vmem_shared>> -> memref<10112x128xf32, #tpu.memory_space<vmem_shared>>
      tpu.enqueue_indirect_dma source(%arg10 : memref<128x128xf32, #tpu.memory_space<vmem>>) target(%dma_start3A_391 : memref<10112x128xf32, #tpu.memory_space<vmem_shared>>) offsets(%dma_start3A_388 : memref<128xi32, #tpu.memory_space<vmem>>) semaphore(%arg15 : memref<!tpu.dma_semaphore, #tpu.memory_space<semaphore_mem>>) {add = true}
      %dma_wait3A_392 = arith.constant 12 : i32
      %dma_wait3A_393 = arith.constant 0 : i32
      %dma_wait3A_394 = tpu.memref_slice %arg8[%dma_wait3A_392, %dma_wait3A_393] : memref<16x128xi32, #tpu.memory_space<vmem>> -> memref<1x128xi32, #tpu.memory_space<vmem>>
      %dma_wait3A_395 = tpu.memref_squeeze %dma_wait3A_394 : memref<1x128xi32, #tpu.memory_space<vmem>> -> memref<128xi32, #tpu.memory_space<vmem>>
      %dma_wait3A_396 = arith.constant 0 : i32
      %dma_wait3A_397 = arith.constant 0 : i32
      %dma_wait3A_398 = tpu.memref_slice %arg11[%dma_wait3A_396, %dma_wait3A_397] : memref<10112x128xf32, #tpu.memory_space<vmem_shared>> -> memref<10112x128xf32, #tpu.memory_space<vmem_shared>>
      tpu.wait_indirect_dma semaphore(%arg14 : memref<!tpu.dma_semaphore, #tpu.memory_space<semaphore_mem>>) src(%arg9 : memref<128x128xf32, #tpu.memory_space<vmem>>) dst(%dma_wait3A_398 : memref<10112x128xf32, #tpu.memory_space<vmem_shared>>)
      %dma_start3A_399 = arith.constant 14 : i32
      %dma_start3A_400 = arith.constant 0 : i32
      %dma_start3A_401 = tpu.memref_slice %arg7[%dma_start3A_399, %dma_start3A_400] : memref<16x128xi32, #tpu.memory_space<vmem>> -> memref<1x128xi32, #tpu.memory_space<vmem>>
      %dma_start3A_402 = tpu.memref_squeeze %dma_start3A_401 : memref<1x128xi32, #tpu.memory_space<vmem>> -> memref<128xi32, #tpu.memory_space<vmem>>
      %dma_start3A_403 = arith.constant 0 : i32
      %dma_start3A_404 = arith.constant 0 : i32
      %dma_start3A_405 = tpu.memref_slice %arg4[%dma_start3A_403, %dma_start3A_404] : memref<20000x128xf32, #tpu.memory_space<hbm>> -> memref<20000x128xf32, #tpu.memory_space<hbm>>
      tpu.enqueue_indirect_dma source(%dma_start3A_405 : memref<20000x128xf32, #tpu.memory_space<hbm>>) target(%arg9 : memref<128x128xf32, #tpu.memory_space<vmem>>) offsets(%dma_start3A_402 : memref<128xi32, #tpu.memory_space<vmem>>) semaphore(%arg12 : memref<!tpu.dma_semaphore, #tpu.memory_space<semaphore_mem>>)
      %dma_wait3A_406 = arith.constant 14 : i32
      %dma_wait3A_407 = arith.constant 0 : i32
      %dma_wait3A_408 = tpu.memref_slice %arg7[%dma_wait3A_406, %dma_wait3A_407] : memref<16x128xi32, #tpu.memory_space<vmem>> -> memref<1x128xi32, #tpu.memory_space<vmem>>
      %dma_wait3A_409 = tpu.memref_squeeze %dma_wait3A_408 : memref<1x128xi32, #tpu.memory_space<vmem>> -> memref<128xi32, #tpu.memory_space<vmem>>
      %dma_wait3A_410 = arith.constant 0 : i32
      %dma_wait3A_411 = arith.constant 0 : i32
      %dma_wait3A_412 = tpu.memref_slice %arg4[%dma_wait3A_410, %dma_wait3A_411] : memref<20000x128xf32, #tpu.memory_space<hbm>> -> memref<20000x128xf32, #tpu.memory_space<hbm>>
      tpu.wait_indirect_dma semaphore(%arg12 : memref<!tpu.dma_semaphore, #tpu.memory_space<semaphore_mem>>) src(%dma_wait3A_412 : memref<20000x128xf32, #tpu.memory_space<hbm>>) dst(%arg9 : memref<128x128xf32, #tpu.memory_space<vmem>>)
      %dma_start3A_413 = arith.constant 14 : i32
      %dma_start3A_414 = arith.constant 0 : i32
      %dma_start3A_415 = tpu.memref_slice %arg8[%dma_start3A_413, %dma_start3A_414] : memref<16x128xi32, #tpu.memory_space<vmem>> -> memref<1x128xi32, #tpu.memory_space<vmem>>
      %dma_start3A_416 = tpu.memref_squeeze %dma_start3A_415 : memref<1x128xi32, #tpu.memory_space<vmem>> -> memref<128xi32, #tpu.memory_space<vmem>>
      %dma_start3A_417 = arith.constant 0 : i32
      %dma_start3A_418 = arith.constant 0 : i32
      %dma_start3A_419 = tpu.memref_slice %arg11[%dma_start3A_417, %dma_start3A_418] : memref<10112x128xf32, #tpu.memory_space<vmem_shared>> -> memref<10112x128xf32, #tpu.memory_space<vmem_shared>>
      tpu.enqueue_indirect_dma source(%arg9 : memref<128x128xf32, #tpu.memory_space<vmem>>) target(%dma_start3A_419 : memref<10112x128xf32, #tpu.memory_space<vmem_shared>>) offsets(%dma_start3A_416 : memref<128xi32, #tpu.memory_space<vmem>>) semaphore(%arg14 : memref<!tpu.dma_semaphore, #tpu.memory_space<semaphore_mem>>) {add = true}
      %dma_wait3A_420 = arith.constant 13 : i32
      %dma_wait3A_421 = arith.constant 0 : i32
      %dma_wait3A_422 = tpu.memref_slice %arg8[%dma_wait3A_420, %dma_wait3A_421] : memref<16x128xi32, #tpu.memory_space<vmem>> -> memref<1x128xi32, #tpu.memory_space<vmem>>
      %dma_wait3A_423 = tpu.memref_squeeze %dma_wait3A_422 : memref<1x128xi32, #tpu.memory_space<vmem>> -> memref<128xi32, #tpu.memory_space<vmem>>
      %dma_wait3A_424 = arith.constant 0 : i32
      %dma_wait3A_425 = arith.constant 0 : i32
      %dma_wait3A_426 = tpu.memref_slice %arg11[%dma_wait3A_424, %dma_wait3A_425] : memref<10112x128xf32, #tpu.memory_space<vmem_shared>> -> memref<10112x128xf32, #tpu.memory_space<vmem_shared>>
      tpu.wait_indirect_dma semaphore(%arg15 : memref<!tpu.dma_semaphore, #tpu.memory_space<semaphore_mem>>) src(%arg10 : memref<128x128xf32, #tpu.memory_space<vmem>>) dst(%dma_wait3A_426 : memref<10112x128xf32, #tpu.memory_space<vmem_shared>>)
      %dma_start3A_427 = arith.constant 15 : i32
      %dma_start3A_428 = arith.constant 0 : i32
      %dma_start3A_429 = tpu.memref_slice %arg7[%dma_start3A_427, %dma_start3A_428] : memref<16x128xi32, #tpu.memory_space<vmem>> -> memref<1x128xi32, #tpu.memory_space<vmem>>
      %dma_start3A_430 = tpu.memref_squeeze %dma_start3A_429 : memref<1x128xi32, #tpu.memory_space<vmem>> -> memref<128xi32, #tpu.memory_space<vmem>>
      %dma_start3A_431 = arith.constant 0 : i32
      %dma_start3A_432 = arith.constant 0 : i32
      %dma_start3A_433 = tpu.memref_slice %arg4[%dma_start3A_431, %dma_start3A_432] : memref<20000x128xf32, #tpu.memory_space<hbm>> -> memref<20000x128xf32, #tpu.memory_space<hbm>>
      tpu.enqueue_indirect_dma source(%dma_start3A_433 : memref<20000x128xf32, #tpu.memory_space<hbm>>) target(%arg10 : memref<128x128xf32, #tpu.memory_space<vmem>>) offsets(%dma_start3A_430 : memref<128xi32, #tpu.memory_space<vmem>>) semaphore(%arg13 : memref<!tpu.dma_semaphore, #tpu.memory_space<semaphore_mem>>)
      %dma_wait3A_434 = arith.constant 15 : i32
      %dma_wait3A_435 = arith.constant 0 : i32
      %dma_wait3A_436 = tpu.memref_slice %arg7[%dma_wait3A_434, %dma_wait3A_435] : memref<16x128xi32, #tpu.memory_space<vmem>> -> memref<1x128xi32, #tpu.memory_space<vmem>>
      %dma_wait3A_437 = tpu.memref_squeeze %dma_wait3A_436 : memref<1x128xi32, #tpu.memory_space<vmem>> -> memref<128xi32, #tpu.memory_space<vmem>>
      %dma_wait3A_438 = arith.constant 0 : i32
      %dma_wait3A_439 = arith.constant 0 : i32
      %dma_wait3A_440 = tpu.memref_slice %arg4[%dma_wait3A_438, %dma_wait3A_439] : memref<20000x128xf32, #tpu.memory_space<hbm>> -> memref<20000x128xf32, #tpu.memory_space<hbm>>
      tpu.wait_indirect_dma semaphore(%arg13 : memref<!tpu.dma_semaphore, #tpu.memory_space<semaphore_mem>>) src(%dma_wait3A_440 : memref<20000x128xf32, #tpu.memory_space<hbm>>) dst(%arg10 : memref<128x128xf32, #tpu.memory_space<vmem>>)
      %dma_start3A_441 = arith.constant 15 : i32
      %dma_start3A_442 = arith.constant 0 : i32
      %dma_start3A_443 = tpu.memref_slice %arg8[%dma_start3A_441, %dma_start3A_442] : memref<16x128xi32, #tpu.memory_space<vmem>> -> memref<1x128xi32, #tpu.memory_space<vmem>>
      %dma_start3A_444 = tpu.memref_squeeze %dma_start3A_443 : memref<1x128xi32, #tpu.memory_space<vmem>> -> memref<128xi32, #tpu.memory_space<vmem>>
      %dma_start3A_445 = arith.constant 0 : i32
      %dma_start3A_446 = arith.constant 0 : i32
      %dma_start3A_447 = tpu.memref_slice %arg11[%dma_start3A_445, %dma_start3A_446] : memref<10112x128xf32, #tpu.memory_space<vmem_shared>> -> memref<10112x128xf32, #tpu.memory_space<vmem_shared>>
      tpu.enqueue_indirect_dma source(%arg10 : memref<128x128xf32, #tpu.memory_space<vmem>>) target(%dma_start3A_447 : memref<10112x128xf32, #tpu.memory_space<vmem_shared>>) offsets(%dma_start3A_444 : memref<128xi32, #tpu.memory_space<vmem>>) semaphore(%arg15 : memref<!tpu.dma_semaphore, #tpu.memory_space<semaphore_mem>>) {add = true}
      %dma_wait3A_448 = arith.constant 14 : i32
      %dma_wait3A_449 = arith.constant 0 : i32
      %dma_wait3A_450 = tpu.memref_slice %arg8[%dma_wait3A_448, %dma_wait3A_449] : memref<16x128xi32, #tpu.memory_space<vmem>> -> memref<1x128xi32, #tpu.memory_space<vmem>>
      %dma_wait3A_451 = tpu.memref_squeeze %dma_wait3A_450 : memref<1x128xi32, #tpu.memory_space<vmem>> -> memref<128xi32, #tpu.memory_space<vmem>>
      %dma_wait3A_452 = arith.constant 0 : i32
      %dma_wait3A_453 = arith.constant 0 : i32
      %dma_wait3A_454 = tpu.memref_slice %arg11[%dma_wait3A_452, %dma_wait3A_453] : memref<10112x128xf32, #tpu.memory_space<vmem_shared>> -> memref<10112x128xf32, #tpu.memory_space<vmem_shared>>
      tpu.wait_indirect_dma semaphore(%arg14 : memref<!tpu.dma_semaphore, #tpu.memory_space<semaphore_mem>>) src(%arg9 : memref<128x128xf32, #tpu.memory_space<vmem>>) dst(%dma_wait3A_454 : memref<10112x128xf32, #tpu.memory_space<vmem_shared>>)
      %dma_wait3A_455 = arith.constant 15 : i32
      %dma_wait3A_456 = arith.constant 0 : i32
      %dma_wait3A_457 = tpu.memref_slice %arg8[%dma_wait3A_455, %dma_wait3A_456] : memref<16x128xi32, #tpu.memory_space<vmem>> -> memref<1x128xi32, #tpu.memory_space<vmem>>
      %dma_wait3A_458 = tpu.memref_squeeze %dma_wait3A_457 : memref<1x128xi32, #tpu.memory_space<vmem>> -> memref<128xi32, #tpu.memory_space<vmem>>
      %dma_wait3A_459 = arith.constant 0 : i32
      %dma_wait3A_460 = arith.constant 0 : i32
      %dma_wait3A_461 = tpu.memref_slice %arg11[%dma_wait3A_459, %dma_wait3A_460] : memref<10112x128xf32, #tpu.memory_space<vmem_shared>> -> memref<10112x128xf32, #tpu.memory_space<vmem_shared>>
      tpu.wait_indirect_dma semaphore(%arg15 : memref<!tpu.dma_semaphore, #tpu.memory_space<semaphore_mem>>) src(%arg10 : memref<128x128xf32, #tpu.memory_space<vmem>>) dst(%dma_wait3A_461 : memref<10112x128xf32, #tpu.memory_space<vmem_shared>>)
    }
    %scan3A_7 = arith.constant 10 : i32
    %barrier3A_8 = arith.constant 0 : index
    tpu.barrier barrier_id(%barrier3A_8)
    %mul3A_9 = arith.constant 632 : i32
    %mul3A_10 = arith.muli %arg1, %mul3A_9 : i32
    %mul3A_11 = arith.constant 632 : i32
    %mul3A_12 = arith.muli %arg1, %mul3A_11 : i32
    "tpu.region"() ({
      %run_scoped3A = tpu.sem_alloc : memref<!tpu.dma_semaphore, #tpu.memory_space<semaphore_mem>>
      %dma_start3A = arith.constant 0 : i32
      %dma_start3A_13 = tpu.memref_slice %arg6[%arg0, %mul3A_12, %dma_start3A] : memref<2x10112x128xf32, #tpu.memory_space<hbm>> -> memref<1x632x128xf32, #tpu.memory_space<hbm>>
      %dma_start3A_14 = tpu.memref_squeeze %dma_start3A_13 : memref<1x632x128xf32, #tpu.memory_space<hbm>> -> memref<632x128xf32, #tpu.memory_space<hbm>>
      %dma_start3A_15 = arith.constant 0 : i32
      %dma_start3A_16 = tpu.memref_slice %arg11[%mul3A_10, %dma_start3A_15] : memref<10112x128xf32, #tpu.memory_space<vmem_shared>> -> memref<632x128xf32, #tpu.memory_space<vmem_shared>>
      tpu.enqueue_dma source(%dma_start3A_16 : memref<632x128xf32, #tpu.memory_space<vmem_shared>>) target(%dma_start3A_14 : memref<632x128xf32, #tpu.memory_space<hbm>>) target_semaphore(%run_scoped3A : memref<!tpu.dma_semaphore, #tpu.memory_space<semaphore_mem>>)
      %dma_wait3A = arith.constant 0 : i32
      %dma_wait3A_17 = tpu.memref_slice %arg6[%arg0, %mul3A_12, %dma_wait3A] : memref<2x10112x128xf32, #tpu.memory_space<hbm>> -> memref<1x632x128xf32, #tpu.memory_space<hbm>>
      %dma_wait3A_18 = tpu.memref_squeeze %dma_wait3A_17 : memref<1x632x128xf32, #tpu.memory_space<hbm>> -> memref<632x128xf32, #tpu.memory_space<hbm>>
      %dma_wait3A_19 = arith.constant 0 : i32
      %dma_wait3A_20 = tpu.memref_slice %arg11[%mul3A_10, %dma_wait3A_19] : memref<10112x128xf32, #tpu.memory_space<vmem_shared>> -> memref<632x128xf32, #tpu.memory_space<vmem_shared>>
      tpu.wait_dma2 semaphore(%run_scoped3A : memref<!tpu.dma_semaphore, #tpu.memory_space<semaphore_mem>>) src(%dma_wait3A_20 : memref<632x128xf32, #tpu.memory_space<vmem_shared>>) dst(%dma_wait3A_18 : memref<632x128xf32, #tpu.memory_space<hbm>>)
      tpu.yield
    }) : () -> ()
    return
  }
}

module attributes {stable_mosaic.version = 14 : i64} {
  func.func @_mlp_body(%arg0: i32, %arg1: memref<1000x3xf32, #tpu.memory_space<vmem>>, %arg2: memref<2x1000x16xf32, #tpu.memory_space<vmem>>, %arg3: memref<3x32xf32, #tpu.memory_space<vmem>>, %arg4: memref<1x32xf32, #tpu.memory_space<vmem>>, %arg5: memref<32x64xf32, #tpu.memory_space<vmem>>, %arg6: memref<1x64xf32, #tpu.memory_space<vmem>>, %arg7: memref<64x128xf32, #tpu.memory_space<vmem>>, %arg8: memref<1x128xf32, #tpu.memory_space<vmem>>, %arg9: memref<2x1000x128xf32, #tpu.memory_space<vmem>>, %arg10: memref<1000x16xf32, #tpu.memory_space<vmem>>) attributes {dimension_semantics = [#tpu.dimension_semantics<arbitrary>], iteration_bounds = array<i64: 10>, scalar_prefetch = 0 : i64, scratch_operands = 0 : i64, tpu.core_type = #tpu.core_type<tc>, window_params = [{transform_indices = @transform_0, window_bounds = array<i64: 1000, 3>}, {transform_indices = @transform_1, window_bounds = array<i64: 2, 1000, 16>}, {pipeline_mode = #tpu.pipeline_mode<synchronous>, transform_indices = @transform_2, window_bounds = array<i64: 3, 32>}, {pipeline_mode = #tpu.pipeline_mode<synchronous>, transform_indices = @transform_3, window_bounds = array<i64: 1, 32>}, {pipeline_mode = #tpu.pipeline_mode<synchronous>, transform_indices = @transform_4, window_bounds = array<i64: 32, 64>}, {pipeline_mode = #tpu.pipeline_mode<synchronous>, transform_indices = @transform_5, window_bounds = array<i64: 1, 64>}, {pipeline_mode = #tpu.pipeline_mode<synchronous>, transform_indices = @transform_6, window_bounds = array<i64: 64, 128>}, {pipeline_mode = #tpu.pipeline_mode<synchronous>, transform_indices = @transform_7, window_bounds = array<i64: 1, 128>}, {transform_indices = @transform_8, window_bounds = array<i64: 2, 1000, 128>}, {transform_indices = @transform_9, window_bounds = array<i64: 1000, 16>}]} {
    %get3A = arith.constant 0 : index
    %get3A_0 = arith.constant 0 : index
    %get3A_1 = vector.load %arg1[%get3A, %get3A_0] : memref<1000x3xf32, #tpu.memory_space<vmem>>, vector<1000x3xf32>
    %get3A_2 = arith.constant 0 : index
    %get3A_3 = arith.constant 0 : index
    %get3A_4 = vector.load %arg3[%get3A_2, %get3A_3] : memref<3x32xf32, #tpu.memory_space<vmem>>, vector<3x32xf32>
    %dot_general3A = arith.constant dense<0.000000e+00> : vector<1000x32xf32>
    %dot_general3A_5 = tpu.matmul %get3A_1, %get3A_4, %dot_general3A {dimension_numbers = #tpu.dot_dimension_numbers<[1], [0], [0], [1], [0, 0, 1, 1], [], []>, transpose_lhs_hint = false} : vector<1000x3xf32>, vector<3x32xf32>, vector<1000x32xf32> -> vector<1000x32xf32>
    %get3A_6 = arith.constant 0 : index
    %get3A_7 = arith.constant 0 : index
    %get3A_8 = vector.load %arg4[%get3A_6, %get3A_7] : memref<1x32xf32, #tpu.memory_space<vmem>>, vector<1x32xf32>
    %add3A = vector.broadcast %get3A_8 : vector<1x32xf32> to vector<1000x32xf32>
    %add3A_9 = arith.addf %dot_general3A_5, %add3A : vector<1000x32xf32>
    %max3A = arith.constant 0.000000e+00 : f32
    %max3A_10 = vector.broadcast %max3A : f32 to vector<1000x32xf32>
    %max3A_11 = arith.maximumf %add3A_9, %max3A_10 : vector<1000x32xf32>
    %get3A_12 = arith.constant 0 : index
    %get3A_13 = arith.constant 0 : index
    %get3A_14 = vector.load %arg5[%get3A_12, %get3A_13] : memref<32x64xf32, #tpu.memory_space<vmem>>, vector<32x64xf32>
    %dot_general3A_15 = arith.constant dense<0.000000e+00> : vector<1000x64xf32>
    %dot_general3A_16 = tpu.matmul %max3A_11, %get3A_14, %dot_general3A_15 {dimension_numbers = #tpu.dot_dimension_numbers<[1], [0], [0], [1], [0, 0, 1, 1], [], []>, transpose_lhs_hint = false} : vector<1000x32xf32>, vector<32x64xf32>, vector<1000x64xf32> -> vector<1000x64xf32>
    %get3A_17 = arith.constant 0 : index
    %get3A_18 = arith.constant 0 : index
    %get3A_19 = vector.load %arg6[%get3A_17, %get3A_18] : memref<1x64xf32, #tpu.memory_space<vmem>>, vector<1x64xf32>
    %add3A_20 = vector.broadcast %get3A_19 : vector<1x64xf32> to vector<1000x64xf32>
    %add3A_21 = arith.addf %dot_general3A_16, %add3A_20 : vector<1000x64xf32>
    %max3A_22 = arith.constant 0.000000e+00 : f32
    %max3A_23 = vector.broadcast %max3A_22 : f32 to vector<1000x64xf32>
    %max3A_24 = arith.maximumf %add3A_21, %max3A_23 : vector<1000x64xf32>
    %get3A_25 = arith.constant 0 : index
    %get3A_26 = arith.constant 0 : index
    %get3A_27 = vector.load %arg7[%get3A_25, %get3A_26] : memref<64x128xf32, #tpu.memory_space<vmem>>, vector<64x128xf32>
    %dot_general3A_28 = arith.constant dense<0.000000e+00> : vector<1000x128xf32>
    %dot_general3A_29 = tpu.matmul %max3A_24, %get3A_27, %dot_general3A_28 {dimension_numbers = #tpu.dot_dimension_numbers<[1], [0], [0], [1], [0, 0, 1, 1], [], []>, transpose_lhs_hint = false} : vector<1000x64xf32>, vector<64x128xf32>, vector<1000x128xf32> -> vector<1000x128xf32>
    %get3A_30 = arith.constant 0 : index
    %get3A_31 = arith.constant 0 : index
    %get3A_32 = vector.load %arg8[%get3A_30, %get3A_31] : memref<1x128xf32, #tpu.memory_space<vmem>>, vector<1x128xf32>
    %add3A_33 = vector.broadcast %get3A_32 : vector<1x128xf32> to vector<1000x128xf32>
    %add3A_34 = arith.addf %dot_general3A_29, %add3A_33 : vector<1000x128xf32>
    %max3A_35 = arith.constant 0.000000e+00 : f32
    %max3A_36 = vector.broadcast %max3A_35 : f32 to vector<1000x128xf32>
    %max3A_37 = arith.maximumf %add3A_34, %max3A_36 : vector<1000x128xf32>
    %get3A_38 = arith.constant 0 : index
    %get3A_39 = arith.constant 0 : index
    %get3A_40 = arith.constant 0 : index
    %get3A_41 = vector.load %arg2[%get3A_38, %get3A_39, %get3A_40] : memref<2x1000x16xf32, #tpu.memory_space<vmem>>, vector<1x1000x16xf32>
    %get3A_42 = vector.shape_cast %get3A_41 : vector<1x1000x16xf32> to vector<1000x16xf32>
    %add3A_43 = arith.constant 1.000000e+00 : f32
    %add3A_44 = vector.broadcast %add3A_43 : f32 to vector<1000x16xf32>
    %add3A_45 = arith.addf %add3A_44, %get3A_42 : vector<1000x16xf32>
    %get3A_46 = arith.constant 1 : index
    %get3A_47 = arith.constant 0 : index
    %get3A_48 = arith.constant 0 : index
    %get3A_49 = vector.load %arg2[%get3A_46, %get3A_47, %get3A_48] : memref<2x1000x16xf32, #tpu.memory_space<vmem>>, vector<1x1000x16xf32>
    %get3A_50 = vector.shape_cast %get3A_49 : vector<1x1000x16xf32> to vector<1000x16xf32>
    %add3A_51 = arith.addf %add3A_45, %get3A_50 : vector<1000x16xf32>
    %rsqrt3A = math.rsqrt %add3A_51 : vector<1000x16xf32>
    %slice3A = vector.extract_strided_slice %rsqrt3A {offsets = [0, 0], sizes = [1000, 1], strides = [1, 1]} : vector<1000x16xf32> to vector<1000x1xf32>
    %mul3A = vector.broadcast %slice3A : vector<1000x1xf32> to vector<1000x128xf32>
    %mul3A_52 = arith.mulf %max3A_37, %mul3A : vector<1000x128xf32>
    %swap3A = arith.constant 0 : index
    %swap3A_53 = arith.constant 0 : index
    %swap3A_54 = arith.constant 0 : index
    %swap3A_55 = vector.load %arg9[%swap3A, %swap3A_53, %swap3A_54] : memref<2x1000x128xf32, #tpu.memory_space<vmem>>, vector<1x1000x128xf32>
    %swap3A_56 = vector.shape_cast %swap3A_55 : vector<1x1000x128xf32> to vector<1000x128xf32>
    %swap3A_57 = vector.shape_cast %mul3A_52 : vector<1000x128xf32> to vector<1x1000x128xf32>
    tpu.vector_store %arg9[%swap3A, %swap3A_53, %swap3A_54], %swap3A_57 {strides = array<i32>} : memref<2x1000x128xf32, #tpu.memory_space<vmem>>, vector<1x1000x128xf32>,
    %swap3A_58 = arith.constant 1 : index
    %swap3A_59 = arith.constant 0 : index
    %swap3A_60 = arith.constant 0 : index
    %swap3A_61 = vector.load %arg9[%swap3A_58, %swap3A_59, %swap3A_60] : memref<2x1000x128xf32, #tpu.memory_space<vmem>>, vector<1x1000x128xf32>
    %swap3A_62 = vector.shape_cast %swap3A_61 : vector<1x1000x128xf32> to vector<1000x128xf32>
    %swap3A_63 = vector.shape_cast %mul3A_52 : vector<1000x128xf32> to vector<1x1000x128xf32>
    tpu.vector_store %arg9[%swap3A_58, %swap3A_59, %swap3A_60], %swap3A_63 {strides = array<i32>} : memref<2x1000x128xf32, #tpu.memory_space<vmem>>, vector<1x1000x128xf32>,
    %swap3A_64 = arith.constant 0 : index
    %swap3A_65 = arith.constant 0 : index
    %swap3A_66 = vector.load %arg10[%swap3A_64, %swap3A_65] : memref<1000x16xf32, #tpu.memory_space<vmem>>, vector<1000x16xf32>
    tpu.vector_store %arg10[%swap3A_64, %swap3A_65], %rsqrt3A {strides = array<i32>} : memref<1000x16xf32, #tpu.memory_space<vmem>>, vector<1000x16xf32>,
    return
  }
  func.func @transform_0(%arg0: i32) -> (i32, i32) {
    %c0_i32 = arith.constant 0 : i32
    %c0_i32_0 = arith.constant 0 : i32
    return %arg0, %c0_i32 : i32, i32
  }
  func.func @transform_1(%arg0: i32) -> (i32, i32, i32) {
    %c0_i32 = arith.constant 0 : i32
    %c0_i32_0 = arith.constant 0 : i32
    %c0_i32_1 = arith.constant 0 : i32
    return %c0_i32, %arg0, %c0_i32_0 : i32, i32, i32
  }
  func.func @transform_2(%arg0: i32) -> (i32, i32) {
    %c0_i32 = arith.constant 0 : i32
    %c0_i32_0 = arith.constant 0 : i32
    %c0_i32_1 = arith.constant 0 : i32
    return %c0_i32, %c0_i32_0 : i32, i32
  }
  func.func @transform_3(%arg0: i32) -> (i32, i32) {
    %c0_i32 = arith.constant 0 : i32
    %c0_i32_0 = arith.constant 0 : i32
    %c0_i32_1 = arith.constant 0 : i32
    return %c0_i32, %c0_i32_0 : i32, i32
  }
  func.func @transform_4(%arg0: i32) -> (i32, i32) {
    %c0_i32 = arith.constant 0 : i32
    %c0_i32_0 = arith.constant 0 : i32
    %c0_i32_1 = arith.constant 0 : i32
    return %c0_i32, %c0_i32_0 : i32, i32
  }
  func.func @transform_5(%arg0: i32) -> (i32, i32) {
    %c0_i32 = arith.constant 0 : i32
    %c0_i32_0 = arith.constant 0 : i32
    %c0_i32_1 = arith.constant 0 : i32
    return %c0_i32, %c0_i32_0 : i32, i32
  }
  func.func @transform_6(%arg0: i32) -> (i32, i32) {
    %c0_i32 = arith.constant 0 : i32
    %c0_i32_0 = arith.constant 0 : i32
    %c0_i32_1 = arith.constant 0 : i32
    return %c0_i32, %c0_i32_0 : i32, i32
  }
  func.func @transform_7(%arg0: i32) -> (i32, i32) {
    %c0_i32 = arith.constant 0 : i32
    %c0_i32_0 = arith.constant 0 : i32
    %c0_i32_1 = arith.constant 0 : i32
    return %c0_i32, %c0_i32_0 : i32, i32
  }
  func.func @transform_8(%arg0: i32) -> (i32, i32, i32) {
    %c0_i32 = arith.constant 0 : i32
    %c0_i32_0 = arith.constant 0 : i32
    %c0_i32_1 = arith.constant 0 : i32
    return %c0_i32, %arg0, %c0_i32_0 : i32, i32, i32
  }
  func.func @transform_9(%arg0: i32) -> (i32, i32) {
    %c0_i32 = arith.constant 0 : i32
    %c0_i32_0 = arith.constant 0 : i32
    return %arg0, %c0_i32 : i32, i32
  }
}

module attributes {stable_mosaic.version = 14 : i64} {
  func.func @_gcn1_body(%arg0: i32, %arg1: memref<2x1000x128xf32, #tpu.memory_space<vmem>>, %arg2: memref<1x1000x128xf32, #tpu.memory_space<vmem>>, %arg3: memref<1000x16xf32, #tpu.memory_space<vmem>>, %arg4: memref<128x256xf32, #tpu.memory_space<vmem>>, %arg5: memref<1x256xf32, #tpu.memory_space<vmem>>, %arg6: memref<2x1000x128xf32, #tpu.memory_space<vmem>>) attributes {dimension_semantics = [#tpu.dimension_semantics<arbitrary>], iteration_bounds = array<i64: 10>, scalar_prefetch = 0 : i64, scratch_operands = 0 : i64, tpu.core_type = #tpu.core_type<tc>, window_params = [{transform_indices = @transform_0, window_bounds = array<i64: 2, 1000, 128>}, {transform_indices = @transform_1, window_bounds = array<i64: 1, 1000, 128>}, {transform_indices = @transform_2, window_bounds = array<i64: 1000, 16>}, {pipeline_mode = #tpu.pipeline_mode<synchronous>, transform_indices = @transform_3, window_bounds = array<i64: 128, 256>}, {pipeline_mode = #tpu.pipeline_mode<synchronous>, transform_indices = @transform_4, window_bounds = array<i64: 1, 256>}, {transform_indices = @transform_5, window_bounds = array<i64: 2, 1000, 128>}]} {
    %get3A = arith.constant 0 : index
    %get3A_0 = arith.constant 0 : index
    %get3A_1 = vector.load %arg3[%get3A, %get3A_0] : memref<1000x16xf32, #tpu.memory_space<vmem>>, vector<1000x1xf32>
    %get3A_2 = arith.constant 0 : index
    %get3A_3 = arith.constant 0 : index
    %get3A_4 = arith.constant 0 : index
    %get3A_5 = vector.load %arg1[%get3A_2, %get3A_3, %get3A_4] : memref<2x1000x128xf32, #tpu.memory_space<vmem>>, vector<1x1000x128xf32>
    %get3A_6 = vector.shape_cast %get3A_5 : vector<1x1000x128xf32> to vector<1000x128xf32>
    %get3A_7 = arith.constant 1 : index
    %get3A_8 = arith.constant 0 : index
    %get3A_9 = arith.constant 0 : index
    %get3A_10 = vector.load %arg1[%get3A_7, %get3A_8, %get3A_9] : memref<2x1000x128xf32, #tpu.memory_space<vmem>>, vector<1x1000x128xf32>
    %get3A_11 = vector.shape_cast %get3A_10 : vector<1x1000x128xf32> to vector<1000x128xf32>
    %add3A = arith.addf %get3A_6, %get3A_11 : vector<1000x128xf32>
    %get3A_12 = arith.constant 0 : index
    %get3A_13 = arith.constant 0 : index
    %get3A_14 = arith.constant 0 : index
    %get3A_15 = vector.load %arg2[%get3A_12, %get3A_13, %get3A_14] : memref<1x1000x128xf32, #tpu.memory_space<vmem>>, vector<1x1000x128xf32>
    %get3A_16 = vector.shape_cast %get3A_15 : vector<1x1000x128xf32> to vector<1000x128xf32>
    %add3A_17 = arith.addf %add3A, %get3A_16 : vector<1000x128xf32>
    %mul3A = vector.broadcast %get3A_1 : vector<1000x1xf32> to vector<1000x128xf32>
    %mul3A_18 = arith.mulf %add3A_17, %mul3A : vector<1000x128xf32>
    %get3A_19 = arith.constant 0 : index
    %get3A_20 = arith.constant 0 : index
    %get3A_21 = vector.load %arg4[%get3A_19, %get3A_20] : memref<128x256xf32, #tpu.memory_space<vmem>>, vector<128x256xf32>
    %dot_general3A = arith.constant dense<0.000000e+00> : vector<1000x256xf32>
    %dot_general3A_22 = tpu.matmul %mul3A_18, %get3A_21, %dot_general3A {dimension_numbers = #tpu.dot_dimension_numbers<[1], [0], [0], [1], [0, 0, 1, 1], [], []>, transpose_lhs_hint = false} : vector<1000x128xf32>, vector<128x256xf32>, vector<1000x256xf32> -> vector<1000x256xf32>
    %get3A_23 = arith.constant 0 : index
    %get3A_24 = arith.constant 0 : index
    %get3A_25 = vector.load %arg5[%get3A_23, %get3A_24] : memref<1x256xf32, #tpu.memory_space<vmem>>, vector<1x256xf32>
    %add3A_26 = vector.broadcast %get3A_25 : vector<1x256xf32> to vector<1000x256xf32>
    %add3A_27 = arith.addf %dot_general3A_22, %add3A_26 : vector<1000x256xf32>
    %max3A = arith.constant 0.000000e+00 : f32
    %max3A_28 = vector.broadcast %max3A : f32 to vector<1000x256xf32>
    %max3A_29 = arith.maximumf %add3A_27, %max3A_28 : vector<1000x256xf32>
    %mul3A_30 = vector.broadcast %get3A_1 : vector<1000x1xf32> to vector<1000x256xf32>
    %mul3A_31 = arith.mulf %max3A_29, %mul3A_30 : vector<1000x256xf32>
    %slice3A = vector.extract_strided_slice %mul3A_31 {offsets = [0, 0], sizes = [1000, 128], strides = [1, 1]} : vector<1000x256xf32> to vector<1000x128xf32>
    %swap3A = arith.constant 0 : index
    %swap3A_32 = arith.constant 0 : index
    %swap3A_33 = arith.constant 0 : index
    %swap3A_34 = vector.load %arg6[%swap3A, %swap3A_32, %swap3A_33] : memref<2x1000x128xf32, #tpu.memory_space<vmem>>, vector<1x1000x128xf32>
    %swap3A_35 = vector.shape_cast %swap3A_34 : vector<1x1000x128xf32> to vector<1000x128xf32>
    %swap3A_36 = vector.shape_cast %slice3A : vector<1000x128xf32> to vector<1x1000x128xf32>
    tpu.vector_store %arg6[%swap3A, %swap3A_32, %swap3A_33], %swap3A_36 {strides = array<i32>} : memref<2x1000x128xf32, #tpu.memory_space<vmem>>, vector<1x1000x128xf32>,
    %slice3A_37 = vector.extract_strided_slice %mul3A_31 {offsets = [0, 128], sizes = [1000, 128], strides = [1, 1]} : vector<1000x256xf32> to vector<1000x128xf32>
    %swap3A_38 = arith.constant 1 : index
    %swap3A_39 = arith.constant 0 : index
    %swap3A_40 = arith.constant 0 : index
    %swap3A_41 = vector.load %arg6[%swap3A_38, %swap3A_39, %swap3A_40] : memref<2x1000x128xf32, #tpu.memory_space<vmem>>, vector<1x1000x128xf32>
    %swap3A_42 = vector.shape_cast %swap3A_41 : vector<1x1000x128xf32> to vector<1000x128xf32>
    %swap3A_43 = vector.shape_cast %slice3A_37 : vector<1000x128xf32> to vector<1x1000x128xf32>
    tpu.vector_store %arg6[%swap3A_38, %swap3A_39, %swap3A_40], %swap3A_43 {strides = array<i32>} : memref<2x1000x128xf32, #tpu.memory_space<vmem>>, vector<1x1000x128xf32>,
    return
  }
  func.func @transform_0(%arg0: i32) -> (i32, i32, i32) {
    %c0_i32 = arith.constant 0 : i32
    %c0_i32_0 = arith.constant 0 : i32
    %c0_i32_1 = arith.constant 0 : i32
    return %c0_i32, %arg0, %c0_i32_0 : i32, i32, i32
  }
  func.func @transform_1(%arg0: i32) -> (i32, i32, i32) {
    %c0_i32 = arith.constant 0 : i32
    %c0_i32_0 = arith.constant 0 : i32
    %c0_i32_1 = arith.constant 0 : i32
    return %c0_i32, %arg0, %c0_i32_0 : i32, i32, i32
  }
  func.func @transform_2(%arg0: i32) -> (i32, i32) {
    %c0_i32 = arith.constant 0 : i32
    %c0_i32_0 = arith.constant 0 : i32
    return %arg0, %c0_i32 : i32, i32
  }
  func.func @transform_3(%arg0: i32) -> (i32, i32) {
    %c0_i32 = arith.constant 0 : i32
    %c0_i32_0 = arith.constant 0 : i32
    %c0_i32_1 = arith.constant 0 : i32
    return %c0_i32, %c0_i32_0 : i32, i32
  }
  func.func @transform_4(%arg0: i32) -> (i32, i32) {
    %c0_i32 = arith.constant 0 : i32
    %c0_i32_0 = arith.constant 0 : i32
    %c0_i32_1 = arith.constant 0 : i32
    return %c0_i32, %c0_i32_0 : i32, i32
  }
  func.func @transform_5(%arg0: i32) -> (i32, i32, i32) {
    %c0_i32 = arith.constant 0 : i32
    %c0_i32_0 = arith.constant 0 : i32
    %c0_i32_1 = arith.constant 0 : i32
    return %c0_i32, %arg0, %c0_i32_0 : i32, i32, i32
  }
}

module attributes {stable_mosaic.version = 14 : i64} {
  func.func @_gcn2_body(%arg0: i32, %arg1: memref<2x1000x128xf32, #tpu.memory_space<vmem>>, %arg2: memref<2x1000x128xf32, #tpu.memory_space<vmem>>, %arg3: memref<1000x16xf32, #tpu.memory_space<vmem>>, %arg4: memref<256x512xf32, #tpu.memory_space<vmem>>, %arg5: memref<1x512xf32, #tpu.memory_space<vmem>>, %arg6: memref<512x50xf32, #tpu.memory_space<vmem>>, %arg7: memref<2x1000x64xf32, #tpu.memory_space<vmem>>) attributes {dimension_semantics = [#tpu.dimension_semantics<arbitrary>], iteration_bounds = array<i64: 10>, scalar_prefetch = 0 : i64, scratch_operands = 0 : i64, tpu.core_type = #tpu.core_type<tc>, window_params = [{transform_indices = @transform_0, window_bounds = array<i64: 2, 1000, 128>}, {transform_indices = @transform_1, window_bounds = array<i64: 2, 1000, 128>}, {transform_indices = @transform_2, window_bounds = array<i64: 1000, 16>}, {pipeline_mode = #tpu.pipeline_mode<synchronous>, transform_indices = @transform_3, window_bounds = array<i64: 256, 512>}, {pipeline_mode = #tpu.pipeline_mode<synchronous>, transform_indices = @transform_4, window_bounds = array<i64: 1, 512>}, {pipeline_mode = #tpu.pipeline_mode<synchronous>, transform_indices = @transform_5, window_bounds = array<i64: 512, 50>}, {transform_indices = @transform_6, window_bounds = array<i64: 2, 1000, 64>}]} {
    %get3A = arith.constant 0 : index
    %get3A_0 = arith.constant 0 : index
    %get3A_1 = vector.load %arg3[%get3A, %get3A_0] : memref<1000x16xf32, #tpu.memory_space<vmem>>, vector<1000x1xf32>
    %get3A_2 = arith.constant 0 : index
    %get3A_3 = arith.constant 0 : index
    %get3A_4 = arith.constant 0 : index
    %get3A_5 = vector.load %arg1[%get3A_2, %get3A_3, %get3A_4] : memref<2x1000x128xf32, #tpu.memory_space<vmem>>, vector<1x1000x128xf32>
    %get3A_6 = vector.shape_cast %get3A_5 : vector<1x1000x128xf32> to vector<1000x128xf32>
    %get3A_7 = arith.constant 0 : index
    %get3A_8 = arith.constant 0 : index
    %get3A_9 = arith.constant 0 : index
    %get3A_10 = vector.load %arg2[%get3A_7, %get3A_8, %get3A_9] : memref<2x1000x128xf32, #tpu.memory_space<vmem>>, vector<1x1000x128xf32>
    %get3A_11 = vector.shape_cast %get3A_10 : vector<1x1000x128xf32> to vector<1000x128xf32>
    %add3A = arith.addf %get3A_6, %get3A_11 : vector<1000x128xf32>
    %get3A_12 = arith.constant 1 : index
    %get3A_13 = arith.constant 0 : index
    %get3A_14 = arith.constant 0 : index
    %get3A_15 = vector.load %arg1[%get3A_12, %get3A_13, %get3A_14] : memref<2x1000x128xf32, #tpu.memory_space<vmem>>, vector<1x1000x128xf32>
    %get3A_16 = vector.shape_cast %get3A_15 : vector<1x1000x128xf32> to vector<1000x128xf32>
    %get3A_17 = arith.constant 1 : index
    %get3A_18 = arith.constant 0 : index
    %get3A_19 = arith.constant 0 : index
    %get3A_20 = vector.load %arg2[%get3A_17, %get3A_18, %get3A_19] : memref<2x1000x128xf32, #tpu.memory_space<vmem>>, vector<1x1000x128xf32>
    %get3A_21 = vector.shape_cast %get3A_20 : vector<1x1000x128xf32> to vector<1000x128xf32>
    %add3A_22 = arith.addf %get3A_16, %get3A_21 : vector<1000x128xf32>
    %concatenate3A = tpu.concatenate %add3A, %add3A_22 in 1 : vector<1000x128xf32>, vector<1000x128xf32> -> vector<1000x256xf32>
    %mul3A = vector.broadcast %get3A_1 : vector<1000x1xf32> to vector<1000x256xf32>
    %mul3A_23 = arith.mulf %concatenate3A, %mul3A : vector<1000x256xf32>
    %get3A_24 = arith.constant 0 : index
    %get3A_25 = arith.constant 0 : index
    %get3A_26 = vector.load %arg4[%get3A_24, %get3A_25] : memref<256x512xf32, #tpu.memory_space<vmem>>, vector<256x512xf32>
    %dot_general3A = arith.constant dense<0.000000e+00> : vector<1000x512xf32>
    %dot_general3A_27 = tpu.matmul %mul3A_23, %get3A_26, %dot_general3A {dimension_numbers = #tpu.dot_dimension_numbers<[1], [0], [0], [1], [0, 0, 1, 1], [], []>, transpose_lhs_hint = false} : vector<1000x256xf32>, vector<256x512xf32>, vector<1000x512xf32> -> vector<1000x512xf32>
    %get3A_28 = arith.constant 0 : index
    %get3A_29 = arith.constant 0 : index
    %get3A_30 = vector.load %arg5[%get3A_28, %get3A_29] : memref<1x512xf32, #tpu.memory_space<vmem>>, vector<1x512xf32>
    %add3A_31 = vector.broadcast %get3A_30 : vector<1x512xf32> to vector<1000x512xf32>
    %add3A_32 = arith.addf %dot_general3A_27, %add3A_31 : vector<1000x512xf32>
    %max3A = arith.constant 0.000000e+00 : f32
    %max3A_33 = vector.broadcast %max3A : f32 to vector<1000x512xf32>
    %max3A_34 = arith.maximumf %add3A_32, %max3A_33 : vector<1000x512xf32>
    %get3A_35 = arith.constant 0 : index
    %get3A_36 = arith.constant 0 : index
    %get3A_37 = vector.load %arg6[%get3A_35, %get3A_36] : memref<512x50xf32, #tpu.memory_space<vmem>>, vector<512x50xf32>
    %dot_general3A_38 = arith.constant dense<0.000000e+00> : vector<1000x50xf32>
    %dot_general3A_39 = tpu.matmul %max3A_34, %get3A_37, %dot_general3A_38 {dimension_numbers = #tpu.dot_dimension_numbers<[1], [0], [0], [1], [0, 0, 1, 1], [], []>, transpose_lhs_hint = false} : vector<1000x512xf32>, vector<512x50xf32>, vector<1000x50xf32> -> vector<1000x50xf32>
    %mul3A_40 = vector.broadcast %get3A_1 : vector<1000x1xf32> to vector<1000x50xf32>
    %mul3A_41 = arith.mulf %dot_general3A_39, %mul3A_40 : vector<1000x50xf32>
    %broadcast_in_dim3A = arith.constant 0.000000e+00 : f32
    %broadcast_in_dim3A_42 = vector.broadcast %broadcast_in_dim3A : f32 to vector<1000x14xf32>
    %concatenate3A_43 = tpu.concatenate %mul3A_41, %broadcast_in_dim3A_42 in 1 : vector<1000x50xf32>, vector<1000x14xf32> -> vector<1000x64xf32>
    %swap3A = arith.constant 0 : index
    %swap3A_44 = arith.constant 0 : index
    %swap3A_45 = arith.constant 0 : index
    %swap3A_46 = vector.load %arg7[%swap3A, %swap3A_44, %swap3A_45] : memref<2x1000x64xf32, #tpu.memory_space<vmem>>, vector<1x1000x64xf32>
    %swap3A_47 = vector.shape_cast %swap3A_46 : vector<1x1000x64xf32> to vector<1000x64xf32>
    %swap3A_48 = vector.shape_cast %concatenate3A_43 : vector<1000x64xf32> to vector<1x1000x64xf32>
    tpu.vector_store %arg7[%swap3A, %swap3A_44, %swap3A_45], %swap3A_48 {strides = array<i32>} : memref<2x1000x64xf32, #tpu.memory_space<vmem>>, vector<1x1000x64xf32>,
    %swap3A_49 = arith.constant 1 : index
    %swap3A_50 = arith.constant 0 : index
    %swap3A_51 = arith.constant 0 : index
    %swap3A_52 = vector.load %arg7[%swap3A_49, %swap3A_50, %swap3A_51] : memref<2x1000x64xf32, #tpu.memory_space<vmem>>, vector<1x1000x64xf32>
    %swap3A_53 = vector.shape_cast %swap3A_52 : vector<1x1000x64xf32> to vector<1000x64xf32>
    %swap3A_54 = vector.shape_cast %concatenate3A_43 : vector<1000x64xf32> to vector<1x1000x64xf32>
    tpu.vector_store %arg7[%swap3A_49, %swap3A_50, %swap3A_51], %swap3A_54 {strides = array<i32>} : memref<2x1000x64xf32, #tpu.memory_space<vmem>>, vector<1x1000x64xf32>,
    return
  }
  func.func @transform_0(%arg0: i32) -> (i32, i32, i32) {
    %c0_i32 = arith.constant 0 : i32
    %c0_i32_0 = arith.constant 0 : i32
    %c0_i32_1 = arith.constant 0 : i32
    return %c0_i32, %arg0, %c0_i32_0 : i32, i32, i32
  }
  func.func @transform_1(%arg0: i32) -> (i32, i32, i32) {
    %c0_i32 = arith.constant 0 : i32
    %c0_i32_0 = arith.constant 0 : i32
    %c0_i32_1 = arith.constant 0 : i32
    return %c0_i32, %arg0, %c0_i32_0 : i32, i32, i32
  }
  func.func @transform_2(%arg0: i32) -> (i32, i32) {
    %c0_i32 = arith.constant 0 : i32
    %c0_i32_0 = arith.constant 0 : i32
    return %arg0, %c0_i32 : i32, i32
  }
  func.func @transform_3(%arg0: i32) -> (i32, i32) {
    %c0_i32 = arith.constant 0 : i32
    %c0_i32_0 = arith.constant 0 : i32
    %c0_i32_1 = arith.constant 0 : i32
    return %c0_i32, %c0_i32_0 : i32, i32
  }
  func.func @transform_4(%arg0: i32) -> (i32, i32) {
    %c0_i32 = arith.constant 0 : i32
    %c0_i32_0 = arith.constant 0 : i32
    %c0_i32_1 = arith.constant 0 : i32
    return %c0_i32, %c0_i32_0 : i32, i32
  }
  func.func @transform_5(%arg0: i32) -> (i32, i32) {
    %c0_i32 = arith.constant 0 : i32
    %c0_i32_0 = arith.constant 0 : i32
    %c0_i32_1 = arith.constant 0 : i32
    return %c0_i32, %c0_i32_0 : i32, i32
  }
  func.func @transform_6(%arg0: i32) -> (i32, i32, i32) {
    %c0_i32 = arith.constant 0 : i32
    %c0_i32_0 = arith.constant 0 : i32
    %c0_i32_1 = arith.constant 0 : i32
    return %c0_i32, %arg0, %c0_i32_0 : i32, i32, i32
  }
}

module attributes {stable_mosaic.version = 14 : i64} {
  func.func @_final_body(%arg0: i32, %arg1: memref<2x1000x64xf32, #tpu.memory_space<vmem>>, %arg2: memref<1x1000x64xf32, #tpu.memory_space<vmem>>, %arg3: memref<1000x16xf32, #tpu.memory_space<vmem>>, %arg4: memref<1x50xf32, #tpu.memory_space<vmem>>, %arg5: memref<1000x50xf32, #tpu.memory_space<vmem>>) attributes {dimension_semantics = [#tpu.dimension_semantics<arbitrary>], iteration_bounds = array<i64: 10>, scalar_prefetch = 0 : i64, scratch_operands = 0 : i64, tpu.core_type = #tpu.core_type<tc>, window_params = [{transform_indices = @transform_0, window_bounds = array<i64: 2, 1000, 64>}, {transform_indices = @transform_1, window_bounds = array<i64: 1, 1000, 64>}, {transform_indices = @transform_2, window_bounds = array<i64: 1000, 16>}, {pipeline_mode = #tpu.pipeline_mode<synchronous>, transform_indices = @transform_3, window_bounds = array<i64: 1, 50>}, {transform_indices = @transform_4, window_bounds = array<i64: 1000, 50>}]} {
    %get3A = arith.constant 0 : index
    %get3A_0 = arith.constant 0 : index
    %get3A_1 = arith.constant 0 : index
    %get3A_2 = vector.load %arg1[%get3A, %get3A_0, %get3A_1] : memref<2x1000x64xf32, #tpu.memory_space<vmem>>, vector<1x1000x64xf32>
    %get3A_3 = vector.shape_cast %get3A_2 : vector<1x1000x64xf32> to vector<1000x64xf32>
    %get3A_4 = arith.constant 1 : index
    %get3A_5 = arith.constant 0 : index
    %get3A_6 = arith.constant 0 : index
    %get3A_7 = vector.load %arg1[%get3A_4, %get3A_5, %get3A_6] : memref<2x1000x64xf32, #tpu.memory_space<vmem>>, vector<1x1000x64xf32>
    %get3A_8 = vector.shape_cast %get3A_7 : vector<1x1000x64xf32> to vector<1000x64xf32>
    %add3A = arith.addf %get3A_3, %get3A_8 : vector<1000x64xf32>
    %get3A_9 = arith.constant 0 : index
    %get3A_10 = arith.constant 0 : index
    %get3A_11 = arith.constant 0 : index
    %get3A_12 = vector.load %arg2[%get3A_9, %get3A_10, %get3A_11] : memref<1x1000x64xf32, #tpu.memory_space<vmem>>, vector<1x1000x64xf32>
    %get3A_13 = vector.shape_cast %get3A_12 : vector<1x1000x64xf32> to vector<1000x64xf32>
    %add3A_14 = arith.addf %add3A, %get3A_13 : vector<1000x64xf32>
    %get3A_15 = arith.constant 0 : index
    %get3A_16 = arith.constant 0 : index
    %get3A_17 = vector.load %arg3[%get3A_15, %get3A_16] : memref<1000x16xf32, #tpu.memory_space<vmem>>, vector<1000x1xf32>
    %mul3A = vector.broadcast %get3A_17 : vector<1000x1xf32> to vector<1000x64xf32>
    %mul3A_18 = arith.mulf %add3A_14, %mul3A : vector<1000x64xf32>
    %slice3A = vector.extract_strided_slice %mul3A_18 {offsets = [0, 0], sizes = [1000, 50], strides = [1, 1]} : vector<1000x64xf32> to vector<1000x50xf32>
    %get3A_19 = arith.constant 0 : index
    %get3A_20 = arith.constant 0 : index
    %get3A_21 = vector.load %arg4[%get3A_19, %get3A_20] : memref<1x50xf32, #tpu.memory_space<vmem>>, vector<1x50xf32>
    %add3A_22 = vector.broadcast %get3A_21 : vector<1x50xf32> to vector<1000x50xf32>
    %add3A_23 = arith.addf %slice3A, %add3A_22 : vector<1000x50xf32>
    %reduce_max3A = arith.constant dense<0xFF800000> : vector<1000xf32>
    %reduce_max3A_24 = vector.multi_reduction <maximumf>, %add3A_23, %reduce_max3A [1] : vector<1000x50xf32> to vector<1000xf32>
    %broadcast_in_dim3A = vector.shape_cast %reduce_max3A_24 : vector<1000xf32> to vector<1000x1xf32>
    %sub3A = vector.broadcast %broadcast_in_dim3A : vector<1000x1xf32> to vector<1000x50xf32>
    %sub3A_25 = arith.subf %add3A_23, %sub3A : vector<1000x50xf32>
    %exp3A = math.exp %sub3A_25 : vector<1000x50xf32>
    %reduce_sum3A = arith.constant dense<0.000000e+00> : vector<1000xf32>
    %reduce_sum3A_26 = vector.multi_reduction <add>, %exp3A, %reduce_sum3A [1] : vector<1000x50xf32> to vector<1000xf32>
    %broadcast_in_dim3A_27 = vector.shape_cast %reduce_sum3A_26 : vector<1000xf32> to vector<1000x1xf32>
    %div3A = vector.broadcast %broadcast_in_dim3A_27 : vector<1000x1xf32> to vector<1000x50xf32>
    %div3A_28 = arith.divf %exp3A, %div3A : vector<1000x50xf32>
    %swap3A = arith.constant 0 : index
    %swap3A_29 = arith.constant 0 : index
    %swap3A_30 = vector.load %arg5[%swap3A, %swap3A_29] : memref<1000x50xf32, #tpu.memory_space<vmem>>, vector<1000x50xf32>
    tpu.vector_store %arg5[%swap3A, %swap3A_29], %div3A_28 {strides = array<i32>} : memref<1000x50xf32, #tpu.memory_space<vmem>>, vector<1000x50xf32>,
    return
  }
  func.func @transform_0(%arg0: i32) -> (i32, i32, i32) {
    %c0_i32 = arith.constant 0 : i32
    %c0_i32_0 = arith.constant 0 : i32
    %c0_i32_1 = arith.constant 0 : i32
    return %c0_i32, %arg0, %c0_i32_0 : i32, i32, i32
  }
  func.func @transform_1(%arg0: i32) -> (i32, i32, i32) {
    %c0_i32 = arith.constant 0 : i32
    %c0_i32_0 = arith.constant 0 : i32
    %c0_i32_1 = arith.constant 0 : i32
    return %c0_i32, %arg0, %c0_i32_0 : i32, i32, i32
  }
  func.func @transform_2(%arg0: i32) -> (i32, i32) {
    %c0_i32 = arith.constant 0 : i32
    %c0_i32_0 = arith.constant 0 : i32
    return %arg0, %c0_i32 : i32, i32
  }
  func.func @transform_3(%arg0: i32) -> (i32, i32) {
    %c0_i32 = arith.constant 0 : i32
    %c0_i32_0 = arith.constant 0 : i32
    %c0_i32_1 = arith.constant 0 : i32
    return %c0_i32, %c0_i32_0 : i32, i32
  }
  func.func @transform_4(%arg0: i32) -> (i32, i32) {
    %c0_i32 = arith.constant 0 : i32
    %c0_i32_0 = arith.constant 0 : i32
    return %arg0, %c0_i32 : i32, i32
  }
}

</mosaic_0001>

<sc_bundles>
// kernel: kernel.10.cloned.1.call-start
scs
__scs_entry_jumppad:
0x0: {  	(pc) =	sbr.rel $0x88, $3  }
0x1: {  	(tag) =	ssettag $0x0;
	lr =	simm.s32 $0x1  }
0x2: {  	[smem:$0x3F93] =	sst lr;
	_ =	strace $0xD0000000  }
0x3: {  	_ = 	snop  }
0x4: {  	_ = 	snop  }
0x5: {  	_ = 	snop  }
0x6: {  	_ = 	snop  }
0x7: {  	_ = 	snop  }
__scs_overlays_trampoline_lowered:
0x8: {  	[smem:$0x3FA2] =	sst s0  }
0x9: {  	[smem:$0x3FA3] =	sst s1  }
0xa: {  	[smem:$0x3FA4] =	sst s2  }
0xb: {  	[smem:$0x3FA5] =	sst s3  }
0xc: {  	[smem:$0x3FA6] =	sst s4  }
0xd: {  	[smem:$0x3FA7] =	sst s5  }
0xe: {  	[smem:$0x3FA8] =	sst s6  }
0xf: {  	[smem:$0x3FA9] =	sst s7  }
0x10: {  	[smem:$0x3FAA] =	sst s8  }
0x11: {  	[smem:$0x3FAB] =	sst s9;
	s0 =	simm.s32 @!p0 $0x0  }
0x12: {  	s1 =	sld [smem:$0x3F91];
	s0 =	simm.s32 @p0 $0x1  }
0x13: {  	[smem:$0x3FAC] =	sst s0;
	s0 =	simm.s32 @!p1 $0x0  }
0x14: {  	s2 =	sld [smem:$0x3F90];
	s0 =	simm.s32 @p1 $0x1  }
0x15: {  	[smem:$0x3FAD] =	sst s0;
	s0 =	simm.s32 @!p2 $0x0  }
0x16: {  	s3 =	sld [smem:$0x3FDB];
	s0 =	simm.s32 @p2 $0x1  }
0x17: {  	s4 =	simm.s32 $0x1BF5;
	[smem:$0x3FAF] =	sst s0  }
0x18: {  	s0 =	sld [smem:$0x3F92];
	_ =	swait.ge [sflag:s4], $0x0  }
0x19: {  	s7 =	sld [smem:$0x3F93]  }
0x1a: {  	s8 =	sadd.s32 $0xFFFFE003, lr  }
0x1b: {  	s9 =	sadd.s32 $0xFFFFFEF7, lr;
	s5 =	simm.s32 $0xFFFFFFFF;
	p2 =	slt.u32 s8, $0xFFFFF086  }
0x1c: {  	p1 =	slt.u32 s9, $0xF7A;
	s5 =	simm.s32 @!p2 $0x0  }
0x1d: {  	s5 =	simm.s32 @p1 $0x1;
	p0 =	seq.s32 s7, s2  }
0x1e: {  	s7 =	smul.u32 @!p0 $0xF7A, s2;
	p2 =	seq.s32 @!p0 s5, $0x0  }
0x1f: {  	s9 =	smul.u32 $0xF7A, s1;
	s8 =	simm.s32 @!p0 $0x1BF5;
	p2 =	por !p2, p0  }
0x20: {  	[sflag:s8] =	ssyncset.s32 @!p0 $0xFFFFF086;
	s6 =	sadd.s32 @!p0 s3, s7;
	s7 =	simm.s32 @!p0 $0x108  }
0x21: {  	s3 =	sadd.s32 s3, s9;
	s6 =	sadd.s32 @!p0 $0x88, s6;
	s7 =	simm.s32 @p2 $0x1082  }
0x22: {  	[simem:s7], [sflag:s8] =	dma.local @!p0 [hbm:s6], $0xF7A  }
0x23: {  	s9 =	sor.u32 $0xD0000000, s2;
	s6 =	simm.s32 $0x108;
	_ =	swait.ge @!p0 [sflag:s8], $0x0  }
0x24: {  	s3 =	sadd.s32 $0x88, s3;
	s6 =	simm.s32 @!p1 $0x1082;
	[sflag:s4] =	ssyncset.s32 $0xFFFFF086  }
0x25: {  	[simem:s6], [sflag:s4] =	dma.local [hbm:s3], $0xF7A  }
0x26: {  	[smem:$0x3F93] =	sst s1;
	(tag) =	ssettag s2;
	_ =	strace s9  }
0x27: {  	s1 =	sld [smem:$0x3FA3]  }
0x28: {  	s2 =	sld [smem:$0x3FA4]  }
0x29: {  	s4 =	sld [smem:$0x3FA6]  }
0x2a: {  	p0 =	seq.s32 s5, $0x0;
	s5 =	sld [smem:$0x3FA7]  }
0x2b: {  	s6 =	sld [smem:$0x3FA8]  }
0x2c: {  	s7 =	sld [smem:$0x3FA9]  }
0x2d: {  	s3 =	simm.s32 $0x108;
	s8 =	sld [smem:$0x3FAA]  }
0x2e: {  	s3 =	simm.s32 @!p0 $0x1082;
	s9 =	sld [smem:$0x3FAB]  }
0x2f: {  	lr =	sadd.s32 s0, s3;
	s0 =	sld [smem:$0x3FA2]  }
0x30: {  	s3 =	sld [smem:$0x3FA5]  }
0x31: {  	[smem:$0x3FAE] =	sst s10  }
0x32: {  	s10 =	sld [smem:$0x3FAC];
	_ =	sdelay $0x3  }
0x33: {  	p0 =	seq.s32 s10, $0x1;
	s10 =	sld [smem:$0x3FAE];
	_ =	sdelay $0x3  }
0x34: {  	[smem:$0x3FAE] =	sst s10  }
0x35: {  	s10 =	sld [smem:$0x3FAD];
	_ =	sdelay $0x3  }
0x36: {  	p1 =	seq.s32 s10, $0x1;
	s10 =	sld [smem:$0x3FAE];
	_ =	sdelay $0x3  }
0x37: {  	[smem:$0x3FAE] =	sst s10  }
0x38: {  	s10 =	sld [smem:$0x3FAF]  }
0x39: {  	_ = 	snop;
	(pc) =	sbr.ind lr, $3  }
0x3a: {  	_ = 	snop  }
0x3b: {  	_ = 	snop  }
0x3c: {  	p2 =	seq.s32 s10, $0x1;
	s10 =	sld [smem:$0x3FAE]  }
0x3d: {  	_ =	shalt  }
0x3e: {  	_ =	shalt  }
0x3f: {  	_ =	shalt  }
0x40: {  	_ =	shalt  }
0x41: {  	_ =	shalt  }
0x42: {  	_ =	shalt  }
0x43: {  	_ =	shalt  }
0x44: {  	_ =	shalt  }
0x45: {  	_ =	shalt  }
0x46: {  	_ =	shalt  }
0x47: {  	_ =	shalt  }
0x48: {  	_ =	shalt  }
0x49: {  	_ =	shalt  }
0x4a: {  	_ =	shalt  }
0x4b: {  	_ =	shalt  }
0x4c: {  	_ =	shalt  }
0x4d: {  	_ =	shalt  }
0x4e: {  	_ =	shalt  }
0x4f: {  	_ =	shalt  }
0x50: {  	_ =	shalt  }
0x51: {  	_ =	shalt  }
0x52: {  	_ =	shalt  }
0x53: {  	_ =	shalt  }
0x54: {  	_ =	shalt  }
0x55: {  	_ =	shalt  }
0x56: {  	_ =	shalt  }
0x57: {  	_ =	shalt  }
0x58: {  	_ =	shalt  }
0x59: {  	_ =	shalt  }
0x5a: {  	_ =	shalt  }
0x5b: {  	_ =	shalt  }
0x5c: {  	_ =	shalt  }
0x5d: {  	_ =	shalt  }
0x5e: {  	_ =	shalt  }
0x5f: {  	_ =	shalt  }
0x60: {  	_ =	shalt  }
0x61: {  	_ =	shalt  }
0x62: {  	_ =	shalt  }
0x63: {  	_ =	shalt  }
0x64: {  	_ =	shalt  }
0x65: {  	_ =	shalt  }
0x66: {  	_ =	shalt  }
0x67: {  	_ =	shalt  }
0x68: {  	_ =	shalt  }
0x69: {  	_ =	shalt  }
0x6a: {  	_ =	shalt  }
0x6b: {  	_ =	shalt  }
0x6c: {  	_ =	shalt  }
0x6d: {  	_ =	shalt  }
0x6e: {  	_ =	shalt  }
0x6f: {  	_ =	shalt  }
0x70: {  	_ =	shalt  }
0x71: {  	_ =	shalt  }
0x72: {  	_ =	shalt  }
0x73: {  	_ =	shalt  }
0x74: {  	_ =	shalt  }
0x75: {  	_ =	shalt  }
0x76: {  	_ =	shalt  }
0x77: {  	_ =	shalt  }
0x78: {  	_ =	shalt  }
0x79: {  	_ =	shalt  }
0x7a: {  	_ =	shalt  }
0x7b: {  	_ =	shalt  }
0x7c: {  	_ =	shalt  }
0x7d: {  	_ =	shalt  }
0x7e: {  	_ =	shalt  }
0x7f: {  	_ =	shalt  }
0x80: {  	_ =	shalt  }
0x81: {  	_ =	shalt  }
0x82: {  	_ =	shalt  }
0x83: {  	_ =	shalt  }
0x84: {  	_ =	shalt  }
0x85: {  	_ =	shalt  }
0x86: {  	_ =	shalt  }
0x87: {  	_ =	shalt  }
.Lfunc_end0:
.L_simem_size_0:
called_computation_lowered:
.L_overlay_start_0:
0x88: {  	s2 =	sld [smem:$0x3FD9]  }
0x89: {  	s3 =	sld [smem:$0x3FFE];
	_ =	sdelay $0x1  }
0x8a: {  	s1 =	srdreg.scid  }
0x8b: {  	s0 =	sand.u32 $0x1, s1  }
0x8c: {  	s17 =	sshll.u32 s0, $0xA;
	s2 =	sadd.s32 s3, s2  }
0x8d: {  	s2 =	sadd.s32 s2, s17  }
0x8e: {  	[smem:$0x3FBA] =	sst s2  }
0x8f: {  	_ = 	snop  }
0x90: {  	s2 =	sld [smem:$0x3FD0];
	(tm) =	ssettm $0x1  }
0x91: {  	s18 =	sld [smem:$0x3FFB];
	_ =	sdelay $0x3  }
0x92: {  	_ =	strace s18  }
0x93: {  	s3 =	sld [smem:$0x3FFC];
	_ =	sdelay $0x3  }
0x94: {  	_ =	strace s3  }
0x95: {  	s3 =	sld [smem:$0x3FFD];
	_ =	sdelay $0x3  }
0x96: {  	_ =	strace s3  }
0x97: {  	_ =	strace $0x8FFFFFFF  }
0x98: {  	s19 =	sld [smem:$0x3FDB];
	_ =	sdelay $0x1  }
0x99: {  	s4 =	simm.s32 $_scs_section_size  }
0x9a: {  	s5 =	simm.s32 $_size__tile_overlayer_lowered;
	s6 =	simm.s32 $_tile_overlayer_lowered  }
0x9b: {  	s22 =	simm.s32 $0x1BFF;
	s21 =	sshll.u32 s6, $0x1;
	s3 =	sadd.s32 s4, s19  }
0x9c: {  	s7 =	simm.s32 $0x0;
	s20 =	sshll.u32 s5, $0x1;
	s5 =	sadd.s32 s21, s3  }
0x9d: {  	[timem:s7], [sflag:s22] =	dma.local [hbm:s5], s20  }
0x9e: {  	_ =	swait.ge [sflag:s22], s20  }
0x9f: {  	s4 =	ssub.s32 $0x0, s20;
	[sflag:s22] =	ssyncset.done $0x0  }
0xa0: {  	[sflag:s22] =	ssyncadd.s32 s4;
	_ =	sdelay $0x1  }
0xa1: {  	s23 =	simm.s32 $0x1B8B  }
0xa2: {  	_ =	swait.ge [sflag:s23], $0x1  }
0xa3: {  	[sflag:s23] =	ssyncset.done $0x0  }
0xa4: {  	s25 =	simm.s32 $0x1B8E;
	s24 =	sld [smem:$0x3FFE];
	[sflag:s23] =	ssyncadd.s32 $0xFFFFFFFF  }
0xa5: {  	s26 =	simm.s32 $execute0_lowered;
	[smem:$0x3FD2] =	sst s25  }
0xa6: {  	s5 =	sshll.u32 s26, $0x1;
	_ =	strace $0x80000046;
	[dreg:$0x1] =	wrdreg $0xFFFFFFFF  }
0xa7: {  	s28 =	simm.s32 $_size_execute0_lowered;
	s3 =	sadd.s32 s3, s5;
	[dreg:$0x0] =	wrdreg $0x0  }
0xa8: {  	s5 =	sshll.u32 s28, $0x1;
	[dreg:$0x2] =	wrdreg s3  }
0xa9: {  	[dreg:$0x3] =	wrdreg s5  }
0xaa: {  	[dreg:$0x4] =	wrdreg $0xC0  }
0xab: {  	_ =	task [dreg:s7], $0x5FFFF  }
0xac: {  	[dreg:$0x1] =	wrdreg $0xFFFFFFFF  }
0xad: {  	[dreg:$0x0] =	wrdreg $0x60  }
0xae: {  	[dreg:$0x2] =	wrdreg s2  }
0xaf: {  	[dreg:$0x3] =	wrdreg s24  }
0xb0: {  	[dreg:$0x4] =	wrdreg $0x30000  }
0xb1: {  	[dreg:$0x5] =	wrdreg $0x9  }
0xb2: {  	_ =	task.clear_ibuf [dreg:s7], $0x6FFFF;
	_ =	strace $0x90000046  }
0xb3: {  	s29 =	simm.s32 $0x9;
	_ =	strace $0x80000048  }
0xb4: {  	_ =	swait.ge [sflag:s29], $0x1  }
0xb5: {  	[sflag:s29] =	ssyncadd.s32 $0xFFFFFFFF  }
0xb6: {  	_ =	strace $0x90000048  }
0xb7: {  	_ =	sfence  }
0xb8: {  	s30 =	sld [smem:$0x0];
	_ =	sdelay $0x2  }
0xb9: {  	s31 =	sshll.u32 s1, $0xD;
	s1 =	sshrl.u32 s1, $0x2  }
0xba: {  	s3 =	sand.u32 $0x4000, s31;
	s1 =	sadd.s32 s1, s30  }
0xbb: {  	s0 =	sor.u32 s3, s0;
	s1 =	sshll.u32 s1, $0x11  }
0xbc: {  	s0 =	sor.u32 s1, s0  }
0xbd: {  	s0 =	sadd.s32 $0x8F2B, s0  }
0xbe: {  	[sflag:s0] =	ssyncadd.remote.s32 $0x1  }
0xbf: {  	_ =	sfence.sel $0xFFFF  }
0xc0: {  	[dreg:$0x0] =	wrdreg $0xFFFFFFFF;
	(pc) =	sbr.abs _section_cstart, $3  }
0xc1: {  	[dreg:$0x1] =	wrdreg $0xFFFFFFFF  }
0xc2: {  	_ =	task.clear_ibuf [dreg:s7], $0x2FFFF;
	_ =	strace $0x9FFFFFFF  }
0xc3: {  	(tm) =	ssettm $0x7FFFFFFF  }
tec
execute0_lowered:
.L_overlay_start_1:
0x0: {  	(tag) =	ssettag $0x1  }
0x1: {  	s7 =	rddreg [dreg:$0x0]  }
0x2: {  	s6 =	rddreg [dreg:$0x1]  }
0x3: {  	s2 =	rddreg [dreg:$0x2]  }
0x4: {  	s0 =	rddreg [dreg:$0x3]  }
0x5: {  	s4 =	srdreg.scid;
	s1 =	stileid.u32;
	s3 =	simm.s32 $0x0  }
0x6: {  	s14 =	simm.s32 $0x0;
	s5 =	sand.u32 $0x1, s4;
	s8 =	smul.u32 $0x2780, s1  }
0x7: {  	[smem:$0x7FF] =	sst s3;
	s4 =	sadd.s32 $0x3400, s6;
	s13 =	smul.u32 $0x500, s1  }
0x8: {  	s30 =	sshll.u32 s1, $0x6;
	s9 =	smul.u32 $0x27800, s5;
	_ =	strace $0x80000047  }
0x9: {  	s10 =	ssub.s32 $0x2, s5;
	s11 =	smul.u32 $0x5000, s5;
	s5 =	sadd.s32 $0x3A00, s6  }
0xa: {  	s12 =	sshrl.u32 s10, $0x1;
	s29 =	sadd.s32 s8, s2;
	s9 =	sadd.s32 s8, s9  }
0xb: {  	s10 =	ssub.s32 s10, s12;
	s31 =	sadd.s32 s13, s11;
	s11 =	simm.s32 $0x1  }
0xc: {  	s12 =	simm.s32 $0x2800;
	s13 =	simm.s32 $0x80;
	s9 =	sshrl.u32 s9, $0x3  }
0xd: {  	s7 =	sadd.s32 s7, s31;
	s9 =	sadd.s32 s9, s6;
	s6 =	sor.u32 $0x1C01, s30  }
0xe: {  	s8 =	sadd.s32 $0x3C00, s9;
	s9 =	smax.u32 s10, $0x1;
	s10 =	sshrl.u32 s29, $0x3  }
.LBB2_1:
0xf: {  	[spmem:s10], [sflag:s6] =	dma.local [hbm:s4], $0x4F0  }
0x10: {  	_ =	swait.ge [sflag:s11], $0x4F0  }
0x11: {  	[sflag:s11] =	ssyncset.done $0x0  }
0x12: {  	[sflag:s11] =	ssyncadd.s32 $0xFFFFFB10  }
0x13: {  	[tilespmem:s12], [sflag:$0x1] =	stream.linear.gather [hbm4b:s5+s3], $0x800, $0x38;
	[tilespmem:$0x5780] =	vst v63  }
0x14: {  	_ =	swait.ge [sflag:s11], $0x800  }
0x15: {  	[sflag:s11] =	ssyncset.done $0x0  }
0x16: {  	[sflag:s11] =	ssyncadd.s32 $0xFFFFF800  }
0x17: {  	[tilespmem:s3], [sflag:$0x1] =	stream.linear.gather [hbm4b:s7+s3], $0x2800, $0x38;
	[tilespmem:$0x5780] =	vst v63  }
0x18: {  	_ =	swait.ge [sflag:s11], $0x2800  }
0x19: {  	[sflag:s11] =	ssyncset.done $0x0  }
0x1a: {  	[sflag:s11] =	ssyncadd.s32 $0xFFFFD800  }
0x1b: {  	s15 =	simm.s32 $0x0;
	[bflag:$0x0] =	sbarrier.arrive $0xFFFF  }
0x1c: {  	[spmem:s2] =	stream.indirect.scatter.add.f32 [tilespmem:s12], [sflag:$0x1], $0x10, s15, s13, $0xb8;
	[tilespmem:$0x5780] =	vst v63  }
0x1d: {  	_ =	swait.ge [sflag:s11], $0x800  }
0x1e: {  	s15 =	simm.s32 $0x200;
	[sflag:s11] =	ssyncset.done $0x0  }
.LBB2_2:
0x1f: {  	s16 =	sshra.s32 s15, $0x2;
	[sflag:s11] =	ssyncadd.s32 $0xFFFFF800;
	p0 =	sne.s32 s15, $0x9E00  }
0x20: {  	[spmem:s2] =	stream.indirect.scatter.add.f32 [tilespmem:s12], [sflag:$0x1], $0x10, s16, s13, $0xb8;
	[tilespmem:$0x5780] =	vst v63  }
.Ltmp0:
0x21: {  	_ = 	snop;
	(pc) =	sbr.rel @p0 .LBB2_2-.Ltmp0, $4  }
0x22: {  	_ = 	snop  }
0x23: {  	s15 =	sadd.s32 $0x200, s15  }
0x24: {  	_ =	swait.ge [sflag:s11], $0x800  }
0x25: {  	[sflag:s11] =	ssyncset.done $0x0  }
0x26: {  	s14 =	sadd.s32 $0x1, s14  }
0x27: {  	[sflag:s11] =	ssyncadd.s32 $0xFFFFF800;
	p0 =	sne.s32 s14, s9  }
.Ltmp1:
0x28: {  	[bflag:$0x0] =	sbarrier.arrive $0xFFFF;
	(pc) =	sbr.rel @p0 .LBB2_1-.Ltmp1, $4  }
0x29: {  	[hbm:s8], [sflag:s6] =	dma.local [spmem:s10], $0x4F0  }
0x2a: {  	_ =	swait.ge [sflag:s11], $0x4F0  }
0x2b: {  	[sflag:s11] =	ssyncset.done $0x0  }
0x2c: {  	[sflag:s11] =	ssyncadd.s32 $0xFFFFFB10  }
0x2d: {  	_ =	sfence.sel $0x180000  }
0x2e: {  	[bflag:$0x0] =	sbarrier.arrive $0xFFFF  }
0x2f: {  	p0 =	sne.s32 s1, $0x0;
	_ =	strace $0x90000047  }
0x30: {  	s0 =	sadd.s32 @!p0 $0x100000, s0;
	[bflag:$0x2] =	sbarrier.arrive $0xFFFF  }
0x31: {  	[sflag:s0] =	ssyncadd.tile.s32 @!p0 $0x1;
	_ =	shalt  }
.Lfunc_end2:
_tile_overlayer_lowered:
.L_overlay_start_2:
0x32: {  	(tag) =	ssettag $0x2  }
0x33: {  	s0 =	rddreg [dreg:$0x0];
	s2 =	stileid.u32  }
0x34: {  	s1 =	rddreg [dreg:$0x1];
	p0 =	sne.s32 s2, $0x0  }
0x35: {  	s3 =	rddreg [dreg:$0x2];
	[bflag:$0x3] =	sbarrier.arrive $0xFFFF;
	s2 =	simm.s32 @!p0 $0x1C01  }
0x36: {  	[timem:s3], [sflag:s2] =	dma.local @!p0 [hbm:s0], s1  }
0x37: {  	s0 =	simm.s32 @!p0 $0x1  }
0x38: {  	_ =	swait.ge @!p0 [sflag:s0], s1  }
0x39: {  	s1 =	ssub.s32 @!p0 $0x0, s1;
	[sflag:s0] =	ssyncset.done @!p0 $0x0  }
0x3a: {  	[sflag:s0] =	ssyncadd.s32 @!p0 s1  }
0x3b: {  	[bflag:$0x3] =	sbarrier.arrive $0xFFFF  }
0x3c: {  	_ =	shalt  }

// kernel: kernel.13.cloned.1.call-start
scs
__scs_entry_jumppad:
0x0: {  	(pc) =	sbr.rel $0x88, $3  }
0x1: {  	(tag) =	ssettag $0x0;
	lr =	simm.s32 $0x1  }
0x2: {  	[smem:$0x3F93] =	sst lr;
	_ =	strace $0xD0000000  }
0x3: {  	_ = 	snop  }
0x4: {  	_ = 	snop  }
0x5: {  	_ = 	snop  }
0x6: {  	_ = 	snop  }
0x7: {  	_ = 	snop  }
__scs_overlays_trampoline_lowered:
0x8: {  	[smem:$0x3FA2] =	sst s0  }
0x9: {  	[smem:$0x3FA3] =	sst s1  }
0xa: {  	[smem:$0x3FA4] =	sst s2  }
0xb: {  	[smem:$0x3FA5] =	sst s3  }
0xc: {  	[smem:$0x3FA6] =	sst s4  }
0xd: {  	[smem:$0x3FA7] =	sst s5  }
0xe: {  	[smem:$0x3FA8] =	sst s6  }
0xf: {  	[smem:$0x3FA9] =	sst s7  }
0x10: {  	[smem:$0x3FAA] =	sst s8  }
0x11: {  	[smem:$0x3FAB] =	sst s9;
	s0 =	simm.s32 @!p0 $0x0  }
0x12: {  	s1 =	sld [smem:$0x3F91];
	s0 =	simm.s32 @p0 $0x1  }
0x13: {  	[smem:$0x3FAC] =	sst s0;
	s0 =	simm.s32 @!p1 $0x0  }
0x14: {  	s2 =	sld [smem:$0x3F90];
	s0 =	simm.s32 @p1 $0x1  }
0x15: {  	[smem:$0x3FAD] =	sst s0;
	s0 =	simm.s32 @!p2 $0x0  }
0x16: {  	s3 =	sld [smem:$0x3FDB];
	s0 =	simm.s32 @p2 $0x1  }
0x17: {  	s4 =	simm.s32 $0x1BF5;
	[smem:$0x3FAF] =	sst s0  }
0x18: {  	s0 =	sld [smem:$0x3F92];
	_ =	swait.ge [sflag:s4], $0x0  }
0x19: {  	s7 =	sld [smem:$0x3F93]  }
0x1a: {  	s8 =	sadd.s32 $0xFFFFE003, lr  }
0x1b: {  	s9 =	sadd.s32 $0xFFFFFEF7, lr;
	s5 =	simm.s32 $0xFFFFFFFF;
	p2 =	slt.u32 s8, $0xFFFFF086  }
0x1c: {  	p1 =	slt.u32 s9, $0xF7A;
	s5 =	simm.s32 @!p2 $0x0  }
0x1d: {  	s5 =	simm.s32 @p1 $0x1;
	p0 =	seq.s32 s7, s2  }
0x1e: {  	s7 =	smul.u32 @!p0 $0xF7A, s2;
	p2 =	seq.s32 @!p0 s5, $0x0  }
0x1f: {  	s9 =	smul.u32 $0xF7A, s1;
	s8 =	simm.s32 @!p0 $0x1BF5;
	p2 =	por !p2, p0  }
0x20: {  	[sflag:s8] =	ssyncset.s32 @!p0 $0xFFFFF086;
	s6 =	sadd.s32 @!p0 s3, s7;
	s7 =	simm.s32 @!p0 $0x108  }
0x21: {  	s3 =	sadd.s32 s3, s9;
	s6 =	sadd.s32 @!p0 $0x88, s6;
	s7 =	simm.s32 @p2 $0x1082  }
0x22: {  	[simem:s7], [sflag:s8] =	dma.local @!p0 [hbm:s6], $0xF7A  }
0x23: {  	s9 =	sor.u32 $0xD0000000, s2;
	s6 =	simm.s32 $0x108;
	_ =	swait.ge @!p0 [sflag:s8], $0x0  }
0x24: {  	s3 =	sadd.s32 $0x88, s3;
	s6 =	simm.s32 @!p1 $0x1082;
	[sflag:s4] =	ssyncset.s32 $0xFFFFF086  }
0x25: {  	[simem:s6], [sflag:s4] =	dma.local [hbm:s3], $0xF7A  }
0x26: {  	[smem:$0x3F93] =	sst s1;
	(tag) =	ssettag s2;
	_ =	strace s9  }
0x27: {  	s1 =	sld [smem:$0x3FA3]  }
0x28: {  	s2 =	sld [smem:$0x3FA4]  }
0x29: {  	s4 =	sld [smem:$0x3FA6]  }
0x2a: {  	p0 =	seq.s32 s5, $0x0;
	s5 =	sld [smem:$0x3FA7]  }
0x2b: {  	s6 =	sld [smem:$0x3FA8]  }
0x2c: {  	s7 =	sld [smem:$0x3FA9]  }
0x2d: {  	s3 =	simm.s32 $0x108;
	s8 =	sld [smem:$0x3FAA]  }
0x2e: {  	s3 =	simm.s32 @!p0 $0x1082;
	s9 =	sld [smem:$0x3FAB]  }
0x2f: {  	lr =	sadd.s32 s0, s3;
	s0 =	sld [smem:$0x3FA2]  }
0x30: {  	s3 =	sld [smem:$0x3FA5]  }
0x31: {  	[smem:$0x3FAE] =	sst s10  }
0x32: {  	s10 =	sld [smem:$0x3FAC];
	_ =	sdelay $0x3  }
0x33: {  	p0 =	seq.s32 s10, $0x1;
	s10 =	sld [smem:$0x3FAE];
	_ =	sdelay $0x3  }
0x34: {  	[smem:$0x3FAE] =	sst s10  }
0x35: {  	s10 =	sld [smem:$0x3FAD];
	_ =	sdelay $0x3  }
0x36: {  	p1 =	seq.s32 s10, $0x1;
	s10 =	sld [smem:$0x3FAE];
	_ =	sdelay $0x3  }
0x37: {  	[smem:$0x3FAE] =	sst s10  }
0x38: {  	s10 =	sld [smem:$0x3FAF]  }
0x39: {  	_ = 	snop;
	(pc) =	sbr.ind lr, $3  }
0x3a: {  	_ = 	snop  }
0x3b: {  	_ = 	snop  }
0x3c: {  	p2 =	seq.s32 s10, $0x1;
	s10 =	sld [smem:$0x3FAE]  }
0x3d: {  	_ =	shalt  }
0x3e: {  	_ =	shalt  }
0x3f: {  	_ =	shalt  }
0x40: {  	_ =	shalt  }
0x41: {  	_ =	shalt  }
0x42: {  	_ =	shalt  }
0x43: {  	_ =	shalt  }
0x44: {  	_ =	shalt  }
0x45: {  	_ =	shalt  }
0x46: {  	_ =	shalt  }
0x47: {  	_ =	shalt  }
0x48: {  	_ =	shalt  }
0x49: {  	_ =	shalt  }
0x4a: {  	_ =	shalt  }
0x4b: {  	_ =	shalt  }
0x4c: {  	_ =	shalt  }
0x4d: {  	_ =	shalt  }
0x4e: {  	_ =	shalt  }
0x4f: {  	_ =	shalt  }
0x50: {  	_ =	shalt  }
0x51: {  	_ =	shalt  }
0x52: {  	_ =	shalt  }
0x53: {  	_ =	shalt  }
0x54: {  	_ =	shalt  }
0x55: {  	_ =	shalt  }
0x56: {  	_ =	shalt  }
0x57: {  	_ =	shalt  }
0x58: {  	_ =	shalt  }
0x59: {  	_ =	shalt  }
0x5a: {  	_ =	shalt  }
0x5b: {  	_ =	shalt  }
0x5c: {  	_ =	shalt  }
0x5d: {  	_ =	shalt  }
0x5e: {  	_ =	shalt  }
0x5f: {  	_ =	shalt  }
0x60: {  	_ =	shalt  }
0x61: {  	_ =	shalt  }
0x62: {  	_ =	shalt  }
0x63: {  	_ =	shalt  }
0x64: {  	_ =	shalt  }
0x65: {  	_ =	shalt  }
0x66: {  	_ =	shalt  }
0x67: {  	_ =	shalt  }
0x68: {  	_ =	shalt  }
0x69: {  	_ =	shalt  }
0x6a: {  	_ =	shalt  }
0x6b: {  	_ =	shalt  }
0x6c: {  	_ =	shalt  }
0x6d: {  	_ =	shalt  }
0x6e: {  	_ =	shalt  }
0x6f: {  	_ =	shalt  }
0x70: {  	_ =	shalt  }
0x71: {  	_ =	shalt  }
0x72: {  	_ =	shalt  }
0x73: {  	_ =	shalt  }
0x74: {  	_ =	shalt  }
0x75: {  	_ =	shalt  }
0x76: {  	_ =	shalt  }
0x77: {  	_ =	shalt  }
0x78: {  	_ =	shalt  }
0x79: {  	_ =	shalt  }
0x7a: {  	_ =	shalt  }
0x7b: {  	_ =	shalt  }
0x7c: {  	_ =	shalt  }
0x7d: {  	_ =	shalt  }
0x7e: {  	_ =	shalt  }
0x7f: {  	_ =	shalt  }
0x80: {  	_ =	shalt  }
0x81: {  	_ =	shalt  }
0x82: {  	_ =	shalt  }
0x83: {  	_ =	shalt  }
0x84: {  	_ =	shalt  }
0x85: {  	_ =	shalt  }
0x86: {  	_ =	shalt  }
0x87: {  	_ =	shalt  }
.Lfunc_end0:
.L_simem_size_0:
called_computation.1_lowered:
.L_overlay_start_0:
0x88: {  	s2 =	sld [smem:$0x3FD9]  }
0x89: {  	s3 =	sld [smem:$0x3FFE];
	_ =	sdelay $0x1  }
0x8a: {  	s1 =	srdreg.scid  }
0x8b: {  	s0 =	sand.u32 $0x1, s1  }
0x8c: {  	s16 =	sshll.u32 s0, $0xA;
	s2 =	sadd.s32 s3, s2  }
0x8d: {  	s2 =	sadd.s32 s2, s16  }
0x8e: {  	[smem:$0x3FBA] =	sst s2  }
0x8f: {  	_ = 	snop  }
0x90: {  	(tm) =	ssettm $0x1  }
0x91: {  	s17 =	sld [smem:$0x3FFB];
	_ =	sdelay $0x3  }
0x92: {  	_ =	strace s17  }
0x93: {  	s2 =	sld [smem:$0x3FFC];
	_ =	sdelay $0x3  }
0x94: {  	_ =	strace s2  }
0x95: {  	s2 =	sld [smem:$0x3FFD];
	_ =	sdelay $0x3  }
0x96: {  	_ =	strace s2  }
0x97: {  	_ =	strace $0x8FFFFFFF  }
0x98: {  	s18 =	sld [smem:$0x3FDB];
	_ =	sdelay $0x1  }
0x99: {  	s19 =	simm.s32 $_scs_section_size  }
0x9a: {  	s4 =	simm.s32 $_size__tile_overlayer_lowered;
	s5 =	simm.s32 $_tile_overlayer_lowered  }
0x9b: {  	s22 =	simm.s32 $0x1BFF;
	s21 =	sshll.u32 s5, $0x1;
	s2 =	sadd.s32 s19, s18  }
0x9c: {  	s6 =	simm.s32 $0x0;
	s20 =	sshll.u32 s4, $0x1;
	s4 =	sadd.s32 s21, s2  }
0x9d: {  	[timem:s6], [sflag:s22] =	dma.local [hbm:s4], s20  }
0x9e: {  	_ =	swait.ge [sflag:s22], s20  }
0x9f: {  	s3 =	ssub.s32 $0x0, s20;
	[sflag:s22] =	ssyncset.done $0x0  }
0xa0: {  	[sflag:s22] =	ssyncadd.s32 s3;
	_ =	sdelay $0x1  }
0xa1: {  	s23 =	simm.s32 $0x1B8B  }
0xa2: {  	_ =	swait.ge [sflag:s23], $0x1  }
0xa3: {  	[sflag:s23] =	ssyncset.done $0x0  }
0xa4: {  	s25 =	simm.s32 $0x1B8E;
	s24 =	sld [smem:$0x3FFE];
	[sflag:s23] =	ssyncadd.s32 $0xFFFFFFFF  }
0xa5: {  	s26 =	simm.s32 $execute0_lowered;
	[smem:$0x3FD2] =	sst s25  }
0xa6: {  	s4 =	sshll.u32 s26, $0x1;
	_ =	strace $0x80000049;
	[dreg:$0x1] =	wrdreg $0xFFFFFFFF  }
0xa7: {  	s28 =	simm.s32 $_size_execute0_lowered;
	s2 =	sadd.s32 s2, s4;
	[dreg:$0x0] =	wrdreg $0x0  }
0xa8: {  	s4 =	sshll.u32 s28, $0x1;
	[dreg:$0x2] =	wrdreg s2  }
0xa9: {  	[dreg:$0x3] =	wrdreg s4  }
0xaa: {  	[dreg:$0x4] =	wrdreg $0xC0  }
0xab: {  	_ =	task [dreg:s6], $0x5FFFF  }
0xac: {  	[dreg:$0x1] =	wrdreg $0xFFFFFFFF  }
0xad: {  	[dreg:$0x0] =	wrdreg $0x60  }
0xae: {  	[dreg:$0x2] =	wrdreg s24  }
0xaf: {  	[dreg:$0x3] =	wrdreg $0x90000  }
0xb0: {  	[dreg:$0x4] =	wrdreg $0x9  }
0xb1: {  	_ =	task.clear_ibuf [dreg:s6], $0x5FFFF;
	_ =	strace $0x90000049  }
0xb2: {  	s29 =	simm.s32 $0x9;
	_ =	strace $0x8000004B  }
0xb3: {  	_ =	swait.ge [sflag:s29], $0x1  }
0xb4: {  	[sflag:s29] =	ssyncadd.s32 $0xFFFFFFFF  }
0xb5: {  	_ =	strace $0x9000004B  }
0xb6: {  	_ =	sfence  }
0xb7: {  	s30 =	sld [smem:$0x0];
	_ =	sdelay $0x2  }
0xb8: {  	s31 =	sshll.u32 s1, $0xD;
	s1 =	sshrl.u32 s1, $0x2  }
0xb9: {  	s3 =	sand.u32 $0x4000, s31;
	s1 =	sadd.s32 s1, s30  }
0xba: {  	s0 =	sor.u32 s3, s0;
	s1 =	sshll.u32 s1, $0x11  }
0xbb: {  	s0 =	sor.u32 s1, s0  }
0xbc: {  	s0 =	sadd.s32 $0x8F2B, s0  }
0xbd: {  	[sflag:s0] =	ssyncadd.remote.s32 $0x1  }
0xbe: {  	_ =	sfence.sel $0xFFFF  }
0xbf: {  	[dreg:$0x0] =	wrdreg $0xFFFFFFFF;
	(pc) =	sbr.abs _section_cstart, $3  }
0xc0: {  	[dreg:$0x1] =	wrdreg $0xFFFFFFFF  }
0xc1: {  	_ =	task.clear_ibuf [dreg:s6], $0x2FFFF;
	_ =	strace $0x9FFFFFFF  }
0xc2: {  	(tm) =	ssettm $0x7FFFFFFF  }
0xc3: {  	_ =	shalt  }
tec
execute0_lowered:
.L_overlay_start_1:
0x0: {  	(tag) =	ssettag $0x1  }
0x1: {  	s0 =	rddreg [dreg:$0x0];
	s1 =	srdreg.scid  }
0x2: {  	s2 =	rddreg [dreg:$0x1];
	s11 =	stileid.u32  }
0x3: {  	s3 =	simm.s32 $0x0;
	s13 =	simm.s32 $0x100;
	s14 =	simm.s32 $0x900  }
0x4: {  	s15 =	simm.s32 $0x180;
	s17 =	simm.s32 $0x980;
	s18 =	simm.s32 $0x200  }
0x5: {  	s19 =	simm.s32 $0xA00;
	s20 =	simm.s32 $0x280;
	s21 =	simm.s32 $0xA80  }
0x6: {  	s22 =	simm.s32 $0x300;
	[smem:$0x7FF] =	sst s3;
	s9 =	sadd.s32 $0x3400, s0  }
0x7: {  	s28 =	simm.s32 $0xE00;
	_ =	strace $0x8000004A;
	[dreg:$0x13] =	wrdreg s9  }
0x8: {  	s29 =	simm.s32 $0x680;
	s30 =	simm.s32 $0xE80;
	[dreg:$0x6] =	wrdreg s13  }
0x9: {  	s31 =	simm.s32 $0x700;
	s1 =	sand.u32 $0x1, s1;
	[dreg:$0x7] =	wrdreg s14  }
0xa: {  	s5 =	sshll.u32 s11, $0xC;
	s7 =	smul.u32 $0x13C00, s11;
	[dreg:$0x8] =	wrdreg s15  }
0xb: {  	s6 =	sshll.u32 s11, $0x9;
	s10 =	smul.u32 $0x4F000, s11;
	[dreg:$0x9] =	wrdreg s17  }
0xc: {  	s12 =	sshll.u32 s11, $0x6;
	s4 =	smul.u32 $0x50800, s1;
	[dreg:$0xa] =	wrdreg s18  }
0xd: {  	s11 =	simm.s32 $0x800;
	s23 =	smul.u32 $0x13C000, s1;
	[dreg:$0xb] =	wrdreg s19  }
0xe: {  	s6 =	sadd.s32 s6, s0;
	s24 =	ssub.s32 $0x2, s1;
	[dreg:$0xc] =	wrdreg s20  }
0xf: {  	s1 =	sshll.u32 s1, $0x8;
	s13 =	simm.s32 $0x1000;
	[dreg:$0xd] =	wrdreg s21  }
0x10: {  	s14 =	simm.s32 $0x1;
	[dreg:$0xe] =	wrdreg s22;
	s15 =	simm.s32 $0x5000  }
0x11: {  	s17 =	simm.s32 $0x3;
	s18 =	simm.s32 $0x4;
	s19 =	simm.s32 $0xC00  }
0x12: {  	s20 =	simm.s32 $0x480;
	s21 =	simm.s32 $0xC80;
	s22 =	simm.s32 $0x500  }
0x13: {  	s25 =	sshrl.u32 s24, $0x1;
	s1 =	sadd.s32 s1, s6;
	s4 =	sadd.s32 s5, s4  }
0x14: {  	s5 =	sadd.s32 s7, s23;
	s26 =	ssub.s32 s24, s25;
	s1 =	sadd.s32 $0xDA00, s1  }
0x15: {  	s7 =	sshrl.u32 s10, $0x2;
	s10 =	simm.s32 $0x880;
	s23 =	simm.s32 $0xB00  }
0x16: {  	s24 =	simm.s32 $0x380;
	s25 =	simm.s32 $0xB80;
	[dreg:$0x3] =	wrdreg s1  }
0x17: {  	s4 =	sshrl.u32 s4, $0x3;
	s5 =	sshrl.u32 s5, $0x3;
	[dreg:$0x5] =	wrdreg s10  }
0x18: {  	s6 =	sadd.s32 s7, s2;
	s7 =	sor.u32 $0x1C05, s12;
	[dreg:$0xf] =	wrdreg s23  }
0x19: {  	s16 =	smax.u32 s26, $0x1;
	s10 =	simm.s32 $0x5;
	[dreg:$0x10] =	wrdreg s24  }
0x1a: {  	s12 =	simm.s32 $0x80;
	[dreg:$0x11] =	wrdreg s25;
	s26 =	simm.s32 $0x400  }
0x1b: {  	s23 =	simm.s32 $0xD00;
	s24 =	simm.s32 $0x580;
	s25 =	simm.s32 $0xD80  }
0x1c: {  	s1 =	simm.s32 $0x780;
	s8 =	sadd.s32 s4, s0;
	[dreg:$0x16] =	wrdreg s16  }
0x1d: {  	s4 =	sadd.s32 $0x2BA00, s0;
	s0 =	sadd.s32 s5, s0;
	[dreg:$0x12] =	wrdreg s26  }
0x1e: {  	s16 =	simm.s32 $0x2;
	[dreg:$0x14] =	wrdreg s7;
	s9 =	sadd.s32 $0x17A00, s8  }
0x1f: {  	s26 =	simm.s32 $0x600;
	s0 =	sadd.s32 $0xA0E00, s0;
	[dreg:$0x4] =	wrdreg s9  }
0x20: {  	s5 =	simm.s32 $0xF80;
	s8 =	sshrl.u32 s6, $0x3;
	[dreg:$0x15] =	wrdreg s0  }
0x21: {  	s0 =	simm.s32 $0xF00;
	s9 =	simm.s32 $0x0;
	[dreg:$0x17] =	wrdreg s8  }
.LBB2_1:
0x22: {  	[dreg:$0x18] =	wrdreg s9  }
0x23: {  	s6 =	rddreg [dreg:$0x13]  }
0x24: {  	[spmem:s8], [sflag:s7] =	dma.local [hbm:s6], $0x2780  }
0x25: {  	_ =	swait.ge [sflag:s10], $0x2780  }
0x26: {  	[sflag:s10] =	ssyncset.done $0x0  }
0x27: {  	[sflag:s10] =	ssyncadd.s32 $0xFFFFD880  }
0x28: {  	[bflag:$0x0] =	sbarrier.arrive $0xFFFF  }
0x29: {  	s9 =	rddreg [dreg:$0x4]  }
0x2a: {  	s6 =	sadd.s32 $0x0, s9  }
0x2b: {  	[tilespmem:s3], [sflag:$0x5] =	stream.linear.gather [hbm4b:s6+s3], $0x800, $0x38;
	[tilespmem:$0x1CC00] =	vst v63  }
0x2c: {  	_ =	swait.ge [sflag:s10], $0x800  }
0x2d: {  	s7 =	rddreg [dreg:$0x3];
	[sflag:s10] =	ssyncset.done $0x0  }
0x2e: {  	[sflag:s10] =	ssyncadd.s32 $0xFFFFF800;
	s6 =	sadd.s32 $0x0, s7  }
0x2f: {  	[tilespmem:s11], [sflag:$0x5] =	stream.linear.gather [hbm4b:s6+s3], $0x800, $0x38;
	[tilespmem:$0x1CC00] =	vst v63  }
0x30: {  	_ =	swait.ge [sflag:s10], $0x800  }
0x31: {  	[sflag:s10] =	ssyncset.done $0x0  }
0x32: {  	[sflag:s10] =	ssyncadd.s32 $0xFFFFF800  }
0x33: {  	[tilespmem:s13], [sflag:$0x1] =	stream.indirect.gather [hbm4b:s4+s12], $0x80, s3, s12, $0xb8;
	[tilespmem:$0x1CC00] =	vst v63  }
0x34: {  	_ =	swait.ge [sflag:s14], $0x4000  }
0x35: {  	[sflag:s14] =	ssyncset.done $0x0  }
0x36: {  	[sflag:s14] =	ssyncadd.s32 $0xFFFFC000  }
0x37: {  	[spmem:s2] =	stream.indirect.scatter.add.f32 [tilespmem:s13], [sflag:$0x3], $0x80, s11, s12, $0xb8;
	[tilespmem:$0x1CC00] =	vst v63  }
0x38: {  	_ = 	snop  }
0x39: {  	[tilespmem:s15], [sflag:$0x2] =	stream.indirect.gather [hbm4b:s4+s12], $0x80, s12, s12, $0xb8;
	[tilespmem:$0x1CC00] =	vst v63  }
0x3a: {  	_ =	swait.ge [sflag:s16], $0x4000  }
0x3b: {  	[sflag:s16] =	ssyncset.done $0x0  }
0x3c: {  	s8 =	rddreg [dreg:$0x5];
	[sflag:s16] =	ssyncadd.s32 $0xFFFFC000  }
0x3d: {  	[spmem:s2] =	stream.indirect.scatter.add.f32 [tilespmem:s15], [sflag:$0x4], $0x80, s8, s12, $0xb8;
	[tilespmem:$0x1CC00] =	vst v63  }
0x3e: {  	_ =	swait.ge [sflag:s17], $0x4000  }
0x3f: {  	[sflag:s17] =	ssyncset.done $0x0  }
0x40: {  	s9 =	rddreg [dreg:$0x6];
	[sflag:s17] =	ssyncadd.s32 $0xFFFFC000  }
0x41: {  	[tilespmem:s13], [sflag:$0x1] =	stream.indirect.gather [hbm4b:s4+s12], $0x80, s9, s12, $0xb8;
	[tilespmem:$0x1CC00] =	vst v63  }
0x42: {  	_ =	swait.ge [sflag:s14], $0x4000  }
0x43: {  	[sflag:s14] =	ssyncset.done $0x0  }
0x44: {  	s7 =	rddreg [dreg:$0x7];
	[sflag:s14] =	ssyncadd.s32 $0xFFFFC000  }
0x45: {  	[spmem:s2] =	stream.indirect.scatter.add.f32 [tilespmem:s13], [sflag:$0x3], $0x80, s7, s12, $0xb8;
	[tilespmem:$0x1CC00] =	vst v63  }
0x46: {  	_ =	swait.ge [sflag:s18], $0x4000  }
0x47: {  	[sflag:s18] =	ssyncset.done $0x0  }
0x48: {  	s8 =	rddreg [dreg:$0x8];
	[sflag:s18] =	ssyncadd.s32 $0xFFFFC000  }
0x49: {  	[tilespmem:s15], [sflag:$0x2] =	stream.indirect.gather [hbm4b:s4+s12], $0x80, s8, s12, $0xb8;
	[tilespmem:$0x1CC00] =	vst v63  }
0x4a: {  	_ =	swait.ge [sflag:s16], $0x4000  }
0x4b: {  	[sflag:s16] =	ssyncset.done $0x0  }
0x4c: {  	s9 =	rddreg [dreg:$0x9];
	[sflag:s16] =	ssyncadd.s32 $0xFFFFC000  }
0x4d: {  	[spmem:s2] =	stream.indirect.scatter.add.f32 [tilespmem:s15], [sflag:$0x4], $0x80, s9, s12, $0xb8;
	[tilespmem:$0x1CC00] =	vst v63  }
0x4e: {  	_ =	swait.ge [sflag:s17], $0x4000  }
0x4f: {  	[sflag:s17] =	ssyncset.done $0x0  }
0x50: {  	s7 =	rddreg [dreg:$0xa];
	[sflag:s17] =	ssyncadd.s32 $0xFFFFC000  }
0x51: {  	[tilespmem:s13], [sflag:$0x1] =	stream.indirect.gather [hbm4b:s4+s12], $0x80, s7, s12, $0xb8;
	[tilespmem:$0x1CC00] =	vst v63  }
0x52: {  	_ =	swait.ge [sflag:s14], $0x4000  }
0x53: {  	[sflag:s14] =	ssyncset.done $0x0  }
0x54: {  	s8 =	rddreg [dreg:$0xb];
	[sflag:s14] =	ssyncadd.s32 $0xFFFFC000  }
0x55: {  	[spmem:s2] =	stream.indirect.scatter.add.f32 [tilespmem:s13], [sflag:$0x3], $0x80, s8, s12, $0xb8;
	[tilespmem:$0x1CC00] =	vst v63  }
0x56: {  	_ =	swait.ge [sflag:s18], $0x4000  }
0x57: {  	[sflag:s18] =	ssyncset.done $0x0  }
0x58: {  	s9 =	rddreg [dreg:$0xc];
	[sflag:s18] =	ssyncadd.s32 $0xFFFFC000  }
0x59: {  	[tilespmem:s15], [sflag:$0x2] =	stream.indirect.gather [hbm4b:s4+s12], $0x80, s9, s12, $0xb8;
	[tilespmem:$0x1CC00] =	vst v63  }
0x5a: {  	_ =	swait.ge [sflag:s16], $0x4000  }
0x5b: {  	[sflag:s16] =	ssyncset.done $0x0  }
0x5c: {  	s7 =	rddreg [dreg:$0xd];
	[sflag:s16] =	ssyncadd.s32 $0xFFFFC000  }
0x5d: {  	[spmem:s2] =	stream.indirect.scatter.add.f32 [tilespmem:s15], [sflag:$0x4], $0x80, s7, s12, $0xb8;
	[tilespmem:$0x1CC00] =	vst v63  }
0x5e: {  	_ =	swait.ge [sflag:s17], $0x4000  }
0x5f: {  	[sflag:s17] =	ssyncset.done $0x0  }
0x60: {  	s8 =	rddreg [dreg:$0xe];
	[sflag:s17] =	ssyncadd.s32 $0xFFFFC000  }
0x61: {  	[tilespmem:s13], [sflag:$0x1] =	stream.indirect.gather [hbm4b:s4+s12], $0x80, s8, s12, $0xb8;
	[tilespmem:$0x1CC00] =	vst v63  }
0x62: {  	_ =	swait.ge [sflag:s14], $0x4000  }
0x63: {  	[sflag:s14] =	ssyncset.done $0x0  }
0x64: {  	s9 =	rddreg [dreg:$0xf];
	[sflag:s14] =	ssyncadd.s32 $0xFFFFC000  }
0x65: {  	[spmem:s2] =	stream.indirect.scatter.add.f32 [tilespmem:s13], [sflag:$0x3], $0x80, s9, s12, $0xb8;
	[tilespmem:$0x1CC00] =	vst v63  }
0x66: {  	_ =	swait.ge [sflag:s18], $0x4000  }
0x67: {  	[sflag:s18] =	ssyncset.done $0x0  }
0x68: {  	s7 =	rddreg [dreg:$0x10];
	[sflag:s18] =	ssyncadd.s32 $0xFFFFC000  }
0x69: {  	[tilespmem:s15], [sflag:$0x2] =	stream.indirect.gather [hbm4b:s4+s12], $0x80, s7, s12, $0xb8;
	[tilespmem:$0x1CC00] =	vst v63  }
0x6a: {  	_ =	swait.ge [sflag:s16], $0x4000  }
0x6b: {  	[sflag:s16] =	ssyncset.done $0x0  }
0x6c: {  	s8 =	rddreg [dreg:$0x11];
	[sflag:s16] =	ssyncadd.s32 $0xFFFFC000  }
0x6d: {  	[spmem:s2] =	stream.indirect.scatter.add.f32 [tilespmem:s15], [sflag:$0x4], $0x80, s8, s12, $0xb8;
	[tilespmem:$0x1CC00] =	vst v63  }
0x6e: {  	_ =	swait.ge [sflag:s17], $0x4000  }
0x6f: {  	[sflag:s17] =	ssyncset.done $0x0  }
0x70: {  	s9 =	rddreg [dreg:$0x12];
	[sflag:s17] =	ssyncadd.s32 $0xFFFFC000  }
0x71: {  	[tilespmem:s13], [sflag:$0x1] =	stream.indirect.gather [hbm4b:s4+s12], $0x80, s9, s12, $0xb8;
	[tilespmem:$0x1CC00] =	vst v63  }
0x72: {  	_ =	swait.ge [sflag:s14], $0x4000  }
0x73: {  	[sflag:s14] =	ssyncset.done $0x0  }
0x74: {  	[sflag:s14] =	ssyncadd.s32 $0xFFFFC000  }
0x75: {  	[spmem:s2] =	stream.indirect.scatter.add.f32 [tilespmem:s13], [sflag:$0x3], $0x80, s19, s12, $0xb8;
	[tilespmem:$0x1CC00] =	vst v63  }
0x76: {  	_ =	swait.ge [sflag:s18], $0x4000  }
0x77: {  	[sflag:s18] =	ssyncset.done $0x0  }
0x78: {  	[sflag:s18] =	ssyncadd.s32 $0xFFFFC000  }
0x79: {  	[tilespmem:s15], [sflag:$0x2] =	stream.indirect.gather [hbm4b:s4+s12], $0x80, s20, s12, $0xb8;
	[tilespmem:$0x1CC00] =	vst v63  }
0x7a: {  	_ =	swait.ge [sflag:s16], $0x4000  }
0x7b: {  	[sflag:s16] =	ssyncset.done $0x0  }
0x7c: {  	[sflag:s16] =	ssyncadd.s32 $0xFFFFC000  }
0x7d: {  	[spmem:s2] =	stream.indirect.scatter.add.f32 [tilespmem:s15], [sflag:$0x4], $0x80, s21, s12, $0xb8;
	[tilespmem:$0x1CC00] =	vst v63  }
0x7e: {  	_ =	swait.ge [sflag:s17], $0x4000  }
0x7f: {  	[sflag:s17] =	ssyncset.done $0x0  }
0x80: {  	[sflag:s17] =	ssyncadd.s32 $0xFFFFC000  }
0x81: {  	[tilespmem:s13], [sflag:$0x1] =	stream.indirect.gather [hbm4b:s4+s12], $0x80, s22, s12, $0xb8;
	[tilespmem:$0x1CC00] =	vst v63  }
0x82: {  	_ =	swait.ge [sflag:s14], $0x4000  }
0x83: {  	[sflag:s14] =	ssyncset.done $0x0  }
0x84: {  	[sflag:s14] =	ssyncadd.s32 $0xFFFFC000  }
0x85: {  	[spmem:s2] =	stream.indirect.scatter.add.f32 [tilespmem:s13], [sflag:$0x3], $0x80, s23, s12, $0xb8;
	[tilespmem:$0x1CC00] =	vst v63  }
0x86: {  	_ =	swait.ge [sflag:s18], $0x4000  }
0x87: {  	[sflag:s18] =	ssyncset.done $0x0  }
0x88: {  	[sflag:s18] =	ssyncadd.s32 $0xFFFFC000  }
0x89: {  	[tilespmem:s15], [sflag:$0x2] =	stream.indirect.gather [hbm4b:s4+s12], $0x80, s24, s12, $0xb8;
	[tilespmem:$0x1CC00] =	vst v63  }
0x8a: {  	_ =	swait.ge [sflag:s16], $0x4000  }
0x8b: {  	[sflag:s16] =	ssyncset.done $0x0  }
0x8c: {  	[sflag:s16] =	ssyncadd.s32 $0xFFFFC000  }
0x8d: {  	[spmem:s2] =	stream.indirect.scatter.add.f32 [tilespmem:s15], [sflag:$0x4], $0x80, s25, s12, $0xb8;
	[tilespmem:$0x1CC00] =	vst v63  }
0x8e: {  	_ =	swait.ge [sflag:s17], $0x4000  }
0x8f: {  	[sflag:s17] =	ssyncset.done $0x0  }
0x90: {  	[sflag:s17] =	ssyncadd.s32 $0xFFFFC000  }
0x91: {  	[tilespmem:s13], [sflag:$0x1] =	stream.indirect.gather [hbm4b:s4+s12], $0x80, s26, s12, $0xb8;
	[tilespmem:$0x1CC00] =	vst v63  }
0x92: {  	_ =	swait.ge [sflag:s14], $0x4000  }
0x93: {  	[sflag:s14] =	ssyncset.done $0x0  }
0x94: {  	[sflag:s14] =	ssyncadd.s32 $0xFFFFC000  }
0x95: {  	[spmem:s2] =	stream.indirect.scatter.add.f32 [tilespmem:s13], [sflag:$0x3], $0x80, s28, s12, $0xb8;
	[tilespmem:$0x1CC00] =	vst v63  }
0x96: {  	_ =	swait.ge [sflag:s18], $0x4000  }
0x97: {  	[sflag:s18] =	ssyncset.done $0x0  }
0x98: {  	[sflag:s18] =	ssyncadd.s32 $0xFFFFC000  }
0x99: {  	[tilespmem:s15], [sflag:$0x2] =	stream.indirect.gather [hbm4b:s4+s12], $0x80, s29, s12, $0xb8;
	[tilespmem:$0x1CC00] =	vst v63  }
0x9a: {  	_ =	swait.ge [sflag:s16], $0x4000  }
0x9b: {  	[sflag:s16] =	ssyncset.done $0x0  }
0x9c: {  	[sflag:s16] =	ssyncadd.s32 $0xFFFFC000  }
0x9d: {  	[spmem:s2] =	stream.indirect.scatter.add.f32 [tilespmem:s15], [sflag:$0x4], $0x80, s30, s12, $0xb8;
	[tilespmem:$0x1CC00] =	vst v63  }
0x9e: {  	_ =	swait.ge [sflag:s17], $0x4000  }
0x9f: {  	[sflag:s17] =	ssyncset.done $0x0  }
0xa0: {  	[sflag:s17] =	ssyncadd.s32 $0xFFFFC000  }
0xa1: {  	[tilespmem:s13], [sflag:$0x1] =	stream.indirect.gather [hbm4b:s4+s12], $0x80, s31, s12, $0xb8;
	[tilespmem:$0x1CC00] =	vst v63  }
0xa2: {  	_ =	swait.ge [sflag:s14], $0x4000  }
0xa3: {  	[sflag:s14] =	ssyncset.done $0x0  }
0xa4: {  	[sflag:s14] =	ssyncadd.s32 $0xFFFFC000  }
0xa5: {  	[spmem:s2] =	stream.indirect.scatter.add.f32 [tilespmem:s13], [sflag:$0x3], $0x80, s0, s12, $0xb8;
	[tilespmem:$0x1CC00] =	vst v63  }
0xa6: {  	_ =	swait.ge [sflag:s18], $0x4000  }
0xa7: {  	[sflag:s18] =	ssyncset.done $0x0  }
0xa8: {  	[sflag:s18] =	ssyncadd.s32 $0xFFFFC000  }
0xa9: {  	[tilespmem:s15], [sflag:$0x2] =	stream.indirect.gather [hbm4b:s4+s12], $0x80, s1, s12, $0xb8;
	[tilespmem:$0x1CC00] =	vst v63  }
0xaa: {  	_ =	swait.ge [sflag:s16], $0x4000  }
0xab: {  	[sflag:s16] =	ssyncset.done $0x0  }
0xac: {  	[sflag:s16] =	ssyncadd.s32 $0xFFFFC000  }
0xad: {  	[spmem:s2] =	stream.indirect.scatter.add.f32 [tilespmem:s15], [sflag:$0x4], $0x80, s5, s12, $0xb8;
	[tilespmem:$0x1CC00] =	vst v63  }
0xae: {  	_ =	swait.ge [sflag:s17], $0x4000  }
0xaf: {  	[sflag:s17] =	ssyncset.done $0x0  }
0xb0: {  	[sflag:s17] =	ssyncadd.s32 $0xFFFFC000  }
0xb1: {  	s6 =	simm.s32 $0x4000;
	_ =	swait.ge [sflag:s18], $0x4000  }
0xb2: {  	s8 =	simm.s32 $0x2000;
	s9 =	rddreg [dreg:$0x4];
	[sflag:s18] =	ssyncset.done $0x0  }
.LBB2_2:
0xb3: {  	[sflag:s18] =	ssyncadd.s32 $0xFFFFC000;
	s9 =	sadd.s32 s8, s9  }
0xb4: {  	[tilespmem:s3], [sflag:$0x5] =	stream.linear.gather [hbm4b:s9+s3], $0x800, $0x38;
	[tilespmem:$0x1CC00] =	vst v63  }
0xb5: {  	_ =	swait.ge [sflag:s10], $0x800  }
0xb6: {  	s9 =	rddreg [dreg:$0x3];
	[sflag:s10] =	ssyncset.done $0x0  }
0xb7: {  	[sflag:s10] =	ssyncadd.s32 $0xFFFFF800;
	s9 =	sadd.s32 s8, s9  }
0xb8: {  	[tilespmem:s11], [sflag:$0x5] =	stream.linear.gather [hbm4b:s9+s3], $0x800, $0x38;
	[tilespmem:$0x1CC00] =	vst v63  }
0xb9: {  	_ =	swait.ge [sflag:s10], $0x800  }
0xba: {  	[sflag:s10] =	ssyncset.done $0x0  }
0xbb: {  	[sflag:s10] =	ssyncadd.s32 $0xFFFFF800  }
0xbc: {  	[tilespmem:s13], [sflag:$0x1] =	stream.indirect.gather [hbm4b:s4+s12], $0x80, s3, s12, $0xb8;
	[tilespmem:$0x1CC00] =	vst v63  }
0xbd: {  	_ =	swait.ge [sflag:s14], $0x4000  }
0xbe: {  	[sflag:s14] =	ssyncset.done $0x0  }
0xbf: {  	[sflag:s14] =	ssyncadd.s32 $0xFFFFC000  }
0xc0: {  	[spmem:s2] =	stream.indirect.scatter.add.f32 [tilespmem:s13], [sflag:$0x3], $0x80, s11, s12, $0xb8;
	[tilespmem:$0x1CC00] =	vst v63  }
0xc1: {  	_ = 	snop  }
0xc2: {  	[tilespmem:s15], [sflag:$0x2] =	stream.indirect.gather [hbm4b:s4+s12], $0x80, s12, s12, $0xb8;
	[tilespmem:$0x1CC00] =	vst v63  }
0xc3: {  	_ =	swait.ge [sflag:s16], $0x4000  }
0xc4: {  	[sflag:s16] =	ssyncset.done $0x0  }
0xc5: {  	s9 =	rddreg [dreg:$0x5];
	[sflag:s16] =	ssyncadd.s32 $0xFFFFC000  }
0xc6: {  	[spmem:s2] =	stream.indirect.scatter.add.f32 [tilespmem:s15], [sflag:$0x4], $0x80, s9, s12, $0xb8;
	[tilespmem:$0x1CC00] =	vst v63  }
0xc7: {  	_ =	swait.ge [sflag:s17], $0x4000  }
0xc8: {  	[sflag:s17] =	ssyncset.done $0x0  }
0xc9: {  	s9 =	rddreg [dreg:$0x6];
	[sflag:s17] =	ssyncadd.s32 $0xFFFFC000  }
0xca: {  	[tilespmem:s13], [sflag:$0x1] =	stream.indirect.gather [hbm4b:s4+s12], $0x80, s9, s12, $0xb8;
	[tilespmem:$0x1CC00] =	vst v63  }
0xcb: {  	_ =	swait.ge [sflag:s14], $0x4000  }
0xcc: {  	[sflag:s14] =	ssyncset.done $0x0  }
0xcd: {  	s9 =	rddreg [dreg:$0x7];
	[sflag:s14] =	ssyncadd.s32 $0xFFFFC000  }
0xce: {  	[spmem:s2] =	stream.indirect.scatter.add.f32 [tilespmem:s13], [sflag:$0x3], $0x80, s9, s12, $0xb8;
	[tilespmem:$0x1CC00] =	vst v63  }
0xcf: {  	_ =	swait.ge [sflag:s18], $0x4000  }
0xd0: {  	[sflag:s18] =	ssyncset.done $0x0  }
0xd1: {  	s9 =	rddreg [dreg:$0x8];
	[sflag:s18] =	ssyncadd.s32 $0xFFFFC000  }
0xd2: {  	[tilespmem:s15], [sflag:$0x2] =	stream.indirect.gather [hbm4b:s4+s12], $0x80, s9, s12, $0xb8;
	[tilespmem:$0x1CC00] =	vst v63  }
0xd3: {  	_ =	swait.ge [sflag:s16], $0x4000  }
0xd4: {  	[sflag:s16] =	ssyncset.done $0x0  }
0xd5: {  	s9 =	rddreg [dreg:$0x9];
	[sflag:s16] =	ssyncadd.s32 $0xFFFFC000  }
0xd6: {  	[spmem:s2] =	stream.indirect.scatter.add.f32 [tilespmem:s15], [sflag:$0x4], $0x80, s9, s12, $0xb8;
	[tilespmem:$0x1CC00] =	vst v63  }
0xd7: {  	_ =	swait.ge [sflag:s17], $0x4000  }
0xd8: {  	[sflag:s17] =	ssyncset.done $0x0  }
0xd9: {  	s9 =	rddreg [dreg:$0xa];
	[sflag:s17] =	ssyncadd.s32 $0xFFFFC000  }
0xda: {  	[tilespmem:s13], [sflag:$0x1] =	stream.indirect.gather [hbm4b:s4+s12], $0x80, s9, s12, $0xb8;
	[tilespmem:$0x1CC00] =	vst v63  }
0xdb: {  	_ =	swait.ge [sflag:s14], $0x4000  }
0xdc: {  	[sflag:s14] =	ssyncset.done $0x0  }
0xdd: {  	s9 =	rddreg [dreg:$0xb];
	[sflag:s14] =	ssyncadd.s32 $0xFFFFC000  }
0xde: {  	[spmem:s2] =	stream.indirect.scatter.add.f32 [tilespmem:s13], [sflag:$0x3], $0x80, s9, s12, $0xb8;
	[tilespmem:$0x1CC00] =	vst v63  }
0xdf: {  	_ =	swait.ge [sflag:s18], $0x4000  }
0xe0: {  	[sflag:s18] =	ssyncset.done $0x0  }
0xe1: {  	s9 =	rddreg [dreg:$0xc];
	[sflag:s18] =	ssyncadd.s32 $0xFFFFC000  }
0xe2: {  	[tilespmem:s15], [sflag:$0x2] =	stream.indirect.gather [hbm4b:s4+s12], $0x80, s9, s12, $0xb8;
	[tilespmem:$0x1CC00] =	vst v63  }
0xe3: {  	_ =	swait.ge [sflag:s16], $0x4000  }
0xe4: {  	[sflag:s16] =	ssyncset.done $0x0  }
0xe5: {  	s9 =	rddreg [dreg:$0xd];
	[sflag:s16] =	ssyncadd.s32 $0xFFFFC000  }
0xe6: {  	[spmem:s2] =	stream.indirect.scatter.add.f32 [tilespmem:s15], [sflag:$0x4], $0x80, s9, s12, $0xb8;
	[tilespmem:$0x1CC00] =	vst v63  }
0xe7: {  	_ =	swait.ge [sflag:s17], $0x4000  }
0xe8: {  	[sflag:s17] =	ssyncset.done $0x0  }
0xe9: {  	s9 =	rddreg [dreg:$0xe];
	[sflag:s17] =	ssyncadd.s32 $0xFFFFC000  }
0xea: {  	[tilespmem:s13], [sflag:$0x1] =	stream.indirect.gather [hbm4b:s4+s12], $0x80, s9, s12, $0xb8;
	[tilespmem:$0x1CC00] =	vst v63  }
0xeb: {  	_ =	swait.ge [sflag:s14], $0x4000  }
0xec: {  	[sflag:s14] =	ssyncset.done $0x0  }
0xed: {  	s9 =	rddreg [dreg:$0xf];
	[sflag:s14] =	ssyncadd.s32 $0xFFFFC000  }
0xee: {  	[spmem:s2] =	stream.indirect.scatter.add.f32 [tilespmem:s13], [sflag:$0x3], $0x80, s9, s12, $0xb8;
	[tilespmem:$0x1CC00] =	vst v63  }
0xef: {  	_ =	swait.ge [sflag:s18], $0x4000  }
0xf0: {  	[sflag:s18] =	ssyncset.done $0x0  }
0xf1: {  	s9 =	rddreg [dreg:$0x10];
	[sflag:s18] =	ssyncadd.s32 $0xFFFFC000  }
0xf2: {  	[tilespmem:s15], [sflag:$0x2] =	stream.indirect.gather [hbm4b:s4+s12], $0x80, s9, s12, $0xb8;
	[tilespmem:$0x1CC00] =	vst v63  }
0xf3: {  	_ =	swait.ge [sflag:s16], $0x4000  }
0xf4: {  	[sflag:s16] =	ssyncset.done $0x0  }
0xf5: {  	s9 =	rddreg [dreg:$0x11];
	[sflag:s16] =	ssyncadd.s32 $0xFFFFC000  }
0xf6: {  	[spmem:s2] =	stream.indirect.scatter.add.f32 [tilespmem:s15], [sflag:$0x4], $0x80, s9, s12, $0xb8;
	[tilespmem:$0x1CC00] =	vst v63  }
0xf7: {  	_ =	swait.ge [sflag:s17], $0x4000  }
0xf8: {  	[sflag:s17] =	ssyncset.done $0x0  }
0xf9: {  	s9 =	rddreg [dreg:$0x12];
	[sflag:s17] =	ssyncadd.s32 $0xFFFFC000  }
0xfa: {  	[tilespmem:s13], [sflag:$0x1] =	stream.indirect.gather [hbm4b:s4+s12], $0x80, s9, s12, $0xb8;
	[tilespmem:$0x1CC00] =	vst v63  }
0xfb: {  	_ =	swait.ge [sflag:s14], $0x4000  }
0xfc: {  	[sflag:s14] =	ssyncset.done $0x0  }
0xfd: {  	[sflag:s14] =	ssyncadd.s32 $0xFFFFC000  }
0xfe: {  	[spmem:s2] =	stream.indirect.scatter.add.f32 [tilespmem:s13], [sflag:$0x3], $0x80, s19, s12, $0xb8;
	[tilespmem:$0x1CC00] =	vst v63  }
0xff: {  	_ =	swait.ge [sflag:s18], $0x4000  }
0x100: {  	[sflag:s18] =	ssyncset.done $0x0  }
0x101: {  	[sflag:s18] =	ssyncadd.s32 $0xFFFFC000  }
0x102: {  	[tilespmem:s15], [sflag:$0x2] =	stream.indirect.gather [hbm4b:s4+s12], $0x80, s20, s12, $0xb8;
	[tilespmem:$0x1CC00] =	vst v63  }
0x103: {  	_ =	swait.ge [sflag:s16], $0x4000  }
0x104: {  	[sflag:s16] =	ssyncset.done $0x0  }
0x105: {  	[sflag:s16] =	ssyncadd.s32 $0xFFFFC000  }
0x106: {  	[spmem:s2] =	stream.indirect.scatter.add.f32 [tilespmem:s15], [sflag:$0x4], $0x80, s21, s12, $0xb8;
	[tilespmem:$0x1CC00] =	vst v63  }
0x107: {  	_ =	swait.ge [sflag:s17], $0x4000  }
0x108: {  	[sflag:s17] =	ssyncset.done $0x0  }
0x109: {  	[sflag:s17] =	ssyncadd.s32 $0xFFFFC000  }
0x10a: {  	[tilespmem:s13], [sflag:$0x1] =	stream.indirect.gather [hbm4b:s4+s12], $0x80, s22, s12, $0xb8;
	[tilespmem:$0x1CC00] =	vst v63  }
0x10b: {  	_ =	swait.ge [sflag:s14], $0x4000  }
0x10c: {  	[sflag:s14] =	ssyncset.done $0x0  }
0x10d: {  	[sflag:s14] =	ssyncadd.s32 $0xFFFFC000  }
0x10e: {  	[spmem:s2] =	stream.indirect.scatter.add.f32 [tilespmem:s13], [sflag:$0x3], $0x80, s23, s12, $0xb8;
	[tilespmem:$0x1CC00] =	vst v63  }
0x10f: {  	_ =	swait.ge [sflag:s18], $0x4000  }
0x110: {  	[sflag:s18] =	ssyncset.done $0x0  }
0x111: {  	[sflag:s18] =	ssyncadd.s32 $0xFFFFC000  }
0x112: {  	[tilespmem:s15], [sflag:$0x2] =	stream.indirect.gather [hbm4b:s4+s12], $0x80, s24, s12, $0xb8;
	[tilespmem:$0x1CC00] =	vst v63  }
0x113: {  	_ =	swait.ge [sflag:s16], $0x4000  }
0x114: {  	[sflag:s16] =	ssyncset.done $0x0  }
0x115: {  	[sflag:s16] =	ssyncadd.s32 $0xFFFFC000  }
0x116: {  	[spmem:s2] =	stream.indirect.scatter.add.f32 [tilespmem:s15], [sflag:$0x4], $0x80, s25, s12, $0xb8;
	[tilespmem:$0x1CC00] =	vst v63  }
0x117: {  	_ =	swait.ge [sflag:s17], $0x4000  }
0x118: {  	[sflag:s17] =	ssyncset.done $0x0  }
0x119: {  	[sflag:s17] =	ssyncadd.s32 $0xFFFFC000  }
0x11a: {  	[tilespmem:s13], [sflag:$0x1] =	stream.indirect.gather [hbm4b:s4+s12], $0x80, s26, s12, $0xb8;
	[tilespmem:$0x1CC00] =	vst v63  }
0x11b: {  	_ =	swait.ge [sflag:s14], $0x4000  }
0x11c: {  	[sflag:s14] =	ssyncset.done $0x0  }
0x11d: {  	[sflag:s14] =	ssyncadd.s32 $0xFFFFC000  }
0x11e: {  	[spmem:s2] =	stream.indirect.scatter.add.f32 [tilespmem:s13], [sflag:$0x3], $0x80, s28, s12, $0xb8;
	[tilespmem:$0x1CC00] =	vst v63  }
0x11f: {  	_ =	swait.ge [sflag:s18], $0x4000  }
0x120: {  	[sflag:s18] =	ssyncset.done $0x0  }
0x121: {  	[sflag:s18] =	ssyncadd.s32 $0xFFFFC000  }
0x122: {  	[tilespmem:s15], [sflag:$0x2] =	stream.indirect.gather [hbm4b:s4+s12], $0x80, s29, s12, $0xb8;
	[tilespmem:$0x1CC00] =	vst v63  }
0x123: {  	_ =	swait.ge [sflag:s16], $0x4000  }
0x124: {  	[sflag:s16] =	ssyncset.done $0x0  }
0x125: {  	[sflag:s16] =	ssyncadd.s32 $0xFFFFC000  }
0x126: {  	[spmem:s2] =	stream.indirect.scatter.add.f32 [tilespmem:s15], [sflag:$0x4], $0x80, s30, s12, $0xb8;
	[tilespmem:$0x1CC00] =	vst v63  }
0x127: {  	_ =	swait.ge [sflag:s17], $0x4000  }
0x128: {  	[sflag:s17] =	ssyncset.done $0x0  }
0x129: {  	[sflag:s17] =	ssyncadd.s32 $0xFFFFC000  }
0x12a: {  	[tilespmem:s13], [sflag:$0x1] =	stream.indirect.gather [hbm4b:s4+s12], $0x80, s31, s12, $0xb8;
	[tilespmem:$0x1CC00] =	vst v63  }
0x12b: {  	_ =	swait.ge [sflag:s14], $0x4000  }
0x12c: {  	[sflag:s14] =	ssyncset.done $0x0  }
0x12d: {  	[sflag:s14] =	ssyncadd.s32 $0xFFFFC000  }
0x12e: {  	[spmem:s2] =	stream.indirect.scatter.add.f32 [tilespmem:s13], [sflag:$0x3], $0x80, s0, s12, $0xb8;
	[tilespmem:$0x1CC00] =	vst v63  }
0x12f: {  	_ =	swait.ge [sflag:s18], $0x4000  }
0x130: {  	[sflag:s18] =	ssyncset.done $0x0  }
0x131: {  	[sflag:s18] =	ssyncadd.s32 $0xFFFFC000  }
0x132: {  	[tilespmem:s15], [sflag:$0x2] =	stream.indirect.gather [hbm4b:s4+s12], $0x80, s1, s12, $0xb8;
	[tilespmem:$0x1CC00] =	vst v63  }
0x133: {  	_ =	swait.ge [sflag:s16], $0x4000  }
0x134: {  	[sflag:s16] =	ssyncset.done $0x0  }
0x135: {  	p0 =	sne.s32 s6, $0x8000;
	[sflag:s16] =	ssyncadd.s32 $0xFFFFC000  }
0x136: {  	[spmem:s2] =	stream.indirect.scatter.add.f32 [tilespmem:s15], [sflag:$0x4], $0x80, s5, s12, $0xb8;
	[tilespmem:$0x1CC00] =	vst v63  }
.Ltmp0:
0x137: {  	_ =	swait.ge [sflag:s17], $0x4000;
	(pc) =	sbr.rel @p0 .LBB2_2-.Ltmp0, $4  }
0x138: {  	[sflag:s17] =	ssyncset.done $0x0  }
0x139: {  	[sflag:s17] =	ssyncadd.s32 $0xFFFFC000  }
0x13a: {  	s7 =	smov.u32 s6;
	s6 =	sadd.s32 $0x2000, s6;
	_ =	swait.ge [sflag:s18], $0x4000  }
0x13b: {  	s8 =	smov.u32 s7;
	s9 =	rddreg [dreg:$0x4];
	[sflag:s18] =	ssyncset.done $0x0  }
0x13c: {  	[sflag:s18] =	ssyncadd.s32 $0xFFFFC000;
	s6 =	sadd.s32 s8, s9  }
0x13d: {  	[tilespmem:s3], [sflag:$0x5] =	stream.linear.gather [hbm4b:s6+s3], $0x800, $0x38;
	[tilespmem:$0x1CC00] =	vst v63  }
0x13e: {  	_ =	swait.ge [sflag:s10], $0x800  }
0x13f: {  	s9 =	rddreg [dreg:$0x3];
	[sflag:s10] =	ssyncset.done $0x0  }
0x140: {  	s6 =	sadd.s32 s8, s9;
	[sflag:s10] =	ssyncadd.s32 $0xFFFFF800  }
0x141: {  	[tilespmem:s11], [sflag:$0x5] =	stream.linear.gather [hbm4b:s6+s3], $0x800, $0x38;
	[tilespmem:$0x1CC00] =	vst v63  }
0x142: {  	_ =	swait.ge [sflag:s10], $0x800  }
0x143: {  	[sflag:s10] =	ssyncset.done $0x0  }
0x144: {  	[sflag:s10] =	ssyncadd.s32 $0xFFFFF800  }
0x145: {  	[tilespmem:s13], [sflag:$0x1] =	stream.indirect.gather [hbm4b:s4+s12], $0x80, s3, s12, $0xb8;
	[tilespmem:$0x1CC00] =	vst v63  }
0x146: {  	_ =	swait.ge [sflag:s14], $0x4000  }
0x147: {  	[sflag:s14] =	ssyncset.done $0x0  }
0x148: {  	[sflag:s14] =	ssyncadd.s32 $0xFFFFC000  }
0x149: {  	[spmem:s2] =	stream.indirect.scatter.add.f32 [tilespmem:s13], [sflag:$0x3], $0x80, s11, s12, $0xb8;
	[tilespmem:$0x1CC00] =	vst v63  }
0x14a: {  	_ = 	snop  }
0x14b: {  	[tilespmem:s15], [sflag:$0x2] =	stream.indirect.gather [hbm4b:s4+s12], $0x80, s12, s12, $0xb8;
	[tilespmem:$0x1CC00] =	vst v63  }
0x14c: {  	_ =	swait.ge [sflag:s16], $0x4000  }
0x14d: {  	[sflag:s16] =	ssyncset.done $0x0  }
0x14e: {  	s7 =	rddreg [dreg:$0x5];
	[sflag:s16] =	ssyncadd.s32 $0xFFFFC000  }
0x14f: {  	[spmem:s2] =	stream.indirect.scatter.add.f32 [tilespmem:s15], [sflag:$0x4], $0x80, s7, s12, $0xb8;
	[tilespmem:$0x1CC00] =	vst v63  }
0x150: {  	_ =	swait.ge [sflag:s17], $0x4000  }
0x151: {  	[sflag:s17] =	ssyncset.done $0x0  }
0x152: {  	s8 =	rddreg [dreg:$0x6];
	[sflag:s17] =	ssyncadd.s32 $0xFFFFC000  }
0x153: {  	[tilespmem:s13], [sflag:$0x1] =	stream.indirect.gather [hbm4b:s4+s12], $0x80, s8, s12, $0xb8;
	[tilespmem:$0x1CC00] =	vst v63  }
0x154: {  	_ =	swait.ge [sflag:s14], $0x4000  }
0x155: {  	[sflag:s14] =	ssyncset.done $0x0  }
0x156: {  	s9 =	rddreg [dreg:$0x7];
	[sflag:s14] =	ssyncadd.s32 $0xFFFFC000  }
0x157: {  	[spmem:s2] =	stream.indirect.scatter.add.f32 [tilespmem:s13], [sflag:$0x3], $0x80, s9, s12, $0xb8;
	[tilespmem:$0x1CC00] =	vst v63  }
0x158: {  	_ =	swait.ge [sflag:s18], $0x4000  }
0x159: {  	[sflag:s18] =	ssyncset.done $0x0  }
0x15a: {  	s7 =	rddreg [dreg:$0x8];
	[sflag:s18] =	ssyncadd.s32 $0xFFFFC000  }
0x15b: {  	[tilespmem:s15], [sflag:$0x2] =	stream.indirect.gather [hbm4b:s4+s12], $0x80, s7, s12, $0xb8;
	[tilespmem:$0x1CC00] =	vst v63  }
0x15c: {  	_ =	swait.ge [sflag:s16], $0x4000  }
0x15d: {  	[sflag:s16] =	ssyncset.done $0x0  }
0x15e: {  	s8 =	rddreg [dreg:$0x9];
	[sflag:s16] =	ssyncadd.s32 $0xFFFFC000  }
0x15f: {  	[spmem:s2] =	stream.indirect.scatter.add.f32 [tilespmem:s15], [sflag:$0x4], $0x80, s8, s12, $0xb8;
	[tilespmem:$0x1CC00] =	vst v63  }
0x160: {  	_ =	swait.ge [sflag:s17], $0x4000  }
0x161: {  	[sflag:s17] =	ssyncset.done $0x0  }
0x162: {  	s9 =	rddreg [dreg:$0xa];
	[sflag:s17] =	ssyncadd.s32 $0xFFFFC000  }
0x163: {  	[tilespmem:s13], [sflag:$0x1] =	stream.indirect.gather [hbm4b:s4+s12], $0x80, s9, s12, $0xb8;
	[tilespmem:$0x1CC00] =	vst v63  }
0x164: {  	_ =	swait.ge [sflag:s14], $0x4000  }
0x165: {  	[sflag:s14] =	ssyncset.done $0x0  }
0x166: {  	s7 =	rddreg [dreg:$0xb];
	[sflag:s14] =	ssyncadd.s32 $0xFFFFC000  }
0x167: {  	[spmem:s2] =	stream.indirect.scatter.add.f32 [tilespmem:s13], [sflag:$0x3], $0x80, s7, s12, $0xb8;
	[tilespmem:$0x1CC00] =	vst v63  }
0x168: {  	_ =	swait.ge [sflag:s18], $0x4000  }
0x169: {  	[sflag:s18] =	ssyncset.done $0x0  }
0x16a: {  	s8 =	rddreg [dreg:$0xc];
	[sflag:s18] =	ssyncadd.s32 $0xFFFFC000  }
0x16b: {  	[tilespmem:s15], [sflag:$0x2] =	stream.indirect.gather [hbm4b:s4+s12], $0x80, s8, s12, $0xb8;
	[tilespmem:$0x1CC00] =	vst v63  }
0x16c: {  	_ =	swait.ge [sflag:s16], $0x4000  }
0x16d: {  	[sflag:s16] =	ssyncset.done $0x0  }
0x16e: {  	s9 =	rddreg [dreg:$0xd];
	[sflag:s16] =	ssyncadd.s32 $0xFFFFC000  }
0x16f: {  	[spmem:s2] =	stream.indirect.scatter.add.f32 [tilespmem:s15], [sflag:$0x4], $0x80, s9, s12, $0xb8;
	[tilespmem:$0x1CC00] =	vst v63  }
0x170: {  	_ =	swait.ge [sflag:s17], $0x4000  }
0x171: {  	[sflag:s17] =	ssyncset.done $0x0  }
0x172: {  	s7 =	rddreg [dreg:$0xe];
	[sflag:s17] =	ssyncadd.s32 $0xFFFFC000  }
0x173: {  	[tilespmem:s13], [sflag:$0x1] =	stream.indirect.gather [hbm4b:s4+s12], $0x80, s7, s12, $0xb8;
	[tilespmem:$0x1CC00] =	vst v63  }
0x174: {  	_ =	swait.ge [sflag:s14], $0x4000  }
0x175: {  	[sflag:s14] =	ssyncset.done $0x0  }
0x176: {  	s8 =	rddreg [dreg:$0xf];
	[sflag:s14] =	ssyncadd.s32 $0xFFFFC000  }
0x177: {  	[spmem:s2] =	stream.indirect.scatter.add.f32 [tilespmem:s13], [sflag:$0x3], $0x80, s8, s12, $0xb8;
	[tilespmem:$0x1CC00] =	vst v63  }
0x178: {  	_ =	swait.ge [sflag:s18], $0x4000  }
0x179: {  	[sflag:s18] =	ssyncset.done $0x0  }
0x17a: {  	s9 =	rddreg [dreg:$0x10];
	[sflag:s18] =	ssyncadd.s32 $0xFFFFC000  }
0x17b: {  	[tilespmem:s15], [sflag:$0x2] =	stream.indirect.gather [hbm4b:s4+s12], $0x80, s9, s12, $0xb8;
	[tilespmem:$0x1CC00] =	vst v63  }
0x17c: {  	_ =	swait.ge [sflag:s16], $0x4000  }
0x17d: {  	[sflag:s16] =	ssyncset.done $0x0  }
0x17e: {  	s7 =	rddreg [dreg:$0x11];
	[sflag:s16] =	ssyncadd.s32 $0xFFFFC000  }
0x17f: {  	[spmem:s2] =	stream.indirect.scatter.add.f32 [tilespmem:s15], [sflag:$0x4], $0x80, s7, s12, $0xb8;
	[tilespmem:$0x1CC00] =	vst v63  }
0x180: {  	_ =	swait.ge [sflag:s17], $0x4000  }
0x181: {  	[sflag:s17] =	ssyncset.done $0x0  }
0x182: {  	s8 =	rddreg [dreg:$0x12];
	[sflag:s17] =	ssyncadd.s32 $0xFFFFC000  }
0x183: {  	[tilespmem:s13], [sflag:$0x1] =	stream.indirect.gather [hbm4b:s4+s12], $0x80, s8, s12, $0xb8;
	[tilespmem:$0x1CC00] =	vst v63  }
0x184: {  	_ =	swait.ge [sflag:s14], $0x4000  }
0x185: {  	[sflag:s14] =	ssyncset.done $0x0  }
0x186: {  	[sflag:s14] =	ssyncadd.s32 $0xFFFFC000  }
0x187: {  	[spmem:s2] =	stream.indirect.scatter.add.f32 [tilespmem:s13], [sflag:$0x3], $0x80, s19, s12, $0xb8;
	[tilespmem:$0x1CC00] =	vst v63  }
0x188: {  	_ =	swait.ge [sflag:s18], $0x4000  }
0x189: {  	[sflag:s18] =	ssyncset.done $0x0  }
0x18a: {  	[sflag:s18] =	ssyncadd.s32 $0xFFFFC000  }
0x18b: {  	[tilespmem:s15], [sflag:$0x2] =	stream.indirect.gather [hbm4b:s4+s12], $0x80, s20, s12, $0xb8;
	[tilespmem:$0x1CC00] =	vst v63  }
0x18c: {  	_ =	swait.ge [sflag:s16], $0x4000  }
0x18d: {  	[sflag:s16] =	ssyncset.done $0x0  }
0x18e: {  	[sflag:s16] =	ssyncadd.s32 $0xFFFFC000  }
0x18f: {  	[spmem:s2] =	stream.indirect.scatter.add.f32 [tilespmem:s15], [sflag:$0x4], $0x80, s21, s12, $0xb8;
	[tilespmem:$0x1CC00] =	vst v63  }
0x190: {  	_ =	swait.ge [sflag:s17], $0x4000  }
0x191: {  	[sflag:s17] =	ssyncset.done $0x0  }
0x192: {  	[sflag:s17] =	ssyncadd.s32 $0xFFFFC000  }
0x193: {  	[tilespmem:s13], [sflag:$0x1] =	stream.indirect.gather [hbm4b:s4+s12], $0x80, s22, s12, $0xb8;
	[tilespmem:$0x1CC00] =	vst v63  }
0x194: {  	_ =	swait.ge [sflag:s14], $0x4000  }
0x195: {  	[sflag:s14] =	ssyncset.done $0x0  }
0x196: {  	[sflag:s14] =	ssyncadd.s32 $0xFFFFC000  }
0x197: {  	[spmem:s2] =	stream.indirect.scatter.add.f32 [tilespmem:s13], [sflag:$0x3], $0x80, s23, s12, $0xb8;
	[tilespmem:$0x1CC00] =	vst v63  }
0x198: {  	_ =	swait.ge [sflag:s18], $0x4000  }
0x199: {  	[sflag:s18] =	ssyncset.done $0x0  }
0x19a: {  	[sflag:s18] =	ssyncadd.s32 $0xFFFFC000  }
0x19b: {  	[tilespmem:s15], [sflag:$0x2] =	stream.indirect.gather [hbm4b:s4+s12], $0x80, s24, s12, $0xb8;
	[tilespmem:$0x1CC00] =	vst v63  }
0x19c: {  	_ =	swait.ge [sflag:s16], $0x4000  }
0x19d: {  	[sflag:s16] =	ssyncset.done $0x0  }
0x19e: {  	[sflag:s16] =	ssyncadd.s32 $0xFFFFC000  }
0x19f: {  	[spmem:s2] =	stream.indirect.scatter.add.f32 [tilespmem:s15], [sflag:$0x4], $0x80, s25, s12, $0xb8;
	[tilespmem:$0x1CC00] =	vst v63  }
0x1a0: {  	_ =	swait.ge [sflag:s17], $0x4000  }
0x1a1: {  	[sflag:s17] =	ssyncset.done $0x0  }
0x1a2: {  	[sflag:s17] =	ssyncadd.s32 $0xFFFFC000  }
0x1a3: {  	[tilespmem:s13], [sflag:$0x1] =	stream.indirect.gather [hbm4b:s4+s12], $0x80, s26, s12, $0xb8;
	[tilespmem:$0x1CC00] =	vst v63  }
0x1a4: {  	_ =	swait.ge [sflag:s14], $0x4000  }
0x1a5: {  	[sflag:s14] =	ssyncset.done $0x0  }
0x1a6: {  	[sflag:s14] =	ssyncadd.s32 $0xFFFFC000  }
0x1a7: {  	[spmem:s2] =	stream.indirect.scatter.add.f32 [tilespmem:s13], [sflag:$0x3], $0x80, s28, s12, $0xb8;
	[tilespmem:$0x1CC00] =	vst v63  }
0x1a8: {  	_ =	swait.ge [sflag:s18], $0x4000  }
0x1a9: {  	[sflag:s18] =	ssyncset.done $0x0  }
0x1aa: {  	[sflag:s18] =	ssyncadd.s32 $0xFFFFC000  }
0x1ab: {  	[tilespmem:s15], [sflag:$0x2] =	stream.indirect.gather [hbm4b:s4+s12], $0x80, s29, s12, $0xb8;
	[tilespmem:$0x1CC00] =	vst v63  }
0x1ac: {  	_ =	swait.ge [sflag:s16], $0x4000  }
0x1ad: {  	[sflag:s16] =	ssyncset.done $0x0  }
0x1ae: {  	[sflag:s16] =	ssyncadd.s32 $0xFFFFC000  }
0x1af: {  	[spmem:s2] =	stream.indirect.scatter.add.f32 [tilespmem:s15], [sflag:$0x4], $0x80, s30, s12, $0xb8;
	[tilespmem:$0x1CC00] =	vst v63  }
0x1b0: {  	_ =	swait.ge [sflag:s17], $0x4000  }
0x1b1: {  	[sflag:s17] =	ssyncset.done $0x0  }
0x1b2: {  	[sflag:s17] =	ssyncadd.s32 $0xFFFFC000  }
0x1b3: {  	[tilespmem:s13], [sflag:$0x1] =	stream.indirect.gather [hbm4b:s4+s12], $0x80, s31, s12, $0xb8;
	[tilespmem:$0x1CC00] =	vst v63  }
0x1b4: {  	_ =	swait.ge [sflag:s14], $0x4000  }
0x1b5: {  	[sflag:s14] =	ssyncset.done $0x0  }
0x1b6: {  	[sflag:s14] =	ssyncadd.s32 $0xFFFFC000  }
0x1b7: {  	[spmem:s2] =	stream.indirect.scatter.add.f32 [tilespmem:s13], [sflag:$0x3], $0x80, s0, s12, $0xb8;
	[tilespmem:$0x1CC00] =	vst v63  }
0x1b8: {  	_ =	swait.ge [sflag:s18], $0x4000  }
0x1b9: {  	[sflag:s18] =	ssyncset.done $0x0  }
0x1ba: {  	[sflag:s18] =	ssyncadd.s32 $0xFFFFC000  }
0x1bb: {  	[tilespmem:s15], [sflag:$0x2] =	stream.indirect.gather [hbm4b:s4+s12], $0x80, s1, s12, $0xb8;
	[tilespmem:$0x1CC00] =	vst v63  }
0x1bc: {  	_ =	swait.ge [sflag:s16], $0x4000  }
0x1bd: {  	[sflag:s16] =	ssyncset.done $0x0  }
0x1be: {  	[sflag:s16] =	ssyncadd.s32 $0xFFFFC000  }
0x1bf: {  	[spmem:s2] =	stream.indirect.scatter.add.f32 [tilespmem:s15], [sflag:$0x4], $0x80, s5, s12, $0xb8;
	[tilespmem:$0x1CC00] =	vst v63  }
0x1c0: {  	_ =	swait.ge [sflag:s17], $0x4000  }
0x1c1: {  	[sflag:s17] =	ssyncset.done $0x0  }
0x1c2: {  	[sflag:s17] =	ssyncadd.s32 $0xFFFFC000  }
0x1c3: {  	_ =	swait.ge [sflag:s18], $0x4000  }
0x1c4: {  	[sflag:s18] =	ssyncset.done $0x0  }
0x1c5: {  	[sflag:s18] =	ssyncadd.s32 $0xFFFFC000  }
0x1c6: {  	[bflag:$0x0] =	sbarrier.arrive $0xFFFF  }
0x1c7: {  	s7 =	rddreg [dreg:$0x14]  }
0x1c8: {  	s9 =	rddreg [dreg:$0x15]  }
0x1c9: {  	s8 =	rddreg [dreg:$0x17]  }
0x1ca: {  	[hbm:s9], [sflag:s7] =	dma.local [spmem:s8], $0x2780  }
0x1cb: {  	_ =	swait.ge [sflag:s10], $0x2780  }
0x1cc: {  	s6 =	rddreg [dreg:$0x18]  }
0x1cd: {  	s9 =	sadd.s32 $0x1, s6;
	s6 =	rddreg [dreg:$0x16]  }
0x1ce: {  	p0 =	sne.s32 s9, s6  }
.Ltmp1:
0x1cf: {  	_ = 	snop;
	(pc) =	sbr.rel @p0 .LBB2_1-.Ltmp1, $3  }
0x1d0: {  	_ =	sdelay $0x1  }
0x1d1: {  	[sflag:s10] =	ssyncset.done $0x0  }
0x1d2: {  	[sflag:s10] =	ssyncadd.s32 $0xFFFFD880  }
0x1d3: {  	_ =	sfence.sel $0x180000  }
0x1d4: {  	[bflag:$0x0] =	sbarrier.arrive $0xFFFF  }
0x1d5: {  	_ =	strace $0x9000004A  }
0x1d6: {  	s0 =	stileid.u32;
	[bflag:$0x2] =	sbarrier.arrive $0xFFFF  }
0x1d7: {  	p0 =	sne.s32 s0, $0x0;
	s0 =	rddreg [dreg:$0x2]  }
0x1d8: {  	s0 =	sadd.s32 @!p0 $0x100000, s0  }
0x1d9: {  	[sflag:s0] =	ssyncadd.tile.s32 @!p0 $0x1;
	_ =	shalt  }
.Lfunc_end2:
_tile_overlayer_lowered:
.L_overlay_start_2:
0x1da: {  	(tag) =	ssettag $0x2  }
0x1db: {  	s0 =	rddreg [dreg:$0x0];
	s2 =	stileid.u32  }
0x1dc: {  	s1 =	rddreg [dreg:$0x1];
	p0 =	sne.s32 s2, $0x0  }
0x1dd: {  	s3 =	rddreg [dreg:$0x2];
	[bflag:$0x3] =	sbarrier.arrive $0xFFFF;
	s2 =	simm.s32 @!p0 $0x1C05  }
0x1de: {  	[timem:s3], [sflag:s2] =	dma.local @!p0 [hbm:s0], s1  }
0x1df: {  	s0 =	simm.s32 @!p0 $0x5  }
0x1e0: {  	_ =	swait.ge @!p0 [sflag:s0], s1  }
0x1e1: {  	s1 =	ssub.s32 @!p0 $0x0, s1;
	[sflag:s0] =	ssyncset.done @!p0 $0x0  }
0x1e2: {  	[sflag:s0] =	ssyncadd.s32 @!p0 s1  }
0x1e3: {  	[bflag:$0x3] =	sbarrier.arrive $0xFFFF  }
0x1e4: {  	_ =	shalt  }

// kernel: kernel.16.cloned.1.call-start
scs
__scs_entry_jumppad:
0x0: {  	(pc) =	sbr.rel $0x88, $3  }
0x1: {  	(tag) =	ssettag $0x0;
	lr =	simm.s32 $0x1  }
0x2: {  	[smem:$0x3F93] =	sst lr;
	_ =	strace $0xD0000000  }
0x3: {  	_ = 	snop  }
0x4: {  	_ = 	snop  }
0x5: {  	_ = 	snop  }
0x6: {  	_ = 	snop  }
0x7: {  	_ = 	snop  }
__scs_overlays_trampoline_lowered:
0x8: {  	[smem:$0x3FA2] =	sst s0  }
0x9: {  	[smem:$0x3FA3] =	sst s1  }
0xa: {  	[smem:$0x3FA4] =	sst s2  }
0xb: {  	[smem:$0x3FA5] =	sst s3  }
0xc: {  	[smem:$0x3FA6] =	sst s4  }
0xd: {  	[smem:$0x3FA7] =	sst s5  }
0xe: {  	[smem:$0x3FA8] =	sst s6  }
0xf: {  	[smem:$0x3FA9] =	sst s7  }
0x10: {  	[smem:$0x3FAA] =	sst s8  }
0x11: {  	[smem:$0x3FAB] =	sst s9;
	s0 =	simm.s32 @!p0 $0x0  }
0x12: {  	s1 =	sld [smem:$0x3F91];
	s0 =	simm.s32 @p0 $0x1  }
0x13: {  	[smem:$0x3FAC] =	sst s0;
	s0 =	simm.s32 @!p1 $0x0  }
0x14: {  	s2 =	sld [smem:$0x3F90];
	s0 =	simm.s32 @p1 $0x1  }
0x15: {  	[smem:$0x3FAD] =	sst s0;
	s0 =	simm.s32 @!p2 $0x0  }
0x16: {  	s3 =	sld [smem:$0x3FDB];
	s0 =	simm.s32 @p2 $0x1  }
0x17: {  	s4 =	simm.s32 $0x1BF5;
	[smem:$0x3FAF] =	sst s0  }
0x18: {  	s0 =	sld [smem:$0x3F92];
	_ =	swait.ge [sflag:s4], $0x0  }
0x19: {  	s7 =	sld [smem:$0x3F93]  }
0x1a: {  	s8 =	sadd.s32 $0xFFFFE003, lr  }
0x1b: {  	s9 =	sadd.s32 $0xFFFFFEF7, lr;
	s5 =	simm.s32 $0xFFFFFFFF;
	p2 =	slt.u32 s8, $0xFFFFF086  }
0x1c: {  	p1 =	slt.u32 s9, $0xF7A;
	s5 =	simm.s32 @!p2 $0x0  }
0x1d: {  	s5 =	simm.s32 @p1 $0x1;
	p0 =	seq.s32 s7, s2  }
0x1e: {  	s7 =	smul.u32 @!p0 $0xF7A, s2;
	p2 =	seq.s32 @!p0 s5, $0x0  }
0x1f: {  	s9 =	smul.u32 $0xF7A, s1;
	s8 =	simm.s32 @!p0 $0x1BF5;
	p2 =	por !p2, p0  }
0x20: {  	[sflag:s8] =	ssyncset.s32 @!p0 $0xFFFFF086;
	s6 =	sadd.s32 @!p0 s3, s7;
	s7 =	simm.s32 @!p0 $0x108  }
0x21: {  	s3 =	sadd.s32 s3, s9;
	s6 =	sadd.s32 @!p0 $0x88, s6;
	s7 =	simm.s32 @p2 $0x1082  }
0x22: {  	[simem:s7], [sflag:s8] =	dma.local @!p0 [hbm:s6], $0xF7A  }
0x23: {  	s9 =	sor.u32 $0xD0000000, s2;
	s6 =	simm.s32 $0x108;
	_ =	swait.ge @!p0 [sflag:s8], $0x0  }
0x24: {  	s3 =	sadd.s32 $0x88, s3;
	s6 =	simm.s32 @!p1 $0x1082;
	[sflag:s4] =	ssyncset.s32 $0xFFFFF086  }
0x25: {  	[simem:s6], [sflag:s4] =	dma.local [hbm:s3], $0xF7A  }
0x26: {  	[smem:$0x3F93] =	sst s1;
	(tag) =	ssettag s2;
	_ =	strace s9  }
0x27: {  	s1 =	sld [smem:$0x3FA3]  }
0x28: {  	s2 =	sld [smem:$0x3FA4]  }
0x29: {  	s4 =	sld [smem:$0x3FA6]  }
0x2a: {  	p0 =	seq.s32 s5, $0x0;
	s5 =	sld [smem:$0x3FA7]  }
0x2b: {  	s6 =	sld [smem:$0x3FA8]  }
0x2c: {  	s7 =	sld [smem:$0x3FA9]  }
0x2d: {  	s3 =	simm.s32 $0x108;
	s8 =	sld [smem:$0x3FAA]  }
0x2e: {  	s3 =	simm.s32 @!p0 $0x1082;
	s9 =	sld [smem:$0x3FAB]  }
0x2f: {  	lr =	sadd.s32 s0, s3;
	s0 =	sld [smem:$0x3FA2]  }
0x30: {  	s3 =	sld [smem:$0x3FA5]  }
0x31: {  	[smem:$0x3FAE] =	sst s10  }
0x32: {  	s10 =	sld [smem:$0x3FAC];
	_ =	sdelay $0x3  }
0x33: {  	p0 =	seq.s32 s10, $0x1;
	s10 =	sld [smem:$0x3FAE];
	_ =	sdelay $0x3  }
0x34: {  	[smem:$0x3FAE] =	sst s10  }
0x35: {  	s10 =	sld [smem:$0x3FAD];
	_ =	sdelay $0x3  }
0x36: {  	p1 =	seq.s32 s10, $0x1;
	s10 =	sld [smem:$0x3FAE];
	_ =	sdelay $0x3  }
0x37: {  	[smem:$0x3FAE] =	sst s10  }
0x38: {  	s10 =	sld [smem:$0x3FAF]  }
0x39: {  	_ = 	snop;
	(pc) =	sbr.ind lr, $3  }
0x3a: {  	_ = 	snop  }
0x3b: {  	_ = 	snop  }
0x3c: {  	p2 =	seq.s32 s10, $0x1;
	s10 =	sld [smem:$0x3FAE]  }
0x3d: {  	_ =	shalt  }
0x3e: {  	_ =	shalt  }
0x3f: {  	_ =	shalt  }
0x40: {  	_ =	shalt  }
0x41: {  	_ =	shalt  }
0x42: {  	_ =	shalt  }
0x43: {  	_ =	shalt  }
0x44: {  	_ =	shalt  }
0x45: {  	_ =	shalt  }
0x46: {  	_ =	shalt  }
0x47: {  	_ =	shalt  }
0x48: {  	_ =	shalt  }
0x49: {  	_ =	shalt  }
0x4a: {  	_ =	shalt  }
0x4b: {  	_ =	shalt  }
0x4c: {  	_ =	shalt  }
0x4d: {  	_ =	shalt  }
0x4e: {  	_ =	shalt  }
0x4f: {  	_ =	shalt  }
0x50: {  	_ =	shalt  }
0x51: {  	_ =	shalt  }
0x52: {  	_ =	shalt  }
0x53: {  	_ =	shalt  }
0x54: {  	_ =	shalt  }
0x55: {  	_ =	shalt  }
0x56: {  	_ =	shalt  }
0x57: {  	_ =	shalt  }
0x58: {  	_ =	shalt  }
0x59: {  	_ =	shalt  }
0x5a: {  	_ =	shalt  }
0x5b: {  	_ =	shalt  }
0x5c: {  	_ =	shalt  }
0x5d: {  	_ =	shalt  }
0x5e: {  	_ =	shalt  }
0x5f: {  	_ =	shalt  }
0x60: {  	_ =	shalt  }
0x61: {  	_ =	shalt  }
0x62: {  	_ =	shalt  }
0x63: {  	_ =	shalt  }
0x64: {  	_ =	shalt  }
0x65: {  	_ =	shalt  }
0x66: {  	_ =	shalt  }
0x67: {  	_ =	shalt  }
0x68: {  	_ =	shalt  }
0x69: {  	_ =	shalt  }
0x6a: {  	_ =	shalt  }
0x6b: {  	_ =	shalt  }
0x6c: {  	_ =	shalt  }
0x6d: {  	_ =	shalt  }
0x6e: {  	_ =	shalt  }
0x6f: {  	_ =	shalt  }
0x70: {  	_ =	shalt  }
0x71: {  	_ =	shalt  }
0x72: {  	_ =	shalt  }
0x73: {  	_ =	shalt  }
0x74: {  	_ =	shalt  }
0x75: {  	_ =	shalt  }
0x76: {  	_ =	shalt  }
0x77: {  	_ =	shalt  }
0x78: {  	_ =	shalt  }
0x79: {  	_ =	shalt  }
0x7a: {  	_ =	shalt  }
0x7b: {  	_ =	shalt  }
0x7c: {  	_ =	shalt  }
0x7d: {  	_ =	shalt  }
0x7e: {  	_ =	shalt  }
0x7f: {  	_ =	shalt  }
0x80: {  	_ =	shalt  }
0x81: {  	_ =	shalt  }
0x82: {  	_ =	shalt  }
0x83: {  	_ =	shalt  }
0x84: {  	_ =	shalt  }
0x85: {  	_ =	shalt  }
0x86: {  	_ =	shalt  }
0x87: {  	_ =	shalt  }
.Lfunc_end0:
.L_simem_size_0:
called_computation.2_lowered:
.L_overlay_start_0:
0x88: {  	s2 =	sld [smem:$0x3FD9]  }
0x89: {  	s3 =	sld [smem:$0x3FFE];
	_ =	sdelay $0x1  }
0x8a: {  	s1 =	srdreg.scid  }
0x8b: {  	s0 =	sand.u32 $0x1, s1  }
0x8c: {  	s16 =	sshll.u32 s0, $0xA;
	s2 =	sadd.s32 s3, s2  }
0x8d: {  	s2 =	sadd.s32 s2, s16  }
0x8e: {  	[smem:$0x3FBA] =	sst s2  }
0x8f: {  	_ = 	snop  }
0x90: {  	(tm) =	ssettm $0x1  }
0x91: {  	s17 =	sld [smem:$0x3FFB];
	_ =	sdelay $0x3  }
0x92: {  	_ =	strace s17  }
0x93: {  	s2 =	sld [smem:$0x3FFC];
	_ =	sdelay $0x3  }
0x94: {  	_ =	strace s2  }
0x95: {  	s2 =	sld [smem:$0x3FFD];
	_ =	sdelay $0x3  }
0x96: {  	_ =	strace s2  }
0x97: {  	_ =	strace $0x8FFFFFFF  }
0x98: {  	s18 =	sld [smem:$0x3FDB];
	_ =	sdelay $0x1  }
0x99: {  	s19 =	simm.s32 $_scs_section_size  }
0x9a: {  	s4 =	simm.s32 $_size__tile_overlayer_lowered;
	s5 =	simm.s32 $_tile_overlayer_lowered  }
0x9b: {  	s22 =	simm.s32 $0x1BFF;
	s21 =	sshll.u32 s5, $0x1;
	s2 =	sadd.s32 s19, s18  }
0x9c: {  	s6 =	simm.s32 $0x0;
	s20 =	sshll.u32 s4, $0x1;
	s4 =	sadd.s32 s21, s2  }
0x9d: {  	[timem:s6], [sflag:s22] =	dma.local [hbm:s4], s20  }
0x9e: {  	_ =	swait.ge [sflag:s22], s20  }
0x9f: {  	s3 =	ssub.s32 $0x0, s20;
	[sflag:s22] =	ssyncset.done $0x0  }
0xa0: {  	[sflag:s22] =	ssyncadd.s32 s3;
	_ =	sdelay $0x1  }
0xa1: {  	s23 =	simm.s32 $0x1B8B  }
0xa2: {  	_ =	swait.ge [sflag:s23], $0x1  }
0xa3: {  	[sflag:s23] =	ssyncset.done $0x0  }
0xa4: {  	s25 =	simm.s32 $0x1B8E;
	s24 =	sld [smem:$0x3FFE];
	[sflag:s23] =	ssyncadd.s32 $0xFFFFFFFF  }
0xa5: {  	s26 =	simm.s32 $execute0_lowered;
	[smem:$0x3FD2] =	sst s25  }
0xa6: {  	s4 =	sshll.u32 s26, $0x1;
	_ =	strace $0x8000004C;
	[dreg:$0x1] =	wrdreg $0xFFFFFFFF  }
0xa7: {  	s28 =	simm.s32 $_size_execute0_lowered;
	s2 =	sadd.s32 s2, s4;
	[dreg:$0x0] =	wrdreg $0x0  }
0xa8: {  	s4 =	sshll.u32 s28, $0x1;
	[dreg:$0x2] =	wrdreg s2  }
0xa9: {  	[dreg:$0x3] =	wrdreg s4  }
0xaa: {  	[dreg:$0x4] =	wrdreg $0xC0  }
0xab: {  	_ =	task [dreg:s6], $0x5FFFF  }
0xac: {  	[dreg:$0x1] =	wrdreg $0xFFFFFFFF  }
0xad: {  	[dreg:$0x0] =	wrdreg $0x60  }
0xae: {  	[dreg:$0x2] =	wrdreg s24  }
0xaf: {  	[dreg:$0x3] =	wrdreg $0x90000  }
0xb0: {  	[dreg:$0x4] =	wrdreg $0x9  }
0xb1: {  	_ =	task.clear_ibuf [dreg:s6], $0x5FFFF;
	_ =	strace $0x9000004C  }
0xb2: {  	s29 =	simm.s32 $0x9;
	_ =	strace $0x8000004E  }
0xb3: {  	_ =	swait.ge [sflag:s29], $0x1  }
0xb4: {  	[sflag:s29] =	ssyncadd.s32 $0xFFFFFFFF  }
0xb5: {  	_ =	strace $0x9000004E  }
0xb6: {  	_ =	sfence  }
0xb7: {  	s30 =	sld [smem:$0x0];
	_ =	sdelay $0x2  }
0xb8: {  	s31 =	sshll.u32 s1, $0xD;
	s1 =	sshrl.u32 s1, $0x2  }
0xb9: {  	s3 =	sand.u32 $0x4000, s31;
	s1 =	sadd.s32 s1, s30  }
0xba: {  	s0 =	sor.u32 s3, s0;
	s1 =	sshll.u32 s1, $0x11  }
0xbb: {  	s0 =	sor.u32 s1, s0  }
0xbc: {  	s0 =	sadd.s32 $0x8F2B, s0  }
0xbd: {  	[sflag:s0] =	ssyncadd.remote.s32 $0x1  }
0xbe: {  	_ =	sfence.sel $0xFFFF  }
0xbf: {  	[dreg:$0x0] =	wrdreg $0xFFFFFFFF;
	(pc) =	sbr.abs _section_cstart, $3  }
0xc0: {  	[dreg:$0x1] =	wrdreg $0xFFFFFFFF  }
0xc1: {  	_ =	task.clear_ibuf [dreg:s6], $0x2FFFF;
	_ =	strace $0x9FFFFFFF  }
0xc2: {  	(tm) =	ssettm $0x7FFFFFFF  }
0xc3: {  	_ =	shalt  }
tec
execute0_lowered:
.L_overlay_start_1:
0x0: {  	(tag) =	ssettag $0x1  }
0x1: {  	s0 =	srdreg.scid;
	s1 =	rddreg [dreg:$0x0]  }
0x2: {  	s10 =	stileid.u32;
	s2 =	rddreg [dreg:$0x1];
	s3 =	simm.s32 $0x0  }
0x3: {  	s12 =	simm.s32 $0x880;
	s14 =	simm.s32 $0x100;
	s15 =	simm.s32 $0x900  }
0x4: {  	s16 =	simm.s32 $0x180;
	s17 =	simm.s32 $0x980;
	s18 =	simm.s32 $0x200  }
0x5: {  	s19 =	simm.s32 $0xA00;
	[smem:$0x7FF] =	sst s3;
	s9 =	sadd.s32 $0x3400, s1  }
0x6: {  	s20 =	simm.s32 $0x280;
	_ =	strace $0x8000004D;
	[dreg:$0x13] =	wrdreg s9  }
0x7: {  	s21 =	simm.s32 $0xA80;
	s22 =	simm.s32 $0x300;
	[dreg:$0x5] =	wrdreg s12  }
0x8: {  	s23 =	simm.s32 $0xB00;
	s28 =	simm.s32 $0xE00;
	[dreg:$0x6] =	wrdreg s14  }
0x9: {  	s29 =	simm.s32 $0x680;
	s4 =	smul.u32 $0x5000, s10;
	[dreg:$0x7] =	wrdreg s15  }
0xa: {  	s30 =	simm.s32 $0xE80;
	s6 =	smul.u32 $0xA00, s10;
	[dreg:$0x8] =	wrdreg s16  }
0xb: {  	s31 =	simm.s32 $0x700;
	s7 =	smul.u32 $0x13C00, s10;
	[dreg:$0x9] =	wrdreg s17  }
0xc: {  	s0 =	sand.u32 $0x1, s0;
	s26 =	smul.u32 $0x4F000, s10;
	[dreg:$0xa] =	wrdreg s18  }
0xd: {  	s13 =	sshll.u32 s10, $0x6;
	s5 =	smul.u32 $0x50000, s0;
	[dreg:$0xb] =	wrdreg s19  }
0xe: {  	s10 =	simm.s32 $0x5;
	s24 =	smul.u32 $0x13C000, s0;
	[dreg:$0xc] =	wrdreg s20  }
0xf: {  	s0 =	ssub.s32 $0x2, s0;
	s12 =	simm.s32 $0x80;
	[dreg:$0xd] =	wrdreg s21  }
0x10: {  	s14 =	simm.s32 $0x1;
	[dreg:$0xe] =	wrdreg s22;
	s15 =	simm.s32 $0x5000  }
0x11: {  	[dreg:$0xf] =	wrdreg s23;
	s16 =	simm.s32 $0x2;
	s17 =	simm.s32 $0x3  }
0x12: {  	s18 =	simm.s32 $0x4;
	s19 =	simm.s32 $0xC00;
	s20 =	simm.s32 $0x480  }
0x13: {  	s21 =	simm.s32 $0xC80;
	s22 =	simm.s32 $0x500;
	s23 =	simm.s32 $0xD00  }
0x14: {  	s6 =	sadd.s32 s6, s1;
	s25 =	sshrl.u32 s0, $0x1;
	s9 =	sshrl.u32 s26, $0x2  }
0x15: {  	s26 =	simm.s32 $0x400;
	s4 =	sadd.s32 s4, s5;
	s5 =	sadd.s32 s7, s24  }
0x16: {  	s0 =	ssub.s32 s0, s25;
	s7 =	sadd.s32 $0xDA00, s6;
	s6 =	sadd.s32 s9, s2  }
0x17: {  	s24 =	simm.s32 $0x380;
	s25 =	simm.s32 $0xB80;
	[dreg:$0x12] =	wrdreg s26  }
0x18: {  	s26 =	simm.s32 $0x600;
	s9 =	simm.s32 $0x0;
	s4 =	sshrl.u32 s4, $0x3  }
0x19: {  	s5 =	sshrl.u32 s5, $0x3;
	[dreg:$0x3] =	wrdreg s7;
	s7 =	sor.u32 $0x1C05, s13  }
0x1a: {  	s0 =	smax.u32 s0, $0x1;
	s13 =	simm.s32 $0x1000;
	[dreg:$0x10] =	wrdreg s24  }
0x1b: {  	[dreg:$0x11] =	wrdreg s25;
	s24 =	simm.s32 $0x580;
	s25 =	simm.s32 $0xD80  }
0x1c: {  	s8 =	sadd.s32 s4, s1;
	s4 =	sadd.s32 $0x2BA00, s1;
	[dreg:$0x16] =	wrdreg s0  }
0x1d: {  	s1 =	sadd.s32 s5, s1;
	[dreg:$0x14] =	wrdreg s7;
	s11 =	sadd.s32 $0x17A00, s8  }
0x1e: {  	s0 =	simm.s32 $0x780;
	s1 =	sadd.s32 $0xA0E00, s1;
	[dreg:$0x4] =	wrdreg s11  }
0x1f: {  	s5 =	simm.s32 $0xF80;
	s8 =	sshrl.u32 s6, $0x3;
	[dreg:$0x15] =	wrdreg s1  }
0x20: {  	s11 =	simm.s32 $0x800;
	s1 =	simm.s32 $0xF00;
	[dreg:$0x17] =	wrdreg s8  }
.LBB2_1:
0x21: {  	[dreg:$0x18] =	wrdreg s9  }
0x22: {  	s6 =	rddreg [dreg:$0x13]  }
0x23: {  	[spmem:s8], [sflag:s7] =	dma.local [hbm:s6], $0x2780  }
0x24: {  	_ =	swait.ge [sflag:s10], $0x2780  }
0x25: {  	[sflag:s10] =	ssyncset.done $0x0  }
0x26: {  	[sflag:s10] =	ssyncadd.s32 $0xFFFFD880  }
0x27: {  	[bflag:$0x0] =	sbarrier.arrive $0xFFFF  }
0x28: {  	s9 =	rddreg [dreg:$0x4]  }
0x29: {  	s6 =	sadd.s32 $0x0, s9  }
0x2a: {  	[tilespmem:s3], [sflag:$0x5] =	stream.linear.gather [hbm4b:s6+s3], $0x800, $0x38;
	[tilespmem:$0x1CC00] =	vst v63  }
0x2b: {  	_ =	swait.ge [sflag:s10], $0x800  }
0x2c: {  	s7 =	rddreg [dreg:$0x3];
	[sflag:s10] =	ssyncset.done $0x0  }
0x2d: {  	[sflag:s10] =	ssyncadd.s32 $0xFFFFF800;
	s6 =	sadd.s32 $0x0, s7  }
0x2e: {  	[tilespmem:s11], [sflag:$0x5] =	stream.linear.gather [hbm4b:s6+s3], $0x800, $0x38;
	[tilespmem:$0x1CC00] =	vst v63  }
0x2f: {  	_ =	swait.ge [sflag:s10], $0x800  }
0x30: {  	[sflag:s10] =	ssyncset.done $0x0  }
0x31: {  	[sflag:s10] =	ssyncadd.s32 $0xFFFFF800  }
0x32: {  	[tilespmem:s13], [sflag:$0x1] =	stream.indirect.gather [hbm4b:s4+s12], $0x80, s3, s12, $0xb8;
	[tilespmem:$0x1CC00] =	vst v63  }
0x33: {  	_ =	swait.ge [sflag:s14], $0x4000  }
0x34: {  	[sflag:s14] =	ssyncset.done $0x0  }
0x35: {  	[sflag:s14] =	ssyncadd.s32 $0xFFFFC000  }
0x36: {  	[spmem:s2] =	stream.indirect.scatter.add.f32 [tilespmem:s13], [sflag:$0x3], $0x80, s11, s12, $0xb8;
	[tilespmem:$0x1CC00] =	vst v63  }
0x37: {  	_ = 	snop  }
0x38: {  	[tilespmem:s15], [sflag:$0x2] =	stream.indirect.gather [hbm4b:s4+s12], $0x80, s12, s12, $0xb8;
	[tilespmem:$0x1CC00] =	vst v63  }
0x39: {  	_ =	swait.ge [sflag:s16], $0x4000  }
0x3a: {  	[sflag:s16] =	ssyncset.done $0x0  }
0x3b: {  	s8 =	rddreg [dreg:$0x5];
	[sflag:s16] =	ssyncadd.s32 $0xFFFFC000  }
0x3c: {  	[spmem:s2] =	stream.indirect.scatter.add.f32 [tilespmem:s15], [sflag:$0x4], $0x80, s8, s12, $0xb8;
	[tilespmem:$0x1CC00] =	vst v63  }
0x3d: {  	_ =	swait.ge [sflag:s17], $0x4000  }
0x3e: {  	[sflag:s17] =	ssyncset.done $0x0  }
0x3f: {  	s9 =	rddreg [dreg:$0x6];
	[sflag:s17] =	ssyncadd.s32 $0xFFFFC000  }
0x40: {  	[tilespmem:s13], [sflag:$0x1] =	stream.indirect.gather [hbm4b:s4+s12], $0x80, s9, s12, $0xb8;
	[tilespmem:$0x1CC00] =	vst v63  }
0x41: {  	_ =	swait.ge [sflag:s14], $0x4000  }
0x42: {  	[sflag:s14] =	ssyncset.done $0x0  }
0x43: {  	s7 =	rddreg [dreg:$0x7];
	[sflag:s14] =	ssyncadd.s32 $0xFFFFC000  }
0x44: {  	[spmem:s2] =	stream.indirect.scatter.add.f32 [tilespmem:s13], [sflag:$0x3], $0x80, s7, s12, $0xb8;
	[tilespmem:$0x1CC00] =	vst v63  }
0x45: {  	_ =	swait.ge [sflag:s18], $0x4000  }
0x46: {  	[sflag:s18] =	ssyncset.done $0x0  }
0x47: {  	s8 =	rddreg [dreg:$0x8];
	[sflag:s18] =	ssyncadd.s32 $0xFFFFC000  }
0x48: {  	[tilespmem:s15], [sflag:$0x2] =	stream.indirect.gather [hbm4b:s4+s12], $0x80, s8, s12, $0xb8;
	[tilespmem:$0x1CC00] =	vst v63  }
0x49: {  	_ =	swait.ge [sflag:s16], $0x4000  }
0x4a: {  	[sflag:s16] =	ssyncset.done $0x0  }
0x4b: {  	s9 =	rddreg [dreg:$0x9];
	[sflag:s16] =	ssyncadd.s32 $0xFFFFC000  }
0x4c: {  	[spmem:s2] =	stream.indirect.scatter.add.f32 [tilespmem:s15], [sflag:$0x4], $0x80, s9, s12, $0xb8;
	[tilespmem:$0x1CC00] =	vst v63  }
0x4d: {  	_ =	swait.ge [sflag:s17], $0x4000  }
0x4e: {  	[sflag:s17] =	ssyncset.done $0x0  }
0x4f: {  	s7 =	rddreg [dreg:$0xa];
	[sflag:s17] =	ssyncadd.s32 $0xFFFFC000  }
0x50: {  	[tilespmem:s13], [sflag:$0x1] =	stream.indirect.gather [hbm4b:s4+s12], $0x80, s7, s12, $0xb8;
	[tilespmem:$0x1CC00] =	vst v63  }
0x51: {  	_ =	swait.ge [sflag:s14], $0x4000  }
0x52: {  	[sflag:s14] =	ssyncset.done $0x0  }
0x53: {  	s8 =	rddreg [dreg:$0xb];
	[sflag:s14] =	ssyncadd.s32 $0xFFFFC000  }
0x54: {  	[spmem:s2] =	stream.indirect.scatter.add.f32 [tilespmem:s13], [sflag:$0x3], $0x80, s8, s12, $0xb8;
	[tilespmem:$0x1CC00] =	vst v63  }
0x55: {  	_ =	swait.ge [sflag:s18], $0x4000  }
0x56: {  	[sflag:s18] =	ssyncset.done $0x0  }
0x57: {  	s9 =	rddreg [dreg:$0xc];
	[sflag:s18] =	ssyncadd.s32 $0xFFFFC000  }
0x58: {  	[tilespmem:s15], [sflag:$0x2] =	stream.indirect.gather [hbm4b:s4+s12], $0x80, s9, s12, $0xb8;
	[tilespmem:$0x1CC00] =	vst v63  }
0x59: {  	_ =	swait.ge [sflag:s16], $0x4000  }
0x5a: {  	[sflag:s16] =	ssyncset.done $0x0  }
0x5b: {  	s7 =	rddreg [dreg:$0xd];
	[sflag:s16] =	ssyncadd.s32 $0xFFFFC000  }
0x5c: {  	[spmem:s2] =	stream.indirect.scatter.add.f32 [tilespmem:s15], [sflag:$0x4], $0x80, s7, s12, $0xb8;
	[tilespmem:$0x1CC00] =	vst v63  }
0x5d: {  	_ =	swait.ge [sflag:s17], $0x4000  }
0x5e: {  	[sflag:s17] =	ssyncset.done $0x0  }
0x5f: {  	s8 =	rddreg [dreg:$0xe];
	[sflag:s17] =	ssyncadd.s32 $0xFFFFC000  }
0x60: {  	[tilespmem:s13], [sflag:$0x1] =	stream.indirect.gather [hbm4b:s4+s12], $0x80, s8, s12, $0xb8;
	[tilespmem:$0x1CC00] =	vst v63  }
0x61: {  	_ =	swait.ge [sflag:s14], $0x4000  }
0x62: {  	[sflag:s14] =	ssyncset.done $0x0  }
0x63: {  	s9 =	rddreg [dreg:$0xf];
	[sflag:s14] =	ssyncadd.s32 $0xFFFFC000  }
0x64: {  	[spmem:s2] =	stream.indirect.scatter.add.f32 [tilespmem:s13], [sflag:$0x3], $0x80, s9, s12, $0xb8;
	[tilespmem:$0x1CC00] =	vst v63  }
0x65: {  	_ =	swait.ge [sflag:s18], $0x4000  }
0x66: {  	[sflag:s18] =	ssyncset.done $0x0  }
0x67: {  	s7 =	rddreg [dreg:$0x10];
	[sflag:s18] =	ssyncadd.s32 $0xFFFFC000  }
0x68: {  	[tilespmem:s15], [sflag:$0x2] =	stream.indirect.gather [hbm4b:s4+s12], $0x80, s7, s12, $0xb8;
	[tilespmem:$0x1CC00] =	vst v63  }
0x69: {  	_ =	swait.ge [sflag:s16], $0x4000  }
0x6a: {  	[sflag:s16] =	ssyncset.done $0x0  }
0x6b: {  	s8 =	rddreg [dreg:$0x11];
	[sflag:s16] =	ssyncadd.s32 $0xFFFFC000  }
0x6c: {  	[spmem:s2] =	stream.indirect.scatter.add.f32 [tilespmem:s15], [sflag:$0x4], $0x80, s8, s12, $0xb8;
	[tilespmem:$0x1CC00] =	vst v63  }
0x6d: {  	_ =	swait.ge [sflag:s17], $0x4000  }
0x6e: {  	[sflag:s17] =	ssyncset.done $0x0  }
0x6f: {  	s9 =	rddreg [dreg:$0x12];
	[sflag:s17] =	ssyncadd.s32 $0xFFFFC000  }
0x70: {  	[tilespmem:s13], [sflag:$0x1] =	stream.indirect.gather [hbm4b:s4+s12], $0x80, s9, s12, $0xb8;
	[tilespmem:$0x1CC00] =	vst v63  }
0x71: {  	_ =	swait.ge [sflag:s14], $0x4000  }
0x72: {  	[sflag:s14] =	ssyncset.done $0x0  }
0x73: {  	[sflag:s14] =	ssyncadd.s32 $0xFFFFC000  }
0x74: {  	[spmem:s2] =	stream.indirect.scatter.add.f32 [tilespmem:s13], [sflag:$0x3], $0x80, s19, s12, $0xb8;
	[tilespmem:$0x1CC00] =	vst v63  }
0x75: {  	_ =	swait.ge [sflag:s18], $0x4000  }
0x76: {  	[sflag:s18] =	ssyncset.done $0x0  }
0x77: {  	[sflag:s18] =	ssyncadd.s32 $0xFFFFC000  }
0x78: {  	[tilespmem:s15], [sflag:$0x2] =	stream.indirect.gather [hbm4b:s4+s12], $0x80, s20, s12, $0xb8;
	[tilespmem:$0x1CC00] =	vst v63  }
0x79: {  	_ =	swait.ge [sflag:s16], $0x4000  }
0x7a: {  	[sflag:s16] =	ssyncset.done $0x0  }
0x7b: {  	[sflag:s16] =	ssyncadd.s32 $0xFFFFC000  }
0x7c: {  	[spmem:s2] =	stream.indirect.scatter.add.f32 [tilespmem:s15], [sflag:$0x4], $0x80, s21, s12, $0xb8;
	[tilespmem:$0x1CC00] =	vst v63  }
0x7d: {  	_ =	swait.ge [sflag:s17], $0x4000  }
0x7e: {  	[sflag:s17] =	ssyncset.done $0x0  }
0x7f: {  	[sflag:s17] =	ssyncadd.s32 $0xFFFFC000  }
0x80: {  	[tilespmem:s13], [sflag:$0x1] =	stream.indirect.gather [hbm4b:s4+s12], $0x80, s22, s12, $0xb8;
	[tilespmem:$0x1CC00] =	vst v63  }
0x81: {  	_ =	swait.ge [sflag:s14], $0x4000  }
0x82: {  	[sflag:s14] =	ssyncset.done $0x0  }
0x83: {  	[sflag:s14] =	ssyncadd.s32 $0xFFFFC000  }
0x84: {  	[spmem:s2] =	stream.indirect.scatter.add.f32 [tilespmem:s13], [sflag:$0x3], $0x80, s23, s12, $0xb8;
	[tilespmem:$0x1CC00] =	vst v63  }
0x85: {  	_ =	swait.ge [sflag:s18], $0x4000  }
0x86: {  	[sflag:s18] =	ssyncset.done $0x0  }
0x87: {  	[sflag:s18] =	ssyncadd.s32 $0xFFFFC000  }
0x88: {  	[tilespmem:s15], [sflag:$0x2] =	stream.indirect.gather [hbm4b:s4+s12], $0x80, s24, s12, $0xb8;
	[tilespmem:$0x1CC00] =	vst v63  }
0x89: {  	_ =	swait.ge [sflag:s16], $0x4000  }
0x8a: {  	[sflag:s16] =	ssyncset.done $0x0  }
0x8b: {  	[sflag:s16] =	ssyncadd.s32 $0xFFFFC000  }
0x8c: {  	[spmem:s2] =	stream.indirect.scatter.add.f32 [tilespmem:s15], [sflag:$0x4], $0x80, s25, s12, $0xb8;
	[tilespmem:$0x1CC00] =	vst v63  }
0x8d: {  	_ =	swait.ge [sflag:s17], $0x4000  }
0x8e: {  	[sflag:s17] =	ssyncset.done $0x0  }
0x8f: {  	[sflag:s17] =	ssyncadd.s32 $0xFFFFC000  }
0x90: {  	[tilespmem:s13], [sflag:$0x1] =	stream.indirect.gather [hbm4b:s4+s12], $0x80, s26, s12, $0xb8;
	[tilespmem:$0x1CC00] =	vst v63  }
0x91: {  	_ =	swait.ge [sflag:s14], $0x4000  }
0x92: {  	[sflag:s14] =	ssyncset.done $0x0  }
0x93: {  	[sflag:s14] =	ssyncadd.s32 $0xFFFFC000  }
0x94: {  	[spmem:s2] =	stream.indirect.scatter.add.f32 [tilespmem:s13], [sflag:$0x3], $0x80, s28, s12, $0xb8;
	[tilespmem:$0x1CC00] =	vst v63  }
0x95: {  	_ =	swait.ge [sflag:s18], $0x4000  }
0x96: {  	[sflag:s18] =	ssyncset.done $0x0  }
0x97: {  	[sflag:s18] =	ssyncadd.s32 $0xFFFFC000  }
0x98: {  	[tilespmem:s15], [sflag:$0x2] =	stream.indirect.gather [hbm4b:s4+s12], $0x80, s29, s12, $0xb8;
	[tilespmem:$0x1CC00] =	vst v63  }
0x99: {  	_ =	swait.ge [sflag:s16], $0x4000  }
0x9a: {  	[sflag:s16] =	ssyncset.done $0x0  }
0x9b: {  	[sflag:s16] =	ssyncadd.s32 $0xFFFFC000  }
0x9c: {  	[spmem:s2] =	stream.indirect.scatter.add.f32 [tilespmem:s15], [sflag:$0x4], $0x80, s30, s12, $0xb8;
	[tilespmem:$0x1CC00] =	vst v63  }
0x9d: {  	_ =	swait.ge [sflag:s17], $0x4000  }
0x9e: {  	[sflag:s17] =	ssyncset.done $0x0  }
0x9f: {  	[sflag:s17] =	ssyncadd.s32 $0xFFFFC000  }
0xa0: {  	[tilespmem:s13], [sflag:$0x1] =	stream.indirect.gather [hbm4b:s4+s12], $0x80, s31, s12, $0xb8;
	[tilespmem:$0x1CC00] =	vst v63  }
0xa1: {  	_ =	swait.ge [sflag:s14], $0x4000  }
0xa2: {  	[sflag:s14] =	ssyncset.done $0x0  }
0xa3: {  	[sflag:s14] =	ssyncadd.s32 $0xFFFFC000  }
0xa4: {  	[spmem:s2] =	stream.indirect.scatter.add.f32 [tilespmem:s13], [sflag:$0x3], $0x80, s1, s12, $0xb8;
	[tilespmem:$0x1CC00] =	vst v63  }
0xa5: {  	_ =	swait.ge [sflag:s18], $0x4000  }
0xa6: {  	[sflag:s18] =	ssyncset.done $0x0  }
0xa7: {  	[sflag:s18] =	ssyncadd.s32 $0xFFFFC000  }
0xa8: {  	[tilespmem:s15], [sflag:$0x2] =	stream.indirect.gather [hbm4b:s4+s12], $0x80, s0, s12, $0xb8;
	[tilespmem:$0x1CC00] =	vst v63  }
0xa9: {  	_ =	swait.ge [sflag:s16], $0x4000  }
0xaa: {  	[sflag:s16] =	ssyncset.done $0x0  }
0xab: {  	[sflag:s16] =	ssyncadd.s32 $0xFFFFC000  }
0xac: {  	[spmem:s2] =	stream.indirect.scatter.add.f32 [tilespmem:s15], [sflag:$0x4], $0x80, s5, s12, $0xb8;
	[tilespmem:$0x1CC00] =	vst v63  }
0xad: {  	_ =	swait.ge [sflag:s17], $0x4000  }
0xae: {  	[sflag:s17] =	ssyncset.done $0x0  }
0xaf: {  	[sflag:s17] =	ssyncadd.s32 $0xFFFFC000  }
0xb0: {  	s6 =	simm.s32 $0x200;
	_ =	swait.ge [sflag:s18], $0x4000  }
0xb1: {  	s8 =	simm.s32 $0x100;
	s9 =	rddreg [dreg:$0x4];
	[sflag:s18] =	ssyncset.done $0x0  }
.LBB2_2:
0xb2: {  	[sflag:s18] =	ssyncadd.s32 $0xFFFFC000;
	s9 =	sadd.s32 s8, s9  }
0xb3: {  	[tilespmem:s3], [sflag:$0x5] =	stream.linear.gather [hbm4b:s9+s3], $0x800, $0x38;
	[tilespmem:$0x1CC00] =	vst v63  }
0xb4: {  	_ =	swait.ge [sflag:s10], $0x800  }
0xb5: {  	s9 =	rddreg [dreg:$0x3];
	[sflag:s10] =	ssyncset.done $0x0  }
0xb6: {  	[sflag:s10] =	ssyncadd.s32 $0xFFFFF800;
	s9 =	sadd.s32 s8, s9  }
0xb7: {  	[tilespmem:s11], [sflag:$0x5] =	stream.linear.gather [hbm4b:s9+s3], $0x800, $0x38;
	[tilespmem:$0x1CC00] =	vst v63  }
0xb8: {  	_ =	swait.ge [sflag:s10], $0x800  }
0xb9: {  	[sflag:s10] =	ssyncset.done $0x0  }
0xba: {  	[sflag:s10] =	ssyncadd.s32 $0xFFFFF800  }
0xbb: {  	[tilespmem:s13], [sflag:$0x1] =	stream.indirect.gather [hbm4b:s4+s12], $0x80, s3, s12, $0xb8;
	[tilespmem:$0x1CC00] =	vst v63  }
0xbc: {  	_ =	swait.ge [sflag:s14], $0x4000  }
0xbd: {  	[sflag:s14] =	ssyncset.done $0x0  }
0xbe: {  	[sflag:s14] =	ssyncadd.s32 $0xFFFFC000  }
0xbf: {  	[spmem:s2] =	stream.indirect.scatter.add.f32 [tilespmem:s13], [sflag:$0x3], $0x80, s11, s12, $0xb8;
	[tilespmem:$0x1CC00] =	vst v63  }
0xc0: {  	_ = 	snop  }
0xc1: {  	[tilespmem:s15], [sflag:$0x2] =	stream.indirect.gather [hbm4b:s4+s12], $0x80, s12, s12, $0xb8;
	[tilespmem:$0x1CC00] =	vst v63  }
0xc2: {  	_ =	swait.ge [sflag:s16], $0x4000  }
0xc3: {  	[sflag:s16] =	ssyncset.done $0x0  }
0xc4: {  	s9 =	rddreg [dreg:$0x5];
	[sflag:s16] =	ssyncadd.s32 $0xFFFFC000  }
0xc5: {  	[spmem:s2] =	stream.indirect.scatter.add.f32 [tilespmem:s15], [sflag:$0x4], $0x80, s9, s12, $0xb8;
	[tilespmem:$0x1CC00] =	vst v63  }
0xc6: {  	_ =	swait.ge [sflag:s17], $0x4000  }
0xc7: {  	[sflag:s17] =	ssyncset.done $0x0  }
0xc8: {  	s9 =	rddreg [dreg:$0x6];
	[sflag:s17] =	ssyncadd.s32 $0xFFFFC000  }
0xc9: {  	[tilespmem:s13], [sflag:$0x1] =	stream.indirect.gather [hbm4b:s4+s12], $0x80, s9, s12, $0xb8;
	[tilespmem:$0x1CC00] =	vst v63  }
0xca: {  	_ =	swait.ge [sflag:s14], $0x4000  }
0xcb: {  	[sflag:s14] =	ssyncset.done $0x0  }
0xcc: {  	s9 =	rddreg [dreg:$0x7];
	[sflag:s14] =	ssyncadd.s32 $0xFFFFC000  }
0xcd: {  	[spmem:s2] =	stream.indirect.scatter.add.f32 [tilespmem:s13], [sflag:$0x3], $0x80, s9, s12, $0xb8;
	[tilespmem:$0x1CC00] =	vst v63  }
0xce: {  	_ =	swait.ge [sflag:s18], $0x4000  }
0xcf: {  	[sflag:s18] =	ssyncset.done $0x0  }
0xd0: {  	s9 =	rddreg [dreg:$0x8];
	[sflag:s18] =	ssyncadd.s32 $0xFFFFC000  }
0xd1: {  	[tilespmem:s15], [sflag:$0x2] =	stream.indirect.gather [hbm4b:s4+s12], $0x80, s9, s12, $0xb8;
	[tilespmem:$0x1CC00] =	vst v63  }
0xd2: {  	_ =	swait.ge [sflag:s16], $0x4000  }
0xd3: {  	[sflag:s16] =	ssyncset.done $0x0  }
0xd4: {  	s9 =	rddreg [dreg:$0x9];
	[sflag:s16] =	ssyncadd.s32 $0xFFFFC000  }
0xd5: {  	[spmem:s2] =	stream.indirect.scatter.add.f32 [tilespmem:s15], [sflag:$0x4], $0x80, s9, s12, $0xb8;
	[tilespmem:$0x1CC00] =	vst v63  }
0xd6: {  	_ =	swait.ge [sflag:s17], $0x4000  }
0xd7: {  	[sflag:s17] =	ssyncset.done $0x0  }
0xd8: {  	s9 =	rddreg [dreg:$0xa];
	[sflag:s17] =	ssyncadd.s32 $0xFFFFC000  }
0xd9: {  	[tilespmem:s13], [sflag:$0x1] =	stream.indirect.gather [hbm4b:s4+s12], $0x80, s9, s12, $0xb8;
	[tilespmem:$0x1CC00] =	vst v63  }
0xda: {  	_ =	swait.ge [sflag:s14], $0x4000  }
0xdb: {  	[sflag:s14] =	ssyncset.done $0x0  }
0xdc: {  	s9 =	rddreg [dreg:$0xb];
	[sflag:s14] =	ssyncadd.s32 $0xFFFFC000  }
0xdd: {  	[spmem:s2] =	stream.indirect.scatter.add.f32 [tilespmem:s13], [sflag:$0x3], $0x80, s9, s12, $0xb8;
	[tilespmem:$0x1CC00] =	vst v63  }
0xde: {  	_ =	swait.ge [sflag:s18], $0x4000  }
0xdf: {  	[sflag:s18] =	ssyncset.done $0x0  }
0xe0: {  	s9 =	rddreg [dreg:$0xc];
	[sflag:s18] =	ssyncadd.s32 $0xFFFFC000  }
0xe1: {  	[tilespmem:s15], [sflag:$0x2] =	stream.indirect.gather [hbm4b:s4+s12], $0x80, s9, s12, $0xb8;
	[tilespmem:$0x1CC00] =	vst v63  }
0xe2: {  	_ =	swait.ge [sflag:s16], $0x4000  }
0xe3: {  	[sflag:s16] =	ssyncset.done $0x0  }
0xe4: {  	s9 =	rddreg [dreg:$0xd];
	[sflag:s16] =	ssyncadd.s32 $0xFFFFC000  }
0xe5: {  	[spmem:s2] =	stream.indirect.scatter.add.f32 [tilespmem:s15], [sflag:$0x4], $0x80, s9, s12, $0xb8;
	[tilespmem:$0x1CC00] =	vst v63  }
0xe6: {  	_ =	swait.ge [sflag:s17], $0x4000  }
0xe7: {  	[sflag:s17] =	ssyncset.done $0x0  }
0xe8: {  	s9 =	rddreg [dreg:$0xe];
	[sflag:s17] =	ssyncadd.s32 $0xFFFFC000  }
0xe9: {  	[tilespmem:s13], [sflag:$0x1] =	stream.indirect.gather [hbm4b:s4+s12], $0x80, s9, s12, $0xb8;
	[tilespmem:$0x1CC00] =	vst v63  }
0xea: {  	_ =	swait.ge [sflag:s14], $0x4000  }
0xeb: {  	[sflag:s14] =	ssyncset.done $0x0  }
0xec: {  	s9 =	rddreg [dreg:$0xf];
	[sflag:s14] =	ssyncadd.s32 $0xFFFFC000  }
0xed: {  	[spmem:s2] =	stream.indirect.scatter.add.f32 [tilespmem:s13], [sflag:$0x3], $0x80, s9, s12, $0xb8;
	[tilespmem:$0x1CC00] =	vst v63  }
0xee: {  	_ =	swait.ge [sflag:s18], $0x4000  }
0xef: {  	[sflag:s18] =	ssyncset.done $0x0  }
0xf0: {  	s9 =	rddreg [dreg:$0x10];
	[sflag:s18] =	ssyncadd.s32 $0xFFFFC000  }
0xf1: {  	[tilespmem:s15], [sflag:$0x2] =	stream.indirect.gather [hbm4b:s4+s12], $0x80, s9, s12, $0xb8;
	[tilespmem:$0x1CC00] =	vst v63  }
0xf2: {  	_ =	swait.ge [sflag:s16], $0x4000  }
0xf3: {  	[sflag:s16] =	ssyncset.done $0x0  }
0xf4: {  	s9 =	rddreg [dreg:$0x11];
	[sflag:s16] =	ssyncadd.s32 $0xFFFFC000  }
0xf5: {  	[spmem:s2] =	stream.indirect.scatter.add.f32 [tilespmem:s15], [sflag:$0x4], $0x80, s9, s12, $0xb8;
	[tilespmem:$0x1CC00] =	vst v63  }
0xf6: {  	_ =	swait.ge [sflag:s17], $0x4000  }
0xf7: {  	[sflag:s17] =	ssyncset.done $0x0  }
0xf8: {  	s9 =	rddreg [dreg:$0x12];
	[sflag:s17] =	ssyncadd.s32 $0xFFFFC000  }
0xf9: {  	[tilespmem:s13], [sflag:$0x1] =	stream.indirect.gather [hbm4b:s4+s12], $0x80, s9, s12, $0xb8;
	[tilespmem:$0x1CC00] =	vst v63  }
0xfa: {  	_ =	swait.ge [sflag:s14], $0x4000  }
0xfb: {  	[sflag:s14] =	ssyncset.done $0x0  }
0xfc: {  	[sflag:s14] =	ssyncadd.s32 $0xFFFFC000  }
0xfd: {  	[spmem:s2] =	stream.indirect.scatter.add.f32 [tilespmem:s13], [sflag:$0x3], $0x80, s19, s12, $0xb8;
	[tilespmem:$0x1CC00] =	vst v63  }
0xfe: {  	_ =	swait.ge [sflag:s18], $0x4000  }
0xff: {  	[sflag:s18] =	ssyncset.done $0x0  }
0x100: {  	[sflag:s18] =	ssyncadd.s32 $0xFFFFC000  }
0x101: {  	[tilespmem:s15], [sflag:$0x2] =	stream.indirect.gather [hbm4b:s4+s12], $0x80, s20, s12, $0xb8;
	[tilespmem:$0x1CC00] =	vst v63  }
0x102: {  	_ =	swait.ge [sflag:s16], $0x4000  }
0x103: {  	[sflag:s16] =	ssyncset.done $0x0  }
0x104: {  	[sflag:s16] =	ssyncadd.s32 $0xFFFFC000  }
0x105: {  	[spmem:s2] =	stream.indirect.scatter.add.f32 [tilespmem:s15], [sflag:$0x4], $0x80, s21, s12, $0xb8;
	[tilespmem:$0x1CC00] =	vst v63  }
0x106: {  	_ =	swait.ge [sflag:s17], $0x4000  }
0x107: {  	[sflag:s17] =	ssyncset.done $0x0  }
0x108: {  	[sflag:s17] =	ssyncadd.s32 $0xFFFFC000  }
0x109: {  	[tilespmem:s13], [sflag:$0x1] =	stream.indirect.gather [hbm4b:s4+s12], $0x80, s22, s12, $0xb8;
	[tilespmem:$0x1CC00] =	vst v63  }
0x10a: {  	_ =	swait.ge [sflag:s14], $0x4000  }
0x10b: {  	[sflag:s14] =	ssyncset.done $0x0  }
0x10c: {  	[sflag:s14] =	ssyncadd.s32 $0xFFFFC000  }
0x10d: {  	[spmem:s2] =	stream.indirect.scatter.add.f32 [tilespmem:s13], [sflag:$0x3], $0x80, s23, s12, $0xb8;
	[tilespmem:$0x1CC00] =	vst v63  }
0x10e: {  	_ =	swait.ge [sflag:s18], $0x4000  }
0x10f: {  	[sflag:s18] =	ssyncset.done $0x0  }
0x110: {  	[sflag:s18] =	ssyncadd.s32 $0xFFFFC000  }
0x111: {  	[tilespmem:s15], [sflag:$0x2] =	stream.indirect.gather [hbm4b:s4+s12], $0x80, s24, s12, $0xb8;
	[tilespmem:$0x1CC00] =	vst v63  }
0x112: {  	_ =	swait.ge [sflag:s16], $0x4000  }
0x113: {  	[sflag:s16] =	ssyncset.done $0x0  }
0x114: {  	[sflag:s16] =	ssyncadd.s32 $0xFFFFC000  }
0x115: {  	[spmem:s2] =	stream.indirect.scatter.add.f32 [tilespmem:s15], [sflag:$0x4], $0x80, s25, s12, $0xb8;
	[tilespmem:$0x1CC00] =	vst v63  }
0x116: {  	_ =	swait.ge [sflag:s17], $0x4000  }
0x117: {  	[sflag:s17] =	ssyncset.done $0x0  }
0x118: {  	[sflag:s17] =	ssyncadd.s32 $0xFFFFC000  }
0x119: {  	[tilespmem:s13], [sflag:$0x1] =	stream.indirect.gather [hbm4b:s4+s12], $0x80, s26, s12, $0xb8;
	[tilespmem:$0x1CC00] =	vst v63  }
0x11a: {  	_ =	swait.ge [sflag:s14], $0x4000  }
0x11b: {  	[sflag:s14] =	ssyncset.done $0x0  }
0x11c: {  	[sflag:s14] =	ssyncadd.s32 $0xFFFFC000  }
0x11d: {  	[spmem:s2] =	stream.indirect.scatter.add.f32 [tilespmem:s13], [sflag:$0x3], $0x80, s28, s12, $0xb8;
	[tilespmem:$0x1CC00] =	vst v63  }
0x11e: {  	_ =	swait.ge [sflag:s18], $0x4000  }
0x11f: {  	[sflag:s18] =	ssyncset.done $0x0  }
0x120: {  	[sflag:s18] =	ssyncadd.s32 $0xFFFFC000  }
0x121: {  	[tilespmem:s15], [sflag:$0x2] =	stream.indirect.gather [hbm4b:s4+s12], $0x80, s29, s12, $0xb8;
	[tilespmem:$0x1CC00] =	vst v63  }
0x122: {  	_ =	swait.ge [sflag:s16], $0x4000  }
0x123: {  	[sflag:s16] =	ssyncset.done $0x0  }
0x124: {  	[sflag:s16] =	ssyncadd.s32 $0xFFFFC000  }
0x125: {  	[spmem:s2] =	stream.indirect.scatter.add.f32 [tilespmem:s15], [sflag:$0x4], $0x80, s30, s12, $0xb8;
	[tilespmem:$0x1CC00] =	vst v63  }
0x126: {  	_ =	swait.ge [sflag:s17], $0x4000  }
0x127: {  	[sflag:s17] =	ssyncset.done $0x0  }
0x128: {  	[sflag:s17] =	ssyncadd.s32 $0xFFFFC000  }
0x129: {  	[tilespmem:s13], [sflag:$0x1] =	stream.indirect.gather [hbm4b:s4+s12], $0x80, s31, s12, $0xb8;
	[tilespmem:$0x1CC00] =	vst v63  }
0x12a: {  	_ =	swait.ge [sflag:s14], $0x4000  }
0x12b: {  	[sflag:s14] =	ssyncset.done $0x0  }
0x12c: {  	[sflag:s14] =	ssyncadd.s32 $0xFFFFC000  }
0x12d: {  	[spmem:s2] =	stream.indirect.scatter.add.f32 [tilespmem:s13], [sflag:$0x3], $0x80, s1, s12, $0xb8;
	[tilespmem:$0x1CC00] =	vst v63  }
0x12e: {  	_ =	swait.ge [sflag:s18], $0x4000  }
0x12f: {  	[sflag:s18] =	ssyncset.done $0x0  }
0x130: {  	[sflag:s18] =	ssyncadd.s32 $0xFFFFC000  }
0x131: {  	[tilespmem:s15], [sflag:$0x2] =	stream.indirect.gather [hbm4b:s4+s12], $0x80, s0, s12, $0xb8;
	[tilespmem:$0x1CC00] =	vst v63  }
0x132: {  	_ =	swait.ge [sflag:s16], $0x4000  }
0x133: {  	[sflag:s16] =	ssyncset.done $0x0  }
0x134: {  	p0 =	sne.s32 s6, $0x900;
	[sflag:s16] =	ssyncadd.s32 $0xFFFFC000  }
0x135: {  	[spmem:s2] =	stream.indirect.scatter.add.f32 [tilespmem:s15], [sflag:$0x4], $0x80, s5, s12, $0xb8;
	[tilespmem:$0x1CC00] =	vst v63  }
.Ltmp0:
0x136: {  	_ =	swait.ge [sflag:s17], $0x4000;
	(pc) =	sbr.rel @p0 .LBB2_2-.Ltmp0, $4  }
0x137: {  	[sflag:s17] =	ssyncset.done $0x0  }
0x138: {  	[sflag:s17] =	ssyncadd.s32 $0xFFFFC000  }
0x139: {  	s7 =	smov.u32 s6;
	s6 =	sadd.s32 $0x100, s6;
	_ =	swait.ge [sflag:s18], $0x4000  }
0x13a: {  	s8 =	smov.u32 s7;
	s9 =	rddreg [dreg:$0x4];
	[sflag:s18] =	ssyncset.done $0x0  }
0x13b: {  	[sflag:s18] =	ssyncadd.s32 $0xFFFFC000;
	s6 =	sadd.s32 s8, s9  }
0x13c: {  	[tilespmem:s3], [sflag:$0x5] =	stream.linear.gather [hbm4b:s6+s3], $0x800, $0x38;
	[tilespmem:$0x1CC00] =	vst v63  }
0x13d: {  	_ =	swait.ge [sflag:s10], $0x800  }
0x13e: {  	s9 =	rddreg [dreg:$0x3];
	[sflag:s10] =	ssyncset.done $0x0  }
0x13f: {  	s6 =	sadd.s32 s8, s9;
	[sflag:s10] =	ssyncadd.s32 $0xFFFFF800  }
0x140: {  	[tilespmem:s11], [sflag:$0x5] =	stream.linear.gather [hbm4b:s6+s3], $0x800, $0x38;
	[tilespmem:$0x1CC00] =	vst v63  }
0x141: {  	_ =	swait.ge [sflag:s10], $0x800  }
0x142: {  	[sflag:s10] =	ssyncset.done $0x0  }
0x143: {  	[sflag:s10] =	ssyncadd.s32 $0xFFFFF800  }
0x144: {  	[tilespmem:s13], [sflag:$0x1] =	stream.indirect.gather [hbm4b:s4+s12], $0x80, s3, s12, $0xb8;
	[tilespmem:$0x1CC00] =	vst v63  }
0x145: {  	_ =	swait.ge [sflag:s14], $0x4000  }
0x146: {  	[sflag:s14] =	ssyncset.done $0x0  }
0x147: {  	[sflag:s14] =	ssyncadd.s32 $0xFFFFC000  }
0x148: {  	[spmem:s2] =	stream.indirect.scatter.add.f32 [tilespmem:s13], [sflag:$0x3], $0x80, s11, s12, $0xb8;
	[tilespmem:$0x1CC00] =	vst v63  }
0x149: {  	_ = 	snop  }
0x14a: {  	[tilespmem:s15], [sflag:$0x2] =	stream.indirect.gather [hbm4b:s4+s12], $0x80, s12, s12, $0xb8;
	[tilespmem:$0x1CC00] =	vst v63  }
0x14b: {  	_ =	swait.ge [sflag:s16], $0x4000  }
0x14c: {  	[sflag:s16] =	ssyncset.done $0x0  }
0x14d: {  	s7 =	rddreg [dreg:$0x5];
	[sflag:s16] =	ssyncadd.s32 $0xFFFFC000  }
0x14e: {  	[spmem:s2] =	stream.indirect.scatter.add.f32 [tilespmem:s15], [sflag:$0x4], $0x80, s7, s12, $0xb8;
	[tilespmem:$0x1CC00] =	vst v63  }
0x14f: {  	_ =	swait.ge [sflag:s17], $0x4000  }
0x150: {  	[sflag:s17] =	ssyncset.done $0x0  }
0x151: {  	s8 =	rddreg [dreg:$0x6];
	[sflag:s17] =	ssyncadd.s32 $0xFFFFC000  }
0x152: {  	[tilespmem:s13], [sflag:$0x1] =	stream.indirect.gather [hbm4b:s4+s12], $0x80, s8, s12, $0xb8;
	[tilespmem:$0x1CC00] =	vst v63  }
0x153: {  	_ =	swait.ge [sflag:s14], $0x4000  }
0x154: {  	[sflag:s14] =	ssyncset.done $0x0  }
0x155: {  	s9 =	rddreg [dreg:$0x7];
	[sflag:s14] =	ssyncadd.s32 $0xFFFFC000  }
0x156: {  	[spmem:s2] =	stream.indirect.scatter.add.f32 [tilespmem:s13], [sflag:$0x3], $0x80, s9, s12, $0xb8;
	[tilespmem:$0x1CC00] =	vst v63  }
0x157: {  	_ =	swait.ge [sflag:s18], $0x4000  }
0x158: {  	[sflag:s18] =	ssyncset.done $0x0  }
0x159: {  	s7 =	rddreg [dreg:$0x8];
	[sflag:s18] =	ssyncadd.s32 $0xFFFFC000  }
0x15a: {  	[tilespmem:s15], [sflag:$0x2] =	stream.indirect.gather [hbm4b:s4+s12], $0x80, s7, s12, $0xb8;
	[tilespmem:$0x1CC00] =	vst v63  }
0x15b: {  	_ =	swait.ge [sflag:s16], $0x4000  }
0x15c: {  	[sflag:s16] =	ssyncset.done $0x0  }
0x15d: {  	s8 =	rddreg [dreg:$0x9];
	[sflag:s16] =	ssyncadd.s32 $0xFFFFC000  }
0x15e: {  	[spmem:s2] =	stream.indirect.scatter.add.f32 [tilespmem:s15], [sflag:$0x4], $0x80, s8, s12, $0xb8;
	[tilespmem:$0x1CC00] =	vst v63  }
0x15f: {  	_ =	swait.ge [sflag:s17], $0x4000  }
0x160: {  	[sflag:s17] =	ssyncset.done $0x0  }
0x161: {  	s9 =	rddreg [dreg:$0xa];
	[sflag:s17] =	ssyncadd.s32 $0xFFFFC000  }
0x162: {  	[tilespmem:s13], [sflag:$0x1] =	stream.indirect.gather [hbm4b:s4+s12], $0x80, s9, s12, $0xb8;
	[tilespmem:$0x1CC00] =	vst v63  }
0x163: {  	_ =	swait.ge [sflag:s14], $0x4000  }
0x164: {  	[sflag:s14] =	ssyncset.done $0x0  }
0x165: {  	s7 =	rddreg [dreg:$0xb];
	[sflag:s14] =	ssyncadd.s32 $0xFFFFC000  }
0x166: {  	[spmem:s2] =	stream.indirect.scatter.add.f32 [tilespmem:s13], [sflag:$0x3], $0x80, s7, s12, $0xb8;
	[tilespmem:$0x1CC00] =	vst v63  }
0x167: {  	_ =	swait.ge [sflag:s18], $0x4000  }
0x168: {  	[sflag:s18] =	ssyncset.done $0x0  }
0x169: {  	s8 =	rddreg [dreg:$0xc];
	[sflag:s18] =	ssyncadd.s32 $0xFFFFC000  }
0x16a: {  	[tilespmem:s15], [sflag:$0x2] =	stream.indirect.gather [hbm4b:s4+s12], $0x80, s8, s12, $0xb8;
	[tilespmem:$0x1CC00] =	vst v63  }
0x16b: {  	_ =	swait.ge [sflag:s16], $0x4000  }
0x16c: {  	[sflag:s16] =	ssyncset.done $0x0  }
0x16d: {  	s9 =	rddreg [dreg:$0xd];
	[sflag:s16] =	ssyncadd.s32 $0xFFFFC000  }
0x16e: {  	[spmem:s2] =	stream.indirect.scatter.add.f32 [tilespmem:s15], [sflag:$0x4], $0x80, s9, s12, $0xb8;
	[tilespmem:$0x1CC00] =	vst v63  }
0x16f: {  	_ =	swait.ge [sflag:s17], $0x4000  }
0x170: {  	[sflag:s17] =	ssyncset.done $0x0  }
0x171: {  	s7 =	rddreg [dreg:$0xe];
	[sflag:s17] =	ssyncadd.s32 $0xFFFFC000  }
0x172: {  	[tilespmem:s13], [sflag:$0x1] =	stream.indirect.gather [hbm4b:s4+s12], $0x80, s7, s12, $0xb8;
	[tilespmem:$0x1CC00] =	vst v63  }
0x173: {  	_ =	swait.ge [sflag:s14], $0x4000  }
0x174: {  	[sflag:s14] =	ssyncset.done $0x0  }
0x175: {  	s8 =	rddreg [dreg:$0xf];
	[sflag:s14] =	ssyncadd.s32 $0xFFFFC000  }
0x176: {  	[spmem:s2] =	stream.indirect.scatter.add.f32 [tilespmem:s13], [sflag:$0x3], $0x80, s8, s12, $0xb8;
	[tilespmem:$0x1CC00] =	vst v63  }
0x177: {  	_ =	swait.ge [sflag:s18], $0x4000  }
0x178: {  	[sflag:s18] =	ssyncset.done $0x0  }
0x179: {  	s9 =	rddreg [dreg:$0x10];
	[sflag:s18] =	ssyncadd.s32 $0xFFFFC000  }
0x17a: {  	[tilespmem:s15], [sflag:$0x2] =	stream.indirect.gather [hbm4b:s4+s12], $0x80, s9, s12, $0xb8;
	[tilespmem:$0x1CC00] =	vst v63  }
0x17b: {  	_ =	swait.ge [sflag:s16], $0x4000  }
0x17c: {  	[sflag:s16] =	ssyncset.done $0x0  }
0x17d: {  	s7 =	rddreg [dreg:$0x11];
	[sflag:s16] =	ssyncadd.s32 $0xFFFFC000  }
0x17e: {  	[spmem:s2] =	stream.indirect.scatter.add.f32 [tilespmem:s15], [sflag:$0x4], $0x80, s7, s12, $0xb8;
	[tilespmem:$0x1CC00] =	vst v63  }
0x17f: {  	_ =	swait.ge [sflag:s17], $0x4000  }
0x180: {  	[sflag:s17] =	ssyncset.done $0x0  }
0x181: {  	s8 =	rddreg [dreg:$0x12];
	[sflag:s17] =	ssyncadd.s32 $0xFFFFC000  }
0x182: {  	[tilespmem:s13], [sflag:$0x1] =	stream.indirect.gather [hbm4b:s4+s12], $0x80, s8, s12, $0xb8;
	[tilespmem:$0x1CC00] =	vst v63  }
0x183: {  	_ =	swait.ge [sflag:s14], $0x4000  }
0x184: {  	[sflag:s14] =	ssyncset.done $0x0  }
0x185: {  	[sflag:s14] =	ssyncadd.s32 $0xFFFFC000  }
0x186: {  	[spmem:s2] =	stream.indirect.scatter.add.f32 [tilespmem:s13], [sflag:$0x3], $0x80, s19, s12, $0xb8;
	[tilespmem:$0x1CC00] =	vst v63  }
0x187: {  	_ =	swait.ge [sflag:s18], $0x4000  }
0x188: {  	[sflag:s18] =	ssyncset.done $0x0  }
0x189: {  	[sflag:s18] =	ssyncadd.s32 $0xFFFFC000  }
0x18a: {  	[tilespmem:s15], [sflag:$0x2] =	stream.indirect.gather [hbm4b:s4+s12], $0x80, s20, s12, $0xb8;
	[tilespmem:$0x1CC00] =	vst v63  }
0x18b: {  	_ =	swait.ge [sflag:s16], $0x4000  }
0x18c: {  	[sflag:s16] =	ssyncset.done $0x0  }
0x18d: {  	[sflag:s16] =	ssyncadd.s32 $0xFFFFC000  }
0x18e: {  	[spmem:s2] =	stream.indirect.scatter.add.f32 [tilespmem:s15], [sflag:$0x4], $0x80, s21, s12, $0xb8;
	[tilespmem:$0x1CC00] =	vst v63  }
0x18f: {  	_ =	swait.ge [sflag:s17], $0x4000  }
0x190: {  	[sflag:s17] =	ssyncset.done $0x0  }
0x191: {  	[sflag:s17] =	ssyncadd.s32 $0xFFFFC000  }
0x192: {  	[tilespmem:s13], [sflag:$0x1] =	stream.indirect.gather [hbm4b:s4+s12], $0x80, s22, s12, $0xb8;
	[tilespmem:$0x1CC00] =	vst v63  }
0x193: {  	_ =	swait.ge [sflag:s14], $0x4000  }
0x194: {  	[sflag:s14] =	ssyncset.done $0x0  }
0x195: {  	[sflag:s14] =	ssyncadd.s32 $0xFFFFC000  }
0x196: {  	[spmem:s2] =	stream.indirect.scatter.add.f32 [tilespmem:s13], [sflag:$0x3], $0x80, s23, s12, $0xb8;
	[tilespmem:$0x1CC00] =	vst v63  }
0x197: {  	_ =	swait.ge [sflag:s18], $0x4000  }
0x198: {  	[sflag:s18] =	ssyncset.done $0x0  }
0x199: {  	[sflag:s18] =	ssyncadd.s32 $0xFFFFC000  }
0x19a: {  	[tilespmem:s15], [sflag:$0x2] =	stream.indirect.gather [hbm4b:s4+s12], $0x80, s24, s12, $0xb8;
	[tilespmem:$0x1CC00] =	vst v63  }
0x19b: {  	_ =	swait.ge [sflag:s16], $0x4000  }
0x19c: {  	[sflag:s16] =	ssyncset.done $0x0  }
0x19d: {  	[sflag:s16] =	ssyncadd.s32 $0xFFFFC000  }
0x19e: {  	[spmem:s2] =	stream.indirect.scatter.add.f32 [tilespmem:s15], [sflag:$0x4], $0x80, s25, s12, $0xb8;
	[tilespmem:$0x1CC00] =	vst v63  }
0x19f: {  	_ =	swait.ge [sflag:s17], $0x4000  }
0x1a0: {  	[sflag:s17] =	ssyncset.done $0x0  }
0x1a1: {  	[sflag:s17] =	ssyncadd.s32 $0xFFFFC000  }
0x1a2: {  	[tilespmem:s13], [sflag:$0x1] =	stream.indirect.gather [hbm4b:s4+s12], $0x80, s26, s12, $0xb8;
	[tilespmem:$0x1CC00] =	vst v63  }
0x1a3: {  	_ =	swait.ge [sflag:s14], $0x4000  }
0x1a4: {  	[sflag:s14] =	ssyncset.done $0x0  }
0x1a5: {  	[sflag:s14] =	ssyncadd.s32 $0xFFFFC000  }
0x1a6: {  	[spmem:s2] =	stream.indirect.scatter.add.f32 [tilespmem:s13], [sflag:$0x3], $0x80, s28, s12, $0xb8;
	[tilespmem:$0x1CC00] =	vst v63  }
0x1a7: {  	_ =	swait.ge [sflag:s18], $0x4000  }
0x1a8: {  	[sflag:s18] =	ssyncset.done $0x0  }
0x1a9: {  	[sflag:s18] =	ssyncadd.s32 $0xFFFFC000  }
0x1aa: {  	[tilespmem:s15], [sflag:$0x2] =	stream.indirect.gather [hbm4b:s4+s12], $0x80, s29, s12, $0xb8;
	[tilespmem:$0x1CC00] =	vst v63  }
0x1ab: {  	_ =	swait.ge [sflag:s16], $0x4000  }
0x1ac: {  	[sflag:s16] =	ssyncset.done $0x0  }
0x1ad: {  	[sflag:s16] =	ssyncadd.s32 $0xFFFFC000  }
0x1ae: {  	[spmem:s2] =	stream.indirect.scatter.add.f32 [tilespmem:s15], [sflag:$0x4], $0x80, s30, s12, $0xb8;
	[tilespmem:$0x1CC00] =	vst v63  }
0x1af: {  	_ =	swait.ge [sflag:s17], $0x4000  }
0x1b0: {  	[sflag:s17] =	ssyncset.done $0x0  }
0x1b1: {  	[sflag:s17] =	ssyncadd.s32 $0xFFFFC000  }
0x1b2: {  	[tilespmem:s13], [sflag:$0x1] =	stream.indirect.gather [hbm4b:s4+s12], $0x80, s31, s12, $0xb8;
	[tilespmem:$0x1CC00] =	vst v63  }
0x1b3: {  	_ =	swait.ge [sflag:s14], $0x4000  }
0x1b4: {  	[sflag:s14] =	ssyncset.done $0x0  }
0x1b5: {  	[sflag:s14] =	ssyncadd.s32 $0xFFFFC000  }
0x1b6: {  	[spmem:s2] =	stream.indirect.scatter.add.f32 [tilespmem:s13], [sflag:$0x3], $0x80, s1, s12, $0xb8;
	[tilespmem:$0x1CC00] =	vst v63  }
0x1b7: {  	_ =	swait.ge [sflag:s18], $0x4000  }
0x1b8: {  	[sflag:s18] =	ssyncset.done $0x0  }
0x1b9: {  	[sflag:s18] =	ssyncadd.s32 $0xFFFFC000  }
0x1ba: {  	[tilespmem:s15], [sflag:$0x2] =	stream.indirect.gather [hbm4b:s4+s12], $0x80, s0, s12, $0xb8;
	[tilespmem:$0x1CC00] =	vst v63  }
0x1bb: {  	_ =	swait.ge [sflag:s16], $0x4000  }
0x1bc: {  	[sflag:s16] =	ssyncset.done $0x0  }
0x1bd: {  	[sflag:s16] =	ssyncadd.s32 $0xFFFFC000  }
0x1be: {  	[spmem:s2] =	stream.indirect.scatter.add.f32 [tilespmem:s15], [sflag:$0x4], $0x80, s5, s12, $0xb8;
	[tilespmem:$0x1CC00] =	vst v63  }
0x1bf: {  	_ =	swait.ge [sflag:s17], $0x4000  }
0x1c0: {  	[sflag:s17] =	ssyncset.done $0x0  }
0x1c1: {  	[sflag:s17] =	ssyncadd.s32 $0xFFFFC000  }
0x1c2: {  	_ =	swait.ge [sflag:s18], $0x4000  }
0x1c3: {  	[sflag:s18] =	ssyncset.done $0x0  }
0x1c4: {  	[sflag:s18] =	ssyncadd.s32 $0xFFFFC000  }
0x1c5: {  	[bflag:$0x0] =	sbarrier.arrive $0xFFFF  }
0x1c6: {  	s7 =	rddreg [dreg:$0x14]  }
0x1c7: {  	s9 =	rddreg [dreg:$0x15]  }
0x1c8: {  	s8 =	rddreg [dreg:$0x17]  }
0x1c9: {  	[hbm:s9], [sflag:s7] =	dma.local [spmem:s8], $0x2780  }
0x1ca: {  	_ =	swait.ge [sflag:s10], $0x2780  }
0x1cb: {  	s6 =	rddreg [dreg:$0x18]  }
0x1cc: {  	s9 =	sadd.s32 $0x1, s6;
	s6 =	rddreg [dreg:$0x16]  }
0x1cd: {  	p0 =	sne.s32 s9, s6  }
.Ltmp1:
0x1ce: {  	_ = 	snop;
	(pc) =	sbr.rel @p0 .LBB2_1-.Ltmp1, $3  }
0x1cf: {  	_ =	sdelay $0x1  }
0x1d0: {  	[sflag:s10] =	ssyncset.done $0x0  }
0x1d1: {  	[sflag:s10] =	ssyncadd.s32 $0xFFFFD880  }
0x1d2: {  	_ =	sfence.sel $0x180000  }
0x1d3: {  	[bflag:$0x0] =	sbarrier.arrive $0xFFFF  }
0x1d4: {  	_ =	strace $0x9000004D  }
0x1d5: {  	s0 =	stileid.u32;
	[bflag:$0x2] =	sbarrier.arrive $0xFFFF  }
0x1d6: {  	p0 =	sne.s32 s0, $0x0;
	s0 =	rddreg [dreg:$0x2]  }
0x1d7: {  	s0 =	sadd.s32 @!p0 $0x100000, s0  }
0x1d8: {  	[sflag:s0] =	ssyncadd.tile.s32 @!p0 $0x1;
	_ =	shalt  }
.Lfunc_end2:
_tile_overlayer_lowered:
.L_overlay_start_2:
0x1d9: {  	(tag) =	ssettag $0x2  }
0x1da: {  	s0 =	rddreg [dreg:$0x0];
	s2 =	stileid.u32  }
0x1db: {  	s1 =	rddreg [dreg:$0x1];
	p0 =	sne.s32 s2, $0x0  }
0x1dc: {  	s3 =	rddreg [dreg:$0x2];
	[bflag:$0x3] =	sbarrier.arrive $0xFFFF;
	s2 =	simm.s32 @!p0 $0x1C05  }
0x1dd: {  	[timem:s3], [sflag:s2] =	dma.local @!p0 [hbm:s0], s1  }
0x1de: {  	s0 =	simm.s32 @!p0 $0x5  }
0x1df: {  	_ =	swait.ge @!p0 [sflag:s0], s1  }
0x1e0: {  	s1 =	ssub.s32 @!p0 $0x0, s1;
	[sflag:s0] =	ssyncset.done @!p0 $0x0  }
0x1e1: {  	[sflag:s0] =	ssyncadd.s32 @!p0 s1  }
0x1e2: {  	[bflag:$0x3] =	sbarrier.arrive $0xFFFF  }
0x1e3: {  	_ =	shalt  }

// kernel: kernel.19.cloned.1.call-start
scs
__scs_entry_jumppad:
0x0: {  	(pc) =	sbr.rel $0x88, $3  }
0x1: {  	(tag) =	ssettag $0x0;
	lr =	simm.s32 $0x1  }
0x2: {  	[smem:$0x3F93] =	sst lr;
	_ =	strace $0xD0000000  }
0x3: {  	_ = 	snop  }
0x4: {  	_ = 	snop  }
0x5: {  	_ = 	snop  }
0x6: {  	_ = 	snop  }
0x7: {  	_ = 	snop  }
__scs_overlays_trampoline_lowered:
0x8: {  	[smem:$0x3FA2] =	sst s0  }
0x9: {  	[smem:$0x3FA3] =	sst s1  }
0xa: {  	[smem:$0x3FA4] =	sst s2  }
0xb: {  	[smem:$0x3FA5] =	sst s3  }
0xc: {  	[smem:$0x3FA6] =	sst s4  }
0xd: {  	[smem:$0x3FA7] =	sst s5  }
0xe: {  	[smem:$0x3FA8] =	sst s6  }
0xf: {  	[smem:$0x3FA9] =	sst s7  }
0x10: {  	[smem:$0x3FAA] =	sst s8  }
0x11: {  	[smem:$0x3FAB] =	sst s9;
	s0 =	simm.s32 @!p0 $0x0  }
0x12: {  	s1 =	sld [smem:$0x3F91];
	s0 =	simm.s32 @p0 $0x1  }
0x13: {  	[smem:$0x3FAC] =	sst s0;
	s0 =	simm.s32 @!p1 $0x0  }
0x14: {  	s2 =	sld [smem:$0x3F90];
	s0 =	simm.s32 @p1 $0x1  }
0x15: {  	[smem:$0x3FAD] =	sst s0;
	s0 =	simm.s32 @!p2 $0x0  }
0x16: {  	s3 =	sld [smem:$0x3FDB];
	s0 =	simm.s32 @p2 $0x1  }
0x17: {  	s4 =	simm.s32 $0x1BF5;
	[smem:$0x3FAF] =	sst s0  }
0x18: {  	s0 =	sld [smem:$0x3F92];
	_ =	swait.ge [sflag:s4], $0x0  }
0x19: {  	s7 =	sld [smem:$0x3F93]  }
0x1a: {  	s8 =	sadd.s32 $0xFFFFE003, lr  }
0x1b: {  	s9 =	sadd.s32 $0xFFFFFEF7, lr;
	s5 =	simm.s32 $0xFFFFFFFF;
	p2 =	slt.u32 s8, $0xFFFFF086  }
0x1c: {  	p1 =	slt.u32 s9, $0xF7A;
	s5 =	simm.s32 @!p2 $0x0  }
0x1d: {  	s5 =	simm.s32 @p1 $0x1;
	p0 =	seq.s32 s7, s2  }
0x1e: {  	s7 =	smul.u32 @!p0 $0xF7A, s2;
	p2 =	seq.s32 @!p0 s5, $0x0  }
0x1f: {  	s9 =	smul.u32 $0xF7A, s1;
	s8 =	simm.s32 @!p0 $0x1BF5;
	p2 =	por !p2, p0  }
0x20: {  	[sflag:s8] =	ssyncset.s32 @!p0 $0xFFFFF086;
	s6 =	sadd.s32 @!p0 s3, s7;
	s7 =	simm.s32 @!p0 $0x108  }
0x21: {  	s3 =	sadd.s32 s3, s9;
	s6 =	sadd.s32 @!p0 $0x88, s6;
	s7 =	simm.s32 @p2 $0x1082  }
0x22: {  	[simem:s7], [sflag:s8] =	dma.local @!p0 [hbm:s6], $0xF7A  }
0x23: {  	s9 =	sor.u32 $0xD0000000, s2;
	s6 =	simm.s32 $0x108;
	_ =	swait.ge @!p0 [sflag:s8], $0x0  }
0x24: {  	s3 =	sadd.s32 $0x88, s3;
	s6 =	simm.s32 @!p1 $0x1082;
	[sflag:s4] =	ssyncset.s32 $0xFFFFF086  }
0x25: {  	[simem:s6], [sflag:s4] =	dma.local [hbm:s3], $0xF7A  }
0x26: {  	[smem:$0x3F93] =	sst s1;
	(tag) =	ssettag s2;
	_ =	strace s9  }
0x27: {  	s1 =	sld [smem:$0x3FA3]  }
0x28: {  	s2 =	sld [smem:$0x3FA4]  }
0x29: {  	s4 =	sld [smem:$0x3FA6]  }
0x2a: {  	p0 =	seq.s32 s5, $0x0;
	s5 =	sld [smem:$0x3FA7]  }
0x2b: {  	s6 =	sld [smem:$0x3FA8]  }
0x2c: {  	s7 =	sld [smem:$0x3FA9]  }
0x2d: {  	s3 =	simm.s32 $0x108;
	s8 =	sld [smem:$0x3FAA]  }
0x2e: {  	s3 =	simm.s32 @!p0 $0x1082;
	s9 =	sld [smem:$0x3FAB]  }
0x2f: {  	lr =	sadd.s32 s0, s3;
	s0 =	sld [smem:$0x3FA2]  }
0x30: {  	s3 =	sld [smem:$0x3FA5]  }
0x31: {  	[smem:$0x3FAE] =	sst s10  }
0x32: {  	s10 =	sld [smem:$0x3FAC];
	_ =	sdelay $0x3  }
0x33: {  	p0 =	seq.s32 s10, $0x1;
	s10 =	sld [smem:$0x3FAE];
	_ =	sdelay $0x3  }
0x34: {  	[smem:$0x3FAE] =	sst s10  }
0x35: {  	s10 =	sld [smem:$0x3FAD];
	_ =	sdelay $0x3  }
0x36: {  	p1 =	seq.s32 s10, $0x1;
	s10 =	sld [smem:$0x3FAE];
	_ =	sdelay $0x3  }
0x37: {  	[smem:$0x3FAE] =	sst s10  }
0x38: {  	s10 =	sld [smem:$0x3FAF]  }
0x39: {  	_ = 	snop;
	(pc) =	sbr.ind lr, $3  }
0x3a: {  	_ = 	snop  }
0x3b: {  	_ = 	snop  }
0x3c: {  	p2 =	seq.s32 s10, $0x1;
	s10 =	sld [smem:$0x3FAE]  }
0x3d: {  	_ =	shalt  }
0x3e: {  	_ =	shalt  }
0x3f: {  	_ =	shalt  }
0x40: {  	_ =	shalt  }
0x41: {  	_ =	shalt  }
0x42: {  	_ =	shalt  }
0x43: {  	_ =	shalt  }
0x44: {  	_ =	shalt  }
0x45: {  	_ =	shalt  }
0x46: {  	_ =	shalt  }
0x47: {  	_ =	shalt  }
0x48: {  	_ =	shalt  }
0x49: {  	_ =	shalt  }
0x4a: {  	_ =	shalt  }
0x4b: {  	_ =	shalt  }
0x4c: {  	_ =	shalt  }
0x4d: {  	_ =	shalt  }
0x4e: {  	_ =	shalt  }
0x4f: {  	_ =	shalt  }
0x50: {  	_ =	shalt  }
0x51: {  	_ =	shalt  }
0x52: {  	_ =	shalt  }
0x53: {  	_ =	shalt  }
0x54: {  	_ =	shalt  }
0x55: {  	_ =	shalt  }
0x56: {  	_ =	shalt  }
0x57: {  	_ =	shalt  }
0x58: {  	_ =	shalt  }
0x59: {  	_ =	shalt  }
0x5a: {  	_ =	shalt  }
0x5b: {  	_ =	shalt  }
0x5c: {  	_ =	shalt  }
0x5d: {  	_ =	shalt  }
0x5e: {  	_ =	shalt  }
0x5f: {  	_ =	shalt  }
0x60: {  	_ =	shalt  }
0x61: {  	_ =	shalt  }
0x62: {  	_ =	shalt  }
0x63: {  	_ =	shalt  }
0x64: {  	_ =	shalt  }
0x65: {  	_ =	shalt  }
0x66: {  	_ =	shalt  }
0x67: {  	_ =	shalt  }
0x68: {  	_ =	shalt  }
0x69: {  	_ =	shalt  }
0x6a: {  	_ =	shalt  }
0x6b: {  	_ =	shalt  }
0x6c: {  	_ =	shalt  }
0x6d: {  	_ =	shalt  }
0x6e: {  	_ =	shalt  }
0x6f: {  	_ =	shalt  }
0x70: {  	_ =	shalt  }
0x71: {  	_ =	shalt  }
0x72: {  	_ =	shalt  }
0x73: {  	_ =	shalt  }
0x74: {  	_ =	shalt  }
0x75: {  	_ =	shalt  }
0x76: {  	_ =	shalt  }
0x77: {  	_ =	shalt  }
0x78: {  	_ =	shalt  }
0x79: {  	_ =	shalt  }
0x7a: {  	_ =	shalt  }
0x7b: {  	_ =	shalt  }
0x7c: {  	_ =	shalt  }
0x7d: {  	_ =	shalt  }
0x7e: {  	_ =	shalt  }
0x7f: {  	_ =	shalt  }
0x80: {  	_ =	shalt  }
0x81: {  	_ =	shalt  }
0x82: {  	_ =	shalt  }
0x83: {  	_ =	shalt  }
0x84: {  	_ =	shalt  }
0x85: {  	_ =	shalt  }
0x86: {  	_ =	shalt  }
0x87: {  	_ =	shalt  }
.Lfunc_end0:
.L_simem_size_0:
called_computation.3_lowered:
.L_overlay_start_0:
0x88: {  	s2 =	sld [smem:$0x3FD9]  }
0x89: {  	s3 =	sld [smem:$0x3FFE];
	_ =	sdelay $0x1  }
0x8a: {  	s1 =	srdreg.scid  }
0x8b: {  	s0 =	sand.u32 $0x1, s1  }
0x8c: {  	s17 =	sshll.u32 s0, $0xA;
	s2 =	sadd.s32 s3, s2  }
0x8d: {  	s2 =	sadd.s32 s2, s17  }
0x8e: {  	[smem:$0x3FBA] =	sst s2  }
0x8f: {  	_ = 	snop  }
0x90: {  	s2 =	sld [smem:$0x3FD0];
	(tm) =	ssettm $0x1  }
0x91: {  	s18 =	sld [smem:$0x3FFB];
	_ =	sdelay $0x3  }
0x92: {  	_ =	strace s18  }
0x93: {  	s3 =	sld [smem:$0x3FFC];
	_ =	sdelay $0x3  }
0x94: {  	_ =	strace s3  }
0x95: {  	s3 =	sld [smem:$0x3FFD];
	_ =	sdelay $0x3  }
0x96: {  	_ =	strace s3  }
0x97: {  	_ =	strace $0x8FFFFFFF  }
0x98: {  	s19 =	sld [smem:$0x3FDB];
	_ =	sdelay $0x1  }
0x99: {  	s4 =	simm.s32 $_scs_section_size  }
0x9a: {  	s5 =	simm.s32 $_size__tile_overlayer_lowered;
	s6 =	simm.s32 $_tile_overlayer_lowered  }
0x9b: {  	s22 =	simm.s32 $0x1BFF;
	s21 =	sshll.u32 s6, $0x1;
	s3 =	sadd.s32 s4, s19  }
0x9c: {  	s7 =	simm.s32 $0x0;
	s20 =	sshll.u32 s5, $0x1;
	s5 =	sadd.s32 s21, s3  }
0x9d: {  	[timem:s7], [sflag:s22] =	dma.local [hbm:s5], s20  }
0x9e: {  	_ =	swait.ge [sflag:s22], s20  }
0x9f: {  	s4 =	ssub.s32 $0x0, s20;
	[sflag:s22] =	ssyncset.done $0x0  }
0xa0: {  	[sflag:s22] =	ssyncadd.s32 s4;
	_ =	sdelay $0x1  }
0xa1: {  	s23 =	simm.s32 $0x1B8B  }
0xa2: {  	_ =	swait.ge [sflag:s23], $0x1  }
0xa3: {  	[sflag:s23] =	ssyncset.done $0x0  }
0xa4: {  	s25 =	simm.s32 $0x1B8E;
	s24 =	sld [smem:$0x3FFE];
	[sflag:s23] =	ssyncadd.s32 $0xFFFFFFFF  }
0xa5: {  	s26 =	simm.s32 $execute0_lowered;
	[smem:$0x3FD2] =	sst s25  }
0xa6: {  	s5 =	sshll.u32 s26, $0x1;
	_ =	strace $0x8000004F;
	[dreg:$0x1] =	wrdreg $0xFFFFFFFF  }
0xa7: {  	s28 =	simm.s32 $_size_execute0_lowered;
	s3 =	sadd.s32 s3, s5;
	[dreg:$0x0] =	wrdreg $0x0  }
0xa8: {  	s5 =	sshll.u32 s28, $0x1;
	[dreg:$0x2] =	wrdreg s3  }
0xa9: {  	[dreg:$0x3] =	wrdreg s5  }
0xaa: {  	[dreg:$0x4] =	wrdreg $0xC0  }
0xab: {  	_ =	task [dreg:s7], $0x5FFFF  }
0xac: {  	[dreg:$0x1] =	wrdreg $0xFFFFFFFF  }
0xad: {  	[dreg:$0x0] =	wrdreg $0x60  }
0xae: {  	[dreg:$0x2] =	wrdreg s24  }
0xaf: {  	[dreg:$0x3] =	wrdreg s2  }
0xb0: {  	[dreg:$0x4] =	wrdreg $0x50000  }
0xb1: {  	[dreg:$0x5] =	wrdreg $0x9  }
0xb2: {  	_ =	task.clear_ibuf [dreg:s7], $0x6FFFF;
	_ =	strace $0x9000004F  }
0xb3: {  	s29 =	simm.s32 $0x9;
	_ =	strace $0x80000051  }
0xb4: {  	_ =	swait.ge [sflag:s29], $0x1  }
0xb5: {  	[sflag:s29] =	ssyncadd.s32 $0xFFFFFFFF  }
0xb6: {  	_ =	strace $0x90000051  }
0xb7: {  	_ =	sfence  }
0xb8: {  	s30 =	sld [smem:$0x0];
	_ =	sdelay $0x2  }
0xb9: {  	s31 =	sshll.u32 s1, $0xD;
	s1 =	sshrl.u32 s1, $0x2  }
0xba: {  	s3 =	sand.u32 $0x4000, s31;
	s1 =	sadd.s32 s1, s30  }
0xbb: {  	s0 =	sor.u32 s3, s0;
	s1 =	sshll.u32 s1, $0x11  }
0xbc: {  	s0 =	sor.u32 s1, s0  }
0xbd: {  	s0 =	sadd.s32 $0x8F2B, s0  }
0xbe: {  	[sflag:s0] =	ssyncadd.remote.s32 $0x1  }
0xbf: {  	_ =	sfence.sel $0xFFFF  }
0xc0: {  	[dreg:$0x0] =	wrdreg $0xFFFFFFFF;
	(pc) =	sbr.abs _section_cstart, $3  }
0xc1: {  	[dreg:$0x1] =	wrdreg $0xFFFFFFFF  }
0xc2: {  	_ =	task.clear_ibuf [dreg:s7], $0x2FFFF;
	_ =	strace $0x9FFFFFFF  }
0xc3: {  	(tm) =	ssettm $0x7FFFFFFF  }
tec
execute0_lowered:
.L_overlay_start_1:
0x0: {  	(tag) =	ssettag $0x1  }
0x1: {  	s0 =	rddreg [dreg:$0x0]  }
0x2: {  	s1 =	rddreg [dreg:$0x1]  }
0x3: {  	s2 =	rddreg [dreg:$0x2]  }
0x4: {  	s3 =	srdreg.scid;
	s11 =	stileid.u32  }
0x5: {  	s13 =	simm.s32 $0x100;
	s14 =	simm.s32 $0x900;
	s15 =	simm.s32 $0x180  }
0x6: {  	s17 =	simm.s32 $0x980;
	s18 =	simm.s32 $0x200;
	s19 =	simm.s32 $0xA00  }
0x7: {  	s20 =	simm.s32 $0x280;
	s21 =	simm.s32 $0xA80;
	s22 =	simm.s32 $0x300  }
0x8: {  	s23 =	simm.s32 $0xB00;
	s5 =	sand.u32 $0x1, s3;
	s3 =	simm.s32 $0x0  }
0x9: {  	s28 =	simm.s32 $0xE00;
	s9 =	sadd.s32 $0x3400, s0;
	[smem:$0x7FF] =	sst s3  }
0xa: {  	s29 =	simm.s32 $0x680;
	_ =	strace $0x80000050;
	[dreg:$0x14] =	wrdreg s9  }
0xb: {  	s30 =	simm.s32 $0xE80;
	s31 =	simm.s32 $0x700;
	[dreg:$0x7] =	wrdreg s13  }
0xc: {  	s6 =	sshll.u32 s11, $0xC;
	s7 =	smul.u32 $0x9E00, s11;
	[dreg:$0x8] =	wrdreg s14  }
0xd: {  	s25 =	sshll.u32 s11, $0x9;
	s12 =	sshll.u32 s11, $0x6;
	[dreg:$0x9] =	wrdreg s15  }
0xe: {  	s11 =	simm.s32 $0x800;
	s4 =	smul.u32 $0x50800, s5;
	[dreg:$0xa] =	wrdreg s17  }
0xf: {  	s24 =	smul.u32 $0x9E000, s5;
	s10 =	ssub.s32 $0x2, s5;
	[dreg:$0xb] =	wrdreg s18  }
0x10: {  	s1 =	sadd.s32 s25, s1;
	s5 =	sshll.u32 s5, $0x8;
	[dreg:$0xc] =	wrdreg s19  }
0x11: {  	s25 =	simm.s32 $0xB80;
	s26 =	sshrl.u32 s10, $0x1;
	[dreg:$0xd] =	wrdreg s20  }
0x12: {  	s1 =	sadd.s32 s5, s1;
	s9 =	sadd.s32 s7, s2;
	[dreg:$0xe] =	wrdreg s21  }
0x13: {  	s13 =	simm.s32 $0x1000;
	s14 =	simm.s32 $0x1;
	[dreg:$0xf] =	wrdreg s22  }
0x14: {  	s15 =	simm.s32 $0x3000;
	[dreg:$0x10] =	wrdreg s23;
	s17 =	simm.s32 $0x3  }
0x15: {  	[dreg:$0x12] =	wrdreg s25;
	s18 =	simm.s32 $0x4;
	s19 =	simm.s32 $0xC00  }
0x16: {  	s20 =	simm.s32 $0x480;
	s21 =	simm.s32 $0xC80;
	s22 =	simm.s32 $0x500  }
0x17: {  	s23 =	simm.s32 $0xD00;
	s25 =	simm.s32 $0xD80;
	s5 =	simm.s32 $0xF80  }
0x18: {  	s4 =	sadd.s32 s6, s4;
	s6 =	sadd.s32 s7, s24;
	[dreg:$0x4] =	wrdreg s1  }
0x19: {  	s7 =	sor.u32 $0x1C05, s12;
	s12 =	simm.s32 $0x80;
	s24 =	simm.s32 $0x380  }
0x1a: {  	s4 =	sshrl.u32 s4, $0x3;
	s6 =	sshrl.u32 s6, $0x3;
	[dreg:$0x11] =	wrdreg s24  }
0x1b: {  	[dreg:$0x15] =	wrdreg s7;
	s8 =	sadd.s32 s4, s0;
	s4 =	sadd.s32 $0x2BA00, s0  }
0x1c: {  	s0 =	sadd.s32 s6, s0;
	s6 =	ssub.s32 s10, s26;
	s10 =	simm.s32 $0x880  }
0x1d: {  	s1 =	simm.s32 $0x780;
	s26 =	simm.s32 $0x400;
	[dreg:$0x6] =	wrdreg s10  }
0x1e: {  	s24 =	simm.s32 $0x580;
	s8 =	sadd.s32 $0x17A00, s8;
	[dreg:$0x13] =	wrdreg s26  }
0x1f: {  	s0 =	sadd.s32 $0x52C00, s0;
	s16 =	smax.u32 s6, $0x1;
	[dreg:$0x5] =	wrdreg s8  }
0x20: {  	s10 =	simm.s32 $0x5;
	s26 =	simm.s32 $0x600;
	[dreg:$0x16] =	wrdreg s0  }
0x21: {  	[dreg:$0x17] =	wrdreg s16;
	s8 =	sshrl.u32 s9, $0x3;
	s16 =	simm.s32 $0x2  }
0x22: {  	s0 =	simm.s32 $0xF00;
	s9 =	simm.s32 $0x0;
	[dreg:$0x18] =	wrdreg s8  }
.LBB2_1:
0x23: {  	[dreg:$0x19] =	wrdreg s9  }
0x24: {  	s6 =	rddreg [dreg:$0x14]  }
0x25: {  	[spmem:s8], [sflag:s7] =	dma.local [hbm:s6], $0x13C0  }
0x26: {  	_ =	swait.ge [sflag:s10], $0x13C0  }
0x27: {  	[sflag:s10] =	ssyncset.done $0x0  }
0x28: {  	[sflag:s10] =	ssyncadd.s32 $0xFFFFEC40  }
0x29: {  	[bflag:$0x0] =	sbarrier.arrive $0xFFFF  }
0x2a: {  	s9 =	rddreg [dreg:$0x5]  }
0x2b: {  	s6 =	sadd.s32 $0x0, s9  }
0x2c: {  	[tilespmem:s3], [sflag:$0x5] =	stream.linear.gather [hbm4b:s6+s3], $0x800, $0x38;
	[tilespmem:$0xEE00] =	vst v63  }
0x2d: {  	_ =	swait.ge [sflag:s10], $0x800  }
0x2e: {  	s7 =	rddreg [dreg:$0x4];
	[sflag:s10] =	ssyncset.done $0x0  }
0x2f: {  	[sflag:s10] =	ssyncadd.s32 $0xFFFFF800;
	s6 =	sadd.s32 $0x0, s7  }
0x30: {  	[tilespmem:s11], [sflag:$0x5] =	stream.linear.gather [hbm4b:s6+s3], $0x800, $0x38;
	[tilespmem:$0xEE00] =	vst v63  }
0x31: {  	_ =	swait.ge [sflag:s10], $0x800  }
0x32: {  	[sflag:s10] =	ssyncset.done $0x0  }
0x33: {  	[sflag:s10] =	ssyncadd.s32 $0xFFFFF800  }
0x34: {  	[tilespmem:s13], [sflag:$0x1] =	stream.indirect.gather [hbm4b:s4+s12], $0x40, s3, s12, $0xb8;
	[tilespmem:$0xEE00] =	vst v63  }
0x35: {  	_ =	swait.ge [sflag:s14], $0x2000  }
0x36: {  	[sflag:s14] =	ssyncset.done $0x0  }
0x37: {  	[sflag:s14] =	ssyncadd.s32 $0xFFFFE000  }
0x38: {  	[spmem:s2] =	stream.indirect.scatter.add.f32 [tilespmem:s13], [sflag:$0x3], $0x40, s11, s12, $0xb8;
	[tilespmem:$0xEE00] =	vst v63  }
0x39: {  	_ = 	snop  }
0x3a: {  	[tilespmem:s15], [sflag:$0x2] =	stream.indirect.gather [hbm4b:s4+s12], $0x40, s12, s12, $0xb8;
	[tilespmem:$0xEE00] =	vst v63  }
0x3b: {  	_ =	swait.ge [sflag:s16], $0x2000  }
0x3c: {  	[sflag:s16] =	ssyncset.done $0x0  }
0x3d: {  	s8 =	rddreg [dreg:$0x6];
	[sflag:s16] =	ssyncadd.s32 $0xFFFFE000  }
0x3e: {  	[spmem:s2] =	stream.indirect.scatter.add.f32 [tilespmem:s15], [sflag:$0x4], $0x40, s8, s12, $0xb8;
	[tilespmem:$0xEE00] =	vst v63  }
0x3f: {  	_ =	swait.ge [sflag:s17], $0x2000  }
0x40: {  	[sflag:s17] =	ssyncset.done $0x0  }
0x41: {  	s9 =	rddreg [dreg:$0x7];
	[sflag:s17] =	ssyncadd.s32 $0xFFFFE000  }
0x42: {  	[tilespmem:s13], [sflag:$0x1] =	stream.indirect.gather [hbm4b:s4+s12], $0x40, s9, s12, $0xb8;
	[tilespmem:$0xEE00] =	vst v63  }
0x43: {  	_ =	swait.ge [sflag:s14], $0x2000  }
0x44: {  	[sflag:s14] =	ssyncset.done $0x0  }
0x45: {  	s7 =	rddreg [dreg:$0x8];
	[sflag:s14] =	ssyncadd.s32 $0xFFFFE000  }
0x46: {  	[spmem:s2] =	stream.indirect.scatter.add.f32 [tilespmem:s13], [sflag:$0x3], $0x40, s7, s12, $0xb8;
	[tilespmem:$0xEE00] =	vst v63  }
0x47: {  	_ =	swait.ge [sflag:s18], $0x2000  }
0x48: {  	[sflag:s18] =	ssyncset.done $0x0  }
0x49: {  	s8 =	rddreg [dreg:$0x9];
	[sflag:s18] =	ssyncadd.s32 $0xFFFFE000  }
0x4a: {  	[tilespmem:s15], [sflag:$0x2] =	stream.indirect.gather [hbm4b:s4+s12], $0x40, s8, s12, $0xb8;
	[tilespmem:$0xEE00] =	vst v63  }
0x4b: {  	_ =	swait.ge [sflag:s16], $0x2000  }
0x4c: {  	[sflag:s16] =	ssyncset.done $0x0  }
0x4d: {  	s9 =	rddreg [dreg:$0xa];
	[sflag:s16] =	ssyncadd.s32 $0xFFFFE000  }
0x4e: {  	[spmem:s2] =	stream.indirect.scatter.add.f32 [tilespmem:s15], [sflag:$0x4], $0x40, s9, s12, $0xb8;
	[tilespmem:$0xEE00] =	vst v63  }
0x4f: {  	_ =	swait.ge [sflag:s17], $0x2000  }
0x50: {  	[sflag:s17] =	ssyncset.done $0x0  }
0x51: {  	s7 =	rddreg [dreg:$0xb];
	[sflag:s17] =	ssyncadd.s32 $0xFFFFE000  }
0x52: {  	[tilespmem:s13], [sflag:$0x1] =	stream.indirect.gather [hbm4b:s4+s12], $0x40, s7, s12, $0xb8;
	[tilespmem:$0xEE00] =	vst v63  }
0x53: {  	_ =	swait.ge [sflag:s14], $0x2000  }
0x54: {  	[sflag:s14] =	ssyncset.done $0x0  }
0x55: {  	s8 =	rddreg [dreg:$0xc];
	[sflag:s14] =	ssyncadd.s32 $0xFFFFE000  }
0x56: {  	[spmem:s2] =	stream.indirect.scatter.add.f32 [tilespmem:s13], [sflag:$0x3], $0x40, s8, s12, $0xb8;
	[tilespmem:$0xEE00] =	vst v63  }
0x57: {  	_ =	swait.ge [sflag:s18], $0x2000  }
0x58: {  	[sflag:s18] =	ssyncset.done $0x0  }
0x59: {  	s9 =	rddreg [dreg:$0xd];
	[sflag:s18] =	ssyncadd.s32 $0xFFFFE000  }
0x5a: {  	[tilespmem:s15], [sflag:$0x2] =	stream.indirect.gather [hbm4b:s4+s12], $0x40, s9, s12, $0xb8;
	[tilespmem:$0xEE00] =	vst v63  }
0x5b: {  	_ =	swait.ge [sflag:s16], $0x2000  }
0x5c: {  	[sflag:s16] =	ssyncset.done $0x0  }
0x5d: {  	s7 =	rddreg [dreg:$0xe];
	[sflag:s16] =	ssyncadd.s32 $0xFFFFE000  }
0x5e: {  	[spmem:s2] =	stream.indirect.scatter.add.f32 [tilespmem:s15], [sflag:$0x4], $0x40, s7, s12, $0xb8;
	[tilespmem:$0xEE00] =	vst v63  }
0x5f: {  	_ =	swait.ge [sflag:s17], $0x2000  }
0x60: {  	[sflag:s17] =	ssyncset.done $0x0  }
0x61: {  	s8 =	rddreg [dreg:$0xf];
	[sflag:s17] =	ssyncadd.s32 $0xFFFFE000  }
0x62: {  	[tilespmem:s13], [sflag:$0x1] =	stream.indirect.gather [hbm4b:s4+s12], $0x40, s8, s12, $0xb8;
	[tilespmem:$0xEE00] =	vst v63  }
0x63: {  	_ =	swait.ge [sflag:s14], $0x2000  }
0x64: {  	[sflag:s14] =	ssyncset.done $0x0  }
0x65: {  	s9 =	rddreg [dreg:$0x10];
	[sflag:s14] =	ssyncadd.s32 $0xFFFFE000  }
0x66: {  	[spmem:s2] =	stream.indirect.scatter.add.f32 [tilespmem:s13], [sflag:$0x3], $0x40, s9, s12, $0xb8;
	[tilespmem:$0xEE00] =	vst v63  }
0x67: {  	_ =	swait.ge [sflag:s18], $0x2000  }
0x68: {  	[sflag:s18] =	ssyncset.done $0x0  }
0x69: {  	s7 =	rddreg [dreg:$0x11];
	[sflag:s18] =	ssyncadd.s32 $0xFFFFE000  }
0x6a: {  	[tilespmem:s15], [sflag:$0x2] =	stream.indirect.gather [hbm4b:s4+s12], $0x40, s7, s12, $0xb8;
	[tilespmem:$0xEE00] =	vst v63  }
0x6b: {  	_ =	swait.ge [sflag:s16], $0x2000  }
0x6c: {  	[sflag:s16] =	ssyncset.done $0x0  }
0x6d: {  	s8 =	rddreg [dreg:$0x12];
	[sflag:s16] =	ssyncadd.s32 $0xFFFFE000  }
0x6e: {  	[spmem:s2] =	stream.indirect.scatter.add.f32 [tilespmem:s15], [sflag:$0x4], $0x40, s8, s12, $0xb8;
	[tilespmem:$0xEE00] =	vst v63  }
0x6f: {  	_ =	swait.ge [sflag:s17], $0x2000  }
0x70: {  	[sflag:s17] =	ssyncset.done $0x0  }
0x71: {  	s9 =	rddreg [dreg:$0x13];
	[sflag:s17] =	ssyncadd.s32 $0xFFFFE000  }
0x72: {  	[tilespmem:s13], [sflag:$0x1] =	stream.indirect.gather [hbm4b:s4+s12], $0x40, s9, s12, $0xb8;
	[tilespmem:$0xEE00] =	vst v63  }
0x73: {  	_ =	swait.ge [sflag:s14], $0x2000  }
0x74: {  	[sflag:s14] =	ssyncset.done $0x0  }
0x75: {  	[sflag:s14] =	ssyncadd.s32 $0xFFFFE000  }
0x76: {  	[spmem:s2] =	stream.indirect.scatter.add.f32 [tilespmem:s13], [sflag:$0x3], $0x40, s19, s12, $0xb8;
	[tilespmem:$0xEE00] =	vst v63  }
0x77: {  	_ =	swait.ge [sflag:s18], $0x2000  }
0x78: {  	[sflag:s18] =	ssyncset.done $0x0  }
0x79: {  	[sflag:s18] =	ssyncadd.s32 $0xFFFFE000  }
0x7a: {  	[tilespmem:s15], [sflag:$0x2] =	stream.indirect.gather [hbm4b:s4+s12], $0x40, s20, s12, $0xb8;
	[tilespmem:$0xEE00] =	vst v63  }
0x7b: {  	_ =	swait.ge [sflag:s16], $0x2000  }
0x7c: {  	[sflag:s16] =	ssyncset.done $0x0  }
0x7d: {  	[sflag:s16] =	ssyncadd.s32 $0xFFFFE000  }
0x7e: {  	[spmem:s2] =	stream.indirect.scatter.add.f32 [tilespmem:s15], [sflag:$0x4], $0x40, s21, s12, $0xb8;
	[tilespmem:$0xEE00] =	vst v63  }
0x7f: {  	_ =	swait.ge [sflag:s17], $0x2000  }
0x80: {  	[sflag:s17] =	ssyncset.done $0x0  }
0x81: {  	[sflag:s17] =	ssyncadd.s32 $0xFFFFE000  }
0x82: {  	[tilespmem:s13], [sflag:$0x1] =	stream.indirect.gather [hbm4b:s4+s12], $0x40, s22, s12, $0xb8;
	[tilespmem:$0xEE00] =	vst v63  }
0x83: {  	_ =	swait.ge [sflag:s14], $0x2000  }
0x84: {  	[sflag:s14] =	ssyncset.done $0x0  }
0x85: {  	[sflag:s14] =	ssyncadd.s32 $0xFFFFE000  }
0x86: {  	[spmem:s2] =	stream.indirect.scatter.add.f32 [tilespmem:s13], [sflag:$0x3], $0x40, s23, s12, $0xb8;
	[tilespmem:$0xEE00] =	vst v63  }
0x87: {  	_ =	swait.ge [sflag:s18], $0x2000  }
0x88: {  	[sflag:s18] =	ssyncset.done $0x0  }
0x89: {  	[sflag:s18] =	ssyncadd.s32 $0xFFFFE000  }
0x8a: {  	[tilespmem:s15], [sflag:$0x2] =	stream.indirect.gather [hbm4b:s4+s12], $0x40, s24, s12, $0xb8;
	[tilespmem:$0xEE00] =	vst v63  }
0x8b: {  	_ =	swait.ge [sflag:s16], $0x2000  }
0x8c: {  	[sflag:s16] =	ssyncset.done $0x0  }
0x8d: {  	[sflag:s16] =	ssyncadd.s32 $0xFFFFE000  }
0x8e: {  	[spmem:s2] =	stream.indirect.scatter.add.f32 [tilespmem:s15], [sflag:$0x4], $0x40, s25, s12, $0xb8;
	[tilespmem:$0xEE00] =	vst v63  }
0x8f: {  	_ =	swait.ge [sflag:s17], $0x2000  }
0x90: {  	[sflag:s17] =	ssyncset.done $0x0  }
0x91: {  	[sflag:s17] =	ssyncadd.s32 $0xFFFFE000  }
0x92: {  	[tilespmem:s13], [sflag:$0x1] =	stream.indirect.gather [hbm4b:s4+s12], $0x40, s26, s12, $0xb8;
	[tilespmem:$0xEE00] =	vst v63  }
0x93: {  	_ =	swait.ge [sflag:s14], $0x2000  }
0x94: {  	[sflag:s14] =	ssyncset.done $0x0  }
0x95: {  	[sflag:s14] =	ssyncadd.s32 $0xFFFFE000  }
0x96: {  	[spmem:s2] =	stream.indirect.scatter.add.f32 [tilespmem:s13], [sflag:$0x3], $0x40, s28, s12, $0xb8;
	[tilespmem:$0xEE00] =	vst v63  }
0x97: {  	_ =	swait.ge [sflag:s18], $0x2000  }
0x98: {  	[sflag:s18] =	ssyncset.done $0x0  }
0x99: {  	[sflag:s18] =	ssyncadd.s32 $0xFFFFE000  }
0x9a: {  	[tilespmem:s15], [sflag:$0x2] =	stream.indirect.gather [hbm4b:s4+s12], $0x40, s29, s12, $0xb8;
	[tilespmem:$0xEE00] =	vst v63  }
0x9b: {  	_ =	swait.ge [sflag:s16], $0x2000  }
0x9c: {  	[sflag:s16] =	ssyncset.done $0x0  }
0x9d: {  	[sflag:s16] =	ssyncadd.s32 $0xFFFFE000  }
0x9e: {  	[spmem:s2] =	stream.indirect.scatter.add.f32 [tilespmem:s15], [sflag:$0x4], $0x40, s30, s12, $0xb8;
	[tilespmem:$0xEE00] =	vst v63  }
0x9f: {  	_ =	swait.ge [sflag:s17], $0x2000  }
0xa0: {  	[sflag:s17] =	ssyncset.done $0x0  }
0xa1: {  	[sflag:s17] =	ssyncadd.s32 $0xFFFFE000  }
0xa2: {  	[tilespmem:s13], [sflag:$0x1] =	stream.indirect.gather [hbm4b:s4+s12], $0x40, s31, s12, $0xb8;
	[tilespmem:$0xEE00] =	vst v63  }
0xa3: {  	_ =	swait.ge [sflag:s14], $0x2000  }
0xa4: {  	[sflag:s14] =	ssyncset.done $0x0  }
0xa5: {  	[sflag:s14] =	ssyncadd.s32 $0xFFFFE000  }
0xa6: {  	[spmem:s2] =	stream.indirect.scatter.add.f32 [tilespmem:s13], [sflag:$0x3], $0x40, s0, s12, $0xb8;
	[tilespmem:$0xEE00] =	vst v63  }
0xa7: {  	_ =	swait.ge [sflag:s18], $0x2000  }
0xa8: {  	[sflag:s18] =	ssyncset.done $0x0  }
0xa9: {  	[sflag:s18] =	ssyncadd.s32 $0xFFFFE000  }
0xaa: {  	[tilespmem:s15], [sflag:$0x2] =	stream.indirect.gather [hbm4b:s4+s12], $0x40, s1, s12, $0xb8;
	[tilespmem:$0xEE00] =	vst v63  }
0xab: {  	_ =	swait.ge [sflag:s16], $0x2000  }
0xac: {  	[sflag:s16] =	ssyncset.done $0x0  }
0xad: {  	[sflag:s16] =	ssyncadd.s32 $0xFFFFE000  }
0xae: {  	[spmem:s2] =	stream.indirect.scatter.add.f32 [tilespmem:s15], [sflag:$0x4], $0x40, s5, s12, $0xb8;
	[tilespmem:$0xEE00] =	vst v63  }
0xaf: {  	_ =	swait.ge [sflag:s17], $0x2000  }
0xb0: {  	[sflag:s17] =	ssyncset.done $0x0  }
0xb1: {  	[sflag:s17] =	ssyncadd.s32 $0xFFFFE000  }
0xb2: {  	s6 =	simm.s32 $0x4000;
	_ =	swait.ge [sflag:s18], $0x2000  }
0xb3: {  	s8 =	simm.s32 $0x2000;
	s9 =	rddreg [dreg:$0x5];
	[sflag:s18] =	ssyncset.done $0x0  }
.LBB2_2:
0xb4: {  	[sflag:s18] =	ssyncadd.s32 $0xFFFFE000;
	s9 =	sadd.s32 s8, s9  }
0xb5: {  	[tilespmem:s3], [sflag:$0x5] =	stream.linear.gather [hbm4b:s9+s3], $0x800, $0x38;
	[tilespmem:$0xEE00] =	vst v63  }
0xb6: {  	_ =	swait.ge [sflag:s10], $0x800  }
0xb7: {  	s9 =	rddreg [dreg:$0x4];
	[sflag:s10] =	ssyncset.done $0x0  }
0xb8: {  	[sflag:s10] =	ssyncadd.s32 $0xFFFFF800;
	s9 =	sadd.s32 s8, s9  }
0xb9: {  	[tilespmem:s11], [sflag:$0x5] =	stream.linear.gather [hbm4b:s9+s3], $0x800, $0x38;
	[tilespmem:$0xEE00] =	vst v63  }
0xba: {  	_ =	swait.ge [sflag:s10], $0x800  }
0xbb: {  	[sflag:s10] =	ssyncset.done $0x0  }
0xbc: {  	[sflag:s10] =	ssyncadd.s32 $0xFFFFF800  }
0xbd: {  	[tilespmem:s13], [sflag:$0x1] =	stream.indirect.gather [hbm4b:s4+s12], $0x40, s3, s12, $0xb8;
	[tilespmem:$0xEE00] =	vst v63  }
0xbe: {  	_ =	swait.ge [sflag:s14], $0x2000  }
0xbf: {  	[sflag:s14] =	ssyncset.done $0x0  }
0xc0: {  	[sflag:s14] =	ssyncadd.s32 $0xFFFFE000  }
0xc1: {  	[spmem:s2] =	stream.indirect.scatter.add.f32 [tilespmem:s13], [sflag:$0x3], $0x40, s11, s12, $0xb8;
	[tilespmem:$0xEE00] =	vst v63  }
0xc2: {  	_ = 	snop  }
0xc3: {  	[tilespmem:s15], [sflag:$0x2] =	stream.indirect.gather [hbm4b:s4+s12], $0x40, s12, s12, $0xb8;
	[tilespmem:$0xEE00] =	vst v63  }
0xc4: {  	_ =	swait.ge [sflag:s16], $0x2000  }
0xc5: {  	[sflag:s16] =	ssyncset.done $0x0  }
0xc6: {  	s9 =	rddreg [dreg:$0x6];
	[sflag:s16] =	ssyncadd.s32 $0xFFFFE000  }
0xc7: {  	[spmem:s2] =	stream.indirect.scatter.add.f32 [tilespmem:s15], [sflag:$0x4], $0x40, s9, s12, $0xb8;
	[tilespmem:$0xEE00] =	vst v63  }
0xc8: {  	_ =	swait.ge [sflag:s17], $0x2000  }
0xc9: {  	[sflag:s17] =	ssyncset.done $0x0  }
0xca: {  	s9 =	rddreg [dreg:$0x7];
	[sflag:s17] =	ssyncadd.s32 $0xFFFFE000  }
0xcb: {  	[tilespmem:s13], [sflag:$0x1] =	stream.indirect.gather [hbm4b:s4+s12], $0x40, s9, s12, $0xb8;
	[tilespmem:$0xEE00] =	vst v63  }
0xcc: {  	_ =	swait.ge [sflag:s14], $0x2000  }
0xcd: {  	[sflag:s14] =	ssyncset.done $0x0  }
0xce: {  	s9 =	rddreg [dreg:$0x8];
	[sflag:s14] =	ssyncadd.s32 $0xFFFFE000  }
0xcf: {  	[spmem:s2] =	stream.indirect.scatter.add.f32 [tilespmem:s13], [sflag:$0x3], $0x40, s9, s12, $0xb8;
	[tilespmem:$0xEE00] =	vst v63  }
0xd0: {  	_ =	swait.ge [sflag:s18], $0x2000  }
0xd1: {  	[sflag:s18] =	ssyncset.done $0x0  }
0xd2: {  	s9 =	rddreg [dreg:$0x9];
	[sflag:s18] =	ssyncadd.s32 $0xFFFFE000  }
0xd3: {  	[tilespmem:s15], [sflag:$0x2] =	stream.indirect.gather [hbm4b:s4+s12], $0x40, s9, s12, $0xb8;
	[tilespmem:$0xEE00] =	vst v63  }
0xd4: {  	_ =	swait.ge [sflag:s16], $0x2000  }
0xd5: {  	[sflag:s16] =	ssyncset.done $0x0  }
0xd6: {  	s9 =	rddreg [dreg:$0xa];
	[sflag:s16] =	ssyncadd.s32 $0xFFFFE000  }
0xd7: {  	[spmem:s2] =	stream.indirect.scatter.add.f32 [tilespmem:s15], [sflag:$0x4], $0x40, s9, s12, $0xb8;
	[tilespmem:$0xEE00] =	vst v63  }
0xd8: {  	_ =	swait.ge [sflag:s17], $0x2000  }
0xd9: {  	[sflag:s17] =	ssyncset.done $0x0  }
0xda: {  	s9 =	rddreg [dreg:$0xb];
	[sflag:s17] =	ssyncadd.s32 $0xFFFFE000  }
0xdb: {  	[tilespmem:s13], [sflag:$0x1] =	stream.indirect.gather [hbm4b:s4+s12], $0x40, s9, s12, $0xb8;
	[tilespmem:$0xEE00] =	vst v63  }
0xdc: {  	_ =	swait.ge [sflag:s14], $0x2000  }
0xdd: {  	[sflag:s14] =	ssyncset.done $0x0  }
0xde: {  	s9 =	rddreg [dreg:$0xc];
	[sflag:s14] =	ssyncadd.s32 $0xFFFFE000  }
0xdf: {  	[spmem:s2] =	stream.indirect.scatter.add.f32 [tilespmem:s13], [sflag:$0x3], $0x40, s9, s12, $0xb8;
	[tilespmem:$0xEE00] =	vst v63  }
0xe0: {  	_ =	swait.ge [sflag:s18], $0x2000  }
0xe1: {  	[sflag:s18] =	ssyncset.done $0x0  }
0xe2: {  	s9 =	rddreg [dreg:$0xd];
	[sflag:s18] =	ssyncadd.s32 $0xFFFFE000  }
0xe3: {  	[tilespmem:s15], [sflag:$0x2] =	stream.indirect.gather [hbm4b:s4+s12], $0x40, s9, s12, $0xb8;
	[tilespmem:$0xEE00] =	vst v63  }
0xe4: {  	_ =	swait.ge [sflag:s16], $0x2000  }
0xe5: {  	[sflag:s16] =	ssyncset.done $0x0  }
0xe6: {  	s9 =	rddreg [dreg:$0xe];
	[sflag:s16] =	ssyncadd.s32 $0xFFFFE000  }
0xe7: {  	[spmem:s2] =	stream.indirect.scatter.add.f32 [tilespmem:s15], [sflag:$0x4], $0x40, s9, s12, $0xb8;
	[tilespmem:$0xEE00] =	vst v63  }
0xe8: {  	_ =	swait.ge [sflag:s17], $0x2000  }
0xe9: {  	[sflag:s17] =	ssyncset.done $0x0  }
0xea: {  	s9 =	rddreg [dreg:$0xf];
	[sflag:s17] =	ssyncadd.s32 $0xFFFFE000  }
0xeb: {  	[tilespmem:s13], [sflag:$0x1] =	stream.indirect.gather [hbm4b:s4+s12], $0x40, s9, s12, $0xb8;
	[tilespmem:$0xEE00] =	vst v63  }
0xec: {  	_ =	swait.ge [sflag:s14], $0x2000  }
0xed: {  	[sflag:s14] =	ssyncset.done $0x0  }
0xee: {  	s9 =	rddreg [dreg:$0x10];
	[sflag:s14] =	ssyncadd.s32 $0xFFFFE000  }
0xef: {  	[spmem:s2] =	stream.indirect.scatter.add.f32 [tilespmem:s13], [sflag:$0x3], $0x40, s9, s12, $0xb8;
	[tilespmem:$0xEE00] =	vst v63  }
0xf0: {  	_ =	swait.ge [sflag:s18], $0x2000  }
0xf1: {  	[sflag:s18] =	ssyncset.done $0x0  }
0xf2: {  	s9 =	rddreg [dreg:$0x11];
	[sflag:s18] =	ssyncadd.s32 $0xFFFFE000  }
0xf3: {  	[tilespmem:s15], [sflag:$0x2] =	stream.indirect.gather [hbm4b:s4+s12], $0x40, s9, s12, $0xb8;
	[tilespmem:$0xEE00] =	vst v63  }
0xf4: {  	_ =	swait.ge [sflag:s16], $0x2000  }
0xf5: {  	[sflag:s16] =	ssyncset.done $0x0  }
0xf6: {  	s9 =	rddreg [dreg:$0x12];
	[sflag:s16] =	ssyncadd.s32 $0xFFFFE000  }
0xf7: {  	[spmem:s2] =	stream.indirect.scatter.add.f32 [tilespmem:s15], [sflag:$0x4], $0x40, s9, s12, $0xb8;
	[tilespmem:$0xEE00] =	vst v63  }
0xf8: {  	_ =	swait.ge [sflag:s17], $0x2000  }
0xf9: {  	[sflag:s17] =	ssyncset.done $0x0  }
0xfa: {  	s9 =	rddreg [dreg:$0x13];
	[sflag:s17] =	ssyncadd.s32 $0xFFFFE000  }
0xfb: {  	[tilespmem:s13], [sflag:$0x1] =	stream.indirect.gather [hbm4b:s4+s12], $0x40, s9, s12, $0xb8;
	[tilespmem:$0xEE00] =	vst v63  }
0xfc: {  	_ =	swait.ge [sflag:s14], $0x2000  }
0xfd: {  	[sflag:s14] =	ssyncset.done $0x0  }
0xfe: {  	[sflag:s14] =	ssyncadd.s32 $0xFFFFE000  }
0xff: {  	[spmem:s2] =	stream.indirect.scatter.add.f32 [tilespmem:s13], [sflag:$0x3], $0x40, s19, s12, $0xb8;
	[tilespmem:$0xEE00] =	vst v63  }
0x100: {  	_ =	swait.ge [sflag:s18], $0x2000  }
0x101: {  	[sflag:s18] =	ssyncset.done $0x0  }
0x102: {  	[sflag:s18] =	ssyncadd.s32 $0xFFFFE000  }
0x103: {  	[tilespmem:s15], [sflag:$0x2] =	stream.indirect.gather [hbm4b:s4+s12], $0x40, s20, s12, $0xb8;
	[tilespmem:$0xEE00] =	vst v63  }
0x104: {  	_ =	swait.ge [sflag:s16], $0x2000  }
0x105: {  	[sflag:s16] =	ssyncset.done $0x0  }
0x106: {  	[sflag:s16] =	ssyncadd.s32 $0xFFFFE000  }
0x107: {  	[spmem:s2] =	stream.indirect.scatter.add.f32 [tilespmem:s15], [sflag:$0x4], $0x40, s21, s12, $0xb8;
	[tilespmem:$0xEE00] =	vst v63  }
0x108: {  	_ =	swait.ge [sflag:s17], $0x2000  }
0x109: {  	[sflag:s17] =	ssyncset.done $0x0  }
0x10a: {  	[sflag:s17] =	ssyncadd.s32 $0xFFFFE000  }
0x10b: {  	[tilespmem:s13], [sflag:$0x1] =	stream.indirect.gather [hbm4b:s4+s12], $0x40, s22, s12, $0xb8;
	[tilespmem:$0xEE00] =	vst v63  }
0x10c: {  	_ =	swait.ge [sflag:s14], $0x2000  }
0x10d: {  	[sflag:s14] =	ssyncset.done $0x0  }
0x10e: {  	[sflag:s14] =	ssyncadd.s32 $0xFFFFE000  }
0x10f: {  	[spmem:s2] =	stream.indirect.scatter.add.f32 [tilespmem:s13], [sflag:$0x3], $0x40, s23, s12, $0xb8;
	[tilespmem:$0xEE00] =	vst v63  }
0x110: {  	_ =	swait.ge [sflag:s18], $0x2000  }
0x111: {  	[sflag:s18] =	ssyncset.done $0x0  }
0x112: {  	[sflag:s18] =	ssyncadd.s32 $0xFFFFE000  }
0x113: {  	[tilespmem:s15], [sflag:$0x2] =	stream.indirect.gather [hbm4b:s4+s12], $0x40, s24, s12, $0xb8;
	[tilespmem:$0xEE00] =	vst v63  }
0x114: {  	_ =	swait.ge [sflag:s16], $0x2000  }
0x115: {  	[sflag:s16] =	ssyncset.done $0x0  }
0x116: {  	[sflag:s16] =	ssyncadd.s32 $0xFFFFE000  }
0x117: {  	[spmem:s2] =	stream.indirect.scatter.add.f32 [tilespmem:s15], [sflag:$0x4], $0x40, s25, s12, $0xb8;
	[tilespmem:$0xEE00] =	vst v63  }
0x118: {  	_ =	swait.ge [sflag:s17], $0x2000  }
0x119: {  	[sflag:s17] =	ssyncset.done $0x0  }
0x11a: {  	[sflag:s17] =	ssyncadd.s32 $0xFFFFE000  }
0x11b: {  	[tilespmem:s13], [sflag:$0x1] =	stream.indirect.gather [hbm4b:s4+s12], $0x40, s26, s12, $0xb8;
	[tilespmem:$0xEE00] =	vst v63  }
0x11c: {  	_ =	swait.ge [sflag:s14], $0x2000  }
0x11d: {  	[sflag:s14] =	ssyncset.done $0x0  }
0x11e: {  	[sflag:s14] =	ssyncadd.s32 $0xFFFFE000  }
0x11f: {  	[spmem:s2] =	stream.indirect.scatter.add.f32 [tilespmem:s13], [sflag:$0x3], $0x40, s28, s12, $0xb8;
	[tilespmem:$0xEE00] =	vst v63  }
0x120: {  	_ =	swait.ge [sflag:s18], $0x2000  }
0x121: {  	[sflag:s18] =	ssyncset.done $0x0  }
0x122: {  	[sflag:s18] =	ssyncadd.s32 $0xFFFFE000  }
0x123: {  	[tilespmem:s15], [sflag:$0x2] =	stream.indirect.gather [hbm4b:s4+s12], $0x40, s29, s12, $0xb8;
	[tilespmem:$0xEE00] =	vst v63  }
0x124: {  	_ =	swait.ge [sflag:s16], $0x2000  }
0x125: {  	[sflag:s16] =	ssyncset.done $0x0  }
0x126: {  	[sflag:s16] =	ssyncadd.s32 $0xFFFFE000  }
0x127: {  	[spmem:s2] =	stream.indirect.scatter.add.f32 [tilespmem:s15], [sflag:$0x4], $0x40, s30, s12, $0xb8;
	[tilespmem:$0xEE00] =	vst v63  }
0x128: {  	_ =	swait.ge [sflag:s17], $0x2000  }
0x129: {  	[sflag:s17] =	ssyncset.done $0x0  }
0x12a: {  	[sflag:s17] =	ssyncadd.s32 $0xFFFFE000  }
0x12b: {  	[tilespmem:s13], [sflag:$0x1] =	stream.indirect.gather [hbm4b:s4+s12], $0x40, s31, s12, $0xb8;
	[tilespmem:$0xEE00] =	vst v63  }
0x12c: {  	_ =	swait.ge [sflag:s14], $0x2000  }
0x12d: {  	[sflag:s14] =	ssyncset.done $0x0  }
0x12e: {  	[sflag:s14] =	ssyncadd.s32 $0xFFFFE000  }
0x12f: {  	[spmem:s2] =	stream.indirect.scatter.add.f32 [tilespmem:s13], [sflag:$0x3], $0x40, s0, s12, $0xb8;
	[tilespmem:$0xEE00] =	vst v63  }
0x130: {  	_ =	swait.ge [sflag:s18], $0x2000  }
0x131: {  	[sflag:s18] =	ssyncset.done $0x0  }
0x132: {  	[sflag:s18] =	ssyncadd.s32 $0xFFFFE000  }
0x133: {  	[tilespmem:s15], [sflag:$0x2] =	stream.indirect.gather [hbm4b:s4+s12], $0x40, s1, s12, $0xb8;
	[tilespmem:$0xEE00] =	vst v63  }
0x134: {  	_ =	swait.ge [sflag:s16], $0x2000  }
0x135: {  	[sflag:s16] =	ssyncset.done $0x0  }
0x136: {  	p0 =	sne.s32 s6, $0x8000;
	[sflag:s16] =	ssyncadd.s32 $0xFFFFE000  }
0x137: {  	[spmem:s2] =	stream.indirect.scatter.add.f32 [tilespmem:s15], [sflag:$0x4], $0x40, s5, s12, $0xb8;
	[tilespmem:$0xEE00] =	vst v63  }
.Ltmp0:
0x138: {  	_ =	swait.ge [sflag:s17], $0x2000;
	(pc) =	sbr.rel @p0 .LBB2_2-.Ltmp0, $4  }
0x139: {  	[sflag:s17] =	ssyncset.done $0x0  }
0x13a: {  	[sflag:s17] =	ssyncadd.s32 $0xFFFFE000  }
0x13b: {  	s7 =	smov.u32 s6;
	s6 =	sadd.s32 $0x2000, s6;
	_ =	swait.ge [sflag:s18], $0x2000  }
0x13c: {  	s8 =	smov.u32 s7;
	s9 =	rddreg [dreg:$0x5];
	[sflag:s18] =	ssyncset.done $0x0  }
0x13d: {  	[sflag:s18] =	ssyncadd.s32 $0xFFFFE000;
	s6 =	sadd.s32 s8, s9  }
0x13e: {  	[tilespmem:s3], [sflag:$0x5] =	stream.linear.gather [hbm4b:s6+s3], $0x800, $0x38;
	[tilespmem:$0xEE00] =	vst v63  }
0x13f: {  	_ =	swait.ge [sflag:s10], $0x800  }
0x140: {  	s9 =	rddreg [dreg:$0x4];
	[sflag:s10] =	ssyncset.done $0x0  }
0x141: {  	s6 =	sadd.s32 s8, s9;
	[sflag:s10] =	ssyncadd.s32 $0xFFFFF800  }
0x142: {  	[tilespmem:s11], [sflag:$0x5] =	stream.linear.gather [hbm4b:s6+s3], $0x800, $0x38;
	[tilespmem:$0xEE00] =	vst v63  }
0x143: {  	_ =	swait.ge [sflag:s10], $0x800  }
0x144: {  	[sflag:s10] =	ssyncset.done $0x0  }
0x145: {  	[sflag:s10] =	ssyncadd.s32 $0xFFFFF800  }
0x146: {  	[tilespmem:s13], [sflag:$0x1] =	stream.indirect.gather [hbm4b:s4+s12], $0x40, s3, s12, $0xb8;
	[tilespmem:$0xEE00] =	vst v63  }
0x147: {  	_ =	swait.ge [sflag:s14], $0x2000  }
0x148: {  	[sflag:s14] =	ssyncset.done $0x0  }
0x149: {  	[sflag:s14] =	ssyncadd.s32 $0xFFFFE000  }
0x14a: {  	[spmem:s2] =	stream.indirect.scatter.add.f32 [tilespmem:s13], [sflag:$0x3], $0x40, s11, s12, $0xb8;
	[tilespmem:$0xEE00] =	vst v63  }
0x14b: {  	_ = 	snop  }
0x14c: {  	[tilespmem:s15], [sflag:$0x2] =	stream.indirect.gather [hbm4b:s4+s12], $0x40, s12, s12, $0xb8;
	[tilespmem:$0xEE00] =	vst v63  }
0x14d: {  	_ =	swait.ge [sflag:s16], $0x2000  }
0x14e: {  	[sflag:s16] =	ssyncset.done $0x0  }
0x14f: {  	s7 =	rddreg [dreg:$0x6];
	[sflag:s16] =	ssyncadd.s32 $0xFFFFE000  }
0x150: {  	[spmem:s2] =	stream.indirect.scatter.add.f32 [tilespmem:s15], [sflag:$0x4], $0x40, s7, s12, $0xb8;
	[tilespmem:$0xEE00] =	vst v63  }
0x151: {  	_ =	swait.ge [sflag:s17], $0x2000  }
0x152: {  	[sflag:s17] =	ssyncset.done $0x0  }
0x153: {  	s8 =	rddreg [dreg:$0x7];
	[sflag:s17] =	ssyncadd.s32 $0xFFFFE000  }
0x154: {  	[tilespmem:s13], [sflag:$0x1] =	stream.indirect.gather [hbm4b:s4+s12], $0x40, s8, s12, $0xb8;
	[tilespmem:$0xEE00] =	vst v63  }
0x155: {  	_ =	swait.ge [sflag:s14], $0x2000  }
0x156: {  	[sflag:s14] =	ssyncset.done $0x0  }
0x157: {  	s9 =	rddreg [dreg:$0x8];
	[sflag:s14] =	ssyncadd.s32 $0xFFFFE000  }
0x158: {  	[spmem:s2] =	stream.indirect.scatter.add.f32 [tilespmem:s13], [sflag:$0x3], $0x40, s9, s12, $0xb8;
	[tilespmem:$0xEE00] =	vst v63  }
0x159: {  	_ =	swait.ge [sflag:s18], $0x2000  }
0x15a: {  	[sflag:s18] =	ssyncset.done $0x0  }
0x15b: {  	s7 =	rddreg [dreg:$0x9];
	[sflag:s18] =	ssyncadd.s32 $0xFFFFE000  }
0x15c: {  	[tilespmem:s15], [sflag:$0x2] =	stream.indirect.gather [hbm4b:s4+s12], $0x40, s7, s12, $0xb8;
	[tilespmem:$0xEE00] =	vst v63  }
0x15d: {  	_ =	swait.ge [sflag:s16], $0x2000  }
0x15e: {  	[sflag:s16] =	ssyncset.done $0x0  }
0x15f: {  	s8 =	rddreg [dreg:$0xa];
	[sflag:s16] =	ssyncadd.s32 $0xFFFFE000  }
0x160: {  	[spmem:s2] =	stream.indirect.scatter.add.f32 [tilespmem:s15], [sflag:$0x4], $0x40, s8, s12, $0xb8;
	[tilespmem:$0xEE00] =	vst v63  }
0x161: {  	_ =	swait.ge [sflag:s17], $0x2000  }
0x162: {  	[sflag:s17] =	ssyncset.done $0x0  }
0x163: {  	s9 =	rddreg [dreg:$0xb];
	[sflag:s17] =	ssyncadd.s32 $0xFFFFE000  }
0x164: {  	[tilespmem:s13], [sflag:$0x1] =	stream.indirect.gather [hbm4b:s4+s12], $0x40, s9, s12, $0xb8;
	[tilespmem:$0xEE00] =	vst v63  }
0x165: {  	_ =	swait.ge [sflag:s14], $0x2000  }
0x166: {  	[sflag:s14] =	ssyncset.done $0x0  }
0x167: {  	s7 =	rddreg [dreg:$0xc];
	[sflag:s14] =	ssyncadd.s32 $0xFFFFE000  }
0x168: {  	[spmem:s2] =	stream.indirect.scatter.add.f32 [tilespmem:s13], [sflag:$0x3], $0x40, s7, s12, $0xb8;
	[tilespmem:$0xEE00] =	vst v63  }
0x169: {  	_ =	swait.ge [sflag:s18], $0x2000  }
0x16a: {  	[sflag:s18] =	ssyncset.done $0x0  }
0x16b: {  	s8 =	rddreg [dreg:$0xd];
	[sflag:s18] =	ssyncadd.s32 $0xFFFFE000  }
0x16c: {  	[tilespmem:s15], [sflag:$0x2] =	stream.indirect.gather [hbm4b:s4+s12], $0x40, s8, s12, $0xb8;
	[tilespmem:$0xEE00] =	vst v63  }
0x16d: {  	_ =	swait.ge [sflag:s16], $0x2000  }
0x16e: {  	[sflag:s16] =	ssyncset.done $0x0  }
0x16f: {  	s9 =	rddreg [dreg:$0xe];
	[sflag:s16] =	ssyncadd.s32 $0xFFFFE000  }
0x170: {  	[spmem:s2] =	stream.indirect.scatter.add.f32 [tilespmem:s15], [sflag:$0x4], $0x40, s9, s12, $0xb8;
	[tilespmem:$0xEE00] =	vst v63  }
0x171: {  	_ =	swait.ge [sflag:s17], $0x2000  }
0x172: {  	[sflag:s17] =	ssyncset.done $0x0  }
0x173: {  	s7 =	rddreg [dreg:$0xf];
	[sflag:s17] =	ssyncadd.s32 $0xFFFFE000  }
0x174: {  	[tilespmem:s13], [sflag:$0x1] =	stream.indirect.gather [hbm4b:s4+s12], $0x40, s7, s12, $0xb8;
	[tilespmem:$0xEE00] =	vst v63  }
0x175: {  	_ =	swait.ge [sflag:s14], $0x2000  }
0x176: {  	[sflag:s14] =	ssyncset.done $0x0  }
0x177: {  	s8 =	rddreg [dreg:$0x10];
	[sflag:s14] =	ssyncadd.s32 $0xFFFFE000  }
0x178: {  	[spmem:s2] =	stream.indirect.scatter.add.f32 [tilespmem:s13], [sflag:$0x3], $0x40, s8, s12, $0xb8;
	[tilespmem:$0xEE00] =	vst v63  }
0x179: {  	_ =	swait.ge [sflag:s18], $0x2000  }
0x17a: {  	[sflag:s18] =	ssyncset.done $0x0  }
0x17b: {  	s9 =	rddreg [dreg:$0x11];
	[sflag:s18] =	ssyncadd.s32 $0xFFFFE000  }
0x17c: {  	[tilespmem:s15], [sflag:$0x2] =	stream.indirect.gather [hbm4b:s4+s12], $0x40, s9, s12, $0xb8;
	[tilespmem:$0xEE00] =	vst v63  }
0x17d: {  	_ =	swait.ge [sflag:s16], $0x2000  }
0x17e: {  	[sflag:s16] =	ssyncset.done $0x0  }
0x17f: {  	s7 =	rddreg [dreg:$0x12];
	[sflag:s16] =	ssyncadd.s32 $0xFFFFE000  }
0x180: {  	[spmem:s2] =	stream.indirect.scatter.add.f32 [tilespmem:s15], [sflag:$0x4], $0x40, s7, s12, $0xb8;
	[tilespmem:$0xEE00] =	vst v63  }
0x181: {  	_ =	swait.ge [sflag:s17], $0x2000  }
0x182: {  	[sflag:s17] =	ssyncset.done $0x0  }
0x183: {  	s8 =	rddreg [dreg:$0x13];
	[sflag:s17] =	ssyncadd.s32 $0xFFFFE000  }
0x184: {  	[tilespmem:s13], [sflag:$0x1] =	stream.indirect.gather [hbm4b:s4+s12], $0x40, s8, s12, $0xb8;
	[tilespmem:$0xEE00] =	vst v63  }
0x185: {  	_ =	swait.ge [sflag:s14], $0x2000  }
0x186: {  	[sflag:s14] =	ssyncset.done $0x0  }
0x187: {  	[sflag:s14] =	ssyncadd.s32 $0xFFFFE000  }
0x188: {  	[spmem:s2] =	stream.indirect.scatter.add.f32 [tilespmem:s13], [sflag:$0x3], $0x40, s19, s12, $0xb8;
	[tilespmem:$0xEE00] =	vst v63  }
0x189: {  	_ =	swait.ge [sflag:s18], $0x2000  }
0x18a: {  	[sflag:s18] =	ssyncset.done $0x0  }
0x18b: {  	[sflag:s18] =	ssyncadd.s32 $0xFFFFE000  }
0x18c: {  	[tilespmem:s15], [sflag:$0x2] =	stream.indirect.gather [hbm4b:s4+s12], $0x40, s20, s12, $0xb8;
	[tilespmem:$0xEE00] =	vst v63  }
0x18d: {  	_ =	swait.ge [sflag:s16], $0x2000  }
0x18e: {  	[sflag:s16] =	ssyncset.done $0x0  }
0x18f: {  	[sflag:s16] =	ssyncadd.s32 $0xFFFFE000  }
0x190: {  	[spmem:s2] =	stream.indirect.scatter.add.f32 [tilespmem:s15], [sflag:$0x4], $0x40, s21, s12, $0xb8;
	[tilespmem:$0xEE00] =	vst v63  }
0x191: {  	_ =	swait.ge [sflag:s17], $0x2000  }
0x192: {  	[sflag:s17] =	ssyncset.done $0x0  }
0x193: {  	[sflag:s17] =	ssyncadd.s32 $0xFFFFE000  }
0x194: {  	[tilespmem:s13], [sflag:$0x1] =	stream.indirect.gather [hbm4b:s4+s12], $0x40, s22, s12, $0xb8;
	[tilespmem:$0xEE00] =	vst v63  }
0x195: {  	_ =	swait.ge [sflag:s14], $0x2000  }
0x196: {  	[sflag:s14] =	ssyncset.done $0x0  }
0x197: {  	[sflag:s14] =	ssyncadd.s32 $0xFFFFE000  }
0x198: {  	[spmem:s2] =	stream.indirect.scatter.add.f32 [tilespmem:s13], [sflag:$0x3], $0x40, s23, s12, $0xb8;
	[tilespmem:$0xEE00] =	vst v63  }
0x199: {  	_ =	swait.ge [sflag:s18], $0x2000  }
0x19a: {  	[sflag:s18] =	ssyncset.done $0x0  }
0x19b: {  	[sflag:s18] =	ssyncadd.s32 $0xFFFFE000  }
0x19c: {  	[tilespmem:s15], [sflag:$0x2] =	stream.indirect.gather [hbm4b:s4+s12], $0x40, s24, s12, $0xb8;
	[tilespmem:$0xEE00] =	vst v63  }
0x19d: {  	_ =	swait.ge [sflag:s16], $0x2000  }
0x19e: {  	[sflag:s16] =	ssyncset.done $0x0  }
0x19f: {  	[sflag:s16] =	ssyncadd.s32 $0xFFFFE000  }
0x1a0: {  	[spmem:s2] =	stream.indirect.scatter.add.f32 [tilespmem:s15], [sflag:$0x4], $0x40, s25, s12, $0xb8;
	[tilespmem:$0xEE00] =	vst v63  }
0x1a1: {  	_ =	swait.ge [sflag:s17], $0x2000  }
0x1a2: {  	[sflag:s17] =	ssyncset.done $0x0  }
0x1a3: {  	[sflag:s17] =	ssyncadd.s32 $0xFFFFE000  }
0x1a4: {  	[tilespmem:s13], [sflag:$0x1] =	stream.indirect.gather [hbm4b:s4+s12], $0x40, s26, s12, $0xb8;
	[tilespmem:$0xEE00] =	vst v63  }
0x1a5: {  	_ =	swait.ge [sflag:s14], $0x2000  }
0x1a6: {  	[sflag:s14] =	ssyncset.done $0x0  }
0x1a7: {  	[sflag:s14] =	ssyncadd.s32 $0xFFFFE000  }
0x1a8: {  	[spmem:s2] =	stream.indirect.scatter.add.f32 [tilespmem:s13], [sflag:$0x3], $0x40, s28, s12, $0xb8;
	[tilespmem:$0xEE00] =	vst v63  }
0x1a9: {  	_ =	swait.ge [sflag:s18], $0x2000  }
0x1aa: {  	[sflag:s18] =	ssyncset.done $0x0  }
0x1ab: {  	[sflag:s18] =	ssyncadd.s32 $0xFFFFE000  }
0x1ac: {  	[tilespmem:s15], [sflag:$0x2] =	stream.indirect.gather [hbm4b:s4+s12], $0x40, s29, s12, $0xb8;
	[tilespmem:$0xEE00] =	vst v63  }
0x1ad: {  	_ =	swait.ge [sflag:s16], $0x2000  }
0x1ae: {  	[sflag:s16] =	ssyncset.done $0x0  }
0x1af: {  	[sflag:s16] =	ssyncadd.s32 $0xFFFFE000  }
0x1b0: {  	[spmem:s2] =	stream.indirect.scatter.add.f32 [tilespmem:s15], [sflag:$0x4], $0x40, s30, s12, $0xb8;
	[tilespmem:$0xEE00] =	vst v63  }
0x1b1: {  	_ =	swait.ge [sflag:s17], $0x2000  }
0x1b2: {  	[sflag:s17] =	ssyncset.done $0x0  }
0x1b3: {  	[sflag:s17] =	ssyncadd.s32 $0xFFFFE000  }
0x1b4: {  	[tilespmem:s13], [sflag:$0x1] =	stream.indirect.gather [hbm4b:s4+s12], $0x40, s31, s12, $0xb8;
	[tilespmem:$0xEE00] =	vst v63  }
0x1b5: {  	_ =	swait.ge [sflag:s14], $0x2000  }
0x1b6: {  	[sflag:s14] =	ssyncset.done $0x0  }
0x1b7: {  	[sflag:s14] =	ssyncadd.s32 $0xFFFFE000  }
0x1b8: {  	[spmem:s2] =	stream.indirect.scatter.add.f32 [tilespmem:s13], [sflag:$0x3], $0x40, s0, s12, $0xb8;
	[tilespmem:$0xEE00] =	vst v63  }
0x1b9: {  	_ =	swait.ge [sflag:s18], $0x2000  }
0x1ba: {  	[sflag:s18] =	ssyncset.done $0x0  }
0x1bb: {  	[sflag:s18] =	ssyncadd.s32 $0xFFFFE000  }
0x1bc: {  	[tilespmem:s15], [sflag:$0x2] =	stream.indirect.gather [hbm4b:s4+s12], $0x40, s1, s12, $0xb8;
	[tilespmem:$0xEE00] =	vst v63  }
0x1bd: {  	_ =	swait.ge [sflag:s16], $0x2000  }
0x1be: {  	[sflag:s16] =	ssyncset.done $0x0  }
0x1bf: {  	[sflag:s16] =	ssyncadd.s32 $0xFFFFE000  }
0x1c0: {  	[spmem:s2] =	stream.indirect.scatter.add.f32 [tilespmem:s15], [sflag:$0x4], $0x40, s5, s12, $0xb8;
	[tilespmem:$0xEE00] =	vst v63  }
0x1c1: {  	_ =	swait.ge [sflag:s17], $0x2000  }
0x1c2: {  	[sflag:s17] =	ssyncset.done $0x0  }
0x1c3: {  	[sflag:s17] =	ssyncadd.s32 $0xFFFFE000  }
0x1c4: {  	_ =	swait.ge [sflag:s18], $0x2000  }
0x1c5: {  	[sflag:s18] =	ssyncset.done $0x0  }
0x1c6: {  	[sflag:s18] =	ssyncadd.s32 $0xFFFFE000  }
0x1c7: {  	[bflag:$0x0] =	sbarrier.arrive $0xFFFF  }
0x1c8: {  	s7 =	rddreg [dreg:$0x15]  }
0x1c9: {  	s9 =	rddreg [dreg:$0x16]  }
0x1ca: {  	s8 =	rddreg [dreg:$0x18]  }
0x1cb: {  	[hbm:s9], [sflag:s7] =	dma.local [spmem:s8], $0x13C0  }
0x1cc: {  	_ =	swait.ge [sflag:s10], $0x13C0  }
0x1cd: {  	s6 =	rddreg [dreg:$0x19]  }
0x1ce: {  	s9 =	sadd.s32 $0x1, s6;
	s6 =	rddreg [dreg:$0x17]  }
0x1cf: {  	p0 =	sne.s32 s9, s6  }
.Ltmp1:
0x1d0: {  	_ = 	snop;
	(pc) =	sbr.rel @p0 .LBB2_1-.Ltmp1, $3  }
0x1d1: {  	_ =	sdelay $0x1  }
0x1d2: {  	[sflag:s10] =	ssyncset.done $0x0  }
0x1d3: {  	[sflag:s10] =	ssyncadd.s32 $0xFFFFEC40  }
0x1d4: {  	_ =	sfence.sel $0x180000  }
0x1d5: {  	[bflag:$0x0] =	sbarrier.arrive $0xFFFF  }
0x1d6: {  	_ =	strace $0x90000050  }
0x1d7: {  	s0 =	stileid.u32;
	[bflag:$0x2] =	sbarrier.arrive $0xFFFF  }
0x1d8: {  	p0 =	sne.s32 s0, $0x0;
	s0 =	rddreg [dreg:$0x3]  }
0x1d9: {  	s0 =	sadd.s32 @!p0 $0x100000, s0  }
0x1da: {  	[sflag:s0] =	ssyncadd.tile.s32 @!p0 $0x1;
	_ =	shalt  }
.Lfunc_end2:
_tile_overlayer_lowered:
.L_overlay_start_2:
0x1db: {  	(tag) =	ssettag $0x2  }
0x1dc: {  	s0 =	rddreg [dreg:$0x0];
	s2 =	stileid.u32  }
0x1dd: {  	s1 =	rddreg [dreg:$0x1];
	p0 =	sne.s32 s2, $0x0  }
0x1de: {  	s3 =	rddreg [dreg:$0x2];
	[bflag:$0x3] =	sbarrier.arrive $0xFFFF;
	s2 =	simm.s32 @!p0 $0x1C05  }
0x1df: {  	[timem:s3], [sflag:s2] =	dma.local @!p0 [hbm:s0], s1  }
0x1e0: {  	s0 =	simm.s32 @!p0 $0x5  }
0x1e1: {  	_ =	swait.ge @!p0 [sflag:s0], s1  }
0x1e2: {  	s1 =	ssub.s32 @!p0 $0x0, s1;
	[sflag:s0] =	ssyncset.done @!p0 $0x0  }
0x1e3: {  	[sflag:s0] =	ssyncadd.s32 @!p0 s1  }
0x1e4: {  	[bflag:$0x3] =	sbarrier.arrive $0xFFFF  }
0x1e5: {  	_ =	shalt  }

</sc_bundles>
